<compile_context>
chip_gen: v7x
topology: tpu7x:2x2x1
jax: 0.10.2.dev20260603
libtpu: 0.0.44.dev20260713+nightly
codegen_flags: <defaults>
</compile_context>

<pallas_src>
import functools

import jax
import jax.numpy as jnp
from jax import lax
from jax.experimental import pallas as pl
from jax.experimental.pallas import tpu as pltpu
from jax.experimental.pallas import tpu_sc as plsc

N_NODES = 10000
N_PAD = 10112
D = 128
N_EDGES = 320000

NC = 2
NS = 16
NW = NC * NS

CHUNK = 120
NCH0 = 156
NCH1 = 12
TOTAL_CHUNKS = NS * (NCH0 + NCH1)
E_PAD = TOTAL_CHUNKS * CHUNK
ROWS_PER_S = N_PAD // NS

_sc_mesh = plsc.VectorSubcoreMesh(
    core_axis_name="c", subcore_axis_name="s", num_cores=NC, num_subcores=NS
)


@functools.partial(
    pl.kernel,
    out_type=jax.ShapeDtypeStruct((NC * N_PAD, D), jnp.float32),
    mesh=_sc_mesh,
    scratch_types=[
        [pltpu.VMEM((2, CHUNK), jnp.int32) for _ in range(6)],
        [pltpu.VMEM((CHUNK, D), jnp.float32) for _ in range(3)],
        pltpu.VMEM_SHARED((N_PAD, D), jnp.float32),
        pltpu.SemaphoreType.DMA((6,)),
        pltpu.SemaphoreType.DMA((3,)),
        pltpu.SemaphoreType.DMA((3,)),
    ],
)
def _sc_agg(x_hbm, idx_hbm, zeros_hbm, out_hbm, idx_v, rows, agg_sh,
            isem, gsem, ssem):
    c = lax.axis_index("c")
    s = lax.axis_index("s")
    nc = jnp.where(c == 0, NCH0, NCH1)
    cbase = c * NS * NCH0 + s * nc

    pltpu.async_copy(idx_hbm.at[cbase], idx_v[0], isem.at[0])
    pltpu.async_copy(idx_hbm.at[cbase + 1], idx_v[1], isem.at[1])
    pltpu.make_async_copy(idx_hbm.at[cbase], idx_v[0], isem.at[0]).wait()
    pltpu.async_copy(x_hbm.at[idx_v[0].at[0]], rows[0], gsem.at[0])
    row0 = s * ROWS_PER_S
    pltpu.sync_copy(zeros_hbm.at[pl.ds(row0, ROWS_PER_S)],
                    agg_sh.at[pl.ds(row0, ROWS_PER_S)])
    plsc.subcore_barrier()

    def step(o, carry):
        for k in range(6):
            i = o * 6 + k
            b = k % 3
            b1 = (k + 1) % 3
            i6 = k
            n6 = (k + 2) % 6

            @pl.when(i + 2 < nc)
            def _():
                pltpu.async_copy(idx_hbm.at[cbase + i + 2], idx_v[n6],
                                 isem.at[n6])

            @pl.when((i + 1 < nc) & (i >= 2))
            def _():
                pltpu.make_async_copy(rows[b1], agg_sh.at[idx_v[i6].at[1]],
                                      ssem.at[b1]).wait()

            @pl.when(i + 1 < nc)
            def _():
                pltpu.make_async_copy(idx_hbm.at[cbase], idx_v[(k + 1) % 6],
                                      isem.at[(k + 1) % 6]).wait()
                pltpu.async_copy(x_hbm.at[idx_v[(k + 1) % 6].at[0]], rows[b1],
                                 gsem.at[b1])

            pltpu.make_async_copy(x_hbm.at[idx_v[i6].at[0]], rows[b],
                                  gsem.at[b]).wait()
            pltpu.async_copy(rows[b], agg_sh.at[idx_v[i6].at[1]], ssem.at[b],
                             add=True)
        return carry

    lax.fori_loop(0, nc // 6, step, 0)

    for b in range(3):
        pltpu.make_async_copy(rows[b], agg_sh.at[idx_v[0].at[1]],
                              ssem.at[b]).wait()
    plsc.subcore_barrier()

    out_row = c * N_PAD + row0
    pltpu.sync_copy(agg_sh.at[pl.ds(row0, ROWS_PER_S)],
                    out_hbm.at[pl.ds(out_row, ROWS_PER_S)])


BR = 1264


def _dense_body(p_ref, x_ref, wrel_ref, wroot_ref, b_ref, o_ref, *, relu):
    agg = p_ref[0] + p_ref[1]
    acc = jnp.dot(agg, wrel_ref[...], preferred_element_type=jnp.float32)
    acc += jnp.dot(x_ref[...], wroot_ref[...], preferred_element_type=jnp.float32)
    acc += b_ref[...]
    if relu:
        acc = jnp.maximum(acc, 0.0)
    o_ref[...] = acc


def _dense(partials, x, w_rel, w_root, b, relu):
    p3 = partials.reshape(NC, N_PAD, D)
    return pl.pallas_call(
        functools.partial(_dense_body, relu=relu),
        grid=(N_PAD // BR,),
        in_specs=[
            pl.BlockSpec((NC, BR, D), lambda i: (0, i, 0)),
            pl.BlockSpec((BR, D), lambda i: (i, 0)),
            pl.BlockSpec((D, D), lambda i: (0, 0)),
            pl.BlockSpec((D, D), lambda i: (0, 0)),
            pl.BlockSpec((1, D), lambda i: (0, 0)),
        ],
        out_specs=pl.BlockSpec((BR, D), lambda i: (i, 0)),
        out_shape=jax.ShapeDtypeStruct((N_PAD, D), jnp.float32),
    )(p3, x, w_rel, w_root, b.reshape(1, D))


def kernel(x, edge_index, W1_rel, W1_root, b1, W2_rel, W2_root, b2):
    src = edge_index[0].astype(jnp.int32)
    dst = edge_index[1].astype(jnp.int32)
    pad = E_PAD - N_EDGES
    src_p = jnp.concatenate([src, jnp.zeros((pad,), jnp.int32)])
    dst_p = jnp.concatenate([dst, jnp.full((pad,), N_NODES, jnp.int32)])
    src3 = src_p.reshape(TOTAL_CHUNKS, CHUNK)
    dst3 = dst_p.reshape(TOTAL_CHUNKS, CHUNK)
    idx = jnp.stack([src3, dst3], axis=1)
    zeros = jnp.zeros((N_PAD, D), jnp.float32)
    x_pad = jnp.concatenate([x, jnp.zeros((N_PAD - N_NODES, D), jnp.float32)])

    p1 = _sc_agg(x_pad, idx, zeros)
    h = _dense(p1, x_pad, W1_rel, W1_root, b1, relu=True)
    p2 = _sc_agg(h, idx, zeros)
    out = _dense(p2, h, W2_rel, W2_root, b2, relu=False)
    return out[:N_NODES]

# --- scband reference (transcript-rebuilt; emitter-appended) ---
"""Pipeline reference for scband-graph-nn-80075370266804 (READ-ONLY COPY).

The authoritative reference and input builder live on the scoring server;
editing this copy changes nothing except your own understanding.
"""

import jax, jax.numpy as jnp
import numpy as np

N_NODES = 10000
D_FEAT = 128
HIDDEN = 128
N_EDGES = 320000

def setup_inputs(seed: int = 0) -> dict:
    key = jax.random.key(seed)
    k = jax.random.split(key, 8)
    x = jax.random.normal(k[0], (N_NODES, D_FEAT), dtype=jnp.float32)
    edge_index = jax.random.randint(k[1], (2, N_EDGES), 0, N_NODES, dtype=jnp.int64)
    # GraphConv layer 1: lazy in_channels (-1) resolves to D_FEAT
    W1_rel = jax.random.normal(k[2], (D_FEAT, HIDDEN), dtype=jnp.float32) * (1.0 / np.sqrt(D_FEAT))
    W1_root = jax.random.normal(k[3], (D_FEAT, HIDDEN), dtype=jnp.float32) * (1.0 / np.sqrt(D_FEAT))
    b1 = jnp.zeros((HIDDEN,), dtype=jnp.float32)
    # GraphConv layer 2: in_channels resolves to HIDDEN
    W2_rel = jax.random.normal(k[4], (HIDDEN, HIDDEN), dtype=jnp.float32) * (1.0 / np.sqrt(HIDDEN))
    W2_root = jax.random.normal(k[5], (HIDDEN, HIDDEN), dtype=jnp.float32) * (1.0 / np.sqrt(HIDDEN))
    b2 = jnp.zeros((HIDDEN,), dtype=jnp.float32)
    return {"x": x, "edge_index": edge_index, "W1_rel": W1_rel, "W1_root": W1_root, "b1": b1, "W2_rel": W2_rel, "W2_root": W2_root, "b2": b2}

def _graph_conv(x, edge_index, W_rel, W_root, b):
    # PyG GraphConv (aggr='add'):
    #   out_i = W_rel @ (sum_{j in N(i)} x_j) + W_root @ x_i + b
    src = edge_index[0]
    dst = edge_index[1]
    msgs = jnp.take(x, src, axis=0)                      # gather x_j over edges
    agg = jax.ops.segment_sum(msgs, dst, num_segments=N_NODES)  # scatter-add to dst
    return agg @ W_rel + x @ W_root + b

def reference(x, edge_index, W1_rel, W1_root, b1, W2_rel, W2_root, b2):
    h = _graph_conv(x, edge_index, W1_rel, W1_root, b1)
    h = jax.nn.relu(h)
    out = _graph_conv(h, edge_index, W2_rel, W2_root, b2)
    return out

if __name__ == "__main__":
    import jax
    _d = setup_inputs()
    print(jax.jit(kernel)(*tuple(_d.values())))

</pallas_src>

<mosaic_0001>
#map = affine_map<(d0, d1) -> (0, 0)>
#map1 = affine_map<(d0, d1) -> (0, 0, 0)>
module attributes {stable_mosaic.version = 14 : i64} {
  func.func @_sc_agg(%arg0: i32, %arg1: i32, %arg2: memref<10112x128xf32, #tpu.memory_space<hbm>>, %arg3: memref<2688x2x120xi32, #tpu.memory_space<hbm>>, %arg4: memref<10112x128xf32, #tpu.memory_space<hbm>>, %arg5: memref<20224x128xf32, #tpu.memory_space<hbm>>, %arg6: memref<2x120xi32, #tpu.memory_space<vmem>>, %arg7: memref<2x120xi32, #tpu.memory_space<vmem>>, %arg8: memref<2x120xi32, #tpu.memory_space<vmem>>, %arg9: memref<2x120xi32, #tpu.memory_space<vmem>>, %arg10: memref<2x120xi32, #tpu.memory_space<vmem>>, %arg11: memref<2x120xi32, #tpu.memory_space<vmem>>, %arg12: memref<120x128xf32, #tpu.memory_space<vmem>>, %arg13: memref<120x128xf32, #tpu.memory_space<vmem>>, %arg14: memref<120x128xf32, #tpu.memory_space<vmem>>, %arg15: memref<10112x128xf32, #tpu.memory_space<vmem_shared>>, %arg16: memref<6x!tpu.dma_semaphore, #tpu.memory_space<semaphore_mem>>, %arg17: memref<3x!tpu.dma_semaphore, #tpu.memory_space<semaphore_mem>>, %arg18: memref<3x!tpu.dma_semaphore, #tpu.memory_space<semaphore_mem>>) attributes {dimension_semantics = [#tpu.dimension_semantics<core_parallel>, #tpu.dimension_semantics<subcore_parallel>], iteration_bounds = array<i64: 2, 16>, scalar_prefetch = 0 : i64, scratch_operands = 13 : i64, tpu.core_type = #tpu.core_type<sc_vector_subcore>, window_params = [{transform_indices = #map}, {transform_indices = #map1}, {transform_indices = #map}, {transform_indices = #map}]} {
    %eq3A = arith.constant 0 : i32
    %eq3A_0 = arith.cmpi eq, %arg0, %eq3A : i32
    %jit3A = arith.constant 156 : i32
    %jit3A_1 = arith.constant 12 : i32
    %select_n3A = arith.select %eq3A_0, %jit3A, %jit3A_1 : i32
    %mul3A = arith.constant 16 : i32
    %mul3A_2 = arith.muli %arg0, %mul3A : i32
    %mul3A_3 = arith.constant 156 : i32
    %mul3A_4 = arith.muli %mul3A_2, %mul3A_3 : i32
    %mul3A_5 = arith.muli %arg1, %select_n3A : i32
    %add3A = arith.addi %mul3A_4, %mul3A_5 : i32
    %dma_start3A = arith.constant 0 : i32
    %dma_start3A_6 = arith.constant 0 : i32
    %dma_start3A_7 = arith.constant 0 : i32
    %dma_start3A_8 = tpu.memref_slice %arg3[%add3A, %dma_start3A_6, %dma_start3A_7] : memref<2688x2x120xi32, #tpu.memory_space<hbm>> -> memref<1x2x120xi32, #tpu.memory_space<hbm>>
    %dma_start3A_9 = tpu.memref_squeeze %dma_start3A_8 : memref<1x2x120xi32, #tpu.memory_space<hbm>> -> memref<2x120xi32, #tpu.memory_space<hbm>>
    %dma_start3A_10 = tpu.memref_slice %arg16[%dma_start3A] : memref<6x!tpu.dma_semaphore, #tpu.memory_space<semaphore_mem>> -> memref<1x!tpu.dma_semaphore, #tpu.memory_space<semaphore_mem>>
    %dma_start3A_11 = tpu.memref_squeeze %dma_start3A_10 : memref<1x!tpu.dma_semaphore, #tpu.memory_space<semaphore_mem>> -> memref<!tpu.dma_semaphore, #tpu.memory_space<semaphore_mem>>
    %dma_start3A_12 = arith.constant 0 : i32
    %dma_start3A_13 = arith.constant 0 : i32
    %dma_start3A_14 = tpu.memref_slice %arg3[%add3A, %dma_start3A_12, %dma_start3A_13] : memref<2688x2x120xi32, #tpu.memory_space<hbm>> -> memref<1x2x120xi32, #tpu.memory_space<hbm>>
    %dma_start3A_15 = tpu.memref_squeeze %dma_start3A_14 : memref<1x2x120xi32, #tpu.memory_space<hbm>> -> memref<2x120xi32, #tpu.memory_space<hbm>>
    tpu.enqueue_dma source(%dma_start3A_15 : memref<2x120xi32, #tpu.memory_space<hbm>>) target(%arg6 : memref<2x120xi32, #tpu.memory_space<vmem>>) target_semaphore(%dma_start3A_11 : memref<!tpu.dma_semaphore, #tpu.memory_space<semaphore_mem>>)
    %add3A_16 = arith.constant 1 : i32
    %add3A_17 = arith.addi %add3A, %add3A_16 : i32
    %dma_start3A_18 = arith.constant 1 : i32
    %dma_start3A_19 = arith.constant 0 : i32
    %dma_start3A_20 = arith.constant 0 : i32
    %dma_start3A_21 = tpu.memref_slice %arg3[%add3A_17, %dma_start3A_19, %dma_start3A_20] : memref<2688x2x120xi32, #tpu.memory_space<hbm>> -> memref<1x2x120xi32, #tpu.memory_space<hbm>>
    %dma_start3A_22 = tpu.memref_squeeze %dma_start3A_21 : memref<1x2x120xi32, #tpu.memory_space<hbm>> -> memref<2x120xi32, #tpu.memory_space<hbm>>
    %dma_start3A_23 = tpu.memref_slice %arg16[%dma_start3A_18] : memref<6x!tpu.dma_semaphore, #tpu.memory_space<semaphore_mem>> -> memref<1x!tpu.dma_semaphore, #tpu.memory_space<semaphore_mem>>
    %dma_start3A_24 = tpu.memref_squeeze %dma_start3A_23 : memref<1x!tpu.dma_semaphore, #tpu.memory_space<semaphore_mem>> -> memref<!tpu.dma_semaphore, #tpu.memory_space<semaphore_mem>>
    %dma_start3A_25 = arith.constant 0 : i32
    %dma_start3A_26 = arith.constant 0 : i32
    %dma_start3A_27 = tpu.memref_slice %arg3[%add3A_17, %dma_start3A_25, %dma_start3A_26] : memref<2688x2x120xi32, #tpu.memory_space<hbm>> -> memref<1x2x120xi32, #tpu.memory_space<hbm>>
    %dma_start3A_28 = tpu.memref_squeeze %dma_start3A_27 : memref<1x2x120xi32, #tpu.memory_space<hbm>> -> memref<2x120xi32, #tpu.memory_space<hbm>>
    tpu.enqueue_dma source(%dma_start3A_28 : memref<2x120xi32, #tpu.memory_space<hbm>>) target(%arg7 : memref<2x120xi32, #tpu.memory_space<vmem>>) target_semaphore(%dma_start3A_24 : memref<!tpu.dma_semaphore, #tpu.memory_space<semaphore_mem>>)
    %dma_wait3A = arith.constant 0 : i32
    %dma_wait3A_29 = arith.constant 0 : i32
    %dma_wait3A_30 = arith.constant 0 : i32
    %dma_wait3A_31 = tpu.memref_slice %arg3[%add3A, %dma_wait3A_29, %dma_wait3A_30] : memref<2688x2x120xi32, #tpu.memory_space<hbm>> -> memref<1x2x120xi32, #tpu.memory_space<hbm>>
    %dma_wait3A_32 = tpu.memref_squeeze %dma_wait3A_31 : memref<1x2x120xi32, #tpu.memory_space<hbm>> -> memref<2x120xi32, #tpu.memory_space<hbm>>
    %dma_wait3A_33 = tpu.memref_slice %arg16[%dma_wait3A] : memref<6x!tpu.dma_semaphore, #tpu.memory_space<semaphore_mem>> -> memref<1x!tpu.dma_semaphore, #tpu.memory_space<semaphore_mem>>
    %dma_wait3A_34 = tpu.memref_squeeze %dma_wait3A_33 : memref<1x!tpu.dma_semaphore, #tpu.memory_space<semaphore_mem>> -> memref<!tpu.dma_semaphore, #tpu.memory_space<semaphore_mem>>
    %dma_wait3A_35 = arith.constant 0 : i32
    %dma_wait3A_36 = arith.constant 0 : i32
    %dma_wait3A_37 = tpu.memref_slice %arg3[%add3A, %dma_wait3A_35, %dma_wait3A_36] : memref<2688x2x120xi32, #tpu.memory_space<hbm>> -> memref<1x2x120xi32, #tpu.memory_space<hbm>>
    %dma_wait3A_38 = tpu.memref_squeeze %dma_wait3A_37 : memref<1x2x120xi32, #tpu.memory_space<hbm>> -> memref<2x120xi32, #tpu.memory_space<hbm>>
    tpu.wait_dma2 semaphore(%dma_wait3A_34 : memref<!tpu.dma_semaphore, #tpu.memory_space<semaphore_mem>>) src(%dma_wait3A_38 : memref<2x120xi32, #tpu.memory_space<hbm>>) dst(%arg6 : memref<2x120xi32, #tpu.memory_space<vmem>>)
    %dma_start3A_39 = arith.constant 0 : i32
    %dma_start3A_40 = arith.constant 0 : i32
    %dma_start3A_41 = arith.constant 0 : i32
    %dma_start3A_42 = tpu.memref_slice %arg6[%dma_start3A_39, %dma_start3A_41] : memref<2x120xi32, #tpu.memory_space<vmem>> -> memref<1x120xi32, #tpu.memory_space<vmem>>
    %dma_start3A_43 = tpu.memref_squeeze %dma_start3A_42 : memref<1x120xi32, #tpu.memory_space<vmem>> -> memref<120xi32, #tpu.memory_space<vmem>>
    %dma_start3A_44 = arith.constant 0 : i32
    %dma_start3A_45 = arith.constant 0 : i32
    %dma_start3A_46 = tpu.memref_slice %arg2[%dma_start3A_44, %dma_start3A_45] : memref<10112x128xf32, #tpu.memory_space<hbm>> -> memref<10112x128xf32, #tpu.memory_space<hbm>>
    %dma_start3A_47 = tpu.memref_slice %arg17[%dma_start3A_40] : memref<3x!tpu.dma_semaphore, #tpu.memory_space<semaphore_mem>> -> memref<1x!tpu.dma_semaphore, #tpu.memory_space<semaphore_mem>>
    %dma_start3A_48 = tpu.memref_squeeze %dma_start3A_47 : memref<1x!tpu.dma_semaphore, #tpu.memory_space<semaphore_mem>> -> memref<!tpu.dma_semaphore, #tpu.memory_space<semaphore_mem>>
    tpu.enqueue_indirect_dma source(%dma_start3A_46 : memref<10112x128xf32, #tpu.memory_space<hbm>>) target(%arg12 : memref<120x128xf32, #tpu.memory_space<vmem>>) offsets(%dma_start3A_43 : memref<120xi32, #tpu.memory_space<vmem>>) semaphore(%dma_start3A_48 : memref<!tpu.dma_semaphore, #tpu.memory_space<semaphore_mem>>)
    %mul3A_49 = arith.constant 632 : i32
    %mul3A_50 = arith.muli %arg1, %mul3A_49 : i32
    "tpu.region"() ({
      %run_scoped3A = tpu.sem_alloc : memref<!tpu.dma_semaphore, #tpu.memory_space<semaphore_mem>>
      %dma_start3A_112 = arith.constant 0 : i32
      %dma_start3A_113 = tpu.memref_slice %arg15[%mul3A_50, %dma_start3A_112] : memref<10112x128xf32, #tpu.memory_space<vmem_shared>> -> memref<632x128xf32, #tpu.memory_space<vmem_shared>>
      %dma_start3A_114 = arith.constant 0 : i32
      %dma_start3A_115 = tpu.memref_slice %arg4[%mul3A_50, %dma_start3A_114] : memref<10112x128xf32, #tpu.memory_space<hbm>> -> memref<632x128xf32, #tpu.memory_space<hbm>>
      tpu.enqueue_dma source(%dma_start3A_115 : memref<632x128xf32, #tpu.memory_space<hbm>>) target(%dma_start3A_113 : memref<632x128xf32, #tpu.memory_space<vmem_shared>>) target_semaphore(%run_scoped3A : memref<!tpu.dma_semaphore, #tpu.memory_space<semaphore_mem>>)
      %dma_wait3A_116 = arith.constant 0 : i32
      %dma_wait3A_117 = tpu.memref_slice %arg15[%mul3A_50, %dma_wait3A_116] : memref<10112x128xf32, #tpu.memory_space<vmem_shared>> -> memref<632x128xf32, #tpu.memory_space<vmem_shared>>
      %dma_wait3A_118 = arith.constant 0 : i32
      %dma_wait3A_119 = tpu.memref_slice %arg4[%mul3A_50, %dma_wait3A_118] : memref<10112x128xf32, #tpu.memory_space<hbm>> -> memref<632x128xf32, #tpu.memory_space<hbm>>
      tpu.wait_dma2 semaphore(%run_scoped3A : memref<!tpu.dma_semaphore, #tpu.memory_space<semaphore_mem>>) src(%dma_wait3A_119 : memref<632x128xf32, #tpu.memory_space<hbm>>) dst(%dma_wait3A_117 : memref<632x128xf32, #tpu.memory_space<vmem_shared>>)
      tpu.yield
    }) : () -> ()
    %barrier3A = arith.constant 0 : index
    tpu.barrier barrier_id(%barrier3A)
    %jit3A_51 = arith.constant 6 : i32
    %div3A = arith.divsi %select_n3A, %jit3A_51 : i32
    %sign3A = arith.constant 0 : i32
    %sign3A_52 = arith.cmpi sgt, %select_n3A, %sign3A : i32
    %sign3A_53 = arith.extui %sign3A_52 : i1 to i32
    %sign3A_54 = arith.constant 0 : i32
    %sign3A_55 = arith.cmpi slt, %select_n3A, %sign3A_54 : i32
    %sign3A_56 = arith.extui %sign3A_55 : i1 to i32
    %sign3A_57 = arith.subi %sign3A_53, %sign3A_56 : i32
    %sign3A_58 = arith.constant 0 : i32
    %sign3A_59 = arith.cmpi sgt, %jit3A_51, %sign3A_58 : i32
    %sign3A_60 = arith.extui %sign3A_59 : i1 to i32
    %sign3A_61 = arith.constant 0 : i32
    %sign3A_62 = arith.cmpi slt, %jit3A_51, %sign3A_61 : i32
    %sign3A_63 = arith.extui %sign3A_62 : i1 to i32
    %sign3A_64 = arith.subi %sign3A_60, %sign3A_63 : i32
    %ne3A = arith.cmpi ne, %sign3A_57, %sign3A_64 : i32
    %rem3A = arith.remsi %select_n3A, %jit3A_51 : i32
    %ne3A_65 = arith.constant 0 : i32
    %ne3A_66 = arith.cmpi ne, %rem3A, %ne3A_65 : i32
    %and3A = arith.andi %ne3A, %ne3A_66 : i1
    %sub3A = arith.constant 1 : i32
    %sub3A_67 = arith.subi %div3A, %sub3A : i32
    %select_n3A_68 = arith.select %and3A, %sub3A_67, %div3A : i32
    %while3A = arith.constant 0 : i32
    %while3A_69 = arith.constant 0 : i32
    %while3A_70 = arith.subi %select_n3A_68, %while3A_69 : i32
    %while3A_71 = arith.addi %while3A_69, %while3A_70 : i32
    %while3A_72 = arith.constant 1 : i32
    %while3A_73 = arith.divsi %while3A_70, %while3A_72 : i32
    %while3A_74 = arith.muli %while3A_73, %while3A_72 : i32
    %while3A_75 = arith.addi %while3A_69, %while3A_74 : i32
    %while3A_76 = arith.constant 1 : i32
    scf.for %while3A_112 = %while3A_69 to %while3A_75 step %while3A_76  : i32 {
      %mul3A_113 = arith.constant 6 : i32
      %mul3A_114 = arith.muli %while3A_112, %mul3A_113 : i32
      %add3A_115 = arith.constant 0 : i32
      %add3A_116 = arith.addi %mul3A_114, %add3A_115 : i32
      %add3A_117 = arith.constant 2 : i32
      %add3A_118 = arith.addi %add3A_116, %add3A_117 : i32
      %lt3A = arith.cmpi slt, %add3A_118, %select_n3A : i32
      %convert_element_type3A = arith.extui %lt3A : i1 to i32
      %cond3A = arith.constant 0 : i32
      %cond3A_119 = arith.cmpi ne, %convert_element_type3A, %cond3A : i32
      scf.if %cond3A_119 {
        %add3A_379 = arith.addi %add3A, %add3A_116 : i32
        %add3A_380 = arith.constant 2 : i32
        %add3A_381 = arith.addi %add3A_379, %add3A_380 : i32
        %dma_start3A_382 = arith.constant 2 : i32
        %dma_start3A_383 = arith.constant 0 : i32
        %dma_start3A_384 = arith.constant 0 : i32
        %dma_start3A_385 = tpu.memref_slice %arg3[%add3A_381, %dma_start3A_383, %dma_start3A_384] : memref<2688x2x120xi32, #tpu.memory_space<hbm>> -> memref<1x2x120xi32, #tpu.memory_space<hbm>>
        %dma_start3A_386 = tpu.memref_squeeze %dma_start3A_385 : memref<1x2x120xi32, #tpu.memory_space<hbm>> -> memref<2x120xi32, #tpu.memory_space<hbm>>
        %dma_start3A_387 = tpu.memref_slice %arg16[%dma_start3A_382] : memref<6x!tpu.dma_semaphore, #tpu.memory_space<semaphore_mem>> -> memref<1x!tpu.dma_semaphore, #tpu.memory_space<semaphore_mem>>
        %dma_start3A_388 = tpu.memref_squeeze %dma_start3A_387 : memref<1x!tpu.dma_semaphore, #tpu.memory_space<semaphore_mem>> -> memref<!tpu.dma_semaphore, #tpu.memory_space<semaphore_mem>>
        %dma_start3A_389 = arith.constant 0 : i32
        %dma_start3A_390 = arith.constant 0 : i32
        %dma_start3A_391 = tpu.memref_slice %arg3[%add3A_381, %dma_start3A_389, %dma_start3A_390] : memref<2688x2x120xi32, #tpu.memory_space<hbm>> -> memref<1x2x120xi32, #tpu.memory_space<hbm>>
        %dma_start3A_392 = tpu.memref_squeeze %dma_start3A_391 : memref<1x2x120xi32, #tpu.memory_space<hbm>> -> memref<2x120xi32, #tpu.memory_space<hbm>>
        tpu.enqueue_dma source(%dma_start3A_392 : memref<2x120xi32, #tpu.memory_space<hbm>>) target(%arg8 : memref<2x120xi32, #tpu.memory_space<vmem>>) target_semaphore(%dma_start3A_388 : memref<!tpu.dma_semaphore, #tpu.memory_space<semaphore_mem>>)
      } else {
      }
      %add3A_120 = arith.constant 1 : i32
      %add3A_121 = arith.addi %add3A_116, %add3A_120 : i32
      %lt3A_122 = arith.cmpi slt, %add3A_121, %select_n3A : i32
      %ge3A = arith.constant 2 : i32
      %ge3A_123 = arith.cmpi sge, %add3A_116, %ge3A : i32
      %and3A_124 = arith.andi %lt3A_122, %ge3A_123 : i1
      %convert_element_type3A_125 = arith.extui %and3A_124 : i1 to i32
      %cond3A_126 = arith.constant 0 : i32
      %cond3A_127 = arith.cmpi ne, %convert_element_type3A_125, %cond3A_126 : i32
      scf.if %cond3A_127 {
        %dma_wait3A_379 = arith.constant 1 : i32
        %dma_wait3A_380 = arith.constant 1 : i32
        %dma_wait3A_381 = arith.constant 0 : i32
        %dma_wait3A_382 = tpu.memref_slice %arg6[%dma_wait3A_379, %dma_wait3A_381] : memref<2x120xi32, #tpu.memory_space<vmem>> -> memref<1x120xi32, #tpu.memory_space<vmem>>
        %dma_wait3A_383 = tpu.memref_squeeze %dma_wait3A_382 : memref<1x120xi32, #tpu.memory_space<vmem>> -> memref<120xi32, #tpu.memory_space<vmem>>
        %dma_wait3A_384 = arith.constant 0 : i32
        %dma_wait3A_385 = arith.constant 0 : i32
        %dma_wait3A_386 = tpu.memref_slice %arg15[%dma_wait3A_384, %dma_wait3A_385] : memref<10112x128xf32, #tpu.memory_space<vmem_shared>> -> memref<10112x128xf32, #tpu.memory_space<vmem_shared>>
        %dma_wait3A_387 = tpu.memref_slice %arg18[%dma_wait3A_380] : memref<3x!tpu.dma_semaphore, #tpu.memory_space<semaphore_mem>> -> memref<1x!tpu.dma_semaphore, #tpu.memory_space<semaphore_mem>>
        %dma_wait3A_388 = tpu.memref_squeeze %dma_wait3A_387 : memref<1x!tpu.dma_semaphore, #tpu.memory_space<semaphore_mem>> -> memref<!tpu.dma_semaphore, #tpu.memory_space<semaphore_mem>>
        tpu.wait_indirect_dma semaphore(%dma_wait3A_388 : memref<!tpu.dma_semaphore, #tpu.memory_space<semaphore_mem>>) src(%arg13 : memref<120x128xf32, #tpu.memory_space<vmem>>) dst(%dma_wait3A_386 : memref<10112x128xf32, #tpu.memory_space<vmem_shared>>)
      } else {
      }
      %add3A_128 = arith.constant 1 : i32
      %add3A_129 = arith.addi %add3A_116, %add3A_128 : i32
      %lt3A_130 = arith.cmpi slt, %add3A_129, %select_n3A : i32
      %convert_element_type3A_131 = arith.extui %lt3A_130 : i1 to i32
      %cond3A_132 = arith.constant 0 : i32
      %cond3A_133 = arith.cmpi ne, %convert_element_type3A_131, %cond3A_132 : i32
      scf.if %cond3A_133 {
        %dma_wait3A_379 = arith.constant 1 : i32
        %dma_wait3A_380 = arith.constant 0 : i32
        %dma_wait3A_381 = arith.constant 0 : i32
        %dma_wait3A_382 = tpu.memref_slice %arg3[%add3A, %dma_wait3A_380, %dma_wait3A_381] : memref<2688x2x120xi32, #tpu.memory_space<hbm>> -> memref<1x2x120xi32, #tpu.memory_space<hbm>>
        %dma_wait3A_383 = tpu.memref_squeeze %dma_wait3A_382 : memref<1x2x120xi32, #tpu.memory_space<hbm>> -> memref<2x120xi32, #tpu.memory_space<hbm>>
        %dma_wait3A_384 = tpu.memref_slice %arg16[%dma_wait3A_379] : memref<6x!tpu.dma_semaphore, #tpu.memory_space<semaphore_mem>> -> memref<1x!tpu.dma_semaphore, #tpu.memory_space<semaphore_mem>>
        %dma_wait3A_385 = tpu.memref_squeeze %dma_wait3A_384 : memref<1x!tpu.dma_semaphore, #tpu.memory_space<semaphore_mem>> -> memref<!tpu.dma_semaphore, #tpu.memory_space<semaphore_mem>>
        %dma_wait3A_386 = arith.constant 0 : i32
        %dma_wait3A_387 = arith.constant 0 : i32
        %dma_wait3A_388 = tpu.memref_slice %arg3[%add3A, %dma_wait3A_386, %dma_wait3A_387] : memref<2688x2x120xi32, #tpu.memory_space<hbm>> -> memref<1x2x120xi32, #tpu.memory_space<hbm>>
        %dma_wait3A_389 = tpu.memref_squeeze %dma_wait3A_388 : memref<1x2x120xi32, #tpu.memory_space<hbm>> -> memref<2x120xi32, #tpu.memory_space<hbm>>
        tpu.wait_dma2 semaphore(%dma_wait3A_385 : memref<!tpu.dma_semaphore, #tpu.memory_space<semaphore_mem>>) src(%dma_wait3A_389 : memref<2x120xi32, #tpu.memory_space<hbm>>) dst(%arg7 : memref<2x120xi32, #tpu.memory_space<vmem>>)
        %dma_start3A_390 = arith.constant 0 : i32
        %dma_start3A_391 = arith.constant 1 : i32
        %dma_start3A_392 = arith.constant 0 : i32
        %dma_start3A_393 = tpu.memref_slice %arg7[%dma_start3A_390, %dma_start3A_392] : memref<2x120xi32, #tpu.memory_space<vmem>> -> memref<1x120xi32, #tpu.memory_space<vmem>>
        %dma_start3A_394 = tpu.memref_squeeze %dma_start3A_393 : memref<1x120xi32, #tpu.memory_space<vmem>> -> memref<120xi32, #tpu.memory_space<vmem>>
        %dma_start3A_395 = arith.constant 0 : i32
        %dma_start3A_396 = arith.constant 0 : i32
        %dma_start3A_397 = tpu.memref_slice %arg2[%dma_start3A_395, %dma_start3A_396] : memref<10112x128xf32, #tpu.memory_space<hbm>> -> memref<10112x128xf32, #tpu.memory_space<hbm>>
        %dma_start3A_398 = tpu.memref_slice %arg17[%dma_start3A_391] : memref<3x!tpu.dma_semaphore, #tpu.memory_space<semaphore_mem>> -> memref<1x!tpu.dma_semaphore, #tpu.memory_space<semaphore_mem>>
        %dma_start3A_399 = tpu.memref_squeeze %dma_start3A_398 : memref<1x!tpu.dma_semaphore, #tpu.memory_space<semaphore_mem>> -> memref<!tpu.dma_semaphore, #tpu.memory_space<semaphore_mem>>
        tpu.enqueue_indirect_dma source(%dma_start3A_397 : memref<10112x128xf32, #tpu.memory_space<hbm>>) target(%arg13 : memref<120x128xf32, #tpu.memory_space<vmem>>) offsets(%dma_start3A_394 : memref<120xi32, #tpu.memory_space<vmem>>) semaphore(%dma_start3A_399 : memref<!tpu.dma_semaphore, #tpu.memory_space<semaphore_mem>>)
      } else {
      }
      %dma_wait3A_134 = arith.constant 0 : i32
      %dma_wait3A_135 = arith.constant 0 : i32
      %dma_wait3A_136 = arith.constant 0 : i32
      %dma_wait3A_137 = tpu.memref_slice %arg6[%dma_wait3A_134, %dma_wait3A_136] : memref<2x120xi32, #tpu.memory_space<vmem>> -> memref<1x120xi32, #tpu.memory_space<vmem>>
      %dma_wait3A_138 = tpu.memref_squeeze %dma_wait3A_137 : memref<1x120xi32, #tpu.memory_space<vmem>> -> memref<120xi32, #tpu.memory_space<vmem>>
      %dma_wait3A_139 = arith.constant 0 : i32
      %dma_wait3A_140 = arith.constant 0 : i32
      %dma_wait3A_141 = tpu.memref_slice %arg2[%dma_wait3A_139, %dma_wait3A_140] : memref<10112x128xf32, #tpu.memory_space<hbm>> -> memref<10112x128xf32, #tpu.memory_space<hbm>>
      %dma_wait3A_142 = tpu.memref_slice %arg17[%dma_wait3A_135] : memref<3x!tpu.dma_semaphore, #tpu.memory_space<semaphore_mem>> -> memref<1x!tpu.dma_semaphore, #tpu.memory_space<semaphore_mem>>
      %dma_wait3A_143 = tpu.memref_squeeze %dma_wait3A_142 : memref<1x!tpu.dma_semaphore, #tpu.memory_space<semaphore_mem>> -> memref<!tpu.dma_semaphore, #tpu.memory_space<semaphore_mem>>
      tpu.wait_indirect_dma semaphore(%dma_wait3A_143 : memref<!tpu.dma_semaphore, #tpu.memory_space<semaphore_mem>>) src(%dma_wait3A_141 : memref<10112x128xf32, #tpu.memory_space<hbm>>) dst(%arg12 : memref<120x128xf32, #tpu.memory_space<vmem>>)
      %dma_start3A_144 = arith.constant 1 : i32
      %dma_start3A_145 = arith.constant 0 : i32
      %dma_start3A_146 = arith.constant 0 : i32
      %dma_start3A_147 = tpu.memref_slice %arg6[%dma_start3A_144, %dma_start3A_146] : memref<2x120xi32, #tpu.memory_space<vmem>> -> memref<1x120xi32, #tpu.memory_space<vmem>>
      %dma_start3A_148 = tpu.memref_squeeze %dma_start3A_147 : memref<1x120xi32, #tpu.memory_space<vmem>> -> memref<120xi32, #tpu.memory_space<vmem>>
      %dma_start3A_149 = arith.constant 0 : i32
      %dma_start3A_150 = arith.constant 0 : i32
      %dma_start3A_151 = tpu.memref_slice %arg15[%dma_start3A_149, %dma_start3A_150] : memref<10112x128xf32, #tpu.memory_space<vmem_shared>> -> memref<10112x128xf32, #tpu.memory_space<vmem_shared>>
      %dma_start3A_152 = tpu.memref_slice %arg18[%dma_start3A_145] : memref<3x!tpu.dma_semaphore, #tpu.memory_space<semaphore_mem>> -> memref<1x!tpu.dma_semaphore, #tpu.memory_space<semaphore_mem>>
      %dma_start3A_153 = tpu.memref_squeeze %dma_start3A_152 : memref<1x!tpu.dma_semaphore, #tpu.memory_space<semaphore_mem>> -> memref<!tpu.dma_semaphore, #tpu.memory_space<semaphore_mem>>
      tpu.enqueue_indirect_dma source(%arg12 : memref<120x128xf32, #tpu.memory_space<vmem>>) target(%dma_start3A_151 : memref<10112x128xf32, #tpu.memory_space<vmem_shared>>) offsets(%dma_start3A_148 : memref<120xi32, #tpu.memory_space<vmem>>) semaphore(%dma_start3A_153 : memref<!tpu.dma_semaphore, #tpu.memory_space<semaphore_mem>>) {add = true}
      %mul3A_154 = arith.constant 6 : i32
      %mul3A_155 = arith.muli %while3A_112, %mul3A_154 : i32
      %add3A_156 = arith.constant 1 : i32
      %add3A_157 = arith.addi %mul3A_155, %add3A_156 : i32
      %add3A_158 = arith.constant 2 : i32
      %add3A_159 = arith.addi %add3A_157, %add3A_158 : i32
      %lt3A_160 = arith.cmpi slt, %add3A_159, %select_n3A : i32
      %convert_element_type3A_161 = arith.extui %lt3A_160 : i1 to i32
      %cond3A_162 = arith.constant 0 : i32
      %cond3A_163 = arith.cmpi ne, %convert_element_type3A_161, %cond3A_162 : i32
      scf.if %cond3A_163 {
        %add3A_379 = arith.addi %add3A, %add3A_157 : i32
        %add3A_380 = arith.constant 2 : i32
        %add3A_381 = arith.addi %add3A_379, %add3A_380 : i32
        %dma_start3A_382 = arith.constant 3 : i32
        %dma_start3A_383 = arith.constant 0 : i32
        %dma_start3A_384 = arith.constant 0 : i32
        %dma_start3A_385 = tpu.memref_slice %arg3[%add3A_381, %dma_start3A_383, %dma_start3A_384] : memref<2688x2x120xi32, #tpu.memory_space<hbm>> -> memref<1x2x120xi32, #tpu.memory_space<hbm>>
        %dma_start3A_386 = tpu.memref_squeeze %dma_start3A_385 : memref<1x2x120xi32, #tpu.memory_space<hbm>> -> memref<2x120xi32, #tpu.memory_space<hbm>>
        %dma_start3A_387 = tpu.memref_slice %arg16[%dma_start3A_382] : memref<6x!tpu.dma_semaphore, #tpu.memory_space<semaphore_mem>> -> memref<1x!tpu.dma_semaphore, #tpu.memory_space<semaphore_mem>>
        %dma_start3A_388 = tpu.memref_squeeze %dma_start3A_387 : memref<1x!tpu.dma_semaphore, #tpu.memory_space<semaphore_mem>> -> memref<!tpu.dma_semaphore, #tpu.memory_space<semaphore_mem>>
        %dma_start3A_389 = arith.constant 0 : i32
        %dma_start3A_390 = arith.constant 0 : i32
        %dma_start3A_391 = tpu.memref_slice %arg3[%add3A_381, %dma_start3A_389, %dma_start3A_390] : memref<2688x2x120xi32, #tpu.memory_space<hbm>> -> memref<1x2x120xi32, #tpu.memory_space<hbm>>
        %dma_start3A_392 = tpu.memref_squeeze %dma_start3A_391 : memref<1x2x120xi32, #tpu.memory_space<hbm>> -> memref<2x120xi32, #tpu.memory_space<hbm>>
        tpu.enqueue_dma source(%dma_start3A_392 : memref<2x120xi32, #tpu.memory_space<hbm>>) target(%arg9 : memref<2x120xi32, #tpu.memory_space<vmem>>) target_semaphore(%dma_start3A_388 : memref<!tpu.dma_semaphore, #tpu.memory_space<semaphore_mem>>)
      } else {
      }
      %add3A_164 = arith.constant 1 : i32
      %add3A_165 = arith.addi %add3A_157, %add3A_164 : i32
      %lt3A_166 = arith.cmpi slt, %add3A_165, %select_n3A : i32
      %ge3A_167 = arith.constant 2 : i32
      %ge3A_168 = arith.cmpi sge, %add3A_157, %ge3A_167 : i32
      %and3A_169 = arith.andi %lt3A_166, %ge3A_168 : i1
      %convert_element_type3A_170 = arith.extui %and3A_169 : i1 to i32
      %cond3A_171 = arith.constant 0 : i32
      %cond3A_172 = arith.cmpi ne, %convert_element_type3A_170, %cond3A_171 : i32
      scf.if %cond3A_172 {
        %dma_wait3A_379 = arith.constant 1 : i32
        %dma_wait3A_380 = arith.constant 2 : i32
        %dma_wait3A_381 = arith.constant 0 : i32
        %dma_wait3A_382 = tpu.memref_slice %arg7[%dma_wait3A_379, %dma_wait3A_381] : memref<2x120xi32, #tpu.memory_space<vmem>> -> memref<1x120xi32, #tpu.memory_space<vmem>>
        %dma_wait3A_383 = tpu.memref_squeeze %dma_wait3A_382 : memref<1x120xi32, #tpu.memory_space<vmem>> -> memref<120xi32, #tpu.memory_space<vmem>>
        %dma_wait3A_384 = arith.constant 0 : i32
        %dma_wait3A_385 = arith.constant 0 : i32
        %dma_wait3A_386 = tpu.memref_slice %arg15[%dma_wait3A_384, %dma_wait3A_385] : memref<10112x128xf32, #tpu.memory_space<vmem_shared>> -> memref<10112x128xf32, #tpu.memory_space<vmem_shared>>
        %dma_wait3A_387 = tpu.memref_slice %arg18[%dma_wait3A_380] : memref<3x!tpu.dma_semaphore, #tpu.memory_space<semaphore_mem>> -> memref<1x!tpu.dma_semaphore, #tpu.memory_space<semaphore_mem>>
        %dma_wait3A_388 = tpu.memref_squeeze %dma_wait3A_387 : memref<1x!tpu.dma_semaphore, #tpu.memory_space<semaphore_mem>> -> memref<!tpu.dma_semaphore, #tpu.memory_space<semaphore_mem>>
        tpu.wait_indirect_dma semaphore(%dma_wait3A_388 : memref<!tpu.dma_semaphore, #tpu.memory_space<semaphore_mem>>) src(%arg14 : memref<120x128xf32, #tpu.memory_space<vmem>>) dst(%dma_wait3A_386 : memref<10112x128xf32, #tpu.memory_space<vmem_shared>>)
      } else {
      }
      %add3A_173 = arith.constant 1 : i32
      %add3A_174 = arith.addi %add3A_157, %add3A_173 : i32
      %lt3A_175 = arith.cmpi slt, %add3A_174, %select_n3A : i32
      %convert_element_type3A_176 = arith.extui %lt3A_175 : i1 to i32
      %cond3A_177 = arith.constant 0 : i32
      %cond3A_178 = arith.cmpi ne, %convert_element_type3A_176, %cond3A_177 : i32
      scf.if %cond3A_178 {
        %dma_wait3A_379 = arith.constant 2 : i32
        %dma_wait3A_380 = arith.constant 0 : i32
        %dma_wait3A_381 = arith.constant 0 : i32
        %dma_wait3A_382 = tpu.memref_slice %arg3[%add3A, %dma_wait3A_380, %dma_wait3A_381] : memref<2688x2x120xi32, #tpu.memory_space<hbm>> -> memref<1x2x120xi32, #tpu.memory_space<hbm>>
        %dma_wait3A_383 = tpu.memref_squeeze %dma_wait3A_382 : memref<1x2x120xi32, #tpu.memory_space<hbm>> -> memref<2x120xi32, #tpu.memory_space<hbm>>
        %dma_wait3A_384 = tpu.memref_slice %arg16[%dma_wait3A_379] : memref<6x!tpu.dma_semaphore, #tpu.memory_space<semaphore_mem>> -> memref<1x!tpu.dma_semaphore, #tpu.memory_space<semaphore_mem>>
        %dma_wait3A_385 = tpu.memref_squeeze %dma_wait3A_384 : memref<1x!tpu.dma_semaphore, #tpu.memory_space<semaphore_mem>> -> memref<!tpu.dma_semaphore, #tpu.memory_space<semaphore_mem>>
        %dma_wait3A_386 = arith.constant 0 : i32
        %dma_wait3A_387 = arith.constant 0 : i32
        %dma_wait3A_388 = tpu.memref_slice %arg3[%add3A, %dma_wait3A_386, %dma_wait3A_387] : memref<2688x2x120xi32, #tpu.memory_space<hbm>> -> memref<1x2x120xi32, #tpu.memory_space<hbm>>
        %dma_wait3A_389 = tpu.memref_squeeze %dma_wait3A_388 : memref<1x2x120xi32, #tpu.memory_space<hbm>> -> memref<2x120xi32, #tpu.memory_space<hbm>>
        tpu.wait_dma2 semaphore(%dma_wait3A_385 : memref<!tpu.dma_semaphore, #tpu.memory_space<semaphore_mem>>) src(%dma_wait3A_389 : memref<2x120xi32, #tpu.memory_space<hbm>>) dst(%arg8 : memref<2x120xi32, #tpu.memory_space<vmem>>)
        %dma_start3A_390 = arith.constant 0 : i32
        %dma_start3A_391 = arith.constant 2 : i32
        %dma_start3A_392 = arith.constant 0 : i32
        %dma_start3A_393 = tpu.memref_slice %arg8[%dma_start3A_390, %dma_start3A_392] : memref<2x120xi32, #tpu.memory_space<vmem>> -> memref<1x120xi32, #tpu.memory_space<vmem>>
        %dma_start3A_394 = tpu.memref_squeeze %dma_start3A_393 : memref<1x120xi32, #tpu.memory_space<vmem>> -> memref<120xi32, #tpu.memory_space<vmem>>
        %dma_start3A_395 = arith.constant 0 : i32
        %dma_start3A_396 = arith.constant 0 : i32
        %dma_start3A_397 = tpu.memref_slice %arg2[%dma_start3A_395, %dma_start3A_396] : memref<10112x128xf32, #tpu.memory_space<hbm>> -> memref<10112x128xf32, #tpu.memory_space<hbm>>
        %dma_start3A_398 = tpu.memref_slice %arg17[%dma_start3A_391] : memref<3x!tpu.dma_semaphore, #tpu.memory_space<semaphore_mem>> -> memref<1x!tpu.dma_semaphore, #tpu.memory_space<semaphore_mem>>
        %dma_start3A_399 = tpu.memref_squeeze %dma_start3A_398 : memref<1x!tpu.dma_semaphore, #tpu.memory_space<semaphore_mem>> -> memref<!tpu.dma_semaphore, #tpu.memory_space<semaphore_mem>>
        tpu.enqueue_indirect_dma source(%dma_start3A_397 : memref<10112x128xf32, #tpu.memory_space<hbm>>) target(%arg14 : memref<120x128xf32, #tpu.memory_space<vmem>>) offsets(%dma_start3A_394 : memref<120xi32, #tpu.memory_space<vmem>>) semaphore(%dma_start3A_399 : memref<!tpu.dma_semaphore, #tpu.memory_space<semaphore_mem>>)
      } else {
      }
      %dma_wait3A_179 = arith.constant 0 : i32
      %dma_wait3A_180 = arith.constant 1 : i32
      %dma_wait3A_181 = arith.constant 0 : i32
      %dma_wait3A_182 = tpu.memref_slice %arg7[%dma_wait3A_179, %dma_wait3A_181] : memref<2x120xi32, #tpu.memory_space<vmem>> -> memref<1x120xi32, #tpu.memory_space<vmem>>
      %dma_wait3A_183 = tpu.memref_squeeze %dma_wait3A_182 : memref<1x120xi32, #tpu.memory_space<vmem>> -> memref<120xi32, #tpu.memory_space<vmem>>
      %dma_wait3A_184 = arith.constant 0 : i32
      %dma_wait3A_185 = arith.constant 0 : i32
      %dma_wait3A_186 = tpu.memref_slice %arg2[%dma_wait3A_184, %dma_wait3A_185] : memref<10112x128xf32, #tpu.memory_space<hbm>> -> memref<10112x128xf32, #tpu.memory_space<hbm>>
      %dma_wait3A_187 = tpu.memref_slice %arg17[%dma_wait3A_180] : memref<3x!tpu.dma_semaphore, #tpu.memory_space<semaphore_mem>> -> memref<1x!tpu.dma_semaphore, #tpu.memory_space<semaphore_mem>>
      %dma_wait3A_188 = tpu.memref_squeeze %dma_wait3A_187 : memref<1x!tpu.dma_semaphore, #tpu.memory_space<semaphore_mem>> -> memref<!tpu.dma_semaphore, #tpu.memory_space<semaphore_mem>>
      tpu.wait_indirect_dma semaphore(%dma_wait3A_188 : memref<!tpu.dma_semaphore, #tpu.memory_space<semaphore_mem>>) src(%dma_wait3A_186 : memref<10112x128xf32, #tpu.memory_space<hbm>>) dst(%arg13 : memref<120x128xf32, #tpu.memory_space<vmem>>)
      %dma_start3A_189 = arith.constant 1 : i32
      %dma_start3A_190 = arith.constant 1 : i32
      %dma_start3A_191 = arith.constant 0 : i32
      %dma_start3A_192 = tpu.memref_slice %arg7[%dma_start3A_189, %dma_start3A_191] : memref<2x120xi32, #tpu.memory_space<vmem>> -> memref<1x120xi32, #tpu.memory_space<vmem>>
      %dma_start3A_193 = tpu.memref_squeeze %dma_start3A_192 : memref<1x120xi32, #tpu.memory_space<vmem>> -> memref<120xi32, #tpu.memory_space<vmem>>
      %dma_start3A_194 = arith.constant 0 : i32
      %dma_start3A_195 = arith.constant 0 : i32
      %dma_start3A_196 = tpu.memref_slice %arg15[%dma_start3A_194, %dma_start3A_195] : memref<10112x128xf32, #tpu.memory_space<vmem_shared>> -> memref<10112x128xf32, #tpu.memory_space<vmem_shared>>
      %dma_start3A_197 = tpu.memref_slice %arg18[%dma_start3A_190] : memref<3x!tpu.dma_semaphore, #tpu.memory_space<semaphore_mem>> -> memref<1x!tpu.dma_semaphore, #tpu.memory_space<semaphore_mem>>
      %dma_start3A_198 = tpu.memref_squeeze %dma_start3A_197 : memref<1x!tpu.dma_semaphore, #tpu.memory_space<semaphore_mem>> -> memref<!tpu.dma_semaphore, #tpu.memory_space<semaphore_mem>>
      tpu.enqueue_indirect_dma source(%arg13 : memref<120x128xf32, #tpu.memory_space<vmem>>) target(%dma_start3A_196 : memref<10112x128xf32, #tpu.memory_space<vmem_shared>>) offsets(%dma_start3A_193 : memref<120xi32, #tpu.memory_space<vmem>>) semaphore(%dma_start3A_198 : memref<!tpu.dma_semaphore, #tpu.memory_space<semaphore_mem>>) {add = true}
      %mul3A_199 = arith.constant 6 : i32
      %mul3A_200 = arith.muli %while3A_112, %mul3A_199 : i32
      %add3A_201 = arith.constant 2 : i32
      %add3A_202 = arith.addi %mul3A_200, %add3A_201 : i32
      %add3A_203 = arith.constant 2 : i32
      %add3A_204 = arith.addi %add3A_202, %add3A_203 : i32
      %lt3A_205 = arith.cmpi slt, %add3A_204, %select_n3A : i32
      %convert_element_type3A_206 = arith.extui %lt3A_205 : i1 to i32
      %cond3A_207 = arith.constant 0 : i32
      %cond3A_208 = arith.cmpi ne, %convert_element_type3A_206, %cond3A_207 : i32
      scf.if %cond3A_208 {
        %add3A_379 = arith.addi %add3A, %add3A_202 : i32
        %add3A_380 = arith.constant 2 : i32
        %add3A_381 = arith.addi %add3A_379, %add3A_380 : i32
        %dma_start3A_382 = arith.constant 4 : i32
        %dma_start3A_383 = arith.constant 0 : i32
        %dma_start3A_384 = arith.constant 0 : i32
        %dma_start3A_385 = tpu.memref_slice %arg3[%add3A_381, %dma_start3A_383, %dma_start3A_384] : memref<2688x2x120xi32, #tpu.memory_space<hbm>> -> memref<1x2x120xi32, #tpu.memory_space<hbm>>
        %dma_start3A_386 = tpu.memref_squeeze %dma_start3A_385 : memref<1x2x120xi32, #tpu.memory_space<hbm>> -> memref<2x120xi32, #tpu.memory_space<hbm>>
        %dma_start3A_387 = tpu.memref_slice %arg16[%dma_start3A_382] : memref<6x!tpu.dma_semaphore, #tpu.memory_space<semaphore_mem>> -> memref<1x!tpu.dma_semaphore, #tpu.memory_space<semaphore_mem>>
        %dma_start3A_388 = tpu.memref_squeeze %dma_start3A_387 : memref<1x!tpu.dma_semaphore, #tpu.memory_space<semaphore_mem>> -> memref<!tpu.dma_semaphore, #tpu.memory_space<semaphore_mem>>
        %dma_start3A_389 = arith.constant 0 : i32
        %dma_start3A_390 = arith.constant 0 : i32
        %dma_start3A_391 = tpu.memref_slice %arg3[%add3A_381, %dma_start3A_389, %dma_start3A_390] : memref<2688x2x120xi32, #tpu.memory_space<hbm>> -> memref<1x2x120xi32, #tpu.memory_space<hbm>>
        %dma_start3A_392 = tpu.memref_squeeze %dma_start3A_391 : memref<1x2x120xi32, #tpu.memory_space<hbm>> -> memref<2x120xi32, #tpu.memory_space<hbm>>
        tpu.enqueue_dma source(%dma_start3A_392 : memref<2x120xi32, #tpu.memory_space<hbm>>) target(%arg10 : memref<2x120xi32, #tpu.memory_space<vmem>>) target_semaphore(%dma_start3A_388 : memref<!tpu.dma_semaphore, #tpu.memory_space<semaphore_mem>>)
      } else {
      }
      %add3A_209 = arith.constant 1 : i32
      %add3A_210 = arith.addi %add3A_202, %add3A_209 : i32
      %lt3A_211 = arith.cmpi slt, %add3A_210, %select_n3A : i32
      %ge3A_212 = arith.constant 2 : i32
      %ge3A_213 = arith.cmpi sge, %add3A_202, %ge3A_212 : i32
      %and3A_214 = arith.andi %lt3A_211, %ge3A_213 : i1
      %convert_element_type3A_215 = arith.extui %and3A_214 : i1 to i32
      %cond3A_216 = arith.constant 0 : i32
      %cond3A_217 = arith.cmpi ne, %convert_element_type3A_215, %cond3A_216 : i32
      scf.if %cond3A_217 {
        %dma_wait3A_379 = arith.constant 1 : i32
        %dma_wait3A_380 = arith.constant 0 : i32
        %dma_wait3A_381 = arith.constant 0 : i32
        %dma_wait3A_382 = tpu.memref_slice %arg8[%dma_wait3A_379, %dma_wait3A_381] : memref<2x120xi32, #tpu.memory_space<vmem>> -> memref<1x120xi32, #tpu.memory_space<vmem>>
        %dma_wait3A_383 = tpu.memref_squeeze %dma_wait3A_382 : memref<1x120xi32, #tpu.memory_space<vmem>> -> memref<120xi32, #tpu.memory_space<vmem>>
        %dma_wait3A_384 = arith.constant 0 : i32
        %dma_wait3A_385 = arith.constant 0 : i32
        %dma_wait3A_386 = tpu.memref_slice %arg15[%dma_wait3A_384, %dma_wait3A_385] : memref<10112x128xf32, #tpu.memory_space<vmem_shared>> -> memref<10112x128xf32, #tpu.memory_space<vmem_shared>>
        %dma_wait3A_387 = tpu.memref_slice %arg18[%dma_wait3A_380] : memref<3x!tpu.dma_semaphore, #tpu.memory_space<semaphore_mem>> -> memref<1x!tpu.dma_semaphore, #tpu.memory_space<semaphore_mem>>
        %dma_wait3A_388 = tpu.memref_squeeze %dma_wait3A_387 : memref<1x!tpu.dma_semaphore, #tpu.memory_space<semaphore_mem>> -> memref<!tpu.dma_semaphore, #tpu.memory_space<semaphore_mem>>
        tpu.wait_indirect_dma semaphore(%dma_wait3A_388 : memref<!tpu.dma_semaphore, #tpu.memory_space<semaphore_mem>>) src(%arg12 : memref<120x128xf32, #tpu.memory_space<vmem>>) dst(%dma_wait3A_386 : memref<10112x128xf32, #tpu.memory_space<vmem_shared>>)
      } else {
      }
      %add3A_218 = arith.constant 1 : i32
      %add3A_219 = arith.addi %add3A_202, %add3A_218 : i32
      %lt3A_220 = arith.cmpi slt, %add3A_219, %select_n3A : i32
      %convert_element_type3A_221 = arith.extui %lt3A_220 : i1 to i32
      %cond3A_222 = arith.constant 0 : i32
      %cond3A_223 = arith.cmpi ne, %convert_element_type3A_221, %cond3A_222 : i32
      scf.if %cond3A_223 {
        %dma_wait3A_379 = arith.constant 3 : i32
        %dma_wait3A_380 = arith.constant 0 : i32
        %dma_wait3A_381 = arith.constant 0 : i32
        %dma_wait3A_382 = tpu.memref_slice %arg3[%add3A, %dma_wait3A_380, %dma_wait3A_381] : memref<2688x2x120xi32, #tpu.memory_space<hbm>> -> memref<1x2x120xi32, #tpu.memory_space<hbm>>
        %dma_wait3A_383 = tpu.memref_squeeze %dma_wait3A_382 : memref<1x2x120xi32, #tpu.memory_space<hbm>> -> memref<2x120xi32, #tpu.memory_space<hbm>>
        %dma_wait3A_384 = tpu.memref_slice %arg16[%dma_wait3A_379] : memref<6x!tpu.dma_semaphore, #tpu.memory_space<semaphore_mem>> -> memref<1x!tpu.dma_semaphore, #tpu.memory_space<semaphore_mem>>
        %dma_wait3A_385 = tpu.memref_squeeze %dma_wait3A_384 : memref<1x!tpu.dma_semaphore, #tpu.memory_space<semaphore_mem>> -> memref<!tpu.dma_semaphore, #tpu.memory_space<semaphore_mem>>
        %dma_wait3A_386 = arith.constant 0 : i32
        %dma_wait3A_387 = arith.constant 0 : i32
        %dma_wait3A_388 = tpu.memref_slice %arg3[%add3A, %dma_wait3A_386, %dma_wait3A_387] : memref<2688x2x120xi32, #tpu.memory_space<hbm>> -> memref<1x2x120xi32, #tpu.memory_space<hbm>>
        %dma_wait3A_389 = tpu.memref_squeeze %dma_wait3A_388 : memref<1x2x120xi32, #tpu.memory_space<hbm>> -> memref<2x120xi32, #tpu.memory_space<hbm>>
        tpu.wait_dma2 semaphore(%dma_wait3A_385 : memref<!tpu.dma_semaphore, #tpu.memory_space<semaphore_mem>>) src(%dma_wait3A_389 : memref<2x120xi32, #tpu.memory_space<hbm>>) dst(%arg9 : memref<2x120xi32, #tpu.memory_space<vmem>>)
        %dma_start3A_390 = arith.constant 0 : i32
        %dma_start3A_391 = arith.constant 0 : i32
        %dma_start3A_392 = arith.constant 0 : i32
        %dma_start3A_393 = tpu.memref_slice %arg9[%dma_start3A_390, %dma_start3A_392] : memref<2x120xi32, #tpu.memory_space<vmem>> -> memref<1x120xi32, #tpu.memory_space<vmem>>
        %dma_start3A_394 = tpu.memref_squeeze %dma_start3A_393 : memref<1x120xi32, #tpu.memory_space<vmem>> -> memref<120xi32, #tpu.memory_space<vmem>>
        %dma_start3A_395 = arith.constant 0 : i32
        %dma_start3A_396 = arith.constant 0 : i32
        %dma_start3A_397 = tpu.memref_slice %arg2[%dma_start3A_395, %dma_start3A_396] : memref<10112x128xf32, #tpu.memory_space<hbm>> -> memref<10112x128xf32, #tpu.memory_space<hbm>>
        %dma_start3A_398 = tpu.memref_slice %arg17[%dma_start3A_391] : memref<3x!tpu.dma_semaphore, #tpu.memory_space<semaphore_mem>> -> memref<1x!tpu.dma_semaphore, #tpu.memory_space<semaphore_mem>>
        %dma_start3A_399 = tpu.memref_squeeze %dma_start3A_398 : memref<1x!tpu.dma_semaphore, #tpu.memory_space<semaphore_mem>> -> memref<!tpu.dma_semaphore, #tpu.memory_space<semaphore_mem>>
        tpu.enqueue_indirect_dma source(%dma_start3A_397 : memref<10112x128xf32, #tpu.memory_space<hbm>>) target(%arg12 : memref<120x128xf32, #tpu.memory_space<vmem>>) offsets(%dma_start3A_394 : memref<120xi32, #tpu.memory_space<vmem>>) semaphore(%dma_start3A_399 : memref<!tpu.dma_semaphore, #tpu.memory_space<semaphore_mem>>)
      } else {
      }
      %dma_wait3A_224 = arith.constant 0 : i32
      %dma_wait3A_225 = arith.constant 2 : i32
      %dma_wait3A_226 = arith.constant 0 : i32
      %dma_wait3A_227 = tpu.memref_slice %arg8[%dma_wait3A_224, %dma_wait3A_226] : memref<2x120xi32, #tpu.memory_space<vmem>> -> memref<1x120xi32, #tpu.memory_space<vmem>>
      %dma_wait3A_228 = tpu.memref_squeeze %dma_wait3A_227 : memref<1x120xi32, #tpu.memory_space<vmem>> -> memref<120xi32, #tpu.memory_space<vmem>>
      %dma_wait3A_229 = arith.constant 0 : i32
      %dma_wait3A_230 = arith.constant 0 : i32
      %dma_wait3A_231 = tpu.memref_slice %arg2[%dma_wait3A_229, %dma_wait3A_230] : memref<10112x128xf32, #tpu.memory_space<hbm>> -> memref<10112x128xf32, #tpu.memory_space<hbm>>
      %dma_wait3A_232 = tpu.memref_slice %arg17[%dma_wait3A_225] : memref<3x!tpu.dma_semaphore, #tpu.memory_space<semaphore_mem>> -> memref<1x!tpu.dma_semaphore, #tpu.memory_space<semaphore_mem>>
      %dma_wait3A_233 = tpu.memref_squeeze %dma_wait3A_232 : memref<1x!tpu.dma_semaphore, #tpu.memory_space<semaphore_mem>> -> memref<!tpu.dma_semaphore, #tpu.memory_space<semaphore_mem>>
      tpu.wait_indirect_dma semaphore(%dma_wait3A_233 : memref<!tpu.dma_semaphore, #tpu.memory_space<semaphore_mem>>) src(%dma_wait3A_231 : memref<10112x128xf32, #tpu.memory_space<hbm>>) dst(%arg14 : memref<120x128xf32, #tpu.memory_space<vmem>>)
      %dma_start3A_234 = arith.constant 1 : i32
      %dma_start3A_235 = arith.constant 2 : i32
      %dma_start3A_236 = arith.constant 0 : i32
      %dma_start3A_237 = tpu.memref_slice %arg8[%dma_start3A_234, %dma_start3A_236] : memref<2x120xi32, #tpu.memory_space<vmem>> -> memref<1x120xi32, #tpu.memory_space<vmem>>
      %dma_start3A_238 = tpu.memref_squeeze %dma_start3A_237 : memref<1x120xi32, #tpu.memory_space<vmem>> -> memref<120xi32, #tpu.memory_space<vmem>>
      %dma_start3A_239 = arith.constant 0 : i32
      %dma_start3A_240 = arith.constant 0 : i32
      %dma_start3A_241 = tpu.memref_slice %arg15[%dma_start3A_239, %dma_start3A_240] : memref<10112x128xf32, #tpu.memory_space<vmem_shared>> -> memref<10112x128xf32, #tpu.memory_space<vmem_shared>>
      %dma_start3A_242 = tpu.memref_slice %arg18[%dma_start3A_235] : memref<3x!tpu.dma_semaphore, #tpu.memory_space<semaphore_mem>> -> memref<1x!tpu.dma_semaphore, #tpu.memory_space<semaphore_mem>>
      %dma_start3A_243 = tpu.memref_squeeze %dma_start3A_242 : memref<1x!tpu.dma_semaphore, #tpu.memory_space<semaphore_mem>> -> memref<!tpu.dma_semaphore, #tpu.memory_space<semaphore_mem>>
      tpu.enqueue_indirect_dma source(%arg14 : memref<120x128xf32, #tpu.memory_space<vmem>>) target(%dma_start3A_241 : memref<10112x128xf32, #tpu.memory_space<vmem_shared>>) offsets(%dma_start3A_238 : memref<120xi32, #tpu.memory_space<vmem>>) semaphore(%dma_start3A_243 : memref<!tpu.dma_semaphore, #tpu.memory_space<semaphore_mem>>) {add = true}
      %mul3A_244 = arith.constant 6 : i32
      %mul3A_245 = arith.muli %while3A_112, %mul3A_244 : i32
      %add3A_246 = arith.constant 3 : i32
      %add3A_247 = arith.addi %mul3A_245, %add3A_246 : i32
      %add3A_248 = arith.constant 2 : i32
      %add3A_249 = arith.addi %add3A_247, %add3A_248 : i32
      %lt3A_250 = arith.cmpi slt, %add3A_249, %select_n3A : i32
      %convert_element_type3A_251 = arith.extui %lt3A_250 : i1 to i32
      %cond3A_252 = arith.constant 0 : i32
      %cond3A_253 = arith.cmpi ne, %convert_element_type3A_251, %cond3A_252 : i32
      scf.if %cond3A_253 {
        %add3A_379 = arith.addi %add3A, %add3A_247 : i32
        %add3A_380 = arith.constant 2 : i32
        %add3A_381 = arith.addi %add3A_379, %add3A_380 : i32
        %dma_start3A_382 = arith.constant 5 : i32
        %dma_start3A_383 = arith.constant 0 : i32
        %dma_start3A_384 = arith.constant 0 : i32
        %dma_start3A_385 = tpu.memref_slice %arg3[%add3A_381, %dma_start3A_383, %dma_start3A_384] : memref<2688x2x120xi32, #tpu.memory_space<hbm>> -> memref<1x2x120xi32, #tpu.memory_space<hbm>>
        %dma_start3A_386 = tpu.memref_squeeze %dma_start3A_385 : memref<1x2x120xi32, #tpu.memory_space<hbm>> -> memref<2x120xi32, #tpu.memory_space<hbm>>
        %dma_start3A_387 = tpu.memref_slice %arg16[%dma_start3A_382] : memref<6x!tpu.dma_semaphore, #tpu.memory_space<semaphore_mem>> -> memref<1x!tpu.dma_semaphore, #tpu.memory_space<semaphore_mem>>
        %dma_start3A_388 = tpu.memref_squeeze %dma_start3A_387 : memref<1x!tpu.dma_semaphore, #tpu.memory_space<semaphore_mem>> -> memref<!tpu.dma_semaphore, #tpu.memory_space<semaphore_mem>>
        %dma_start3A_389 = arith.constant 0 : i32
        %dma_start3A_390 = arith.constant 0 : i32
        %dma_start3A_391 = tpu.memref_slice %arg3[%add3A_381, %dma_start3A_389, %dma_start3A_390] : memref<2688x2x120xi32, #tpu.memory_space<hbm>> -> memref<1x2x120xi32, #tpu.memory_space<hbm>>
        %dma_start3A_392 = tpu.memref_squeeze %dma_start3A_391 : memref<1x2x120xi32, #tpu.memory_space<hbm>> -> memref<2x120xi32, #tpu.memory_space<hbm>>
        tpu.enqueue_dma source(%dma_start3A_392 : memref<2x120xi32, #tpu.memory_space<hbm>>) target(%arg11 : memref<2x120xi32, #tpu.memory_space<vmem>>) target_semaphore(%dma_start3A_388 : memref<!tpu.dma_semaphore, #tpu.memory_space<semaphore_mem>>)
      } else {
      }
      %add3A_254 = arith.constant 1 : i32
      %add3A_255 = arith.addi %add3A_247, %add3A_254 : i32
      %lt3A_256 = arith.cmpi slt, %add3A_255, %select_n3A : i32
      %ge3A_257 = arith.constant 2 : i32
      %ge3A_258 = arith.cmpi sge, %add3A_247, %ge3A_257 : i32
      %and3A_259 = arith.andi %lt3A_256, %ge3A_258 : i1
      %convert_element_type3A_260 = arith.extui %and3A_259 : i1 to i32
      %cond3A_261 = arith.constant 0 : i32
      %cond3A_262 = arith.cmpi ne, %convert_element_type3A_260, %cond3A_261 : i32
      scf.if %cond3A_262 {
        %dma_wait3A_379 = arith.constant 1 : i32
        %dma_wait3A_380 = arith.constant 1 : i32
        %dma_wait3A_381 = arith.constant 0 : i32
        %dma_wait3A_382 = tpu.memref_slice %arg9[%dma_wait3A_379, %dma_wait3A_381] : memref<2x120xi32, #tpu.memory_space<vmem>> -> memref<1x120xi32, #tpu.memory_space<vmem>>
        %dma_wait3A_383 = tpu.memref_squeeze %dma_wait3A_382 : memref<1x120xi32, #tpu.memory_space<vmem>> -> memref<120xi32, #tpu.memory_space<vmem>>
        %dma_wait3A_384 = arith.constant 0 : i32
        %dma_wait3A_385 = arith.constant 0 : i32
        %dma_wait3A_386 = tpu.memref_slice %arg15[%dma_wait3A_384, %dma_wait3A_385] : memref<10112x128xf32, #tpu.memory_space<vmem_shared>> -> memref<10112x128xf32, #tpu.memory_space<vmem_shared>>
        %dma_wait3A_387 = tpu.memref_slice %arg18[%dma_wait3A_380] : memref<3x!tpu.dma_semaphore, #tpu.memory_space<semaphore_mem>> -> memref<1x!tpu.dma_semaphore, #tpu.memory_space<semaphore_mem>>
        %dma_wait3A_388 = tpu.memref_squeeze %dma_wait3A_387 : memref<1x!tpu.dma_semaphore, #tpu.memory_space<semaphore_mem>> -> memref<!tpu.dma_semaphore, #tpu.memory_space<semaphore_mem>>
        tpu.wait_indirect_dma semaphore(%dma_wait3A_388 : memref<!tpu.dma_semaphore, #tpu.memory_space<semaphore_mem>>) src(%arg13 : memref<120x128xf32, #tpu.memory_space<vmem>>) dst(%dma_wait3A_386 : memref<10112x128xf32, #tpu.memory_space<vmem_shared>>)
      } else {
      }
      %add3A_263 = arith.constant 1 : i32
      %add3A_264 = arith.addi %add3A_247, %add3A_263 : i32
      %lt3A_265 = arith.cmpi slt, %add3A_264, %select_n3A : i32
      %convert_element_type3A_266 = arith.extui %lt3A_265 : i1 to i32
      %cond3A_267 = arith.constant 0 : i32
      %cond3A_268 = arith.cmpi ne, %convert_element_type3A_266, %cond3A_267 : i32
      scf.if %cond3A_268 {
        %dma_wait3A_379 = arith.constant 4 : i32
        %dma_wait3A_380 = arith.constant 0 : i32
        %dma_wait3A_381 = arith.constant 0 : i32
        %dma_wait3A_382 = tpu.memref_slice %arg3[%add3A, %dma_wait3A_380, %dma_wait3A_381] : memref<2688x2x120xi32, #tpu.memory_space<hbm>> -> memref<1x2x120xi32, #tpu.memory_space<hbm>>
        %dma_wait3A_383 = tpu.memref_squeeze %dma_wait3A_382 : memref<1x2x120xi32, #tpu.memory_space<hbm>> -> memref<2x120xi32, #tpu.memory_space<hbm>>
        %dma_wait3A_384 = tpu.memref_slice %arg16[%dma_wait3A_379] : memref<6x!tpu.dma_semaphore, #tpu.memory_space<semaphore_mem>> -> memref<1x!tpu.dma_semaphore, #tpu.memory_space<semaphore_mem>>
        %dma_wait3A_385 = tpu.memref_squeeze %dma_wait3A_384 : memref<1x!tpu.dma_semaphore, #tpu.memory_space<semaphore_mem>> -> memref<!tpu.dma_semaphore, #tpu.memory_space<semaphore_mem>>
        %dma_wait3A_386 = arith.constant 0 : i32
        %dma_wait3A_387 = arith.constant 0 : i32
        %dma_wait3A_388 = tpu.memref_slice %arg3[%add3A, %dma_wait3A_386, %dma_wait3A_387] : memref<2688x2x120xi32, #tpu.memory_space<hbm>> -> memref<1x2x120xi32, #tpu.memory_space<hbm>>
        %dma_wait3A_389 = tpu.memref_squeeze %dma_wait3A_388 : memref<1x2x120xi32, #tpu.memory_space<hbm>> -> memref<2x120xi32, #tpu.memory_space<hbm>>
        tpu.wait_dma2 semaphore(%dma_wait3A_385 : memref<!tpu.dma_semaphore, #tpu.memory_space<semaphore_mem>>) src(%dma_wait3A_389 : memref<2x120xi32, #tpu.memory_space<hbm>>) dst(%arg10 : memref<2x120xi32, #tpu.memory_space<vmem>>)
        %dma_start3A_390 = arith.constant 0 : i32
        %dma_start3A_391 = arith.constant 1 : i32
        %dma_start3A_392 = arith.constant 0 : i32
        %dma_start3A_393 = tpu.memref_slice %arg10[%dma_start3A_390, %dma_start3A_392] : memref<2x120xi32, #tpu.memory_space<vmem>> -> memref<1x120xi32, #tpu.memory_space<vmem>>
        %dma_start3A_394 = tpu.memref_squeeze %dma_start3A_393 : memref<1x120xi32, #tpu.memory_space<vmem>> -> memref<120xi32, #tpu.memory_space<vmem>>
        %dma_start3A_395 = arith.constant 0 : i32
        %dma_start3A_396 = arith.constant 0 : i32
        %dma_start3A_397 = tpu.memref_slice %arg2[%dma_start3A_395, %dma_start3A_396] : memref<10112x128xf32, #tpu.memory_space<hbm>> -> memref<10112x128xf32, #tpu.memory_space<hbm>>
        %dma_start3A_398 = tpu.memref_slice %arg17[%dma_start3A_391] : memref<3x!tpu.dma_semaphore, #tpu.memory_space<semaphore_mem>> -> memref<1x!tpu.dma_semaphore, #tpu.memory_space<semaphore_mem>>
        %dma_start3A_399 = tpu.memref_squeeze %dma_start3A_398 : memref<1x!tpu.dma_semaphore, #tpu.memory_space<semaphore_mem>> -> memref<!tpu.dma_semaphore, #tpu.memory_space<semaphore_mem>>
        tpu.enqueue_indirect_dma source(%dma_start3A_397 : memref<10112x128xf32, #tpu.memory_space<hbm>>) target(%arg13 : memref<120x128xf32, #tpu.memory_space<vmem>>) offsets(%dma_start3A_394 : memref<120xi32, #tpu.memory_space<vmem>>) semaphore(%dma_start3A_399 : memref<!tpu.dma_semaphore, #tpu.memory_space<semaphore_mem>>)
      } else {
      }
      %dma_wait3A_269 = arith.constant 0 : i32
      %dma_wait3A_270 = arith.constant 0 : i32
      %dma_wait3A_271 = arith.constant 0 : i32
      %dma_wait3A_272 = tpu.memref_slice %arg9[%dma_wait3A_269, %dma_wait3A_271] : memref<2x120xi32, #tpu.memory_space<vmem>> -> memref<1x120xi32, #tpu.memory_space<vmem>>
      %dma_wait3A_273 = tpu.memref_squeeze %dma_wait3A_272 : memref<1x120xi32, #tpu.memory_space<vmem>> -> memref<120xi32, #tpu.memory_space<vmem>>
      %dma_wait3A_274 = arith.constant 0 : i32
      %dma_wait3A_275 = arith.constant 0 : i32
      %dma_wait3A_276 = tpu.memref_slice %arg2[%dma_wait3A_274, %dma_wait3A_275] : memref<10112x128xf32, #tpu.memory_space<hbm>> -> memref<10112x128xf32, #tpu.memory_space<hbm>>
      %dma_wait3A_277 = tpu.memref_slice %arg17[%dma_wait3A_270] : memref<3x!tpu.dma_semaphore, #tpu.memory_space<semaphore_mem>> -> memref<1x!tpu.dma_semaphore, #tpu.memory_space<semaphore_mem>>
      %dma_wait3A_278 = tpu.memref_squeeze %dma_wait3A_277 : memref<1x!tpu.dma_semaphore, #tpu.memory_space<semaphore_mem>> -> memref<!tpu.dma_semaphore, #tpu.memory_space<semaphore_mem>>
      tpu.wait_indirect_dma semaphore(%dma_wait3A_278 : memref<!tpu.dma_semaphore, #tpu.memory_space<semaphore_mem>>) src(%dma_wait3A_276 : memref<10112x128xf32, #tpu.memory_space<hbm>>) dst(%arg12 : memref<120x128xf32, #tpu.memory_space<vmem>>)
      %dma_start3A_279 = arith.constant 1 : i32
      %dma_start3A_280 = arith.constant 0 : i32
      %dma_start3A_281 = arith.constant 0 : i32
      %dma_start3A_282 = tpu.memref_slice %arg9[%dma_start3A_279, %dma_start3A_281] : memref<2x120xi32, #tpu.memory_space<vmem>> -> memref<1x120xi32, #tpu.memory_space<vmem>>
      %dma_start3A_283 = tpu.memref_squeeze %dma_start3A_282 : memref<1x120xi32, #tpu.memory_space<vmem>> -> memref<120xi32, #tpu.memory_space<vmem>>
      %dma_start3A_284 = arith.constant 0 : i32
      %dma_start3A_285 = arith.constant 0 : i32
      %dma_start3A_286 = tpu.memref_slice %arg15[%dma_start3A_284, %dma_start3A_285] : memref<10112x128xf32, #tpu.memory_space<vmem_shared>> -> memref<10112x128xf32, #tpu.memory_space<vmem_shared>>
      %dma_start3A_287 = tpu.memref_slice %arg18[%dma_start3A_280] : memref<3x!tpu.dma_semaphore, #tpu.memory_space<semaphore_mem>> -> memref<1x!tpu.dma_semaphore, #tpu.memory_space<semaphore_mem>>
      %dma_start3A_288 = tpu.memref_squeeze %dma_start3A_287 : memref<1x!tpu.dma_semaphore, #tpu.memory_space<semaphore_mem>> -> memref<!tpu.dma_semaphore, #tpu.memory_space<semaphore_mem>>
      tpu.enqueue_indirect_dma source(%arg12 : memref<120x128xf32, #tpu.memory_space<vmem>>) target(%dma_start3A_286 : memref<10112x128xf32, #tpu.memory_space<vmem_shared>>) offsets(%dma_start3A_283 : memref<120xi32, #tpu.memory_space<vmem>>) semaphore(%dma_start3A_288 : memref<!tpu.dma_semaphore, #tpu.memory_space<semaphore_mem>>) {add = true}
      %mul3A_289 = arith.constant 6 : i32
      %mul3A_290 = arith.muli %while3A_112, %mul3A_289 : i32
      %add3A_291 = arith.constant 4 : i32
      %add3A_292 = arith.addi %mul3A_290, %add3A_291 : i32
      %add3A_293 = arith.constant 2 : i32
      %add3A_294 = arith.addi %add3A_292, %add3A_293 : i32
      %lt3A_295 = arith.cmpi slt, %add3A_294, %select_n3A : i32
      %convert_element_type3A_296 = arith.extui %lt3A_295 : i1 to i32
      %cond3A_297 = arith.constant 0 : i32
      %cond3A_298 = arith.cmpi ne, %convert_element_type3A_296, %cond3A_297 : i32
      scf.if %cond3A_298 {
        %add3A_379 = arith.addi %add3A, %add3A_292 : i32
        %add3A_380 = arith.constant 2 : i32
        %add3A_381 = arith.addi %add3A_379, %add3A_380 : i32
        %dma_start3A_382 = arith.constant 0 : i32
        %dma_start3A_383 = arith.constant 0 : i32
        %dma_start3A_384 = arith.constant 0 : i32
        %dma_start3A_385 = tpu.memref_slice %arg3[%add3A_381, %dma_start3A_383, %dma_start3A_384] : memref<2688x2x120xi32, #tpu.memory_space<hbm>> -> memref<1x2x120xi32, #tpu.memory_space<hbm>>
        %dma_start3A_386 = tpu.memref_squeeze %dma_start3A_385 : memref<1x2x120xi32, #tpu.memory_space<hbm>> -> memref<2x120xi32, #tpu.memory_space<hbm>>
        %dma_start3A_387 = tpu.memref_slice %arg16[%dma_start3A_382] : memref<6x!tpu.dma_semaphore, #tpu.memory_space<semaphore_mem>> -> memref<1x!tpu.dma_semaphore, #tpu.memory_space<semaphore_mem>>
        %dma_start3A_388 = tpu.memref_squeeze %dma_start3A_387 : memref<1x!tpu.dma_semaphore, #tpu.memory_space<semaphore_mem>> -> memref<!tpu.dma_semaphore, #tpu.memory_space<semaphore_mem>>
        %dma_start3A_389 = arith.constant 0 : i32
        %dma_start3A_390 = arith.constant 0 : i32
        %dma_start3A_391 = tpu.memref_slice %arg3[%add3A_381, %dma_start3A_389, %dma_start3A_390] : memref<2688x2x120xi32, #tpu.memory_space<hbm>> -> memref<1x2x120xi32, #tpu.memory_space<hbm>>
        %dma_start3A_392 = tpu.memref_squeeze %dma_start3A_391 : memref<1x2x120xi32, #tpu.memory_space<hbm>> -> memref<2x120xi32, #tpu.memory_space<hbm>>
        tpu.enqueue_dma source(%dma_start3A_392 : memref<2x120xi32, #tpu.memory_space<hbm>>) target(%arg6 : memref<2x120xi32, #tpu.memory_space<vmem>>) target_semaphore(%dma_start3A_388 : memref<!tpu.dma_semaphore, #tpu.memory_space<semaphore_mem>>)
      } else {
      }
      %add3A_299 = arith.constant 1 : i32
      %add3A_300 = arith.addi %add3A_292, %add3A_299 : i32
      %lt3A_301 = arith.cmpi slt, %add3A_300, %select_n3A : i32
      %ge3A_302 = arith.constant 2 : i32
      %ge3A_303 = arith.cmpi sge, %add3A_292, %ge3A_302 : i32
      %and3A_304 = arith.andi %lt3A_301, %ge3A_303 : i1
      %convert_element_type3A_305 = arith.extui %and3A_304 : i1 to i32
      %cond3A_306 = arith.constant 0 : i32
      %cond3A_307 = arith.cmpi ne, %convert_element_type3A_305, %cond3A_306 : i32
      scf.if %cond3A_307 {
        %dma_wait3A_379 = arith.constant 1 : i32
        %dma_wait3A_380 = arith.constant 2 : i32
        %dma_wait3A_381 = arith.constant 0 : i32
        %dma_wait3A_382 = tpu.memref_slice %arg10[%dma_wait3A_379, %dma_wait3A_381] : memref<2x120xi32, #tpu.memory_space<vmem>> -> memref<1x120xi32, #tpu.memory_space<vmem>>
        %dma_wait3A_383 = tpu.memref_squeeze %dma_wait3A_382 : memref<1x120xi32, #tpu.memory_space<vmem>> -> memref<120xi32, #tpu.memory_space<vmem>>
        %dma_wait3A_384 = arith.constant 0 : i32
        %dma_wait3A_385 = arith.constant 0 : i32
        %dma_wait3A_386 = tpu.memref_slice %arg15[%dma_wait3A_384, %dma_wait3A_385] : memref<10112x128xf32, #tpu.memory_space<vmem_shared>> -> memref<10112x128xf32, #tpu.memory_space<vmem_shared>>
        %dma_wait3A_387 = tpu.memref_slice %arg18[%dma_wait3A_380] : memref<3x!tpu.dma_semaphore, #tpu.memory_space<semaphore_mem>> -> memref<1x!tpu.dma_semaphore, #tpu.memory_space<semaphore_mem>>
        %dma_wait3A_388 = tpu.memref_squeeze %dma_wait3A_387 : memref<1x!tpu.dma_semaphore, #tpu.memory_space<semaphore_mem>> -> memref<!tpu.dma_semaphore, #tpu.memory_space<semaphore_mem>>
        tpu.wait_indirect_dma semaphore(%dma_wait3A_388 : memref<!tpu.dma_semaphore, #tpu.memory_space<semaphore_mem>>) src(%arg14 : memref<120x128xf32, #tpu.memory_space<vmem>>) dst(%dma_wait3A_386 : memref<10112x128xf32, #tpu.memory_space<vmem_shared>>)
      } else {
      }
      %add3A_308 = arith.constant 1 : i32
      %add3A_309 = arith.addi %add3A_292, %add3A_308 : i32
      %lt3A_310 = arith.cmpi slt, %add3A_309, %select_n3A : i32
      %convert_element_type3A_311 = arith.extui %lt3A_310 : i1 to i32
      %cond3A_312 = arith.constant 0 : i32
      %cond3A_313 = arith.cmpi ne, %convert_element_type3A_311, %cond3A_312 : i32
      scf.if %cond3A_313 {
        %dma_wait3A_379 = arith.constant 5 : i32
        %dma_wait3A_380 = arith.constant 0 : i32
        %dma_wait3A_381 = arith.constant 0 : i32
        %dma_wait3A_382 = tpu.memref_slice %arg3[%add3A, %dma_wait3A_380, %dma_wait3A_381] : memref<2688x2x120xi32, #tpu.memory_space<hbm>> -> memref<1x2x120xi32, #tpu.memory_space<hbm>>
        %dma_wait3A_383 = tpu.memref_squeeze %dma_wait3A_382 : memref<1x2x120xi32, #tpu.memory_space<hbm>> -> memref<2x120xi32, #tpu.memory_space<hbm>>
        %dma_wait3A_384 = tpu.memref_slice %arg16[%dma_wait3A_379] : memref<6x!tpu.dma_semaphore, #tpu.memory_space<semaphore_mem>> -> memref<1x!tpu.dma_semaphore, #tpu.memory_space<semaphore_mem>>
        %dma_wait3A_385 = tpu.memref_squeeze %dma_wait3A_384 : memref<1x!tpu.dma_semaphore, #tpu.memory_space<semaphore_mem>> -> memref<!tpu.dma_semaphore, #tpu.memory_space<semaphore_mem>>
        %dma_wait3A_386 = arith.constant 0 : i32
        %dma_wait3A_387 = arith.constant 0 : i32
        %dma_wait3A_388 = tpu.memref_slice %arg3[%add3A, %dma_wait3A_386, %dma_wait3A_387] : memref<2688x2x120xi32, #tpu.memory_space<hbm>> -> memref<1x2x120xi32, #tpu.memory_space<hbm>>
        %dma_wait3A_389 = tpu.memref_squeeze %dma_wait3A_388 : memref<1x2x120xi32, #tpu.memory_space<hbm>> -> memref<2x120xi32, #tpu.memory_space<hbm>>
        tpu.wait_dma2 semaphore(%dma_wait3A_385 : memref<!tpu.dma_semaphore, #tpu.memory_space<semaphore_mem>>) src(%dma_wait3A_389 : memref<2x120xi32, #tpu.memory_space<hbm>>) dst(%arg11 : memref<2x120xi32, #tpu.memory_space<vmem>>)
        %dma_start3A_390 = arith.constant 0 : i32
        %dma_start3A_391 = arith.constant 2 : i32
        %dma_start3A_392 = arith.constant 0 : i32
        %dma_start3A_393 = tpu.memref_slice %arg11[%dma_start3A_390, %dma_start3A_392] : memref<2x120xi32, #tpu.memory_space<vmem>> -> memref<1x120xi32, #tpu.memory_space<vmem>>
        %dma_start3A_394 = tpu.memref_squeeze %dma_start3A_393 : memref<1x120xi32, #tpu.memory_space<vmem>> -> memref<120xi32, #tpu.memory_space<vmem>>
        %dma_start3A_395 = arith.constant 0 : i32
        %dma_start3A_396 = arith.constant 0 : i32
        %dma_start3A_397 = tpu.memref_slice %arg2[%dma_start3A_395, %dma_start3A_396] : memref<10112x128xf32, #tpu.memory_space<hbm>> -> memref<10112x128xf32, #tpu.memory_space<hbm>>
        %dma_start3A_398 = tpu.memref_slice %arg17[%dma_start3A_391] : memref<3x!tpu.dma_semaphore, #tpu.memory_space<semaphore_mem>> -> memref<1x!tpu.dma_semaphore, #tpu.memory_space<semaphore_mem>>
        %dma_start3A_399 = tpu.memref_squeeze %dma_start3A_398 : memref<1x!tpu.dma_semaphore, #tpu.memory_space<semaphore_mem>> -> memref<!tpu.dma_semaphore, #tpu.memory_space<semaphore_mem>>
        tpu.enqueue_indirect_dma source(%dma_start3A_397 : memref<10112x128xf32, #tpu.memory_space<hbm>>) target(%arg14 : memref<120x128xf32, #tpu.memory_space<vmem>>) offsets(%dma_start3A_394 : memref<120xi32, #tpu.memory_space<vmem>>) semaphore(%dma_start3A_399 : memref<!tpu.dma_semaphore, #tpu.memory_space<semaphore_mem>>)
      } else {
      }
      %dma_wait3A_314 = arith.constant 0 : i32
      %dma_wait3A_315 = arith.constant 1 : i32
      %dma_wait3A_316 = arith.constant 0 : i32
      %dma_wait3A_317 = tpu.memref_slice %arg10[%dma_wait3A_314, %dma_wait3A_316] : memref<2x120xi32, #tpu.memory_space<vmem>> -> memref<1x120xi32, #tpu.memory_space<vmem>>
      %dma_wait3A_318 = tpu.memref_squeeze %dma_wait3A_317 : memref<1x120xi32, #tpu.memory_space<vmem>> -> memref<120xi32, #tpu.memory_space<vmem>>
      %dma_wait3A_319 = arith.constant 0 : i32
      %dma_wait3A_320 = arith.constant 0 : i32
      %dma_wait3A_321 = tpu.memref_slice %arg2[%dma_wait3A_319, %dma_wait3A_320] : memref<10112x128xf32, #tpu.memory_space<hbm>> -> memref<10112x128xf32, #tpu.memory_space<hbm>>
      %dma_wait3A_322 = tpu.memref_slice %arg17[%dma_wait3A_315] : memref<3x!tpu.dma_semaphore, #tpu.memory_space<semaphore_mem>> -> memref<1x!tpu.dma_semaphore, #tpu.memory_space<semaphore_mem>>
      %dma_wait3A_323 = tpu.memref_squeeze %dma_wait3A_322 : memref<1x!tpu.dma_semaphore, #tpu.memory_space<semaphore_mem>> -> memref<!tpu.dma_semaphore, #tpu.memory_space<semaphore_mem>>
      tpu.wait_indirect_dma semaphore(%dma_wait3A_323 : memref<!tpu.dma_semaphore, #tpu.memory_space<semaphore_mem>>) src(%dma_wait3A_321 : memref<10112x128xf32, #tpu.memory_space<hbm>>) dst(%arg13 : memref<120x128xf32, #tpu.memory_space<vmem>>)
      %dma_start3A_324 = arith.constant 1 : i32
      %dma_start3A_325 = arith.constant 1 : i32
      %dma_start3A_326 = arith.constant 0 : i32
      %dma_start3A_327 = tpu.memref_slice %arg10[%dma_start3A_324, %dma_start3A_326] : memref<2x120xi32, #tpu.memory_space<vmem>> -> memref<1x120xi32, #tpu.memory_space<vmem>>
      %dma_start3A_328 = tpu.memref_squeeze %dma_start3A_327 : memref<1x120xi32, #tpu.memory_space<vmem>> -> memref<120xi32, #tpu.memory_space<vmem>>
      %dma_start3A_329 = arith.constant 0 : i32
      %dma_start3A_330 = arith.constant 0 : i32
      %dma_start3A_331 = tpu.memref_slice %arg15[%dma_start3A_329, %dma_start3A_330] : memref<10112x128xf32, #tpu.memory_space<vmem_shared>> -> memref<10112x128xf32, #tpu.memory_space<vmem_shared>>
      %dma_start3A_332 = tpu.memref_slice %arg18[%dma_start3A_325] : memref<3x!tpu.dma_semaphore, #tpu.memory_space<semaphore_mem>> -> memref<1x!tpu.dma_semaphore, #tpu.memory_space<semaphore_mem>>
      %dma_start3A_333 = tpu.memref_squeeze %dma_start3A_332 : memref<1x!tpu.dma_semaphore, #tpu.memory_space<semaphore_mem>> -> memref<!tpu.dma_semaphore, #tpu.memory_space<semaphore_mem>>
      tpu.enqueue_indirect_dma source(%arg13 : memref<120x128xf32, #tpu.memory_space<vmem>>) target(%dma_start3A_331 : memref<10112x128xf32, #tpu.memory_space<vmem_shared>>) offsets(%dma_start3A_328 : memref<120xi32, #tpu.memory_space<vmem>>) semaphore(%dma_start3A_333 : memref<!tpu.dma_semaphore, #tpu.memory_space<semaphore_mem>>) {add = true}
      %mul3A_334 = arith.constant 6 : i32
      %mul3A_335 = arith.muli %while3A_112, %mul3A_334 : i32
      %add3A_336 = arith.constant 5 : i32
      %add3A_337 = arith.addi %mul3A_335, %add3A_336 : i32
      %add3A_338 = arith.constant 2 : i32
      %add3A_339 = arith.addi %add3A_337, %add3A_338 : i32
      %lt3A_340 = arith.cmpi slt, %add3A_339, %select_n3A : i32
      %convert_element_type3A_341 = arith.extui %lt3A_340 : i1 to i32
      %cond3A_342 = arith.constant 0 : i32
      %cond3A_343 = arith.cmpi ne, %convert_element_type3A_341, %cond3A_342 : i32
      scf.if %cond3A_343 {
        %add3A_379 = arith.addi %add3A, %add3A_337 : i32
        %add3A_380 = arith.constant 2 : i32
        %add3A_381 = arith.addi %add3A_379, %add3A_380 : i32
        %dma_start3A_382 = arith.constant 1 : i32
        %dma_start3A_383 = arith.constant 0 : i32
        %dma_start3A_384 = arith.constant 0 : i32
        %dma_start3A_385 = tpu.memref_slice %arg3[%add3A_381, %dma_start3A_383, %dma_start3A_384] : memref<2688x2x120xi32, #tpu.memory_space<hbm>> -> memref<1x2x120xi32, #tpu.memory_space<hbm>>
        %dma_start3A_386 = tpu.memref_squeeze %dma_start3A_385 : memref<1x2x120xi32, #tpu.memory_space<hbm>> -> memref<2x120xi32, #tpu.memory_space<hbm>>
        %dma_start3A_387 = tpu.memref_slice %arg16[%dma_start3A_382] : memref<6x!tpu.dma_semaphore, #tpu.memory_space<semaphore_mem>> -> memref<1x!tpu.dma_semaphore, #tpu.memory_space<semaphore_mem>>
        %dma_start3A_388 = tpu.memref_squeeze %dma_start3A_387 : memref<1x!tpu.dma_semaphore, #tpu.memory_space<semaphore_mem>> -> memref<!tpu.dma_semaphore, #tpu.memory_space<semaphore_mem>>
        %dma_start3A_389 = arith.constant 0 : i32
        %dma_start3A_390 = arith.constant 0 : i32
        %dma_start3A_391 = tpu.memref_slice %arg3[%add3A_381, %dma_start3A_389, %dma_start3A_390] : memref<2688x2x120xi32, #tpu.memory_space<hbm>> -> memref<1x2x120xi32, #tpu.memory_space<hbm>>
        %dma_start3A_392 = tpu.memref_squeeze %dma_start3A_391 : memref<1x2x120xi32, #tpu.memory_space<hbm>> -> memref<2x120xi32, #tpu.memory_space<hbm>>
        tpu.enqueue_dma source(%dma_start3A_392 : memref<2x120xi32, #tpu.memory_space<hbm>>) target(%arg7 : memref<2x120xi32, #tpu.memory_space<vmem>>) target_semaphore(%dma_start3A_388 : memref<!tpu.dma_semaphore, #tpu.memory_space<semaphore_mem>>)
      } else {
      }
      %add3A_344 = arith.constant 1 : i32
      %add3A_345 = arith.addi %add3A_337, %add3A_344 : i32
      %lt3A_346 = arith.cmpi slt, %add3A_345, %select_n3A : i32
      %ge3A_347 = arith.constant 2 : i32
      %ge3A_348 = arith.cmpi sge, %add3A_337, %ge3A_347 : i32
      %and3A_349 = arith.andi %lt3A_346, %ge3A_348 : i1
      %convert_element_type3A_350 = arith.extui %and3A_349 : i1 to i32
      %cond3A_351 = arith.constant 0 : i32
      %cond3A_352 = arith.cmpi ne, %convert_element_type3A_350, %cond3A_351 : i32
      scf.if %cond3A_352 {
        %dma_wait3A_379 = arith.constant 1 : i32
        %dma_wait3A_380 = arith.constant 0 : i32
        %dma_wait3A_381 = arith.constant 0 : i32
        %dma_wait3A_382 = tpu.memref_slice %arg11[%dma_wait3A_379, %dma_wait3A_381] : memref<2x120xi32, #tpu.memory_space<vmem>> -> memref<1x120xi32, #tpu.memory_space<vmem>>
        %dma_wait3A_383 = tpu.memref_squeeze %dma_wait3A_382 : memref<1x120xi32, #tpu.memory_space<vmem>> -> memref<120xi32, #tpu.memory_space<vmem>>
        %dma_wait3A_384 = arith.constant 0 : i32
        %dma_wait3A_385 = arith.constant 0 : i32
        %dma_wait3A_386 = tpu.memref_slice %arg15[%dma_wait3A_384, %dma_wait3A_385] : memref<10112x128xf32, #tpu.memory_space<vmem_shared>> -> memref<10112x128xf32, #tpu.memory_space<vmem_shared>>
        %dma_wait3A_387 = tpu.memref_slice %arg18[%dma_wait3A_380] : memref<3x!tpu.dma_semaphore, #tpu.memory_space<semaphore_mem>> -> memref<1x!tpu.dma_semaphore, #tpu.memory_space<semaphore_mem>>
        %dma_wait3A_388 = tpu.memref_squeeze %dma_wait3A_387 : memref<1x!tpu.dma_semaphore, #tpu.memory_space<semaphore_mem>> -> memref<!tpu.dma_semaphore, #tpu.memory_space<semaphore_mem>>
        tpu.wait_indirect_dma semaphore(%dma_wait3A_388 : memref<!tpu.dma_semaphore, #tpu.memory_space<semaphore_mem>>) src(%arg12 : memref<120x128xf32, #tpu.memory_space<vmem>>) dst(%dma_wait3A_386 : memref<10112x128xf32, #tpu.memory_space<vmem_shared>>)
      } else {
      }
      %add3A_353 = arith.constant 1 : i32
      %add3A_354 = arith.addi %add3A_337, %add3A_353 : i32
      %lt3A_355 = arith.cmpi slt, %add3A_354, %select_n3A : i32
      %convert_element_type3A_356 = arith.extui %lt3A_355 : i1 to i32
      %cond3A_357 = arith.constant 0 : i32
      %cond3A_358 = arith.cmpi ne, %convert_element_type3A_356, %cond3A_357 : i32
      scf.if %cond3A_358 {
        %dma_wait3A_379 = arith.constant 0 : i32
        %dma_wait3A_380 = arith.constant 0 : i32
        %dma_wait3A_381 = arith.constant 0 : i32
        %dma_wait3A_382 = tpu.memref_slice %arg3[%add3A, %dma_wait3A_380, %dma_wait3A_381] : memref<2688x2x120xi32, #tpu.memory_space<hbm>> -> memref<1x2x120xi32, #tpu.memory_space<hbm>>
        %dma_wait3A_383 = tpu.memref_squeeze %dma_wait3A_382 : memref<1x2x120xi32, #tpu.memory_space<hbm>> -> memref<2x120xi32, #tpu.memory_space<hbm>>
        %dma_wait3A_384 = tpu.memref_slice %arg16[%dma_wait3A_379] : memref<6x!tpu.dma_semaphore, #tpu.memory_space<semaphore_mem>> -> memref<1x!tpu.dma_semaphore, #tpu.memory_space<semaphore_mem>>
        %dma_wait3A_385 = tpu.memref_squeeze %dma_wait3A_384 : memref<1x!tpu.dma_semaphore, #tpu.memory_space<semaphore_mem>> -> memref<!tpu.dma_semaphore, #tpu.memory_space<semaphore_mem>>
        %dma_wait3A_386 = arith.constant 0 : i32
        %dma_wait3A_387 = arith.constant 0 : i32
        %dma_wait3A_388 = tpu.memref_slice %arg3[%add3A, %dma_wait3A_386, %dma_wait3A_387] : memref<2688x2x120xi32, #tpu.memory_space<hbm>> -> memref<1x2x120xi32, #tpu.memory_space<hbm>>
        %dma_wait3A_389 = tpu.memref_squeeze %dma_wait3A_388 : memref<1x2x120xi32, #tpu.memory_space<hbm>> -> memref<2x120xi32, #tpu.memory_space<hbm>>
        tpu.wait_dma2 semaphore(%dma_wait3A_385 : memref<!tpu.dma_semaphore, #tpu.memory_space<semaphore_mem>>) src(%dma_wait3A_389 : memref<2x120xi32, #tpu.memory_space<hbm>>) dst(%arg6 : memref<2x120xi32, #tpu.memory_space<vmem>>)
        %dma_start3A_390 = arith.constant 0 : i32
        %dma_start3A_391 = arith.constant 0 : i32
        %dma_start3A_392 = arith.constant 0 : i32
        %dma_start3A_393 = tpu.memref_slice %arg6[%dma_start3A_390, %dma_start3A_392] : memref<2x120xi32, #tpu.memory_space<vmem>> -> memref<1x120xi32, #tpu.memory_space<vmem>>
        %dma_start3A_394 = tpu.memref_squeeze %dma_start3A_393 : memref<1x120xi32, #tpu.memory_space<vmem>> -> memref<120xi32, #tpu.memory_space<vmem>>
        %dma_start3A_395 = arith.constant 0 : i32
        %dma_start3A_396 = arith.constant 0 : i32
        %dma_start3A_397 = tpu.memref_slice %arg2[%dma_start3A_395, %dma_start3A_396] : memref<10112x128xf32, #tpu.memory_space<hbm>> -> memref<10112x128xf32, #tpu.memory_space<hbm>>
        %dma_start3A_398 = tpu.memref_slice %arg17[%dma_start3A_391] : memref<3x!tpu.dma_semaphore, #tpu.memory_space<semaphore_mem>> -> memref<1x!tpu.dma_semaphore, #tpu.memory_space<semaphore_mem>>
        %dma_start3A_399 = tpu.memref_squeeze %dma_start3A_398 : memref<1x!tpu.dma_semaphore, #tpu.memory_space<semaphore_mem>> -> memref<!tpu.dma_semaphore, #tpu.memory_space<semaphore_mem>>
        tpu.enqueue_indirect_dma source(%dma_start3A_397 : memref<10112x128xf32, #tpu.memory_space<hbm>>) target(%arg12 : memref<120x128xf32, #tpu.memory_space<vmem>>) offsets(%dma_start3A_394 : memref<120xi32, #tpu.memory_space<vmem>>) semaphore(%dma_start3A_399 : memref<!tpu.dma_semaphore, #tpu.memory_space<semaphore_mem>>)
      } else {
      }
      %dma_wait3A_359 = arith.constant 0 : i32
      %dma_wait3A_360 = arith.constant 2 : i32
      %dma_wait3A_361 = arith.constant 0 : i32
      %dma_wait3A_362 = tpu.memref_slice %arg11[%dma_wait3A_359, %dma_wait3A_361] : memref<2x120xi32, #tpu.memory_space<vmem>> -> memref<1x120xi32, #tpu.memory_space<vmem>>
      %dma_wait3A_363 = tpu.memref_squeeze %dma_wait3A_362 : memref<1x120xi32, #tpu.memory_space<vmem>> -> memref<120xi32, #tpu.memory_space<vmem>>
      %dma_wait3A_364 = arith.constant 0 : i32
      %dma_wait3A_365 = arith.constant 0 : i32
      %dma_wait3A_366 = tpu.memref_slice %arg2[%dma_wait3A_364, %dma_wait3A_365] : memref<10112x128xf32, #tpu.memory_space<hbm>> -> memref<10112x128xf32, #tpu.memory_space<hbm>>
      %dma_wait3A_367 = tpu.memref_slice %arg17[%dma_wait3A_360] : memref<3x!tpu.dma_semaphore, #tpu.memory_space<semaphore_mem>> -> memref<1x!tpu.dma_semaphore, #tpu.memory_space<semaphore_mem>>
      %dma_wait3A_368 = tpu.memref_squeeze %dma_wait3A_367 : memref<1x!tpu.dma_semaphore, #tpu.memory_space<semaphore_mem>> -> memref<!tpu.dma_semaphore, #tpu.memory_space<semaphore_mem>>
      tpu.wait_indirect_dma semaphore(%dma_wait3A_368 : memref<!tpu.dma_semaphore, #tpu.memory_space<semaphore_mem>>) src(%dma_wait3A_366 : memref<10112x128xf32, #tpu.memory_space<hbm>>) dst(%arg14 : memref<120x128xf32, #tpu.memory_space<vmem>>)
      %dma_start3A_369 = arith.constant 1 : i32
      %dma_start3A_370 = arith.constant 2 : i32
      %dma_start3A_371 = arith.constant 0 : i32
      %dma_start3A_372 = tpu.memref_slice %arg11[%dma_start3A_369, %dma_start3A_371] : memref<2x120xi32, #tpu.memory_space<vmem>> -> memref<1x120xi32, #tpu.memory_space<vmem>>
      %dma_start3A_373 = tpu.memref_squeeze %dma_start3A_372 : memref<1x120xi32, #tpu.memory_space<vmem>> -> memref<120xi32, #tpu.memory_space<vmem>>
      %dma_start3A_374 = arith.constant 0 : i32
      %dma_start3A_375 = arith.constant 0 : i32
      %dma_start3A_376 = tpu.memref_slice %arg15[%dma_start3A_374, %dma_start3A_375] : memref<10112x128xf32, #tpu.memory_space<vmem_shared>> -> memref<10112x128xf32, #tpu.memory_space<vmem_shared>>
      %dma_start3A_377 = tpu.memref_slice %arg18[%dma_start3A_370] : memref<3x!tpu.dma_semaphore, #tpu.memory_space<semaphore_mem>> -> memref<1x!tpu.dma_semaphore, #tpu.memory_space<semaphore_mem>>
      %dma_start3A_378 = tpu.memref_squeeze %dma_start3A_377 : memref<1x!tpu.dma_semaphore, #tpu.memory_space<semaphore_mem>> -> memref<!tpu.dma_semaphore, #tpu.memory_space<semaphore_mem>>
      tpu.enqueue_indirect_dma source(%arg14 : memref<120x128xf32, #tpu.memory_space<vmem>>) target(%dma_start3A_376 : memref<10112x128xf32, #tpu.memory_space<vmem_shared>>) offsets(%dma_start3A_373 : memref<120xi32, #tpu.memory_space<vmem>>) semaphore(%dma_start3A_378 : memref<!tpu.dma_semaphore, #tpu.memory_space<semaphore_mem>>) {add = true}
    }
    %while3A_77 = arith.constant 1 : i32
    scf.for %while3A_112 = %while3A_75 to %while3A_71 step %while3A_77  : i32 {
      %mul3A_113 = arith.constant 6 : i32
      %mul3A_114 = arith.muli %while3A_112, %mul3A_113 : i32
      %add3A_115 = arith.constant 0 : i32
      %add3A_116 = arith.addi %mul3A_114, %add3A_115 : i32
      %add3A_117 = arith.constant 2 : i32
      %add3A_118 = arith.addi %add3A_116, %add3A_117 : i32
      %lt3A = arith.cmpi slt, %add3A_118, %select_n3A : i32
      %convert_element_type3A = arith.extui %lt3A : i1 to i32
      %cond3A = arith.constant 0 : i32
      %cond3A_119 = arith.cmpi ne, %convert_element_type3A, %cond3A : i32
      scf.if %cond3A_119 {
        %add3A_379 = arith.addi %add3A, %add3A_116 : i32
        %add3A_380 = arith.constant 2 : i32
        %add3A_381 = arith.addi %add3A_379, %add3A_380 : i32
        %dma_start3A_382 = arith.constant 2 : i32
        %dma_start3A_383 = arith.constant 0 : i32
        %dma_start3A_384 = arith.constant 0 : i32
        %dma_start3A_385 = tpu.memref_slice %arg3[%add3A_381, %dma_start3A_383, %dma_start3A_384] : memref<2688x2x120xi32, #tpu.memory_space<hbm>> -> memref<1x2x120xi32, #tpu.memory_space<hbm>>
        %dma_start3A_386 = tpu.memref_squeeze %dma_start3A_385 : memref<1x2x120xi32, #tpu.memory_space<hbm>> -> memref<2x120xi32, #tpu.memory_space<hbm>>
        %dma_start3A_387 = tpu.memref_slice %arg16[%dma_start3A_382] : memref<6x!tpu.dma_semaphore, #tpu.memory_space<semaphore_mem>> -> memref<1x!tpu.dma_semaphore, #tpu.memory_space<semaphore_mem>>
        %dma_start3A_388 = tpu.memref_squeeze %dma_start3A_387 : memref<1x!tpu.dma_semaphore, #tpu.memory_space<semaphore_mem>> -> memref<!tpu.dma_semaphore, #tpu.memory_space<semaphore_mem>>
        %dma_start3A_389 = arith.constant 0 : i32
        %dma_start3A_390 = arith.constant 0 : i32
        %dma_start3A_391 = tpu.memref_slice %arg3[%add3A_381, %dma_start3A_389, %dma_start3A_390] : memref<2688x2x120xi32, #tpu.memory_space<hbm>> -> memref<1x2x120xi32, #tpu.memory_space<hbm>>
        %dma_start3A_392 = tpu.memref_squeeze %dma_start3A_391 : memref<1x2x120xi32, #tpu.memory_space<hbm>> -> memref<2x120xi32, #tpu.memory_space<hbm>>
        tpu.enqueue_dma source(%dma_start3A_392 : memref<2x120xi32, #tpu.memory_space<hbm>>) target(%arg8 : memref<2x120xi32, #tpu.memory_space<vmem>>) target_semaphore(%dma_start3A_388 : memref<!tpu.dma_semaphore, #tpu.memory_space<semaphore_mem>>)
      } else {
      }
      %add3A_120 = arith.constant 1 : i32
      %add3A_121 = arith.addi %add3A_116, %add3A_120 : i32
      %lt3A_122 = arith.cmpi slt, %add3A_121, %select_n3A : i32
      %ge3A = arith.constant 2 : i32
      %ge3A_123 = arith.cmpi sge, %add3A_116, %ge3A : i32
      %and3A_124 = arith.andi %lt3A_122, %ge3A_123 : i1
      %convert_element_type3A_125 = arith.extui %and3A_124 : i1 to i32
      %cond3A_126 = arith.constant 0 : i32
      %cond3A_127 = arith.cmpi ne, %convert_element_type3A_125, %cond3A_126 : i32
      scf.if %cond3A_127 {
        %dma_wait3A_379 = arith.constant 1 : i32
        %dma_wait3A_380 = arith.constant 1 : i32
        %dma_wait3A_381 = arith.constant 0 : i32
        %dma_wait3A_382 = tpu.memref_slice %arg6[%dma_wait3A_379, %dma_wait3A_381] : memref<2x120xi32, #tpu.memory_space<vmem>> -> memref<1x120xi32, #tpu.memory_space<vmem>>
        %dma_wait3A_383 = tpu.memref_squeeze %dma_wait3A_382 : memref<1x120xi32, #tpu.memory_space<vmem>> -> memref<120xi32, #tpu.memory_space<vmem>>
        %dma_wait3A_384 = arith.constant 0 : i32
        %dma_wait3A_385 = arith.constant 0 : i32
        %dma_wait3A_386 = tpu.memref_slice %arg15[%dma_wait3A_384, %dma_wait3A_385] : memref<10112x128xf32, #tpu.memory_space<vmem_shared>> -> memref<10112x128xf32, #tpu.memory_space<vmem_shared>>
        %dma_wait3A_387 = tpu.memref_slice %arg18[%dma_wait3A_380] : memref<3x!tpu.dma_semaphore, #tpu.memory_space<semaphore_mem>> -> memref<1x!tpu.dma_semaphore, #tpu.memory_space<semaphore_mem>>
        %dma_wait3A_388 = tpu.memref_squeeze %dma_wait3A_387 : memref<1x!tpu.dma_semaphore, #tpu.memory_space<semaphore_mem>> -> memref<!tpu.dma_semaphore, #tpu.memory_space<semaphore_mem>>
        tpu.wait_indirect_dma semaphore(%dma_wait3A_388 : memref<!tpu.dma_semaphore, #tpu.memory_space<semaphore_mem>>) src(%arg13 : memref<120x128xf32, #tpu.memory_space<vmem>>) dst(%dma_wait3A_386 : memref<10112x128xf32, #tpu.memory_space<vmem_shared>>)
      } else {
      }
      %add3A_128 = arith.constant 1 : i32
      %add3A_129 = arith.addi %add3A_116, %add3A_128 : i32
      %lt3A_130 = arith.cmpi slt, %add3A_129, %select_n3A : i32
      %convert_element_type3A_131 = arith.extui %lt3A_130 : i1 to i32
      %cond3A_132 = arith.constant 0 : i32
      %cond3A_133 = arith.cmpi ne, %convert_element_type3A_131, %cond3A_132 : i32
      scf.if %cond3A_133 {
        %dma_wait3A_379 = arith.constant 1 : i32
        %dma_wait3A_380 = arith.constant 0 : i32
        %dma_wait3A_381 = arith.constant 0 : i32
        %dma_wait3A_382 = tpu.memref_slice %arg3[%add3A, %dma_wait3A_380, %dma_wait3A_381] : memref<2688x2x120xi32, #tpu.memory_space<hbm>> -> memref<1x2x120xi32, #tpu.memory_space<hbm>>
        %dma_wait3A_383 = tpu.memref_squeeze %dma_wait3A_382 : memref<1x2x120xi32, #tpu.memory_space<hbm>> -> memref<2x120xi32, #tpu.memory_space<hbm>>
        %dma_wait3A_384 = tpu.memref_slice %arg16[%dma_wait3A_379] : memref<6x!tpu.dma_semaphore, #tpu.memory_space<semaphore_mem>> -> memref<1x!tpu.dma_semaphore, #tpu.memory_space<semaphore_mem>>
        %dma_wait3A_385 = tpu.memref_squeeze %dma_wait3A_384 : memref<1x!tpu.dma_semaphore, #tpu.memory_space<semaphore_mem>> -> memref<!tpu.dma_semaphore, #tpu.memory_space<semaphore_mem>>
        %dma_wait3A_386 = arith.constant 0 : i32
        %dma_wait3A_387 = arith.constant 0 : i32
        %dma_wait3A_388 = tpu.memref_slice %arg3[%add3A, %dma_wait3A_386, %dma_wait3A_387] : memref<2688x2x120xi32, #tpu.memory_space<hbm>> -> memref<1x2x120xi32, #tpu.memory_space<hbm>>
        %dma_wait3A_389 = tpu.memref_squeeze %dma_wait3A_388 : memref<1x2x120xi32, #tpu.memory_space<hbm>> -> memref<2x120xi32, #tpu.memory_space<hbm>>
        tpu.wait_dma2 semaphore(%dma_wait3A_385 : memref<!tpu.dma_semaphore, #tpu.memory_space<semaphore_mem>>) src(%dma_wait3A_389 : memref<2x120xi32, #tpu.memory_space<hbm>>) dst(%arg7 : memref<2x120xi32, #tpu.memory_space<vmem>>)
        %dma_start3A_390 = arith.constant 0 : i32
        %dma_start3A_391 = arith.constant 1 : i32
        %dma_start3A_392 = arith.constant 0 : i32
        %dma_start3A_393 = tpu.memref_slice %arg7[%dma_start3A_390, %dma_start3A_392] : memref<2x120xi32, #tpu.memory_space<vmem>> -> memref<1x120xi32, #tpu.memory_space<vmem>>
        %dma_start3A_394 = tpu.memref_squeeze %dma_start3A_393 : memref<1x120xi32, #tpu.memory_space<vmem>> -> memref<120xi32, #tpu.memory_space<vmem>>
        %dma_start3A_395 = arith.constant 0 : i32
        %dma_start3A_396 = arith.constant 0 : i32
        %dma_start3A_397 = tpu.memref_slice %arg2[%dma_start3A_395, %dma_start3A_396] : memref<10112x128xf32, #tpu.memory_space<hbm>> -> memref<10112x128xf32, #tpu.memory_space<hbm>>
        %dma_start3A_398 = tpu.memref_slice %arg17[%dma_start3A_391] : memref<3x!tpu.dma_semaphore, #tpu.memory_space<semaphore_mem>> -> memref<1x!tpu.dma_semaphore, #tpu.memory_space<semaphore_mem>>
        %dma_start3A_399 = tpu.memref_squeeze %dma_start3A_398 : memref<1x!tpu.dma_semaphore, #tpu.memory_space<semaphore_mem>> -> memref<!tpu.dma_semaphore, #tpu.memory_space<semaphore_mem>>
        tpu.enqueue_indirect_dma source(%dma_start3A_397 : memref<10112x128xf32, #tpu.memory_space<hbm>>) target(%arg13 : memref<120x128xf32, #tpu.memory_space<vmem>>) offsets(%dma_start3A_394 : memref<120xi32, #tpu.memory_space<vmem>>) semaphore(%dma_start3A_399 : memref<!tpu.dma_semaphore, #tpu.memory_space<semaphore_mem>>)
      } else {
      }
      %dma_wait3A_134 = arith.constant 0 : i32
      %dma_wait3A_135 = arith.constant 0 : i32
      %dma_wait3A_136 = arith.constant 0 : i32
      %dma_wait3A_137 = tpu.memref_slice %arg6[%dma_wait3A_134, %dma_wait3A_136] : memref<2x120xi32, #tpu.memory_space<vmem>> -> memref<1x120xi32, #tpu.memory_space<vmem>>
      %dma_wait3A_138 = tpu.memref_squeeze %dma_wait3A_137 : memref<1x120xi32, #tpu.memory_space<vmem>> -> memref<120xi32, #tpu.memory_space<vmem>>
      %dma_wait3A_139 = arith.constant 0 : i32
      %dma_wait3A_140 = arith.constant 0 : i32
      %dma_wait3A_141 = tpu.memref_slice %arg2[%dma_wait3A_139, %dma_wait3A_140] : memref<10112x128xf32, #tpu.memory_space<hbm>> -> memref<10112x128xf32, #tpu.memory_space<hbm>>
      %dma_wait3A_142 = tpu.memref_slice %arg17[%dma_wait3A_135] : memref<3x!tpu.dma_semaphore, #tpu.memory_space<semaphore_mem>> -> memref<1x!tpu.dma_semaphore, #tpu.memory_space<semaphore_mem>>
      %dma_wait3A_143 = tpu.memref_squeeze %dma_wait3A_142 : memref<1x!tpu.dma_semaphore, #tpu.memory_space<semaphore_mem>> -> memref<!tpu.dma_semaphore, #tpu.memory_space<semaphore_mem>>
      tpu.wait_indirect_dma semaphore(%dma_wait3A_143 : memref<!tpu.dma_semaphore, #tpu.memory_space<semaphore_mem>>) src(%dma_wait3A_141 : memref<10112x128xf32, #tpu.memory_space<hbm>>) dst(%arg12 : memref<120x128xf32, #tpu.memory_space<vmem>>)
      %dma_start3A_144 = arith.constant 1 : i32
      %dma_start3A_145 = arith.constant 0 : i32
      %dma_start3A_146 = arith.constant 0 : i32
      %dma_start3A_147 = tpu.memref_slice %arg6[%dma_start3A_144, %dma_start3A_146] : memref<2x120xi32, #tpu.memory_space<vmem>> -> memref<1x120xi32, #tpu.memory_space<vmem>>
      %dma_start3A_148 = tpu.memref_squeeze %dma_start3A_147 : memref<1x120xi32, #tpu.memory_space<vmem>> -> memref<120xi32, #tpu.memory_space<vmem>>
      %dma_start3A_149 = arith.constant 0 : i32
      %dma_start3A_150 = arith.constant 0 : i32
      %dma_start3A_151 = tpu.memref_slice %arg15[%dma_start3A_149, %dma_start3A_150] : memref<10112x128xf32, #tpu.memory_space<vmem_shared>> -> memref<10112x128xf32, #tpu.memory_space<vmem_shared>>
      %dma_start3A_152 = tpu.memref_slice %arg18[%dma_start3A_145] : memref<3x!tpu.dma_semaphore, #tpu.memory_space<semaphore_mem>> -> memref<1x!tpu.dma_semaphore, #tpu.memory_space<semaphore_mem>>
      %dma_start3A_153 = tpu.memref_squeeze %dma_start3A_152 : memref<1x!tpu.dma_semaphore, #tpu.memory_space<semaphore_mem>> -> memref<!tpu.dma_semaphore, #tpu.memory_space<semaphore_mem>>
      tpu.enqueue_indirect_dma source(%arg12 : memref<120x128xf32, #tpu.memory_space<vmem>>) target(%dma_start3A_151 : memref<10112x128xf32, #tpu.memory_space<vmem_shared>>) offsets(%dma_start3A_148 : memref<120xi32, #tpu.memory_space<vmem>>) semaphore(%dma_start3A_153 : memref<!tpu.dma_semaphore, #tpu.memory_space<semaphore_mem>>) {add = true}
      %mul3A_154 = arith.constant 6 : i32
      %mul3A_155 = arith.muli %while3A_112, %mul3A_154 : i32
      %add3A_156 = arith.constant 1 : i32
      %add3A_157 = arith.addi %mul3A_155, %add3A_156 : i32
      %add3A_158 = arith.constant 2 : i32
      %add3A_159 = arith.addi %add3A_157, %add3A_158 : i32
      %lt3A_160 = arith.cmpi slt, %add3A_159, %select_n3A : i32
      %convert_element_type3A_161 = arith.extui %lt3A_160 : i1 to i32
      %cond3A_162 = arith.constant 0 : i32
      %cond3A_163 = arith.cmpi ne, %convert_element_type3A_161, %cond3A_162 : i32
      scf.if %cond3A_163 {
        %add3A_379 = arith.addi %add3A, %add3A_157 : i32
        %add3A_380 = arith.constant 2 : i32
        %add3A_381 = arith.addi %add3A_379, %add3A_380 : i32
        %dma_start3A_382 = arith.constant 3 : i32
        %dma_start3A_383 = arith.constant 0 : i32
        %dma_start3A_384 = arith.constant 0 : i32
        %dma_start3A_385 = tpu.memref_slice %arg3[%add3A_381, %dma_start3A_383, %dma_start3A_384] : memref<2688x2x120xi32, #tpu.memory_space<hbm>> -> memref<1x2x120xi32, #tpu.memory_space<hbm>>
        %dma_start3A_386 = tpu.memref_squeeze %dma_start3A_385 : memref<1x2x120xi32, #tpu.memory_space<hbm>> -> memref<2x120xi32, #tpu.memory_space<hbm>>
        %dma_start3A_387 = tpu.memref_slice %arg16[%dma_start3A_382] : memref<6x!tpu.dma_semaphore, #tpu.memory_space<semaphore_mem>> -> memref<1x!tpu.dma_semaphore, #tpu.memory_space<semaphore_mem>>
        %dma_start3A_388 = tpu.memref_squeeze %dma_start3A_387 : memref<1x!tpu.dma_semaphore, #tpu.memory_space<semaphore_mem>> -> memref<!tpu.dma_semaphore, #tpu.memory_space<semaphore_mem>>
        %dma_start3A_389 = arith.constant 0 : i32
        %dma_start3A_390 = arith.constant 0 : i32
        %dma_start3A_391 = tpu.memref_slice %arg3[%add3A_381, %dma_start3A_389, %dma_start3A_390] : memref<2688x2x120xi32, #tpu.memory_space<hbm>> -> memref<1x2x120xi32, #tpu.memory_space<hbm>>
        %dma_start3A_392 = tpu.memref_squeeze %dma_start3A_391 : memref<1x2x120xi32, #tpu.memory_space<hbm>> -> memref<2x120xi32, #tpu.memory_space<hbm>>
        tpu.enqueue_dma source(%dma_start3A_392 : memref<2x120xi32, #tpu.memory_space<hbm>>) target(%arg9 : memref<2x120xi32, #tpu.memory_space<vmem>>) target_semaphore(%dma_start3A_388 : memref<!tpu.dma_semaphore, #tpu.memory_space<semaphore_mem>>)
      } else {
      }
      %add3A_164 = arith.constant 1 : i32
      %add3A_165 = arith.addi %add3A_157, %add3A_164 : i32
      %lt3A_166 = arith.cmpi slt, %add3A_165, %select_n3A : i32
      %ge3A_167 = arith.constant 2 : i32
      %ge3A_168 = arith.cmpi sge, %add3A_157, %ge3A_167 : i32
      %and3A_169 = arith.andi %lt3A_166, %ge3A_168 : i1
      %convert_element_type3A_170 = arith.extui %and3A_169 : i1 to i32
      %cond3A_171 = arith.constant 0 : i32
      %cond3A_172 = arith.cmpi ne, %convert_element_type3A_170, %cond3A_171 : i32
      scf.if %cond3A_172 {
        %dma_wait3A_379 = arith.constant 1 : i32
        %dma_wait3A_380 = arith.constant 2 : i32
        %dma_wait3A_381 = arith.constant 0 : i32
        %dma_wait3A_382 = tpu.memref_slice %arg7[%dma_wait3A_379, %dma_wait3A_381] : memref<2x120xi32, #tpu.memory_space<vmem>> -> memref<1x120xi32, #tpu.memory_space<vmem>>
        %dma_wait3A_383 = tpu.memref_squeeze %dma_wait3A_382 : memref<1x120xi32, #tpu.memory_space<vmem>> -> memref<120xi32, #tpu.memory_space<vmem>>
        %dma_wait3A_384 = arith.constant 0 : i32
        %dma_wait3A_385 = arith.constant 0 : i32
        %dma_wait3A_386 = tpu.memref_slice %arg15[%dma_wait3A_384, %dma_wait3A_385] : memref<10112x128xf32, #tpu.memory_space<vmem_shared>> -> memref<10112x128xf32, #tpu.memory_space<vmem_shared>>
        %dma_wait3A_387 = tpu.memref_slice %arg18[%dma_wait3A_380] : memref<3x!tpu.dma_semaphore, #tpu.memory_space<semaphore_mem>> -> memref<1x!tpu.dma_semaphore, #tpu.memory_space<semaphore_mem>>
        %dma_wait3A_388 = tpu.memref_squeeze %dma_wait3A_387 : memref<1x!tpu.dma_semaphore, #tpu.memory_space<semaphore_mem>> -> memref<!tpu.dma_semaphore, #tpu.memory_space<semaphore_mem>>
        tpu.wait_indirect_dma semaphore(%dma_wait3A_388 : memref<!tpu.dma_semaphore, #tpu.memory_space<semaphore_mem>>) src(%arg14 : memref<120x128xf32, #tpu.memory_space<vmem>>) dst(%dma_wait3A_386 : memref<10112x128xf32, #tpu.memory_space<vmem_shared>>)
      } else {
      }
      %add3A_173 = arith.constant 1 : i32
      %add3A_174 = arith.addi %add3A_157, %add3A_173 : i32
      %lt3A_175 = arith.cmpi slt, %add3A_174, %select_n3A : i32
      %convert_element_type3A_176 = arith.extui %lt3A_175 : i1 to i32
      %cond3A_177 = arith.constant 0 : i32
      %cond3A_178 = arith.cmpi ne, %convert_element_type3A_176, %cond3A_177 : i32
      scf.if %cond3A_178 {
        %dma_wait3A_379 = arith.constant 2 : i32
        %dma_wait3A_380 = arith.constant 0 : i32
        %dma_wait3A_381 = arith.constant 0 : i32
        %dma_wait3A_382 = tpu.memref_slice %arg3[%add3A, %dma_wait3A_380, %dma_wait3A_381] : memref<2688x2x120xi32, #tpu.memory_space<hbm>> -> memref<1x2x120xi32, #tpu.memory_space<hbm>>
        %dma_wait3A_383 = tpu.memref_squeeze %dma_wait3A_382 : memref<1x2x120xi32, #tpu.memory_space<hbm>> -> memref<2x120xi32, #tpu.memory_space<hbm>>
        %dma_wait3A_384 = tpu.memref_slice %arg16[%dma_wait3A_379] : memref<6x!tpu.dma_semaphore, #tpu.memory_space<semaphore_mem>> -> memref<1x!tpu.dma_semaphore, #tpu.memory_space<semaphore_mem>>
        %dma_wait3A_385 = tpu.memref_squeeze %dma_wait3A_384 : memref<1x!tpu.dma_semaphore, #tpu.memory_space<semaphore_mem>> -> memref<!tpu.dma_semaphore, #tpu.memory_space<semaphore_mem>>
        %dma_wait3A_386 = arith.constant 0 : i32
        %dma_wait3A_387 = arith.constant 0 : i32
        %dma_wait3A_388 = tpu.memref_slice %arg3[%add3A, %dma_wait3A_386, %dma_wait3A_387] : memref<2688x2x120xi32, #tpu.memory_space<hbm>> -> memref<1x2x120xi32, #tpu.memory_space<hbm>>
        %dma_wait3A_389 = tpu.memref_squeeze %dma_wait3A_388 : memref<1x2x120xi32, #tpu.memory_space<hbm>> -> memref<2x120xi32, #tpu.memory_space<hbm>>
        tpu.wait_dma2 semaphore(%dma_wait3A_385 : memref<!tpu.dma_semaphore, #tpu.memory_space<semaphore_mem>>) src(%dma_wait3A_389 : memref<2x120xi32, #tpu.memory_space<hbm>>) dst(%arg8 : memref<2x120xi32, #tpu.memory_space<vmem>>)
        %dma_start3A_390 = arith.constant 0 : i32
        %dma_start3A_391 = arith.constant 2 : i32
        %dma_start3A_392 = arith.constant 0 : i32
        %dma_start3A_393 = tpu.memref_slice %arg8[%dma_start3A_390, %dma_start3A_392] : memref<2x120xi32, #tpu.memory_space<vmem>> -> memref<1x120xi32, #tpu.memory_space<vmem>>
        %dma_start3A_394 = tpu.memref_squeeze %dma_start3A_393 : memref<1x120xi32, #tpu.memory_space<vmem>> -> memref<120xi32, #tpu.memory_space<vmem>>
        %dma_start3A_395 = arith.constant 0 : i32
        %dma_start3A_396 = arith.constant 0 : i32
        %dma_start3A_397 = tpu.memref_slice %arg2[%dma_start3A_395, %dma_start3A_396] : memref<10112x128xf32, #tpu.memory_space<hbm>> -> memref<10112x128xf32, #tpu.memory_space<hbm>>
        %dma_start3A_398 = tpu.memref_slice %arg17[%dma_start3A_391] : memref<3x!tpu.dma_semaphore, #tpu.memory_space<semaphore_mem>> -> memref<1x!tpu.dma_semaphore, #tpu.memory_space<semaphore_mem>>
        %dma_start3A_399 = tpu.memref_squeeze %dma_start3A_398 : memref<1x!tpu.dma_semaphore, #tpu.memory_space<semaphore_mem>> -> memref<!tpu.dma_semaphore, #tpu.memory_space<semaphore_mem>>
        tpu.enqueue_indirect_dma source(%dma_start3A_397 : memref<10112x128xf32, #tpu.memory_space<hbm>>) target(%arg14 : memref<120x128xf32, #tpu.memory_space<vmem>>) offsets(%dma_start3A_394 : memref<120xi32, #tpu.memory_space<vmem>>) semaphore(%dma_start3A_399 : memref<!tpu.dma_semaphore, #tpu.memory_space<semaphore_mem>>)
      } else {
      }
      %dma_wait3A_179 = arith.constant 0 : i32
      %dma_wait3A_180 = arith.constant 1 : i32
      %dma_wait3A_181 = arith.constant 0 : i32
      %dma_wait3A_182 = tpu.memref_slice %arg7[%dma_wait3A_179, %dma_wait3A_181] : memref<2x120xi32, #tpu.memory_space<vmem>> -> memref<1x120xi32, #tpu.memory_space<vmem>>
      %dma_wait3A_183 = tpu.memref_squeeze %dma_wait3A_182 : memref<1x120xi32, #tpu.memory_space<vmem>> -> memref<120xi32, #tpu.memory_space<vmem>>
      %dma_wait3A_184 = arith.constant 0 : i32
      %dma_wait3A_185 = arith.constant 0 : i32
      %dma_wait3A_186 = tpu.memref_slice %arg2[%dma_wait3A_184, %dma_wait3A_185] : memref<10112x128xf32, #tpu.memory_space<hbm>> -> memref<10112x128xf32, #tpu.memory_space<hbm>>
      %dma_wait3A_187 = tpu.memref_slice %arg17[%dma_wait3A_180] : memref<3x!tpu.dma_semaphore, #tpu.memory_space<semaphore_mem>> -> memref<1x!tpu.dma_semaphore, #tpu.memory_space<semaphore_mem>>
      %dma_wait3A_188 = tpu.memref_squeeze %dma_wait3A_187 : memref<1x!tpu.dma_semaphore, #tpu.memory_space<semaphore_mem>> -> memref<!tpu.dma_semaphore, #tpu.memory_space<semaphore_mem>>
      tpu.wait_indirect_dma semaphore(%dma_wait3A_188 : memref<!tpu.dma_semaphore, #tpu.memory_space<semaphore_mem>>) src(%dma_wait3A_186 : memref<10112x128xf32, #tpu.memory_space<hbm>>) dst(%arg13 : memref<120x128xf32, #tpu.memory_space<vmem>>)
      %dma_start3A_189 = arith.constant 1 : i32
      %dma_start3A_190 = arith.constant 1 : i32
      %dma_start3A_191 = arith.constant 0 : i32
      %dma_start3A_192 = tpu.memref_slice %arg7[%dma_start3A_189, %dma_start3A_191] : memref<2x120xi32, #tpu.memory_space<vmem>> -> memref<1x120xi32, #tpu.memory_space<vmem>>
      %dma_start3A_193 = tpu.memref_squeeze %dma_start3A_192 : memref<1x120xi32, #tpu.memory_space<vmem>> -> memref<120xi32, #tpu.memory_space<vmem>>
      %dma_start3A_194 = arith.constant 0 : i32
      %dma_start3A_195 = arith.constant 0 : i32
      %dma_start3A_196 = tpu.memref_slice %arg15[%dma_start3A_194, %dma_start3A_195] : memref<10112x128xf32, #tpu.memory_space<vmem_shared>> -> memref<10112x128xf32, #tpu.memory_space<vmem_shared>>
      %dma_start3A_197 = tpu.memref_slice %arg18[%dma_start3A_190] : memref<3x!tpu.dma_semaphore, #tpu.memory_space<semaphore_mem>> -> memref<1x!tpu.dma_semaphore, #tpu.memory_space<semaphore_mem>>
      %dma_start3A_198 = tpu.memref_squeeze %dma_start3A_197 : memref<1x!tpu.dma_semaphore, #tpu.memory_space<semaphore_mem>> -> memref<!tpu.dma_semaphore, #tpu.memory_space<semaphore_mem>>
      tpu.enqueue_indirect_dma source(%arg13 : memref<120x128xf32, #tpu.memory_space<vmem>>) target(%dma_start3A_196 : memref<10112x128xf32, #tpu.memory_space<vmem_shared>>) offsets(%dma_start3A_193 : memref<120xi32, #tpu.memory_space<vmem>>) semaphore(%dma_start3A_198 : memref<!tpu.dma_semaphore, #tpu.memory_space<semaphore_mem>>) {add = true}
      %mul3A_199 = arith.constant 6 : i32
      %mul3A_200 = arith.muli %while3A_112, %mul3A_199 : i32
      %add3A_201 = arith.constant 2 : i32
      %add3A_202 = arith.addi %mul3A_200, %add3A_201 : i32
      %add3A_203 = arith.constant 2 : i32
      %add3A_204 = arith.addi %add3A_202, %add3A_203 : i32
      %lt3A_205 = arith.cmpi slt, %add3A_204, %select_n3A : i32
      %convert_element_type3A_206 = arith.extui %lt3A_205 : i1 to i32
      %cond3A_207 = arith.constant 0 : i32
      %cond3A_208 = arith.cmpi ne, %convert_element_type3A_206, %cond3A_207 : i32
      scf.if %cond3A_208 {
        %add3A_379 = arith.addi %add3A, %add3A_202 : i32
        %add3A_380 = arith.constant 2 : i32
        %add3A_381 = arith.addi %add3A_379, %add3A_380 : i32
        %dma_start3A_382 = arith.constant 4 : i32
        %dma_start3A_383 = arith.constant 0 : i32
        %dma_start3A_384 = arith.constant 0 : i32
        %dma_start3A_385 = tpu.memref_slice %arg3[%add3A_381, %dma_start3A_383, %dma_start3A_384] : memref<2688x2x120xi32, #tpu.memory_space<hbm>> -> memref<1x2x120xi32, #tpu.memory_space<hbm>>
        %dma_start3A_386 = tpu.memref_squeeze %dma_start3A_385 : memref<1x2x120xi32, #tpu.memory_space<hbm>> -> memref<2x120xi32, #tpu.memory_space<hbm>>
        %dma_start3A_387 = tpu.memref_slice %arg16[%dma_start3A_382] : memref<6x!tpu.dma_semaphore, #tpu.memory_space<semaphore_mem>> -> memref<1x!tpu.dma_semaphore, #tpu.memory_space<semaphore_mem>>
        %dma_start3A_388 = tpu.memref_squeeze %dma_start3A_387 : memref<1x!tpu.dma_semaphore, #tpu.memory_space<semaphore_mem>> -> memref<!tpu.dma_semaphore, #tpu.memory_space<semaphore_mem>>
        %dma_start3A_389 = arith.constant 0 : i32
        %dma_start3A_390 = arith.constant 0 : i32
        %dma_start3A_391 = tpu.memref_slice %arg3[%add3A_381, %dma_start3A_389, %dma_start3A_390] : memref<2688x2x120xi32, #tpu.memory_space<hbm>> -> memref<1x2x120xi32, #tpu.memory_space<hbm>>
        %dma_start3A_392 = tpu.memref_squeeze %dma_start3A_391 : memref<1x2x120xi32, #tpu.memory_space<hbm>> -> memref<2x120xi32, #tpu.memory_space<hbm>>
        tpu.enqueue_dma source(%dma_start3A_392 : memref<2x120xi32, #tpu.memory_space<hbm>>) target(%arg10 : memref<2x120xi32, #tpu.memory_space<vmem>>) target_semaphore(%dma_start3A_388 : memref<!tpu.dma_semaphore, #tpu.memory_space<semaphore_mem>>)
      } else {
      }
      %add3A_209 = arith.constant 1 : i32
      %add3A_210 = arith.addi %add3A_202, %add3A_209 : i32
      %lt3A_211 = arith.cmpi slt, %add3A_210, %select_n3A : i32
      %ge3A_212 = arith.constant 2 : i32
      %ge3A_213 = arith.cmpi sge, %add3A_202, %ge3A_212 : i32
      %and3A_214 = arith.andi %lt3A_211, %ge3A_213 : i1
      %convert_element_type3A_215 = arith.extui %and3A_214 : i1 to i32
      %cond3A_216 = arith.constant 0 : i32
      %cond3A_217 = arith.cmpi ne, %convert_element_type3A_215, %cond3A_216 : i32
      scf.if %cond3A_217 {
        %dma_wait3A_379 = arith.constant 1 : i32
        %dma_wait3A_380 = arith.constant 0 : i32
        %dma_wait3A_381 = arith.constant 0 : i32
        %dma_wait3A_382 = tpu.memref_slice %arg8[%dma_wait3A_379, %dma_wait3A_381] : memref<2x120xi32, #tpu.memory_space<vmem>> -> memref<1x120xi32, #tpu.memory_space<vmem>>
        %dma_wait3A_383 = tpu.memref_squeeze %dma_wait3A_382 : memref<1x120xi32, #tpu.memory_space<vmem>> -> memref<120xi32, #tpu.memory_space<vmem>>
        %dma_wait3A_384 = arith.constant 0 : i32
        %dma_wait3A_385 = arith.constant 0 : i32
        %dma_wait3A_386 = tpu.memref_slice %arg15[%dma_wait3A_384, %dma_wait3A_385] : memref<10112x128xf32, #tpu.memory_space<vmem_shared>> -> memref<10112x128xf32, #tpu.memory_space<vmem_shared>>
        %dma_wait3A_387 = tpu.memref_slice %arg18[%dma_wait3A_380] : memref<3x!tpu.dma_semaphore, #tpu.memory_space<semaphore_mem>> -> memref<1x!tpu.dma_semaphore, #tpu.memory_space<semaphore_mem>>
        %dma_wait3A_388 = tpu.memref_squeeze %dma_wait3A_387 : memref<1x!tpu.dma_semaphore, #tpu.memory_space<semaphore_mem>> -> memref<!tpu.dma_semaphore, #tpu.memory_space<semaphore_mem>>
        tpu.wait_indirect_dma semaphore(%dma_wait3A_388 : memref<!tpu.dma_semaphore, #tpu.memory_space<semaphore_mem>>) src(%arg12 : memref<120x128xf32, #tpu.memory_space<vmem>>) dst(%dma_wait3A_386 : memref<10112x128xf32, #tpu.memory_space<vmem_shared>>)
      } else {
      }
      %add3A_218 = arith.constant 1 : i32
      %add3A_219 = arith.addi %add3A_202, %add3A_218 : i32
      %lt3A_220 = arith.cmpi slt, %add3A_219, %select_n3A : i32
      %convert_element_type3A_221 = arith.extui %lt3A_220 : i1 to i32
      %cond3A_222 = arith.constant 0 : i32
      %cond3A_223 = arith.cmpi ne, %convert_element_type3A_221, %cond3A_222 : i32
      scf.if %cond3A_223 {
        %dma_wait3A_379 = arith.constant 3 : i32
        %dma_wait3A_380 = arith.constant 0 : i32
        %dma_wait3A_381 = arith.constant 0 : i32
        %dma_wait3A_382 = tpu.memref_slice %arg3[%add3A, %dma_wait3A_380, %dma_wait3A_381] : memref<2688x2x120xi32, #tpu.memory_space<hbm>> -> memref<1x2x120xi32, #tpu.memory_space<hbm>>
        %dma_wait3A_383 = tpu.memref_squeeze %dma_wait3A_382 : memref<1x2x120xi32, #tpu.memory_space<hbm>> -> memref<2x120xi32, #tpu.memory_space<hbm>>
        %dma_wait3A_384 = tpu.memref_slice %arg16[%dma_wait3A_379] : memref<6x!tpu.dma_semaphore, #tpu.memory_space<semaphore_mem>> -> memref<1x!tpu.dma_semaphore, #tpu.memory_space<semaphore_mem>>
        %dma_wait3A_385 = tpu.memref_squeeze %dma_wait3A_384 : memref<1x!tpu.dma_semaphore, #tpu.memory_space<semaphore_mem>> -> memref<!tpu.dma_semaphore, #tpu.memory_space<semaphore_mem>>
        %dma_wait3A_386 = arith.constant 0 : i32
        %dma_wait3A_387 = arith.constant 0 : i32
        %dma_wait3A_388 = tpu.memref_slice %arg3[%add3A, %dma_wait3A_386, %dma_wait3A_387] : memref<2688x2x120xi32, #tpu.memory_space<hbm>> -> memref<1x2x120xi32, #tpu.memory_space<hbm>>
        %dma_wait3A_389 = tpu.memref_squeeze %dma_wait3A_388 : memref<1x2x120xi32, #tpu.memory_space<hbm>> -> memref<2x120xi32, #tpu.memory_space<hbm>>
        tpu.wait_dma2 semaphore(%dma_wait3A_385 : memref<!tpu.dma_semaphore, #tpu.memory_space<semaphore_mem>>) src(%dma_wait3A_389 : memref<2x120xi32, #tpu.memory_space<hbm>>) dst(%arg9 : memref<2x120xi32, #tpu.memory_space<vmem>>)
        %dma_start3A_390 = arith.constant 0 : i32
        %dma_start3A_391 = arith.constant 0 : i32
        %dma_start3A_392 = arith.constant 0 : i32
        %dma_start3A_393 = tpu.memref_slice %arg9[%dma_start3A_390, %dma_start3A_392] : memref<2x120xi32, #tpu.memory_space<vmem>> -> memref<1x120xi32, #tpu.memory_space<vmem>>
        %dma_start3A_394 = tpu.memref_squeeze %dma_start3A_393 : memref<1x120xi32, #tpu.memory_space<vmem>> -> memref<120xi32, #tpu.memory_space<vmem>>
        %dma_start3A_395 = arith.constant 0 : i32
        %dma_start3A_396 = arith.constant 0 : i32
        %dma_start3A_397 = tpu.memref_slice %arg2[%dma_start3A_395, %dma_start3A_396] : memref<10112x128xf32, #tpu.memory_space<hbm>> -> memref<10112x128xf32, #tpu.memory_space<hbm>>
        %dma_start3A_398 = tpu.memref_slice %arg17[%dma_start3A_391] : memref<3x!tpu.dma_semaphore, #tpu.memory_space<semaphore_mem>> -> memref<1x!tpu.dma_semaphore, #tpu.memory_space<semaphore_mem>>
        %dma_start3A_399 = tpu.memref_squeeze %dma_start3A_398 : memref<1x!tpu.dma_semaphore, #tpu.memory_space<semaphore_mem>> -> memref<!tpu.dma_semaphore, #tpu.memory_space<semaphore_mem>>
        tpu.enqueue_indirect_dma source(%dma_start3A_397 : memref<10112x128xf32, #tpu.memory_space<hbm>>) target(%arg12 : memref<120x128xf32, #tpu.memory_space<vmem>>) offsets(%dma_start3A_394 : memref<120xi32, #tpu.memory_space<vmem>>) semaphore(%dma_start3A_399 : memref<!tpu.dma_semaphore, #tpu.memory_space<semaphore_mem>>)
      } else {
      }
      %dma_wait3A_224 = arith.constant 0 : i32
      %dma_wait3A_225 = arith.constant 2 : i32
      %dma_wait3A_226 = arith.constant 0 : i32
      %dma_wait3A_227 = tpu.memref_slice %arg8[%dma_wait3A_224, %dma_wait3A_226] : memref<2x120xi32, #tpu.memory_space<vmem>> -> memref<1x120xi32, #tpu.memory_space<vmem>>
      %dma_wait3A_228 = tpu.memref_squeeze %dma_wait3A_227 : memref<1x120xi32, #tpu.memory_space<vmem>> -> memref<120xi32, #tpu.memory_space<vmem>>
      %dma_wait3A_229 = arith.constant 0 : i32
      %dma_wait3A_230 = arith.constant 0 : i32
      %dma_wait3A_231 = tpu.memref_slice %arg2[%dma_wait3A_229, %dma_wait3A_230] : memref<10112x128xf32, #tpu.memory_space<hbm>> -> memref<10112x128xf32, #tpu.memory_space<hbm>>
      %dma_wait3A_232 = tpu.memref_slice %arg17[%dma_wait3A_225] : memref<3x!tpu.dma_semaphore, #tpu.memory_space<semaphore_mem>> -> memref<1x!tpu.dma_semaphore, #tpu.memory_space<semaphore_mem>>
      %dma_wait3A_233 = tpu.memref_squeeze %dma_wait3A_232 : memref<1x!tpu.dma_semaphore, #tpu.memory_space<semaphore_mem>> -> memref<!tpu.dma_semaphore, #tpu.memory_space<semaphore_mem>>
      tpu.wait_indirect_dma semaphore(%dma_wait3A_233 : memref<!tpu.dma_semaphore, #tpu.memory_space<semaphore_mem>>) src(%dma_wait3A_231 : memref<10112x128xf32, #tpu.memory_space<hbm>>) dst(%arg14 : memref<120x128xf32, #tpu.memory_space<vmem>>)
      %dma_start3A_234 = arith.constant 1 : i32
      %dma_start3A_235 = arith.constant 2 : i32
      %dma_start3A_236 = arith.constant 0 : i32
      %dma_start3A_237 = tpu.memref_slice %arg8[%dma_start3A_234, %dma_start3A_236] : memref<2x120xi32, #tpu.memory_space<vmem>> -> memref<1x120xi32, #tpu.memory_space<vmem>>
      %dma_start3A_238 = tpu.memref_squeeze %dma_start3A_237 : memref<1x120xi32, #tpu.memory_space<vmem>> -> memref<120xi32, #tpu.memory_space<vmem>>
      %dma_start3A_239 = arith.constant 0 : i32
      %dma_start3A_240 = arith.constant 0 : i32
      %dma_start3A_241 = tpu.memref_slice %arg15[%dma_start3A_239, %dma_start3A_240] : memref<10112x128xf32, #tpu.memory_space<vmem_shared>> -> memref<10112x128xf32, #tpu.memory_space<vmem_shared>>
      %dma_start3A_242 = tpu.memref_slice %arg18[%dma_start3A_235] : memref<3x!tpu.dma_semaphore, #tpu.memory_space<semaphore_mem>> -> memref<1x!tpu.dma_semaphore, #tpu.memory_space<semaphore_mem>>
      %dma_start3A_243 = tpu.memref_squeeze %dma_start3A_242 : memref<1x!tpu.dma_semaphore, #tpu.memory_space<semaphore_mem>> -> memref<!tpu.dma_semaphore, #tpu.memory_space<semaphore_mem>>
      tpu.enqueue_indirect_dma source(%arg14 : memref<120x128xf32, #tpu.memory_space<vmem>>) target(%dma_start3A_241 : memref<10112x128xf32, #tpu.memory_space<vmem_shared>>) offsets(%dma_start3A_238 : memref<120xi32, #tpu.memory_space<vmem>>) semaphore(%dma_start3A_243 : memref<!tpu.dma_semaphore, #tpu.memory_space<semaphore_mem>>) {add = true}
      %mul3A_244 = arith.constant 6 : i32
      %mul3A_245 = arith.muli %while3A_112, %mul3A_244 : i32
      %add3A_246 = arith.constant 3 : i32
      %add3A_247 = arith.addi %mul3A_245, %add3A_246 : i32
      %add3A_248 = arith.constant 2 : i32
      %add3A_249 = arith.addi %add3A_247, %add3A_248 : i32
      %lt3A_250 = arith.cmpi slt, %add3A_249, %select_n3A : i32
      %convert_element_type3A_251 = arith.extui %lt3A_250 : i1 to i32
      %cond3A_252 = arith.constant 0 : i32
      %cond3A_253 = arith.cmpi ne, %convert_element_type3A_251, %cond3A_252 : i32
      scf.if %cond3A_253 {
        %add3A_379 = arith.addi %add3A, %add3A_247 : i32
        %add3A_380 = arith.constant 2 : i32
        %add3A_381 = arith.addi %add3A_379, %add3A_380 : i32
        %dma_start3A_382 = arith.constant 5 : i32
        %dma_start3A_383 = arith.constant 0 : i32
        %dma_start3A_384 = arith.constant 0 : i32
        %dma_start3A_385 = tpu.memref_slice %arg3[%add3A_381, %dma_start3A_383, %dma_start3A_384] : memref<2688x2x120xi32, #tpu.memory_space<hbm>> -> memref<1x2x120xi32, #tpu.memory_space<hbm>>
        %dma_start3A_386 = tpu.memref_squeeze %dma_start3A_385 : memref<1x2x120xi32, #tpu.memory_space<hbm>> -> memref<2x120xi32, #tpu.memory_space<hbm>>
        %dma_start3A_387 = tpu.memref_slice %arg16[%dma_start3A_382] : memref<6x!tpu.dma_semaphore, #tpu.memory_space<semaphore_mem>> -> memref<1x!tpu.dma_semaphore, #tpu.memory_space<semaphore_mem>>
        %dma_start3A_388 = tpu.memref_squeeze %dma_start3A_387 : memref<1x!tpu.dma_semaphore, #tpu.memory_space<semaphore_mem>> -> memref<!tpu.dma_semaphore, #tpu.memory_space<semaphore_mem>>
        %dma_start3A_389 = arith.constant 0 : i32
        %dma_start3A_390 = arith.constant 0 : i32
        %dma_start3A_391 = tpu.memref_slice %arg3[%add3A_381, %dma_start3A_389, %dma_start3A_390] : memref<2688x2x120xi32, #tpu.memory_space<hbm>> -> memref<1x2x120xi32, #tpu.memory_space<hbm>>
        %dma_start3A_392 = tpu.memref_squeeze %dma_start3A_391 : memref<1x2x120xi32, #tpu.memory_space<hbm>> -> memref<2x120xi32, #tpu.memory_space<hbm>>
        tpu.enqueue_dma source(%dma_start3A_392 : memref<2x120xi32, #tpu.memory_space<hbm>>) target(%arg11 : memref<2x120xi32, #tpu.memory_space<vmem>>) target_semaphore(%dma_start3A_388 : memref<!tpu.dma_semaphore, #tpu.memory_space<semaphore_mem>>)
      } else {
      }
      %add3A_254 = arith.constant 1 : i32
      %add3A_255 = arith.addi %add3A_247, %add3A_254 : i32
      %lt3A_256 = arith.cmpi slt, %add3A_255, %select_n3A : i32
      %ge3A_257 = arith.constant 2 : i32
      %ge3A_258 = arith.cmpi sge, %add3A_247, %ge3A_257 : i32
      %and3A_259 = arith.andi %lt3A_256, %ge3A_258 : i1
      %convert_element_type3A_260 = arith.extui %and3A_259 : i1 to i32
      %cond3A_261 = arith.constant 0 : i32
      %cond3A_262 = arith.cmpi ne, %convert_element_type3A_260, %cond3A_261 : i32
      scf.if %cond3A_262 {
        %dma_wait3A_379 = arith.constant 1 : i32
        %dma_wait3A_380 = arith.constant 1 : i32
        %dma_wait3A_381 = arith.constant 0 : i32
        %dma_wait3A_382 = tpu.memref_slice %arg9[%dma_wait3A_379, %dma_wait3A_381] : memref<2x120xi32, #tpu.memory_space<vmem>> -> memref<1x120xi32, #tpu.memory_space<vmem>>
        %dma_wait3A_383 = tpu.memref_squeeze %dma_wait3A_382 : memref<1x120xi32, #tpu.memory_space<vmem>> -> memref<120xi32, #tpu.memory_space<vmem>>
        %dma_wait3A_384 = arith.constant 0 : i32
        %dma_wait3A_385 = arith.constant 0 : i32
        %dma_wait3A_386 = tpu.memref_slice %arg15[%dma_wait3A_384, %dma_wait3A_385] : memref<10112x128xf32, #tpu.memory_space<vmem_shared>> -> memref<10112x128xf32, #tpu.memory_space<vmem_shared>>
        %dma_wait3A_387 = tpu.memref_slice %arg18[%dma_wait3A_380] : memref<3x!tpu.dma_semaphore, #tpu.memory_space<semaphore_mem>> -> memref<1x!tpu.dma_semaphore, #tpu.memory_space<semaphore_mem>>
        %dma_wait3A_388 = tpu.memref_squeeze %dma_wait3A_387 : memref<1x!tpu.dma_semaphore, #tpu.memory_space<semaphore_mem>> -> memref<!tpu.dma_semaphore, #tpu.memory_space<semaphore_mem>>
        tpu.wait_indirect_dma semaphore(%dma_wait3A_388 : memref<!tpu.dma_semaphore, #tpu.memory_space<semaphore_mem>>) src(%arg13 : memref<120x128xf32, #tpu.memory_space<vmem>>) dst(%dma_wait3A_386 : memref<10112x128xf32, #tpu.memory_space<vmem_shared>>)
      } else {
      }
      %add3A_263 = arith.constant 1 : i32
      %add3A_264 = arith.addi %add3A_247, %add3A_263 : i32
      %lt3A_265 = arith.cmpi slt, %add3A_264, %select_n3A : i32
      %convert_element_type3A_266 = arith.extui %lt3A_265 : i1 to i32
      %cond3A_267 = arith.constant 0 : i32
      %cond3A_268 = arith.cmpi ne, %convert_element_type3A_266, %cond3A_267 : i32
      scf.if %cond3A_268 {
        %dma_wait3A_379 = arith.constant 4 : i32
        %dma_wait3A_380 = arith.constant 0 : i32
        %dma_wait3A_381 = arith.constant 0 : i32
        %dma_wait3A_382 = tpu.memref_slice %arg3[%add3A, %dma_wait3A_380, %dma_wait3A_381] : memref<2688x2x120xi32, #tpu.memory_space<hbm>> -> memref<1x2x120xi32, #tpu.memory_space<hbm>>
        %dma_wait3A_383 = tpu.memref_squeeze %dma_wait3A_382 : memref<1x2x120xi32, #tpu.memory_space<hbm>> -> memref<2x120xi32, #tpu.memory_space<hbm>>
        %dma_wait3A_384 = tpu.memref_slice %arg16[%dma_wait3A_379] : memref<6x!tpu.dma_semaphore, #tpu.memory_space<semaphore_mem>> -> memref<1x!tpu.dma_semaphore, #tpu.memory_space<semaphore_mem>>
        %dma_wait3A_385 = tpu.memref_squeeze %dma_wait3A_384 : memref<1x!tpu.dma_semaphore, #tpu.memory_space<semaphore_mem>> -> memref<!tpu.dma_semaphore, #tpu.memory_space<semaphore_mem>>
        %dma_wait3A_386 = arith.constant 0 : i32
        %dma_wait3A_387 = arith.constant 0 : i32
        %dma_wait3A_388 = tpu.memref_slice %arg3[%add3A, %dma_wait3A_386, %dma_wait3A_387] : memref<2688x2x120xi32, #tpu.memory_space<hbm>> -> memref<1x2x120xi32, #tpu.memory_space<hbm>>
        %dma_wait3A_389 = tpu.memref_squeeze %dma_wait3A_388 : memref<1x2x120xi32, #tpu.memory_space<hbm>> -> memref<2x120xi32, #tpu.memory_space<hbm>>
        tpu.wait_dma2 semaphore(%dma_wait3A_385 : memref<!tpu.dma_semaphore, #tpu.memory_space<semaphore_mem>>) src(%dma_wait3A_389 : memref<2x120xi32, #tpu.memory_space<hbm>>) dst(%arg10 : memref<2x120xi32, #tpu.memory_space<vmem>>)
        %dma_start3A_390 = arith.constant 0 : i32
        %dma_start3A_391 = arith.constant 1 : i32
        %dma_start3A_392 = arith.constant 0 : i32
        %dma_start3A_393 = tpu.memref_slice %arg10[%dma_start3A_390, %dma_start3A_392] : memref<2x120xi32, #tpu.memory_space<vmem>> -> memref<1x120xi32, #tpu.memory_space<vmem>>
        %dma_start3A_394 = tpu.memref_squeeze %dma_start3A_393 : memref<1x120xi32, #tpu.memory_space<vmem>> -> memref<120xi32, #tpu.memory_space<vmem>>
        %dma_start3A_395 = arith.constant 0 : i32
        %dma_start3A_396 = arith.constant 0 : i32
        %dma_start3A_397 = tpu.memref_slice %arg2[%dma_start3A_395, %dma_start3A_396] : memref<10112x128xf32, #tpu.memory_space<hbm>> -> memref<10112x128xf32, #tpu.memory_space<hbm>>
        %dma_start3A_398 = tpu.memref_slice %arg17[%dma_start3A_391] : memref<3x!tpu.dma_semaphore, #tpu.memory_space<semaphore_mem>> -> memref<1x!tpu.dma_semaphore, #tpu.memory_space<semaphore_mem>>
        %dma_start3A_399 = tpu.memref_squeeze %dma_start3A_398 : memref<1x!tpu.dma_semaphore, #tpu.memory_space<semaphore_mem>> -> memref<!tpu.dma_semaphore, #tpu.memory_space<semaphore_mem>>
        tpu.enqueue_indirect_dma source(%dma_start3A_397 : memref<10112x128xf32, #tpu.memory_space<hbm>>) target(%arg13 : memref<120x128xf32, #tpu.memory_space<vmem>>) offsets(%dma_start3A_394 : memref<120xi32, #tpu.memory_space<vmem>>) semaphore(%dma_start3A_399 : memref<!tpu.dma_semaphore, #tpu.memory_space<semaphore_mem>>)
      } else {
      }
      %dma_wait3A_269 = arith.constant 0 : i32
      %dma_wait3A_270 = arith.constant 0 : i32
      %dma_wait3A_271 = arith.constant 0 : i32
      %dma_wait3A_272 = tpu.memref_slice %arg9[%dma_wait3A_269, %dma_wait3A_271] : memref<2x120xi32, #tpu.memory_space<vmem>> -> memref<1x120xi32, #tpu.memory_space<vmem>>
      %dma_wait3A_273 = tpu.memref_squeeze %dma_wait3A_272 : memref<1x120xi32, #tpu.memory_space<vmem>> -> memref<120xi32, #tpu.memory_space<vmem>>
      %dma_wait3A_274 = arith.constant 0 : i32
      %dma_wait3A_275 = arith.constant 0 : i32
      %dma_wait3A_276 = tpu.memref_slice %arg2[%dma_wait3A_274, %dma_wait3A_275] : memref<10112x128xf32, #tpu.memory_space<hbm>> -> memref<10112x128xf32, #tpu.memory_space<hbm>>
      %dma_wait3A_277 = tpu.memref_slice %arg17[%dma_wait3A_270] : memref<3x!tpu.dma_semaphore, #tpu.memory_space<semaphore_mem>> -> memref<1x!tpu.dma_semaphore, #tpu.memory_space<semaphore_mem>>
      %dma_wait3A_278 = tpu.memref_squeeze %dma_wait3A_277 : memref<1x!tpu.dma_semaphore, #tpu.memory_space<semaphore_mem>> -> memref<!tpu.dma_semaphore, #tpu.memory_space<semaphore_mem>>
      tpu.wait_indirect_dma semaphore(%dma_wait3A_278 : memref<!tpu.dma_semaphore, #tpu.memory_space<semaphore_mem>>) src(%dma_wait3A_276 : memref<10112x128xf32, #tpu.memory_space<hbm>>) dst(%arg12 : memref<120x128xf32, #tpu.memory_space<vmem>>)
      %dma_start3A_279 = arith.constant 1 : i32
      %dma_start3A_280 = arith.constant 0 : i32
      %dma_start3A_281 = arith.constant 0 : i32
      %dma_start3A_282 = tpu.memref_slice %arg9[%dma_start3A_279, %dma_start3A_281] : memref<2x120xi32, #tpu.memory_space<vmem>> -> memref<1x120xi32, #tpu.memory_space<vmem>>
      %dma_start3A_283 = tpu.memref_squeeze %dma_start3A_282 : memref<1x120xi32, #tpu.memory_space<vmem>> -> memref<120xi32, #tpu.memory_space<vmem>>
      %dma_start3A_284 = arith.constant 0 : i32
      %dma_start3A_285 = arith.constant 0 : i32
      %dma_start3A_286 = tpu.memref_slice %arg15[%dma_start3A_284, %dma_start3A_285] : memref<10112x128xf32, #tpu.memory_space<vmem_shared>> -> memref<10112x128xf32, #tpu.memory_space<vmem_shared>>
      %dma_start3A_287 = tpu.memref_slice %arg18[%dma_start3A_280] : memref<3x!tpu.dma_semaphore, #tpu.memory_space<semaphore_mem>> -> memref<1x!tpu.dma_semaphore, #tpu.memory_space<semaphore_mem>>
      %dma_start3A_288 = tpu.memref_squeeze %dma_start3A_287 : memref<1x!tpu.dma_semaphore, #tpu.memory_space<semaphore_mem>> -> memref<!tpu.dma_semaphore, #tpu.memory_space<semaphore_mem>>
      tpu.enqueue_indirect_dma source(%arg12 : memref<120x128xf32, #tpu.memory_space<vmem>>) target(%dma_start3A_286 : memref<10112x128xf32, #tpu.memory_space<vmem_shared>>) offsets(%dma_start3A_283 : memref<120xi32, #tpu.memory_space<vmem>>) semaphore(%dma_start3A_288 : memref<!tpu.dma_semaphore, #tpu.memory_space<semaphore_mem>>) {add = true}
      %mul3A_289 = arith.constant 6 : i32
      %mul3A_290 = arith.muli %while3A_112, %mul3A_289 : i32
      %add3A_291 = arith.constant 4 : i32
      %add3A_292 = arith.addi %mul3A_290, %add3A_291 : i32
      %add3A_293 = arith.constant 2 : i32
      %add3A_294 = arith.addi %add3A_292, %add3A_293 : i32
      %lt3A_295 = arith.cmpi slt, %add3A_294, %select_n3A : i32
      %convert_element_type3A_296 = arith.extui %lt3A_295 : i1 to i32
      %cond3A_297 = arith.constant 0 : i32
      %cond3A_298 = arith.cmpi ne, %convert_element_type3A_296, %cond3A_297 : i32
      scf.if %cond3A_298 {
        %add3A_379 = arith.addi %add3A, %add3A_292 : i32
        %add3A_380 = arith.constant 2 : i32
        %add3A_381 = arith.addi %add3A_379, %add3A_380 : i32
        %dma_start3A_382 = arith.constant 0 : i32
        %dma_start3A_383 = arith.constant 0 : i32
        %dma_start3A_384 = arith.constant 0 : i32
        %dma_start3A_385 = tpu.memref_slice %arg3[%add3A_381, %dma_start3A_383, %dma_start3A_384] : memref<2688x2x120xi32, #tpu.memory_space<hbm>> -> memref<1x2x120xi32, #tpu.memory_space<hbm>>
        %dma_start3A_386 = tpu.memref_squeeze %dma_start3A_385 : memref<1x2x120xi32, #tpu.memory_space<hbm>> -> memref<2x120xi32, #tpu.memory_space<hbm>>
        %dma_start3A_387 = tpu.memref_slice %arg16[%dma_start3A_382] : memref<6x!tpu.dma_semaphore, #tpu.memory_space<semaphore_mem>> -> memref<1x!tpu.dma_semaphore, #tpu.memory_space<semaphore_mem>>
        %dma_start3A_388 = tpu.memref_squeeze %dma_start3A_387 : memref<1x!tpu.dma_semaphore, #tpu.memory_space<semaphore_mem>> -> memref<!tpu.dma_semaphore, #tpu.memory_space<semaphore_mem>>
        %dma_start3A_389 = arith.constant 0 : i32
        %dma_start3A_390 = arith.constant 0 : i32
        %dma_start3A_391 = tpu.memref_slice %arg3[%add3A_381, %dma_start3A_389, %dma_start3A_390] : memref<2688x2x120xi32, #tpu.memory_space<hbm>> -> memref<1x2x120xi32, #tpu.memory_space<hbm>>
        %dma_start3A_392 = tpu.memref_squeeze %dma_start3A_391 : memref<1x2x120xi32, #tpu.memory_space<hbm>> -> memref<2x120xi32, #tpu.memory_space<hbm>>
        tpu.enqueue_dma source(%dma_start3A_392 : memref<2x120xi32, #tpu.memory_space<hbm>>) target(%arg6 : memref<2x120xi32, #tpu.memory_space<vmem>>) target_semaphore(%dma_start3A_388 : memref<!tpu.dma_semaphore, #tpu.memory_space<semaphore_mem>>)
      } else {
      }
      %add3A_299 = arith.constant 1 : i32
      %add3A_300 = arith.addi %add3A_292, %add3A_299 : i32
      %lt3A_301 = arith.cmpi slt, %add3A_300, %select_n3A : i32
      %ge3A_302 = arith.constant 2 : i32
      %ge3A_303 = arith.cmpi sge, %add3A_292, %ge3A_302 : i32
      %and3A_304 = arith.andi %lt3A_301, %ge3A_303 : i1
      %convert_element_type3A_305 = arith.extui %and3A_304 : i1 to i32
      %cond3A_306 = arith.constant 0 : i32
      %cond3A_307 = arith.cmpi ne, %convert_element_type3A_305, %cond3A_306 : i32
      scf.if %cond3A_307 {
        %dma_wait3A_379 = arith.constant 1 : i32
        %dma_wait3A_380 = arith.constant 2 : i32
        %dma_wait3A_381 = arith.constant 0 : i32
        %dma_wait3A_382 = tpu.memref_slice %arg10[%dma_wait3A_379, %dma_wait3A_381] : memref<2x120xi32, #tpu.memory_space<vmem>> -> memref<1x120xi32, #tpu.memory_space<vmem>>
        %dma_wait3A_383 = tpu.memref_squeeze %dma_wait3A_382 : memref<1x120xi32, #tpu.memory_space<vmem>> -> memref<120xi32, #tpu.memory_space<vmem>>
        %dma_wait3A_384 = arith.constant 0 : i32
        %dma_wait3A_385 = arith.constant 0 : i32
        %dma_wait3A_386 = tpu.memref_slice %arg15[%dma_wait3A_384, %dma_wait3A_385] : memref<10112x128xf32, #tpu.memory_space<vmem_shared>> -> memref<10112x128xf32, #tpu.memory_space<vmem_shared>>
        %dma_wait3A_387 = tpu.memref_slice %arg18[%dma_wait3A_380] : memref<3x!tpu.dma_semaphore, #tpu.memory_space<semaphore_mem>> -> memref<1x!tpu.dma_semaphore, #tpu.memory_space<semaphore_mem>>
        %dma_wait3A_388 = tpu.memref_squeeze %dma_wait3A_387 : memref<1x!tpu.dma_semaphore, #tpu.memory_space<semaphore_mem>> -> memref<!tpu.dma_semaphore, #tpu.memory_space<semaphore_mem>>
        tpu.wait_indirect_dma semaphore(%dma_wait3A_388 : memref<!tpu.dma_semaphore, #tpu.memory_space<semaphore_mem>>) src(%arg14 : memref<120x128xf32, #tpu.memory_space<vmem>>) dst(%dma_wait3A_386 : memref<10112x128xf32, #tpu.memory_space<vmem_shared>>)
      } else {
      }
      %add3A_308 = arith.constant 1 : i32
      %add3A_309 = arith.addi %add3A_292, %add3A_308 : i32
      %lt3A_310 = arith.cmpi slt, %add3A_309, %select_n3A : i32
      %convert_element_type3A_311 = arith.extui %lt3A_310 : i1 to i32
      %cond3A_312 = arith.constant 0 : i32
      %cond3A_313 = arith.cmpi ne, %convert_element_type3A_311, %cond3A_312 : i32
      scf.if %cond3A_313 {
        %dma_wait3A_379 = arith.constant 5 : i32
        %dma_wait3A_380 = arith.constant 0 : i32
        %dma_wait3A_381 = arith.constant 0 : i32
        %dma_wait3A_382 = tpu.memref_slice %arg3[%add3A, %dma_wait3A_380, %dma_wait3A_381] : memref<2688x2x120xi32, #tpu.memory_space<hbm>> -> memref<1x2x120xi32, #tpu.memory_space<hbm>>
        %dma_wait3A_383 = tpu.memref_squeeze %dma_wait3A_382 : memref<1x2x120xi32, #tpu.memory_space<hbm>> -> memref<2x120xi32, #tpu.memory_space<hbm>>
        %dma_wait3A_384 = tpu.memref_slice %arg16[%dma_wait3A_379] : memref<6x!tpu.dma_semaphore, #tpu.memory_space<semaphore_mem>> -> memref<1x!tpu.dma_semaphore, #tpu.memory_space<semaphore_mem>>
        %dma_wait3A_385 = tpu.memref_squeeze %dma_wait3A_384 : memref<1x!tpu.dma_semaphore, #tpu.memory_space<semaphore_mem>> -> memref<!tpu.dma_semaphore, #tpu.memory_space<semaphore_mem>>
        %dma_wait3A_386 = arith.constant 0 : i32
        %dma_wait3A_387 = arith.constant 0 : i32
        %dma_wait3A_388 = tpu.memref_slice %arg3[%add3A, %dma_wait3A_386, %dma_wait3A_387] : memref<2688x2x120xi32, #tpu.memory_space<hbm>> -> memref<1x2x120xi32, #tpu.memory_space<hbm>>
        %dma_wait3A_389 = tpu.memref_squeeze %dma_wait3A_388 : memref<1x2x120xi32, #tpu.memory_space<hbm>> -> memref<2x120xi32, #tpu.memory_space<hbm>>
        tpu.wait_dma2 semaphore(%dma_wait3A_385 : memref<!tpu.dma_semaphore, #tpu.memory_space<semaphore_mem>>) src(%dma_wait3A_389 : memref<2x120xi32, #tpu.memory_space<hbm>>) dst(%arg11 : memref<2x120xi32, #tpu.memory_space<vmem>>)
        %dma_start3A_390 = arith.constant 0 : i32
        %dma_start3A_391 = arith.constant 2 : i32
        %dma_start3A_392 = arith.constant 0 : i32
        %dma_start3A_393 = tpu.memref_slice %arg11[%dma_start3A_390, %dma_start3A_392] : memref<2x120xi32, #tpu.memory_space<vmem>> -> memref<1x120xi32, #tpu.memory_space<vmem>>
        %dma_start3A_394 = tpu.memref_squeeze %dma_start3A_393 : memref<1x120xi32, #tpu.memory_space<vmem>> -> memref<120xi32, #tpu.memory_space<vmem>>
        %dma_start3A_395 = arith.constant 0 : i32
        %dma_start3A_396 = arith.constant 0 : i32
        %dma_start3A_397 = tpu.memref_slice %arg2[%dma_start3A_395, %dma_start3A_396] : memref<10112x128xf32, #tpu.memory_space<hbm>> -> memref<10112x128xf32, #tpu.memory_space<hbm>>
        %dma_start3A_398 = tpu.memref_slice %arg17[%dma_start3A_391] : memref<3x!tpu.dma_semaphore, #tpu.memory_space<semaphore_mem>> -> memref<1x!tpu.dma_semaphore, #tpu.memory_space<semaphore_mem>>
        %dma_start3A_399 = tpu.memref_squeeze %dma_start3A_398 : memref<1x!tpu.dma_semaphore, #tpu.memory_space<semaphore_mem>> -> memref<!tpu.dma_semaphore, #tpu.memory_space<semaphore_mem>>
        tpu.enqueue_indirect_dma source(%dma_start3A_397 : memref<10112x128xf32, #tpu.memory_space<hbm>>) target(%arg14 : memref<120x128xf32, #tpu.memory_space<vmem>>) offsets(%dma_start3A_394 : memref<120xi32, #tpu.memory_space<vmem>>) semaphore(%dma_start3A_399 : memref<!tpu.dma_semaphore, #tpu.memory_space<semaphore_mem>>)
      } else {
      }
      %dma_wait3A_314 = arith.constant 0 : i32
      %dma_wait3A_315 = arith.constant 1 : i32
      %dma_wait3A_316 = arith.constant 0 : i32
      %dma_wait3A_317 = tpu.memref_slice %arg10[%dma_wait3A_314, %dma_wait3A_316] : memref<2x120xi32, #tpu.memory_space<vmem>> -> memref<1x120xi32, #tpu.memory_space<vmem>>
      %dma_wait3A_318 = tpu.memref_squeeze %dma_wait3A_317 : memref<1x120xi32, #tpu.memory_space<vmem>> -> memref<120xi32, #tpu.memory_space<vmem>>
      %dma_wait3A_319 = arith.constant 0 : i32
      %dma_wait3A_320 = arith.constant 0 : i32
      %dma_wait3A_321 = tpu.memref_slice %arg2[%dma_wait3A_319, %dma_wait3A_320] : memref<10112x128xf32, #tpu.memory_space<hbm>> -> memref<10112x128xf32, #tpu.memory_space<hbm>>
      %dma_wait3A_322 = tpu.memref_slice %arg17[%dma_wait3A_315] : memref<3x!tpu.dma_semaphore, #tpu.memory_space<semaphore_mem>> -> memref<1x!tpu.dma_semaphore, #tpu.memory_space<semaphore_mem>>
      %dma_wait3A_323 = tpu.memref_squeeze %dma_wait3A_322 : memref<1x!tpu.dma_semaphore, #tpu.memory_space<semaphore_mem>> -> memref<!tpu.dma_semaphore, #tpu.memory_space<semaphore_mem>>
      tpu.wait_indirect_dma semaphore(%dma_wait3A_323 : memref<!tpu.dma_semaphore, #tpu.memory_space<semaphore_mem>>) src(%dma_wait3A_321 : memref<10112x128xf32, #tpu.memory_space<hbm>>) dst(%arg13 : memref<120x128xf32, #tpu.memory_space<vmem>>)
      %dma_start3A_324 = arith.constant 1 : i32
      %dma_start3A_325 = arith.constant 1 : i32
      %dma_start3A_326 = arith.constant 0 : i32
      %dma_start3A_327 = tpu.memref_slice %arg10[%dma_start3A_324, %dma_start3A_326] : memref<2x120xi32, #tpu.memory_space<vmem>> -> memref<1x120xi32, #tpu.memory_space<vmem>>
      %dma_start3A_328 = tpu.memref_squeeze %dma_start3A_327 : memref<1x120xi32, #tpu.memory_space<vmem>> -> memref<120xi32, #tpu.memory_space<vmem>>
      %dma_start3A_329 = arith.constant 0 : i32
      %dma_start3A_330 = arith.constant 0 : i32
      %dma_start3A_331 = tpu.memref_slice %arg15[%dma_start3A_329, %dma_start3A_330] : memref<10112x128xf32, #tpu.memory_space<vmem_shared>> -> memref<10112x128xf32, #tpu.memory_space<vmem_shared>>
      %dma_start3A_332 = tpu.memref_slice %arg18[%dma_start3A_325] : memref<3x!tpu.dma_semaphore, #tpu.memory_space<semaphore_mem>> -> memref<1x!tpu.dma_semaphore, #tpu.memory_space<semaphore_mem>>
      %dma_start3A_333 = tpu.memref_squeeze %dma_start3A_332 : memref<1x!tpu.dma_semaphore, #tpu.memory_space<semaphore_mem>> -> memref<!tpu.dma_semaphore, #tpu.memory_space<semaphore_mem>>
      tpu.enqueue_indirect_dma source(%arg13 : memref<120x128xf32, #tpu.memory_space<vmem>>) target(%dma_start3A_331 : memref<10112x128xf32, #tpu.memory_space<vmem_shared>>) offsets(%dma_start3A_328 : memref<120xi32, #tpu.memory_space<vmem>>) semaphore(%dma_start3A_333 : memref<!tpu.dma_semaphore, #tpu.memory_space<semaphore_mem>>) {add = true}
      %mul3A_334 = arith.constant 6 : i32
      %mul3A_335 = arith.muli %while3A_112, %mul3A_334 : i32
      %add3A_336 = arith.constant 5 : i32
      %add3A_337 = arith.addi %mul3A_335, %add3A_336 : i32
      %add3A_338 = arith.constant 2 : i32
      %add3A_339 = arith.addi %add3A_337, %add3A_338 : i32
      %lt3A_340 = arith.cmpi slt, %add3A_339, %select_n3A : i32
      %convert_element_type3A_341 = arith.extui %lt3A_340 : i1 to i32
      %cond3A_342 = arith.constant 0 : i32
      %cond3A_343 = arith.cmpi ne, %convert_element_type3A_341, %cond3A_342 : i32
      scf.if %cond3A_343 {
        %add3A_379 = arith.addi %add3A, %add3A_337 : i32
        %add3A_380 = arith.constant 2 : i32
        %add3A_381 = arith.addi %add3A_379, %add3A_380 : i32
        %dma_start3A_382 = arith.constant 1 : i32
        %dma_start3A_383 = arith.constant 0 : i32
        %dma_start3A_384 = arith.constant 0 : i32
        %dma_start3A_385 = tpu.memref_slice %arg3[%add3A_381, %dma_start3A_383, %dma_start3A_384] : memref<2688x2x120xi32, #tpu.memory_space<hbm>> -> memref<1x2x120xi32, #tpu.memory_space<hbm>>
        %dma_start3A_386 = tpu.memref_squeeze %dma_start3A_385 : memref<1x2x120xi32, #tpu.memory_space<hbm>> -> memref<2x120xi32, #tpu.memory_space<hbm>>
        %dma_start3A_387 = tpu.memref_slice %arg16[%dma_start3A_382] : memref<6x!tpu.dma_semaphore, #tpu.memory_space<semaphore_mem>> -> memref<1x!tpu.dma_semaphore, #tpu.memory_space<semaphore_mem>>
        %dma_start3A_388 = tpu.memref_squeeze %dma_start3A_387 : memref<1x!tpu.dma_semaphore, #tpu.memory_space<semaphore_mem>> -> memref<!tpu.dma_semaphore, #tpu.memory_space<semaphore_mem>>
        %dma_start3A_389 = arith.constant 0 : i32
        %dma_start3A_390 = arith.constant 0 : i32
        %dma_start3A_391 = tpu.memref_slice %arg3[%add3A_381, %dma_start3A_389, %dma_start3A_390] : memref<2688x2x120xi32, #tpu.memory_space<hbm>> -> memref<1x2x120xi32, #tpu.memory_space<hbm>>
        %dma_start3A_392 = tpu.memref_squeeze %dma_start3A_391 : memref<1x2x120xi32, #tpu.memory_space<hbm>> -> memref<2x120xi32, #tpu.memory_space<hbm>>
        tpu.enqueue_dma source(%dma_start3A_392 : memref<2x120xi32, #tpu.memory_space<hbm>>) target(%arg7 : memref<2x120xi32, #tpu.memory_space<vmem>>) target_semaphore(%dma_start3A_388 : memref<!tpu.dma_semaphore, #tpu.memory_space<semaphore_mem>>)
      } else {
      }
      %add3A_344 = arith.constant 1 : i32
      %add3A_345 = arith.addi %add3A_337, %add3A_344 : i32
      %lt3A_346 = arith.cmpi slt, %add3A_345, %select_n3A : i32
      %ge3A_347 = arith.constant 2 : i32
      %ge3A_348 = arith.cmpi sge, %add3A_337, %ge3A_347 : i32
      %and3A_349 = arith.andi %lt3A_346, %ge3A_348 : i1
      %convert_element_type3A_350 = arith.extui %and3A_349 : i1 to i32
      %cond3A_351 = arith.constant 0 : i32
      %cond3A_352 = arith.cmpi ne, %convert_element_type3A_350, %cond3A_351 : i32
      scf.if %cond3A_352 {
        %dma_wait3A_379 = arith.constant 1 : i32
        %dma_wait3A_380 = arith.constant 0 : i32
        %dma_wait3A_381 = arith.constant 0 : i32
        %dma_wait3A_382 = tpu.memref_slice %arg11[%dma_wait3A_379, %dma_wait3A_381] : memref<2x120xi32, #tpu.memory_space<vmem>> -> memref<1x120xi32, #tpu.memory_space<vmem>>
        %dma_wait3A_383 = tpu.memref_squeeze %dma_wait3A_382 : memref<1x120xi32, #tpu.memory_space<vmem>> -> memref<120xi32, #tpu.memory_space<vmem>>
        %dma_wait3A_384 = arith.constant 0 : i32
        %dma_wait3A_385 = arith.constant 0 : i32
        %dma_wait3A_386 = tpu.memref_slice %arg15[%dma_wait3A_384, %dma_wait3A_385] : memref<10112x128xf32, #tpu.memory_space<vmem_shared>> -> memref<10112x128xf32, #tpu.memory_space<vmem_shared>>
        %dma_wait3A_387 = tpu.memref_slice %arg18[%dma_wait3A_380] : memref<3x!tpu.dma_semaphore, #tpu.memory_space<semaphore_mem>> -> memref<1x!tpu.dma_semaphore, #tpu.memory_space<semaphore_mem>>
        %dma_wait3A_388 = tpu.memref_squeeze %dma_wait3A_387 : memref<1x!tpu.dma_semaphore, #tpu.memory_space<semaphore_mem>> -> memref<!tpu.dma_semaphore, #tpu.memory_space<semaphore_mem>>
        tpu.wait_indirect_dma semaphore(%dma_wait3A_388 : memref<!tpu.dma_semaphore, #tpu.memory_space<semaphore_mem>>) src(%arg12 : memref<120x128xf32, #tpu.memory_space<vmem>>) dst(%dma_wait3A_386 : memref<10112x128xf32, #tpu.memory_space<vmem_shared>>)
      } else {
      }
      %add3A_353 = arith.constant 1 : i32
      %add3A_354 = arith.addi %add3A_337, %add3A_353 : i32
      %lt3A_355 = arith.cmpi slt, %add3A_354, %select_n3A : i32
      %convert_element_type3A_356 = arith.extui %lt3A_355 : i1 to i32
      %cond3A_357 = arith.constant 0 : i32
      %cond3A_358 = arith.cmpi ne, %convert_element_type3A_356, %cond3A_357 : i32
      scf.if %cond3A_358 {
        %dma_wait3A_379 = arith.constant 0 : i32
        %dma_wait3A_380 = arith.constant 0 : i32
        %dma_wait3A_381 = arith.constant 0 : i32
        %dma_wait3A_382 = tpu.memref_slice %arg3[%add3A, %dma_wait3A_380, %dma_wait3A_381] : memref<2688x2x120xi32, #tpu.memory_space<hbm>> -> memref<1x2x120xi32, #tpu.memory_space<hbm>>
        %dma_wait3A_383 = tpu.memref_squeeze %dma_wait3A_382 : memref<1x2x120xi32, #tpu.memory_space<hbm>> -> memref<2x120xi32, #tpu.memory_space<hbm>>
        %dma_wait3A_384 = tpu.memref_slice %arg16[%dma_wait3A_379] : memref<6x!tpu.dma_semaphore, #tpu.memory_space<semaphore_mem>> -> memref<1x!tpu.dma_semaphore, #tpu.memory_space<semaphore_mem>>
        %dma_wait3A_385 = tpu.memref_squeeze %dma_wait3A_384 : memref<1x!tpu.dma_semaphore, #tpu.memory_space<semaphore_mem>> -> memref<!tpu.dma_semaphore, #tpu.memory_space<semaphore_mem>>
        %dma_wait3A_386 = arith.constant 0 : i32
        %dma_wait3A_387 = arith.constant 0 : i32
        %dma_wait3A_388 = tpu.memref_slice %arg3[%add3A, %dma_wait3A_386, %dma_wait3A_387] : memref<2688x2x120xi32, #tpu.memory_space<hbm>> -> memref<1x2x120xi32, #tpu.memory_space<hbm>>
        %dma_wait3A_389 = tpu.memref_squeeze %dma_wait3A_388 : memref<1x2x120xi32, #tpu.memory_space<hbm>> -> memref<2x120xi32, #tpu.memory_space<hbm>>
        tpu.wait_dma2 semaphore(%dma_wait3A_385 : memref<!tpu.dma_semaphore, #tpu.memory_space<semaphore_mem>>) src(%dma_wait3A_389 : memref<2x120xi32, #tpu.memory_space<hbm>>) dst(%arg6 : memref<2x120xi32, #tpu.memory_space<vmem>>)
        %dma_start3A_390 = arith.constant 0 : i32
        %dma_start3A_391 = arith.constant 0 : i32
        %dma_start3A_392 = arith.constant 0 : i32
        %dma_start3A_393 = tpu.memref_slice %arg6[%dma_start3A_390, %dma_start3A_392] : memref<2x120xi32, #tpu.memory_space<vmem>> -> memref<1x120xi32, #tpu.memory_space<vmem>>
        %dma_start3A_394 = tpu.memref_squeeze %dma_start3A_393 : memref<1x120xi32, #tpu.memory_space<vmem>> -> memref<120xi32, #tpu.memory_space<vmem>>
        %dma_start3A_395 = arith.constant 0 : i32
        %dma_start3A_396 = arith.constant 0 : i32
        %dma_start3A_397 = tpu.memref_slice %arg2[%dma_start3A_395, %dma_start3A_396] : memref<10112x128xf32, #tpu.memory_space<hbm>> -> memref<10112x128xf32, #tpu.memory_space<hbm>>
        %dma_start3A_398 = tpu.memref_slice %arg17[%dma_start3A_391] : memref<3x!tpu.dma_semaphore, #tpu.memory_space<semaphore_mem>> -> memref<1x!tpu.dma_semaphore, #tpu.memory_space<semaphore_mem>>
        %dma_start3A_399 = tpu.memref_squeeze %dma_start3A_398 : memref<1x!tpu.dma_semaphore, #tpu.memory_space<semaphore_mem>> -> memref<!tpu.dma_semaphore, #tpu.memory_space<semaphore_mem>>
        tpu.enqueue_indirect_dma source(%dma_start3A_397 : memref<10112x128xf32, #tpu.memory_space<hbm>>) target(%arg12 : memref<120x128xf32, #tpu.memory_space<vmem>>) offsets(%dma_start3A_394 : memref<120xi32, #tpu.memory_space<vmem>>) semaphore(%dma_start3A_399 : memref<!tpu.dma_semaphore, #tpu.memory_space<semaphore_mem>>)
      } else {
      }
      %dma_wait3A_359 = arith.constant 0 : i32
      %dma_wait3A_360 = arith.constant 2 : i32
      %dma_wait3A_361 = arith.constant 0 : i32
      %dma_wait3A_362 = tpu.memref_slice %arg11[%dma_wait3A_359, %dma_wait3A_361] : memref<2x120xi32, #tpu.memory_space<vmem>> -> memref<1x120xi32, #tpu.memory_space<vmem>>
      %dma_wait3A_363 = tpu.memref_squeeze %dma_wait3A_362 : memref<1x120xi32, #tpu.memory_space<vmem>> -> memref<120xi32, #tpu.memory_space<vmem>>
      %dma_wait3A_364 = arith.constant 0 : i32
      %dma_wait3A_365 = arith.constant 0 : i32
      %dma_wait3A_366 = tpu.memref_slice %arg2[%dma_wait3A_364, %dma_wait3A_365] : memref<10112x128xf32, #tpu.memory_space<hbm>> -> memref<10112x128xf32, #tpu.memory_space<hbm>>
      %dma_wait3A_367 = tpu.memref_slice %arg17[%dma_wait3A_360] : memref<3x!tpu.dma_semaphore, #tpu.memory_space<semaphore_mem>> -> memref<1x!tpu.dma_semaphore, #tpu.memory_space<semaphore_mem>>
      %dma_wait3A_368 = tpu.memref_squeeze %dma_wait3A_367 : memref<1x!tpu.dma_semaphore, #tpu.memory_space<semaphore_mem>> -> memref<!tpu.dma_semaphore, #tpu.memory_space<semaphore_mem>>
      tpu.wait_indirect_dma semaphore(%dma_wait3A_368 : memref<!tpu.dma_semaphore, #tpu.memory_space<semaphore_mem>>) src(%dma_wait3A_366 : memref<10112x128xf32, #tpu.memory_space<hbm>>) dst(%arg14 : memref<120x128xf32, #tpu.memory_space<vmem>>)
      %dma_start3A_369 = arith.constant 1 : i32
      %dma_start3A_370 = arith.constant 2 : i32
      %dma_start3A_371 = arith.constant 0 : i32
      %dma_start3A_372 = tpu.memref_slice %arg11[%dma_start3A_369, %dma_start3A_371] : memref<2x120xi32, #tpu.memory_space<vmem>> -> memref<1x120xi32, #tpu.memory_space<vmem>>
      %dma_start3A_373 = tpu.memref_squeeze %dma_start3A_372 : memref<1x120xi32, #tpu.memory_space<vmem>> -> memref<120xi32, #tpu.memory_space<vmem>>
      %dma_start3A_374 = arith.constant 0 : i32
      %dma_start3A_375 = arith.constant 0 : i32
      %dma_start3A_376 = tpu.memref_slice %arg15[%dma_start3A_374, %dma_start3A_375] : memref<10112x128xf32, #tpu.memory_space<vmem_shared>> -> memref<10112x128xf32, #tpu.memory_space<vmem_shared>>
      %dma_start3A_377 = tpu.memref_slice %arg18[%dma_start3A_370] : memref<3x!tpu.dma_semaphore, #tpu.memory_space<semaphore_mem>> -> memref<1x!tpu.dma_semaphore, #tpu.memory_space<semaphore_mem>>
      %dma_start3A_378 = tpu.memref_squeeze %dma_start3A_377 : memref<1x!tpu.dma_semaphore, #tpu.memory_space<semaphore_mem>> -> memref<!tpu.dma_semaphore, #tpu.memory_space<semaphore_mem>>
      tpu.enqueue_indirect_dma source(%arg14 : memref<120x128xf32, #tpu.memory_space<vmem>>) target(%dma_start3A_376 : memref<10112x128xf32, #tpu.memory_space<vmem_shared>>) offsets(%dma_start3A_373 : memref<120xi32, #tpu.memory_space<vmem>>) semaphore(%dma_start3A_378 : memref<!tpu.dma_semaphore, #tpu.memory_space<semaphore_mem>>) {add = true}
    }
    %dma_wait3A_78 = arith.constant 1 : i32
    %dma_wait3A_79 = arith.constant 0 : i32
    %dma_wait3A_80 = arith.constant 0 : i32
    %dma_wait3A_81 = tpu.memref_slice %arg6[%dma_wait3A_78, %dma_wait3A_80] : memref<2x120xi32, #tpu.memory_space<vmem>> -> memref<1x120xi32, #tpu.memory_space<vmem>>
    %dma_wait3A_82 = tpu.memref_squeeze %dma_wait3A_81 : memref<1x120xi32, #tpu.memory_space<vmem>> -> memref<120xi32, #tpu.memory_space<vmem>>
    %dma_wait3A_83 = arith.constant 0 : i32
    %dma_wait3A_84 = arith.constant 0 : i32
    %dma_wait3A_85 = tpu.memref_slice %arg15[%dma_wait3A_83, %dma_wait3A_84] : memref<10112x128xf32, #tpu.memory_space<vmem_shared>> -> memref<10112x128xf32, #tpu.memory_space<vmem_shared>>
    %dma_wait3A_86 = tpu.memref_slice %arg18[%dma_wait3A_79] : memref<3x!tpu.dma_semaphore, #tpu.memory_space<semaphore_mem>> -> memref<1x!tpu.dma_semaphore, #tpu.memory_space<semaphore_mem>>
    %dma_wait3A_87 = tpu.memref_squeeze %dma_wait3A_86 : memref<1x!tpu.dma_semaphore, #tpu.memory_space<semaphore_mem>> -> memref<!tpu.dma_semaphore, #tpu.memory_space<semaphore_mem>>
    tpu.wait_indirect_dma semaphore(%dma_wait3A_87 : memref<!tpu.dma_semaphore, #tpu.memory_space<semaphore_mem>>) src(%arg12 : memref<120x128xf32, #tpu.memory_space<vmem>>) dst(%dma_wait3A_85 : memref<10112x128xf32, #tpu.memory_space<vmem_shared>>)
    %dma_wait3A_88 = arith.constant 1 : i32
    %dma_wait3A_89 = arith.constant 1 : i32
    %dma_wait3A_90 = arith.constant 0 : i32
    %dma_wait3A_91 = tpu.memref_slice %arg6[%dma_wait3A_88, %dma_wait3A_90] : memref<2x120xi32, #tpu.memory_space<vmem>> -> memref<1x120xi32, #tpu.memory_space<vmem>>
    %dma_wait3A_92 = tpu.memref_squeeze %dma_wait3A_91 : memref<1x120xi32, #tpu.memory_space<vmem>> -> memref<120xi32, #tpu.memory_space<vmem>>
    %dma_wait3A_93 = arith.constant 0 : i32
    %dma_wait3A_94 = arith.constant 0 : i32
    %dma_wait3A_95 = tpu.memref_slice %arg15[%dma_wait3A_93, %dma_wait3A_94] : memref<10112x128xf32, #tpu.memory_space<vmem_shared>> -> memref<10112x128xf32, #tpu.memory_space<vmem_shared>>
    %dma_wait3A_96 = tpu.memref_slice %arg18[%dma_wait3A_89] : memref<3x!tpu.dma_semaphore, #tpu.memory_space<semaphore_mem>> -> memref<1x!tpu.dma_semaphore, #tpu.memory_space<semaphore_mem>>
    %dma_wait3A_97 = tpu.memref_squeeze %dma_wait3A_96 : memref<1x!tpu.dma_semaphore, #tpu.memory_space<semaphore_mem>> -> memref<!tpu.dma_semaphore, #tpu.memory_space<semaphore_mem>>
    tpu.wait_indirect_dma semaphore(%dma_wait3A_97 : memref<!tpu.dma_semaphore, #tpu.memory_space<semaphore_mem>>) src(%arg13 : memref<120x128xf32, #tpu.memory_space<vmem>>) dst(%dma_wait3A_95 : memref<10112x128xf32, #tpu.memory_space<vmem_shared>>)
    %dma_wait3A_98 = arith.constant 1 : i32
    %dma_wait3A_99 = arith.constant 2 : i32
    %dma_wait3A_100 = arith.constant 0 : i32
    %dma_wait3A_101 = tpu.memref_slice %arg6[%dma_wait3A_98, %dma_wait3A_100] : memref<2x120xi32, #tpu.memory_space<vmem>> -> memref<1x120xi32, #tpu.memory_space<vmem>>
    %dma_wait3A_102 = tpu.memref_squeeze %dma_wait3A_101 : memref<1x120xi32, #tpu.memory_space<vmem>> -> memref<120xi32, #tpu.memory_space<vmem>>
    %dma_wait3A_103 = arith.constant 0 : i32
    %dma_wait3A_104 = arith.constant 0 : i32
    %dma_wait3A_105 = tpu.memref_slice %arg15[%dma_wait3A_103, %dma_wait3A_104] : memref<10112x128xf32, #tpu.memory_space<vmem_shared>> -> memref<10112x128xf32, #tpu.memory_space<vmem_shared>>
    %dma_wait3A_106 = tpu.memref_slice %arg18[%dma_wait3A_99] : memref<3x!tpu.dma_semaphore, #tpu.memory_space<semaphore_mem>> -> memref<1x!tpu.dma_semaphore, #tpu.memory_space<semaphore_mem>>
    %dma_wait3A_107 = tpu.memref_squeeze %dma_wait3A_106 : memref<1x!tpu.dma_semaphore, #tpu.memory_space<semaphore_mem>> -> memref<!tpu.dma_semaphore, #tpu.memory_space<semaphore_mem>>
    tpu.wait_indirect_dma semaphore(%dma_wait3A_107 : memref<!tpu.dma_semaphore, #tpu.memory_space<semaphore_mem>>) src(%arg14 : memref<120x128xf32, #tpu.memory_space<vmem>>) dst(%dma_wait3A_105 : memref<10112x128xf32, #tpu.memory_space<vmem_shared>>)
    %barrier3A_108 = arith.constant 0 : index
    tpu.barrier barrier_id(%barrier3A_108)
    %mul3A_109 = arith.constant 10112 : i32
    %mul3A_110 = arith.muli %arg0, %mul3A_109 : i32
    %add3A_111 = arith.addi %mul3A_110, %mul3A_50 : i32
    "tpu.region"() ({
      %run_scoped3A = tpu.sem_alloc : memref<!tpu.dma_semaphore, #tpu.memory_space<semaphore_mem>>
      %dma_start3A_112 = arith.constant 0 : i32
      %dma_start3A_113 = tpu.memref_slice %arg5[%add3A_111, %dma_start3A_112] : memref<20224x128xf32, #tpu.memory_space<hbm>> -> memref<632x128xf32, #tpu.memory_space<hbm>>
      %dma_start3A_114 = arith.constant 0 : i32
      %dma_start3A_115 = tpu.memref_slice %arg15[%mul3A_50, %dma_start3A_114] : memref<10112x128xf32, #tpu.memory_space<vmem_shared>> -> memref<632x128xf32, #tpu.memory_space<vmem_shared>>
      tpu.enqueue_dma source(%dma_start3A_115 : memref<632x128xf32, #tpu.memory_space<vmem_shared>>) target(%dma_start3A_113 : memref<632x128xf32, #tpu.memory_space<hbm>>) target_semaphore(%run_scoped3A : memref<!tpu.dma_semaphore, #tpu.memory_space<semaphore_mem>>)
      %dma_wait3A_116 = arith.constant 0 : i32
      %dma_wait3A_117 = tpu.memref_slice %arg5[%add3A_111, %dma_wait3A_116] : memref<20224x128xf32, #tpu.memory_space<hbm>> -> memref<632x128xf32, #tpu.memory_space<hbm>>
      %dma_wait3A_118 = arith.constant 0 : i32
      %dma_wait3A_119 = tpu.memref_slice %arg15[%mul3A_50, %dma_wait3A_118] : memref<10112x128xf32, #tpu.memory_space<vmem_shared>> -> memref<632x128xf32, #tpu.memory_space<vmem_shared>>
      tpu.wait_dma2 semaphore(%run_scoped3A : memref<!tpu.dma_semaphore, #tpu.memory_space<semaphore_mem>>) src(%dma_wait3A_119 : memref<632x128xf32, #tpu.memory_space<vmem_shared>>) dst(%dma_wait3A_117 : memref<632x128xf32, #tpu.memory_space<hbm>>)
      tpu.yield
    }) : () -> ()
    return
  }
}

#map = affine_map<(d0, d1) -> (0, 0)>
#map1 = affine_map<(d0, d1) -> (0, 0, 0)>
module attributes {stable_mosaic.version = 14 : i64} {
  func.func @_sc_agg(%arg0: i32, %arg1: i32, %arg2: memref<10112x128xf32, #tpu.memory_space<hbm>>, %arg3: memref<2688x2x120xi32, #tpu.memory_space<hbm>>, %arg4: memref<10112x128xf32, #tpu.memory_space<hbm>>, %arg5: memref<20224x128xf32, #tpu.memory_space<hbm>>, %arg6: memref<2x120xi32, #tpu.memory_space<vmem>>, %arg7: memref<2x120xi32, #tpu.memory_space<vmem>>, %arg8: memref<2x120xi32, #tpu.memory_space<vmem>>, %arg9: memref<2x120xi32, #tpu.memory_space<vmem>>, %arg10: memref<2x120xi32, #tpu.memory_space<vmem>>, %arg11: memref<2x120xi32, #tpu.memory_space<vmem>>, %arg12: memref<120x128xf32, #tpu.memory_space<vmem>>, %arg13: memref<120x128xf32, #tpu.memory_space<vmem>>, %arg14: memref<120x128xf32, #tpu.memory_space<vmem>>, %arg15: memref<10112x128xf32, #tpu.memory_space<vmem_shared>>, %arg16: memref<6x!tpu.dma_semaphore, #tpu.memory_space<semaphore_mem>>, %arg17: memref<3x!tpu.dma_semaphore, #tpu.memory_space<semaphore_mem>>, %arg18: memref<3x!tpu.dma_semaphore, #tpu.memory_space<semaphore_mem>>) attributes {dimension_semantics = [#tpu.dimension_semantics<core_parallel>, #tpu.dimension_semantics<subcore_parallel>], iteration_bounds = array<i64: 2, 16>, scalar_prefetch = 0 : i64, scratch_operands = 13 : i64, tpu.core_type = #tpu.core_type<sc_vector_subcore>, window_params = [{transform_indices = #map}, {transform_indices = #map1}, {transform_indices = #map}, {transform_indices = #map}]} {
    %eq3A = arith.constant 0 : i32
    %eq3A_0 = arith.cmpi eq, %arg0, %eq3A : i32
    %jit3A = arith.constant 156 : i32
    %jit3A_1 = arith.constant 12 : i32
    %select_n3A = arith.select %eq3A_0, %jit3A, %jit3A_1 : i32
    %mul3A = arith.constant 16 : i32
    %mul3A_2 = arith.muli %arg0, %mul3A : i32
    %mul3A_3 = arith.constant 156 : i32
    %mul3A_4 = arith.muli %mul3A_2, %mul3A_3 : i32
    %mul3A_5 = arith.muli %arg1, %select_n3A : i32
    %add3A = arith.addi %mul3A_4, %mul3A_5 : i32
    %dma_start3A = arith.constant 0 : i32
    %dma_start3A_6 = arith.constant 0 : i32
    %dma_start3A_7 = arith.constant 0 : i32
    %dma_start3A_8 = tpu.memref_slice %arg3[%add3A, %dma_start3A_6, %dma_start3A_7] : memref<2688x2x120xi32, #tpu.memory_space<hbm>> -> memref<1x2x120xi32, #tpu.memory_space<hbm>>
    %dma_start3A_9 = tpu.memref_squeeze %dma_start3A_8 : memref<1x2x120xi32, #tpu.memory_space<hbm>> -> memref<2x120xi32, #tpu.memory_space<hbm>>
    %dma_start3A_10 = tpu.memref_slice %arg16[%dma_start3A] : memref<6x!tpu.dma_semaphore, #tpu.memory_space<semaphore_mem>> -> memref<1x!tpu.dma_semaphore, #tpu.memory_space<semaphore_mem>>
    %dma_start3A_11 = tpu.memref_squeeze %dma_start3A_10 : memref<1x!tpu.dma_semaphore, #tpu.memory_space<semaphore_mem>> -> memref<!tpu.dma_semaphore, #tpu.memory_space<semaphore_mem>>
    %dma_start3A_12 = arith.constant 0 : i32
    %dma_start3A_13 = arith.constant 0 : i32
    %dma_start3A_14 = tpu.memref_slice %arg3[%add3A, %dma_start3A_12, %dma_start3A_13] : memref<2688x2x120xi32, #tpu.memory_space<hbm>> -> memref<1x2x120xi32, #tpu.memory_space<hbm>>
    %dma_start3A_15 = tpu.memref_squeeze %dma_start3A_14 : memref<1x2x120xi32, #tpu.memory_space<hbm>> -> memref<2x120xi32, #tpu.memory_space<hbm>>
    tpu.enqueue_dma source(%dma_start3A_15 : memref<2x120xi32, #tpu.memory_space<hbm>>) target(%arg6 : memref<2x120xi32, #tpu.memory_space<vmem>>) target_semaphore(%dma_start3A_11 : memref<!tpu.dma_semaphore, #tpu.memory_space<semaphore_mem>>)
    %add3A_16 = arith.constant 1 : i32
    %add3A_17 = arith.addi %add3A, %add3A_16 : i32
    %dma_start3A_18 = arith.constant 1 : i32
    %dma_start3A_19 = arith.constant 0 : i32
    %dma_start3A_20 = arith.constant 0 : i32
    %dma_start3A_21 = tpu.memref_slice %arg3[%add3A_17, %dma_start3A_19, %dma_start3A_20] : memref<2688x2x120xi32, #tpu.memory_space<hbm>> -> memref<1x2x120xi32, #tpu.memory_space<hbm>>
    %dma_start3A_22 = tpu.memref_squeeze %dma_start3A_21 : memref<1x2x120xi32, #tpu.memory_space<hbm>> -> memref<2x120xi32, #tpu.memory_space<hbm>>
    %dma_start3A_23 = tpu.memref_slice %arg16[%dma_start3A_18] : memref<6x!tpu.dma_semaphore, #tpu.memory_space<semaphore_mem>> -> memref<1x!tpu.dma_semaphore, #tpu.memory_space<semaphore_mem>>
    %dma_start3A_24 = tpu.memref_squeeze %dma_start3A_23 : memref<1x!tpu.dma_semaphore, #tpu.memory_space<semaphore_mem>> -> memref<!tpu.dma_semaphore, #tpu.memory_space<semaphore_mem>>
    %dma_start3A_25 = arith.constant 0 : i32
    %dma_start3A_26 = arith.constant 0 : i32
    %dma_start3A_27 = tpu.memref_slice %arg3[%add3A_17, %dma_start3A_25, %dma_start3A_26] : memref<2688x2x120xi32, #tpu.memory_space<hbm>> -> memref<1x2x120xi32, #tpu.memory_space<hbm>>
    %dma_start3A_28 = tpu.memref_squeeze %dma_start3A_27 : memref<1x2x120xi32, #tpu.memory_space<hbm>> -> memref<2x120xi32, #tpu.memory_space<hbm>>
    tpu.enqueue_dma source(%dma_start3A_28 : memref<2x120xi32, #tpu.memory_space<hbm>>) target(%arg7 : memref<2x120xi32, #tpu.memory_space<vmem>>) target_semaphore(%dma_start3A_24 : memref<!tpu.dma_semaphore, #tpu.memory_space<semaphore_mem>>)
    %dma_wait3A = arith.constant 0 : i32
    %dma_wait3A_29 = arith.constant 0 : i32
    %dma_wait3A_30 = arith.constant 0 : i32
    %dma_wait3A_31 = tpu.memref_slice %arg3[%add3A, %dma_wait3A_29, %dma_wait3A_30] : memref<2688x2x120xi32, #tpu.memory_space<hbm>> -> memref<1x2x120xi32, #tpu.memory_space<hbm>>
    %dma_wait3A_32 = tpu.memref_squeeze %dma_wait3A_31 : memref<1x2x120xi32, #tpu.memory_space<hbm>> -> memref<2x120xi32, #tpu.memory_space<hbm>>
    %dma_wait3A_33 = tpu.memref_slice %arg16[%dma_wait3A] : memref<6x!tpu.dma_semaphore, #tpu.memory_space<semaphore_mem>> -> memref<1x!tpu.dma_semaphore, #tpu.memory_space<semaphore_mem>>
    %dma_wait3A_34 = tpu.memref_squeeze %dma_wait3A_33 : memref<1x!tpu.dma_semaphore, #tpu.memory_space<semaphore_mem>> -> memref<!tpu.dma_semaphore, #tpu.memory_space<semaphore_mem>>
    %dma_wait3A_35 = arith.constant 0 : i32
    %dma_wait3A_36 = arith.constant 0 : i32
    %dma_wait3A_37 = tpu.memref_slice %arg3[%add3A, %dma_wait3A_35, %dma_wait3A_36] : memref<2688x2x120xi32, #tpu.memory_space<hbm>> -> memref<1x2x120xi32, #tpu.memory_space<hbm>>
    %dma_wait3A_38 = tpu.memref_squeeze %dma_wait3A_37 : memref<1x2x120xi32, #tpu.memory_space<hbm>> -> memref<2x120xi32, #tpu.memory_space<hbm>>
    tpu.wait_dma2 semaphore(%dma_wait3A_34 : memref<!tpu.dma_semaphore, #tpu.memory_space<semaphore_mem>>) src(%dma_wait3A_38 : memref<2x120xi32, #tpu.memory_space<hbm>>) dst(%arg6 : memref<2x120xi32, #tpu.memory_space<vmem>>)
    %dma_start3A_39 = arith.constant 0 : i32
    %dma_start3A_40 = arith.constant 0 : i32
    %dma_start3A_41 = arith.constant 0 : i32
    %dma_start3A_42 = tpu.memref_slice %arg6[%dma_start3A_39, %dma_start3A_41] : memref<2x120xi32, #tpu.memory_space<vmem>> -> memref<1x120xi32, #tpu.memory_space<vmem>>
    %dma_start3A_43 = tpu.memref_squeeze %dma_start3A_42 : memref<1x120xi32, #tpu.memory_space<vmem>> -> memref<120xi32, #tpu.memory_space<vmem>>
    %dma_start3A_44 = arith.constant 0 : i32
    %dma_start3A_45 = arith.constant 0 : i32
    %dma_start3A_46 = tpu.memref_slice %arg2[%dma_start3A_44, %dma_start3A_45] : memref<10112x128xf32, #tpu.memory_space<hbm>> -> memref<10112x128xf32, #tpu.memory_space<hbm>>
    %dma_start3A_47 = tpu.memref_slice %arg17[%dma_start3A_40] : memref<3x!tpu.dma_semaphore, #tpu.memory_space<semaphore_mem>> -> memref<1x!tpu.dma_semaphore, #tpu.memory_space<semaphore_mem>>
    %dma_start3A_48 = tpu.memref_squeeze %dma_start3A_47 : memref<1x!tpu.dma_semaphore, #tpu.memory_space<semaphore_mem>> -> memref<!tpu.dma_semaphore, #tpu.memory_space<semaphore_mem>>
    tpu.enqueue_indirect_dma source(%dma_start3A_46 : memref<10112x128xf32, #tpu.memory_space<hbm>>) target(%arg12 : memref<120x128xf32, #tpu.memory_space<vmem>>) offsets(%dma_start3A_43 : memref<120xi32, #tpu.memory_space<vmem>>) semaphore(%dma_start3A_48 : memref<!tpu.dma_semaphore, #tpu.memory_space<semaphore_mem>>)
    %mul3A_49 = arith.constant 632 : i32
    %mul3A_50 = arith.muli %arg1, %mul3A_49 : i32
    "tpu.region"() ({
      %run_scoped3A = tpu.sem_alloc : memref<!tpu.dma_semaphore, #tpu.memory_space<semaphore_mem>>
      %dma_start3A_112 = arith.constant 0 : i32
      %dma_start3A_113 = tpu.memref_slice %arg15[%mul3A_50, %dma_start3A_112] : memref<10112x128xf32, #tpu.memory_space<vmem_shared>> -> memref<632x128xf32, #tpu.memory_space<vmem_shared>>
      %dma_start3A_114 = arith.constant 0 : i32
      %dma_start3A_115 = tpu.memref_slice %arg4[%mul3A_50, %dma_start3A_114] : memref<10112x128xf32, #tpu.memory_space<hbm>> -> memref<632x128xf32, #tpu.memory_space<hbm>>
      tpu.enqueue_dma source(%dma_start3A_115 : memref<632x128xf32, #tpu.memory_space<hbm>>) target(%dma_start3A_113 : memref<632x128xf32, #tpu.memory_space<vmem_shared>>) target_semaphore(%run_scoped3A : memref<!tpu.dma_semaphore, #tpu.memory_space<semaphore_mem>>)
      %dma_wait3A_116 = arith.constant 0 : i32
      %dma_wait3A_117 = tpu.memref_slice %arg15[%mul3A_50, %dma_wait3A_116] : memref<10112x128xf32, #tpu.memory_space<vmem_shared>> -> memref<632x128xf32, #tpu.memory_space<vmem_shared>>
      %dma_wait3A_118 = arith.constant 0 : i32
      %dma_wait3A_119 = tpu.memref_slice %arg4[%mul3A_50, %dma_wait3A_118] : memref<10112x128xf32, #tpu.memory_space<hbm>> -> memref<632x128xf32, #tpu.memory_space<hbm>>
      tpu.wait_dma2 semaphore(%run_scoped3A : memref<!tpu.dma_semaphore, #tpu.memory_space<semaphore_mem>>) src(%dma_wait3A_119 : memref<632x128xf32, #tpu.memory_space<hbm>>) dst(%dma_wait3A_117 : memref<632x128xf32, #tpu.memory_space<vmem_shared>>)
      tpu.yield
    }) : () -> ()
    %barrier3A = arith.constant 0 : index
    tpu.barrier barrier_id(%barrier3A)
    %jit3A_51 = arith.constant 6 : i32
    %div3A = arith.divsi %select_n3A, %jit3A_51 : i32
    %sign3A = arith.constant 0 : i32
    %sign3A_52 = arith.cmpi sgt, %select_n3A, %sign3A : i32
    %sign3A_53 = arith.extui %sign3A_52 : i1 to i32
    %sign3A_54 = arith.constant 0 : i32
    %sign3A_55 = arith.cmpi slt, %select_n3A, %sign3A_54 : i32
    %sign3A_56 = arith.extui %sign3A_55 : i1 to i32
    %sign3A_57 = arith.subi %sign3A_53, %sign3A_56 : i32
    %sign3A_58 = arith.constant 0 : i32
    %sign3A_59 = arith.cmpi sgt, %jit3A_51, %sign3A_58 : i32
    %sign3A_60 = arith.extui %sign3A_59 : i1 to i32
    %sign3A_61 = arith.constant 0 : i32
    %sign3A_62 = arith.cmpi slt, %jit3A_51, %sign3A_61 : i32
    %sign3A_63 = arith.extui %sign3A_62 : i1 to i32
    %sign3A_64 = arith.subi %sign3A_60, %sign3A_63 : i32
    %ne3A = arith.cmpi ne, %sign3A_57, %sign3A_64 : i32
    %rem3A = arith.remsi %select_n3A, %jit3A_51 : i32
    %ne3A_65 = arith.constant 0 : i32
    %ne3A_66 = arith.cmpi ne, %rem3A, %ne3A_65 : i32
    %and3A = arith.andi %ne3A, %ne3A_66 : i1
    %sub3A = arith.constant 1 : i32
    %sub3A_67 = arith.subi %div3A, %sub3A : i32
    %select_n3A_68 = arith.select %and3A, %sub3A_67, %div3A : i32
    %while3A = arith.constant 0 : i32
    %while3A_69 = arith.constant 0 : i32
    %while3A_70 = arith.subi %select_n3A_68, %while3A_69 : i32
    %while3A_71 = arith.addi %while3A_69, %while3A_70 : i32
    %while3A_72 = arith.constant 1 : i32
    %while3A_73 = arith.divsi %while3A_70, %while3A_72 : i32
    %while3A_74 = arith.muli %while3A_73, %while3A_72 : i32
    %while3A_75 = arith.addi %while3A_69, %while3A_74 : i32
    %while3A_76 = arith.constant 1 : i32
    scf.for %while3A_112 = %while3A_69 to %while3A_75 step %while3A_76  : i32 {
      %mul3A_113 = arith.constant 6 : i32
      %mul3A_114 = arith.muli %while3A_112, %mul3A_113 : i32
      %add3A_115 = arith.constant 0 : i32
      %add3A_116 = arith.addi %mul3A_114, %add3A_115 : i32
      %add3A_117 = arith.constant 2 : i32
      %add3A_118 = arith.addi %add3A_116, %add3A_117 : i32
      %lt3A = arith.cmpi slt, %add3A_118, %select_n3A : i32
      %convert_element_type3A = arith.extui %lt3A : i1 to i32
      %cond3A = arith.constant 0 : i32
      %cond3A_119 = arith.cmpi ne, %convert_element_type3A, %cond3A : i32
      scf.if %cond3A_119 {
        %add3A_379 = arith.addi %add3A, %add3A_116 : i32
        %add3A_380 = arith.constant 2 : i32
        %add3A_381 = arith.addi %add3A_379, %add3A_380 : i32
        %dma_start3A_382 = arith.constant 2 : i32
        %dma_start3A_383 = arith.constant 0 : i32
        %dma_start3A_384 = arith.constant 0 : i32
        %dma_start3A_385 = tpu.memref_slice %arg3[%add3A_381, %dma_start3A_383, %dma_start3A_384] : memref<2688x2x120xi32, #tpu.memory_space<hbm>> -> memref<1x2x120xi32, #tpu.memory_space<hbm>>
        %dma_start3A_386 = tpu.memref_squeeze %dma_start3A_385 : memref<1x2x120xi32, #tpu.memory_space<hbm>> -> memref<2x120xi32, #tpu.memory_space<hbm>>
        %dma_start3A_387 = tpu.memref_slice %arg16[%dma_start3A_382] : memref<6x!tpu.dma_semaphore, #tpu.memory_space<semaphore_mem>> -> memref<1x!tpu.dma_semaphore, #tpu.memory_space<semaphore_mem>>
        %dma_start3A_388 = tpu.memref_squeeze %dma_start3A_387 : memref<1x!tpu.dma_semaphore, #tpu.memory_space<semaphore_mem>> -> memref<!tpu.dma_semaphore, #tpu.memory_space<semaphore_mem>>
        %dma_start3A_389 = arith.constant 0 : i32
        %dma_start3A_390 = arith.constant 0 : i32
        %dma_start3A_391 = tpu.memref_slice %arg3[%add3A_381, %dma_start3A_389, %dma_start3A_390] : memref<2688x2x120xi32, #tpu.memory_space<hbm>> -> memref<1x2x120xi32, #tpu.memory_space<hbm>>
        %dma_start3A_392 = tpu.memref_squeeze %dma_start3A_391 : memref<1x2x120xi32, #tpu.memory_space<hbm>> -> memref<2x120xi32, #tpu.memory_space<hbm>>
        tpu.enqueue_dma source(%dma_start3A_392 : memref<2x120xi32, #tpu.memory_space<hbm>>) target(%arg8 : memref<2x120xi32, #tpu.memory_space<vmem>>) target_semaphore(%dma_start3A_388 : memref<!tpu.dma_semaphore, #tpu.memory_space<semaphore_mem>>)
      } else {
      }
      %add3A_120 = arith.constant 1 : i32
      %add3A_121 = arith.addi %add3A_116, %add3A_120 : i32
      %lt3A_122 = arith.cmpi slt, %add3A_121, %select_n3A : i32
      %ge3A = arith.constant 2 : i32
      %ge3A_123 = arith.cmpi sge, %add3A_116, %ge3A : i32
      %and3A_124 = arith.andi %lt3A_122, %ge3A_123 : i1
      %convert_element_type3A_125 = arith.extui %and3A_124 : i1 to i32
      %cond3A_126 = arith.constant 0 : i32
      %cond3A_127 = arith.cmpi ne, %convert_element_type3A_125, %cond3A_126 : i32
      scf.if %cond3A_127 {
        %dma_wait3A_379 = arith.constant 1 : i32
        %dma_wait3A_380 = arith.constant 1 : i32
        %dma_wait3A_381 = arith.constant 0 : i32
        %dma_wait3A_382 = tpu.memref_slice %arg6[%dma_wait3A_379, %dma_wait3A_381] : memref<2x120xi32, #tpu.memory_space<vmem>> -> memref<1x120xi32, #tpu.memory_space<vmem>>
        %dma_wait3A_383 = tpu.memref_squeeze %dma_wait3A_382 : memref<1x120xi32, #tpu.memory_space<vmem>> -> memref<120xi32, #tpu.memory_space<vmem>>
        %dma_wait3A_384 = arith.constant 0 : i32
        %dma_wait3A_385 = arith.constant 0 : i32
        %dma_wait3A_386 = tpu.memref_slice %arg15[%dma_wait3A_384, %dma_wait3A_385] : memref<10112x128xf32, #tpu.memory_space<vmem_shared>> -> memref<10112x128xf32, #tpu.memory_space<vmem_shared>>
        %dma_wait3A_387 = tpu.memref_slice %arg18[%dma_wait3A_380] : memref<3x!tpu.dma_semaphore, #tpu.memory_space<semaphore_mem>> -> memref<1x!tpu.dma_semaphore, #tpu.memory_space<semaphore_mem>>
        %dma_wait3A_388 = tpu.memref_squeeze %dma_wait3A_387 : memref<1x!tpu.dma_semaphore, #tpu.memory_space<semaphore_mem>> -> memref<!tpu.dma_semaphore, #tpu.memory_space<semaphore_mem>>
        tpu.wait_indirect_dma semaphore(%dma_wait3A_388 : memref<!tpu.dma_semaphore, #tpu.memory_space<semaphore_mem>>) src(%arg13 : memref<120x128xf32, #tpu.memory_space<vmem>>) dst(%dma_wait3A_386 : memref<10112x128xf32, #tpu.memory_space<vmem_shared>>)
      } else {
      }
      %add3A_128 = arith.constant 1 : i32
      %add3A_129 = arith.addi %add3A_116, %add3A_128 : i32
      %lt3A_130 = arith.cmpi slt, %add3A_129, %select_n3A : i32
      %convert_element_type3A_131 = arith.extui %lt3A_130 : i1 to i32
      %cond3A_132 = arith.constant 0 : i32
      %cond3A_133 = arith.cmpi ne, %convert_element_type3A_131, %cond3A_132 : i32
      scf.if %cond3A_133 {
        %dma_wait3A_379 = arith.constant 1 : i32
        %dma_wait3A_380 = arith.constant 0 : i32
        %dma_wait3A_381 = arith.constant 0 : i32
        %dma_wait3A_382 = tpu.memref_slice %arg3[%add3A, %dma_wait3A_380, %dma_wait3A_381] : memref<2688x2x120xi32, #tpu.memory_space<hbm>> -> memref<1x2x120xi32, #tpu.memory_space<hbm>>
        %dma_wait3A_383 = tpu.memref_squeeze %dma_wait3A_382 : memref<1x2x120xi32, #tpu.memory_space<hbm>> -> memref<2x120xi32, #tpu.memory_space<hbm>>
        %dma_wait3A_384 = tpu.memref_slice %arg16[%dma_wait3A_379] : memref<6x!tpu.dma_semaphore, #tpu.memory_space<semaphore_mem>> -> memref<1x!tpu.dma_semaphore, #tpu.memory_space<semaphore_mem>>
        %dma_wait3A_385 = tpu.memref_squeeze %dma_wait3A_384 : memref<1x!tpu.dma_semaphore, #tpu.memory_space<semaphore_mem>> -> memref<!tpu.dma_semaphore, #tpu.memory_space<semaphore_mem>>
        %dma_wait3A_386 = arith.constant 0 : i32
        %dma_wait3A_387 = arith.constant 0 : i32
        %dma_wait3A_388 = tpu.memref_slice %arg3[%add3A, %dma_wait3A_386, %dma_wait3A_387] : memref<2688x2x120xi32, #tpu.memory_space<hbm>> -> memref<1x2x120xi32, #tpu.memory_space<hbm>>
        %dma_wait3A_389 = tpu.memref_squeeze %dma_wait3A_388 : memref<1x2x120xi32, #tpu.memory_space<hbm>> -> memref<2x120xi32, #tpu.memory_space<hbm>>
        tpu.wait_dma2 semaphore(%dma_wait3A_385 : memref<!tpu.dma_semaphore, #tpu.memory_space<semaphore_mem>>) src(%dma_wait3A_389 : memref<2x120xi32, #tpu.memory_space<hbm>>) dst(%arg7 : memref<2x120xi32, #tpu.memory_space<vmem>>)
        %dma_start3A_390 = arith.constant 0 : i32
        %dma_start3A_391 = arith.constant 1 : i32
        %dma_start3A_392 = arith.constant 0 : i32
        %dma_start3A_393 = tpu.memref_slice %arg7[%dma_start3A_390, %dma_start3A_392] : memref<2x120xi32, #tpu.memory_space<vmem>> -> memref<1x120xi32, #tpu.memory_space<vmem>>
        %dma_start3A_394 = tpu.memref_squeeze %dma_start3A_393 : memref<1x120xi32, #tpu.memory_space<vmem>> -> memref<120xi32, #tpu.memory_space<vmem>>
        %dma_start3A_395 = arith.constant 0 : i32
        %dma_start3A_396 = arith.constant 0 : i32
        %dma_start3A_397 = tpu.memref_slice %arg2[%dma_start3A_395, %dma_start3A_396] : memref<10112x128xf32, #tpu.memory_space<hbm>> -> memref<10112x128xf32, #tpu.memory_space<hbm>>
        %dma_start3A_398 = tpu.memref_slice %arg17[%dma_start3A_391] : memref<3x!tpu.dma_semaphore, #tpu.memory_space<semaphore_mem>> -> memref<1x!tpu.dma_semaphore, #tpu.memory_space<semaphore_mem>>
        %dma_start3A_399 = tpu.memref_squeeze %dma_start3A_398 : memref<1x!tpu.dma_semaphore, #tpu.memory_space<semaphore_mem>> -> memref<!tpu.dma_semaphore, #tpu.memory_space<semaphore_mem>>
        tpu.enqueue_indirect_dma source(%dma_start3A_397 : memref<10112x128xf32, #tpu.memory_space<hbm>>) target(%arg13 : memref<120x128xf32, #tpu.memory_space<vmem>>) offsets(%dma_start3A_394 : memref<120xi32, #tpu.memory_space<vmem>>) semaphore(%dma_start3A_399 : memref<!tpu.dma_semaphore, #tpu.memory_space<semaphore_mem>>)
      } else {
      }
      %dma_wait3A_134 = arith.constant 0 : i32
      %dma_wait3A_135 = arith.constant 0 : i32
      %dma_wait3A_136 = arith.constant 0 : i32
      %dma_wait3A_137 = tpu.memref_slice %arg6[%dma_wait3A_134, %dma_wait3A_136] : memref<2x120xi32, #tpu.memory_space<vmem>> -> memref<1x120xi32, #tpu.memory_space<vmem>>
      %dma_wait3A_138 = tpu.memref_squeeze %dma_wait3A_137 : memref<1x120xi32, #tpu.memory_space<vmem>> -> memref<120xi32, #tpu.memory_space<vmem>>
      %dma_wait3A_139 = arith.constant 0 : i32
      %dma_wait3A_140 = arith.constant 0 : i32
      %dma_wait3A_141 = tpu.memref_slice %arg2[%dma_wait3A_139, %dma_wait3A_140] : memref<10112x128xf32, #tpu.memory_space<hbm>> -> memref<10112x128xf32, #tpu.memory_space<hbm>>
      %dma_wait3A_142 = tpu.memref_slice %arg17[%dma_wait3A_135] : memref<3x!tpu.dma_semaphore, #tpu.memory_space<semaphore_mem>> -> memref<1x!tpu.dma_semaphore, #tpu.memory_space<semaphore_mem>>
      %dma_wait3A_143 = tpu.memref_squeeze %dma_wait3A_142 : memref<1x!tpu.dma_semaphore, #tpu.memory_space<semaphore_mem>> -> memref<!tpu.dma_semaphore, #tpu.memory_space<semaphore_mem>>
      tpu.wait_indirect_dma semaphore(%dma_wait3A_143 : memref<!tpu.dma_semaphore, #tpu.memory_space<semaphore_mem>>) src(%dma_wait3A_141 : memref<10112x128xf32, #tpu.memory_space<hbm>>) dst(%arg12 : memref<120x128xf32, #tpu.memory_space<vmem>>)
      %dma_start3A_144 = arith.constant 1 : i32
      %dma_start3A_145 = arith.constant 0 : i32
      %dma_start3A_146 = arith.constant 0 : i32
      %dma_start3A_147 = tpu.memref_slice %arg6[%dma_start3A_144, %dma_start3A_146] : memref<2x120xi32, #tpu.memory_space<vmem>> -> memref<1x120xi32, #tpu.memory_space<vmem>>
      %dma_start3A_148 = tpu.memref_squeeze %dma_start3A_147 : memref<1x120xi32, #tpu.memory_space<vmem>> -> memref<120xi32, #tpu.memory_space<vmem>>
      %dma_start3A_149 = arith.constant 0 : i32
      %dma_start3A_150 = arith.constant 0 : i32
      %dma_start3A_151 = tpu.memref_slice %arg15[%dma_start3A_149, %dma_start3A_150] : memref<10112x128xf32, #tpu.memory_space<vmem_shared>> -> memref<10112x128xf32, #tpu.memory_space<vmem_shared>>
      %dma_start3A_152 = tpu.memref_slice %arg18[%dma_start3A_145] : memref<3x!tpu.dma_semaphore, #tpu.memory_space<semaphore_mem>> -> memref<1x!tpu.dma_semaphore, #tpu.memory_space<semaphore_mem>>
      %dma_start3A_153 = tpu.memref_squeeze %dma_start3A_152 : memref<1x!tpu.dma_semaphore, #tpu.memory_space<semaphore_mem>> -> memref<!tpu.dma_semaphore, #tpu.memory_space<semaphore_mem>>
      tpu.enqueue_indirect_dma source(%arg12 : memref<120x128xf32, #tpu.memory_space<vmem>>) target(%dma_start3A_151 : memref<10112x128xf32, #tpu.memory_space<vmem_shared>>) offsets(%dma_start3A_148 : memref<120xi32, #tpu.memory_space<vmem>>) semaphore(%dma_start3A_153 : memref<!tpu.dma_semaphore, #tpu.memory_space<semaphore_mem>>) {add = true}
      %mul3A_154 = arith.constant 6 : i32
      %mul3A_155 = arith.muli %while3A_112, %mul3A_154 : i32
      %add3A_156 = arith.constant 1 : i32
      %add3A_157 = arith.addi %mul3A_155, %add3A_156 : i32
      %add3A_158 = arith.constant 2 : i32
      %add3A_159 = arith.addi %add3A_157, %add3A_158 : i32
      %lt3A_160 = arith.cmpi slt, %add3A_159, %select_n3A : i32
      %convert_element_type3A_161 = arith.extui %lt3A_160 : i1 to i32
      %cond3A_162 = arith.constant 0 : i32
      %cond3A_163 = arith.cmpi ne, %convert_element_type3A_161, %cond3A_162 : i32
      scf.if %cond3A_163 {
        %add3A_379 = arith.addi %add3A, %add3A_157 : i32
        %add3A_380 = arith.constant 2 : i32
        %add3A_381 = arith.addi %add3A_379, %add3A_380 : i32
        %dma_start3A_382 = arith.constant 3 : i32
        %dma_start3A_383 = arith.constant 0 : i32
        %dma_start3A_384 = arith.constant 0 : i32
        %dma_start3A_385 = tpu.memref_slice %arg3[%add3A_381, %dma_start3A_383, %dma_start3A_384] : memref<2688x2x120xi32, #tpu.memory_space<hbm>> -> memref<1x2x120xi32, #tpu.memory_space<hbm>>
        %dma_start3A_386 = tpu.memref_squeeze %dma_start3A_385 : memref<1x2x120xi32, #tpu.memory_space<hbm>> -> memref<2x120xi32, #tpu.memory_space<hbm>>
        %dma_start3A_387 = tpu.memref_slice %arg16[%dma_start3A_382] : memref<6x!tpu.dma_semaphore, #tpu.memory_space<semaphore_mem>> -> memref<1x!tpu.dma_semaphore, #tpu.memory_space<semaphore_mem>>
        %dma_start3A_388 = tpu.memref_squeeze %dma_start3A_387 : memref<1x!tpu.dma_semaphore, #tpu.memory_space<semaphore_mem>> -> memref<!tpu.dma_semaphore, #tpu.memory_space<semaphore_mem>>
        %dma_start3A_389 = arith.constant 0 : i32
        %dma_start3A_390 = arith.constant 0 : i32
        %dma_start3A_391 = tpu.memref_slice %arg3[%add3A_381, %dma_start3A_389, %dma_start3A_390] : memref<2688x2x120xi32, #tpu.memory_space<hbm>> -> memref<1x2x120xi32, #tpu.memory_space<hbm>>
        %dma_start3A_392 = tpu.memref_squeeze %dma_start3A_391 : memref<1x2x120xi32, #tpu.memory_space<hbm>> -> memref<2x120xi32, #tpu.memory_space<hbm>>
        tpu.enqueue_dma source(%dma_start3A_392 : memref<2x120xi32, #tpu.memory_space<hbm>>) target(%arg9 : memref<2x120xi32, #tpu.memory_space<vmem>>) target_semaphore(%dma_start3A_388 : memref<!tpu.dma_semaphore, #tpu.memory_space<semaphore_mem>>)
      } else {
      }
      %add3A_164 = arith.constant 1 : i32
      %add3A_165 = arith.addi %add3A_157, %add3A_164 : i32
      %lt3A_166 = arith.cmpi slt, %add3A_165, %select_n3A : i32
      %ge3A_167 = arith.constant 2 : i32
      %ge3A_168 = arith.cmpi sge, %add3A_157, %ge3A_167 : i32
      %and3A_169 = arith.andi %lt3A_166, %ge3A_168 : i1
      %convert_element_type3A_170 = arith.extui %and3A_169 : i1 to i32
      %cond3A_171 = arith.constant 0 : i32
      %cond3A_172 = arith.cmpi ne, %convert_element_type3A_170, %cond3A_171 : i32
      scf.if %cond3A_172 {
        %dma_wait3A_379 = arith.constant 1 : i32
        %dma_wait3A_380 = arith.constant 2 : i32
        %dma_wait3A_381 = arith.constant 0 : i32
        %dma_wait3A_382 = tpu.memref_slice %arg7[%dma_wait3A_379, %dma_wait3A_381] : memref<2x120xi32, #tpu.memory_space<vmem>> -> memref<1x120xi32, #tpu.memory_space<vmem>>
        %dma_wait3A_383 = tpu.memref_squeeze %dma_wait3A_382 : memref<1x120xi32, #tpu.memory_space<vmem>> -> memref<120xi32, #tpu.memory_space<vmem>>
        %dma_wait3A_384 = arith.constant 0 : i32
        %dma_wait3A_385 = arith.constant 0 : i32
        %dma_wait3A_386 = tpu.memref_slice %arg15[%dma_wait3A_384, %dma_wait3A_385] : memref<10112x128xf32, #tpu.memory_space<vmem_shared>> -> memref<10112x128xf32, #tpu.memory_space<vmem_shared>>
        %dma_wait3A_387 = tpu.memref_slice %arg18[%dma_wait3A_380] : memref<3x!tpu.dma_semaphore, #tpu.memory_space<semaphore_mem>> -> memref<1x!tpu.dma_semaphore, #tpu.memory_space<semaphore_mem>>
        %dma_wait3A_388 = tpu.memref_squeeze %dma_wait3A_387 : memref<1x!tpu.dma_semaphore, #tpu.memory_space<semaphore_mem>> -> memref<!tpu.dma_semaphore, #tpu.memory_space<semaphore_mem>>
        tpu.wait_indirect_dma semaphore(%dma_wait3A_388 : memref<!tpu.dma_semaphore, #tpu.memory_space<semaphore_mem>>) src(%arg14 : memref<120x128xf32, #tpu.memory_space<vmem>>) dst(%dma_wait3A_386 : memref<10112x128xf32, #tpu.memory_space<vmem_shared>>)
      } else {
      }
      %add3A_173 = arith.constant 1 : i32
      %add3A_174 = arith.addi %add3A_157, %add3A_173 : i32
      %lt3A_175 = arith.cmpi slt, %add3A_174, %select_n3A : i32
      %convert_element_type3A_176 = arith.extui %lt3A_175 : i1 to i32
      %cond3A_177 = arith.constant 0 : i32
      %cond3A_178 = arith.cmpi ne, %convert_element_type3A_176, %cond3A_177 : i32
      scf.if %cond3A_178 {
        %dma_wait3A_379 = arith.constant 2 : i32
        %dma_wait3A_380 = arith.constant 0 : i32
        %dma_wait3A_381 = arith.constant 0 : i32
        %dma_wait3A_382 = tpu.memref_slice %arg3[%add3A, %dma_wait3A_380, %dma_wait3A_381] : memref<2688x2x120xi32, #tpu.memory_space<hbm>> -> memref<1x2x120xi32, #tpu.memory_space<hbm>>
        %dma_wait3A_383 = tpu.memref_squeeze %dma_wait3A_382 : memref<1x2x120xi32, #tpu.memory_space<hbm>> -> memref<2x120xi32, #tpu.memory_space<hbm>>
        %dma_wait3A_384 = tpu.memref_slice %arg16[%dma_wait3A_379] : memref<6x!tpu.dma_semaphore, #tpu.memory_space<semaphore_mem>> -> memref<1x!tpu.dma_semaphore, #tpu.memory_space<semaphore_mem>>
        %dma_wait3A_385 = tpu.memref_squeeze %dma_wait3A_384 : memref<1x!tpu.dma_semaphore, #tpu.memory_space<semaphore_mem>> -> memref<!tpu.dma_semaphore, #tpu.memory_space<semaphore_mem>>
        %dma_wait3A_386 = arith.constant 0 : i32
        %dma_wait3A_387 = arith.constant 0 : i32
        %dma_wait3A_388 = tpu.memref_slice %arg3[%add3A, %dma_wait3A_386, %dma_wait3A_387] : memref<2688x2x120xi32, #tpu.memory_space<hbm>> -> memref<1x2x120xi32, #tpu.memory_space<hbm>>
        %dma_wait3A_389 = tpu.memref_squeeze %dma_wait3A_388 : memref<1x2x120xi32, #tpu.memory_space<hbm>> -> memref<2x120xi32, #tpu.memory_space<hbm>>
        tpu.wait_dma2 semaphore(%dma_wait3A_385 : memref<!tpu.dma_semaphore, #tpu.memory_space<semaphore_mem>>) src(%dma_wait3A_389 : memref<2x120xi32, #tpu.memory_space<hbm>>) dst(%arg8 : memref<2x120xi32, #tpu.memory_space<vmem>>)
        %dma_start3A_390 = arith.constant 0 : i32
        %dma_start3A_391 = arith.constant 2 : i32
        %dma_start3A_392 = arith.constant 0 : i32
        %dma_start3A_393 = tpu.memref_slice %arg8[%dma_start3A_390, %dma_start3A_392] : memref<2x120xi32, #tpu.memory_space<vmem>> -> memref<1x120xi32, #tpu.memory_space<vmem>>
        %dma_start3A_394 = tpu.memref_squeeze %dma_start3A_393 : memref<1x120xi32, #tpu.memory_space<vmem>> -> memref<120xi32, #tpu.memory_space<vmem>>
        %dma_start3A_395 = arith.constant 0 : i32
        %dma_start3A_396 = arith.constant 0 : i32
        %dma_start3A_397 = tpu.memref_slice %arg2[%dma_start3A_395, %dma_start3A_396] : memref<10112x128xf32, #tpu.memory_space<hbm>> -> memref<10112x128xf32, #tpu.memory_space<hbm>>
        %dma_start3A_398 = tpu.memref_slice %arg17[%dma_start3A_391] : memref<3x!tpu.dma_semaphore, #tpu.memory_space<semaphore_mem>> -> memref<1x!tpu.dma_semaphore, #tpu.memory_space<semaphore_mem>>
        %dma_start3A_399 = tpu.memref_squeeze %dma_start3A_398 : memref<1x!tpu.dma_semaphore, #tpu.memory_space<semaphore_mem>> -> memref<!tpu.dma_semaphore, #tpu.memory_space<semaphore_mem>>
        tpu.enqueue_indirect_dma source(%dma_start3A_397 : memref<10112x128xf32, #tpu.memory_space<hbm>>) target(%arg14 : memref<120x128xf32, #tpu.memory_space<vmem>>) offsets(%dma_start3A_394 : memref<120xi32, #tpu.memory_space<vmem>>) semaphore(%dma_start3A_399 : memref<!tpu.dma_semaphore, #tpu.memory_space<semaphore_mem>>)
      } else {
      }
      %dma_wait3A_179 = arith.constant 0 : i32
      %dma_wait3A_180 = arith.constant 1 : i32
      %dma_wait3A_181 = arith.constant 0 : i32
      %dma_wait3A_182 = tpu.memref_slice %arg7[%dma_wait3A_179, %dma_wait3A_181] : memref<2x120xi32, #tpu.memory_space<vmem>> -> memref<1x120xi32, #tpu.memory_space<vmem>>
      %dma_wait3A_183 = tpu.memref_squeeze %dma_wait3A_182 : memref<1x120xi32, #tpu.memory_space<vmem>> -> memref<120xi32, #tpu.memory_space<vmem>>
      %dma_wait3A_184 = arith.constant 0 : i32
      %dma_wait3A_185 = arith.constant 0 : i32
      %dma_wait3A_186 = tpu.memref_slice %arg2[%dma_wait3A_184, %dma_wait3A_185] : memref<10112x128xf32, #tpu.memory_space<hbm>> -> memref<10112x128xf32, #tpu.memory_space<hbm>>
      %dma_wait3A_187 = tpu.memref_slice %arg17[%dma_wait3A_180] : memref<3x!tpu.dma_semaphore, #tpu.memory_space<semaphore_mem>> -> memref<1x!tpu.dma_semaphore, #tpu.memory_space<semaphore_mem>>
      %dma_wait3A_188 = tpu.memref_squeeze %dma_wait3A_187 : memref<1x!tpu.dma_semaphore, #tpu.memory_space<semaphore_mem>> -> memref<!tpu.dma_semaphore, #tpu.memory_space<semaphore_mem>>
      tpu.wait_indirect_dma semaphore(%dma_wait3A_188 : memref<!tpu.dma_semaphore, #tpu.memory_space<semaphore_mem>>) src(%dma_wait3A_186 : memref<10112x128xf32, #tpu.memory_space<hbm>>) dst(%arg13 : memref<120x128xf32, #tpu.memory_space<vmem>>)
      %dma_start3A_189 = arith.constant 1 : i32
      %dma_start3A_190 = arith.constant 1 : i32
      %dma_start3A_191 = arith.constant 0 : i32
      %dma_start3A_192 = tpu.memref_slice %arg7[%dma_start3A_189, %dma_start3A_191] : memref<2x120xi32, #tpu.memory_space<vmem>> -> memref<1x120xi32, #tpu.memory_space<vmem>>
      %dma_start3A_193 = tpu.memref_squeeze %dma_start3A_192 : memref<1x120xi32, #tpu.memory_space<vmem>> -> memref<120xi32, #tpu.memory_space<vmem>>
      %dma_start3A_194 = arith.constant 0 : i32
      %dma_start3A_195 = arith.constant 0 : i32
      %dma_start3A_196 = tpu.memref_slice %arg15[%dma_start3A_194, %dma_start3A_195] : memref<10112x128xf32, #tpu.memory_space<vmem_shared>> -> memref<10112x128xf32, #tpu.memory_space<vmem_shared>>
      %dma_start3A_197 = tpu.memref_slice %arg18[%dma_start3A_190] : memref<3x!tpu.dma_semaphore, #tpu.memory_space<semaphore_mem>> -> memref<1x!tpu.dma_semaphore, #tpu.memory_space<semaphore_mem>>
      %dma_start3A_198 = tpu.memref_squeeze %dma_start3A_197 : memref<1x!tpu.dma_semaphore, #tpu.memory_space<semaphore_mem>> -> memref<!tpu.dma_semaphore, #tpu.memory_space<semaphore_mem>>
      tpu.enqueue_indirect_dma source(%arg13 : memref<120x128xf32, #tpu.memory_space<vmem>>) target(%dma_start3A_196 : memref<10112x128xf32, #tpu.memory_space<vmem_shared>>) offsets(%dma_start3A_193 : memref<120xi32, #tpu.memory_space<vmem>>) semaphore(%dma_start3A_198 : memref<!tpu.dma_semaphore, #tpu.memory_space<semaphore_mem>>) {add = true}
      %mul3A_199 = arith.constant 6 : i32
      %mul3A_200 = arith.muli %while3A_112, %mul3A_199 : i32
      %add3A_201 = arith.constant 2 : i32
      %add3A_202 = arith.addi %mul3A_200, %add3A_201 : i32
      %add3A_203 = arith.constant 2 : i32
      %add3A_204 = arith.addi %add3A_202, %add3A_203 : i32
      %lt3A_205 = arith.cmpi slt, %add3A_204, %select_n3A : i32
      %convert_element_type3A_206 = arith.extui %lt3A_205 : i1 to i32
      %cond3A_207 = arith.constant 0 : i32
      %cond3A_208 = arith.cmpi ne, %convert_element_type3A_206, %cond3A_207 : i32
      scf.if %cond3A_208 {
        %add3A_379 = arith.addi %add3A, %add3A_202 : i32
        %add3A_380 = arith.constant 2 : i32
        %add3A_381 = arith.addi %add3A_379, %add3A_380 : i32
        %dma_start3A_382 = arith.constant 4 : i32
        %dma_start3A_383 = arith.constant 0 : i32
        %dma_start3A_384 = arith.constant 0 : i32
        %dma_start3A_385 = tpu.memref_slice %arg3[%add3A_381, %dma_start3A_383, %dma_start3A_384] : memref<2688x2x120xi32, #tpu.memory_space<hbm>> -> memref<1x2x120xi32, #tpu.memory_space<hbm>>
        %dma_start3A_386 = tpu.memref_squeeze %dma_start3A_385 : memref<1x2x120xi32, #tpu.memory_space<hbm>> -> memref<2x120xi32, #tpu.memory_space<hbm>>
        %dma_start3A_387 = tpu.memref_slice %arg16[%dma_start3A_382] : memref<6x!tpu.dma_semaphore, #tpu.memory_space<semaphore_mem>> -> memref<1x!tpu.dma_semaphore, #tpu.memory_space<semaphore_mem>>
        %dma_start3A_388 = tpu.memref_squeeze %dma_start3A_387 : memref<1x!tpu.dma_semaphore, #tpu.memory_space<semaphore_mem>> -> memref<!tpu.dma_semaphore, #tpu.memory_space<semaphore_mem>>
        %dma_start3A_389 = arith.constant 0 : i32
        %dma_start3A_390 = arith.constant 0 : i32
        %dma_start3A_391 = tpu.memref_slice %arg3[%add3A_381, %dma_start3A_389, %dma_start3A_390] : memref<2688x2x120xi32, #tpu.memory_space<hbm>> -> memref<1x2x120xi32, #tpu.memory_space<hbm>>
        %dma_start3A_392 = tpu.memref_squeeze %dma_start3A_391 : memref<1x2x120xi32, #tpu.memory_space<hbm>> -> memref<2x120xi32, #tpu.memory_space<hbm>>
        tpu.enqueue_dma source(%dma_start3A_392 : memref<2x120xi32, #tpu.memory_space<hbm>>) target(%arg10 : memref<2x120xi32, #tpu.memory_space<vmem>>) target_semaphore(%dma_start3A_388 : memref<!tpu.dma_semaphore, #tpu.memory_space<semaphore_mem>>)
      } else {
      }
      %add3A_209 = arith.constant 1 : i32
      %add3A_210 = arith.addi %add3A_202, %add3A_209 : i32
      %lt3A_211 = arith.cmpi slt, %add3A_210, %select_n3A : i32
      %ge3A_212 = arith.constant 2 : i32
      %ge3A_213 = arith.cmpi sge, %add3A_202, %ge3A_212 : i32
      %and3A_214 = arith.andi %lt3A_211, %ge3A_213 : i1
      %convert_element_type3A_215 = arith.extui %and3A_214 : i1 to i32
      %cond3A_216 = arith.constant 0 : i32
      %cond3A_217 = arith.cmpi ne, %convert_element_type3A_215, %cond3A_216 : i32
      scf.if %cond3A_217 {
        %dma_wait3A_379 = arith.constant 1 : i32
        %dma_wait3A_380 = arith.constant 0 : i32
        %dma_wait3A_381 = arith.constant 0 : i32
        %dma_wait3A_382 = tpu.memref_slice %arg8[%dma_wait3A_379, %dma_wait3A_381] : memref<2x120xi32, #tpu.memory_space<vmem>> -> memref<1x120xi32, #tpu.memory_space<vmem>>
        %dma_wait3A_383 = tpu.memref_squeeze %dma_wait3A_382 : memref<1x120xi32, #tpu.memory_space<vmem>> -> memref<120xi32, #tpu.memory_space<vmem>>
        %dma_wait3A_384 = arith.constant 0 : i32
        %dma_wait3A_385 = arith.constant 0 : i32
        %dma_wait3A_386 = tpu.memref_slice %arg15[%dma_wait3A_384, %dma_wait3A_385] : memref<10112x128xf32, #tpu.memory_space<vmem_shared>> -> memref<10112x128xf32, #tpu.memory_space<vmem_shared>>
        %dma_wait3A_387 = tpu.memref_slice %arg18[%dma_wait3A_380] : memref<3x!tpu.dma_semaphore, #tpu.memory_space<semaphore_mem>> -> memref<1x!tpu.dma_semaphore, #tpu.memory_space<semaphore_mem>>
        %dma_wait3A_388 = tpu.memref_squeeze %dma_wait3A_387 : memref<1x!tpu.dma_semaphore, #tpu.memory_space<semaphore_mem>> -> memref<!tpu.dma_semaphore, #tpu.memory_space<semaphore_mem>>
        tpu.wait_indirect_dma semaphore(%dma_wait3A_388 : memref<!tpu.dma_semaphore, #tpu.memory_space<semaphore_mem>>) src(%arg12 : memref<120x128xf32, #tpu.memory_space<vmem>>) dst(%dma_wait3A_386 : memref<10112x128xf32, #tpu.memory_space<vmem_shared>>)
      } else {
      }
      %add3A_218 = arith.constant 1 : i32
      %add3A_219 = arith.addi %add3A_202, %add3A_218 : i32
      %lt3A_220 = arith.cmpi slt, %add3A_219, %select_n3A : i32
      %convert_element_type3A_221 = arith.extui %lt3A_220 : i1 to i32
      %cond3A_222 = arith.constant 0 : i32
      %cond3A_223 = arith.cmpi ne, %convert_element_type3A_221, %cond3A_222 : i32
      scf.if %cond3A_223 {
        %dma_wait3A_379 = arith.constant 3 : i32
        %dma_wait3A_380 = arith.constant 0 : i32
        %dma_wait3A_381 = arith.constant 0 : i32
        %dma_wait3A_382 = tpu.memref_slice %arg3[%add3A, %dma_wait3A_380, %dma_wait3A_381] : memref<2688x2x120xi32, #tpu.memory_space<hbm>> -> memref<1x2x120xi32, #tpu.memory_space<hbm>>
        %dma_wait3A_383 = tpu.memref_squeeze %dma_wait3A_382 : memref<1x2x120xi32, #tpu.memory_space<hbm>> -> memref<2x120xi32, #tpu.memory_space<hbm>>
        %dma_wait3A_384 = tpu.memref_slice %arg16[%dma_wait3A_379] : memref<6x!tpu.dma_semaphore, #tpu.memory_space<semaphore_mem>> -> memref<1x!tpu.dma_semaphore, #tpu.memory_space<semaphore_mem>>
        %dma_wait3A_385 = tpu.memref_squeeze %dma_wait3A_384 : memref<1x!tpu.dma_semaphore, #tpu.memory_space<semaphore_mem>> -> memref<!tpu.dma_semaphore, #tpu.memory_space<semaphore_mem>>
        %dma_wait3A_386 = arith.constant 0 : i32
        %dma_wait3A_387 = arith.constant 0 : i32
        %dma_wait3A_388 = tpu.memref_slice %arg3[%add3A, %dma_wait3A_386, %dma_wait3A_387] : memref<2688x2x120xi32, #tpu.memory_space<hbm>> -> memref<1x2x120xi32, #tpu.memory_space<hbm>>
        %dma_wait3A_389 = tpu.memref_squeeze %dma_wait3A_388 : memref<1x2x120xi32, #tpu.memory_space<hbm>> -> memref<2x120xi32, #tpu.memory_space<hbm>>
        tpu.wait_dma2 semaphore(%dma_wait3A_385 : memref<!tpu.dma_semaphore, #tpu.memory_space<semaphore_mem>>) src(%dma_wait3A_389 : memref<2x120xi32, #tpu.memory_space<hbm>>) dst(%arg9 : memref<2x120xi32, #tpu.memory_space<vmem>>)
        %dma_start3A_390 = arith.constant 0 : i32
        %dma_start3A_391 = arith.constant 0 : i32
        %dma_start3A_392 = arith.constant 0 : i32
        %dma_start3A_393 = tpu.memref_slice %arg9[%dma_start3A_390, %dma_start3A_392] : memref<2x120xi32, #tpu.memory_space<vmem>> -> memref<1x120xi32, #tpu.memory_space<vmem>>
        %dma_start3A_394 = tpu.memref_squeeze %dma_start3A_393 : memref<1x120xi32, #tpu.memory_space<vmem>> -> memref<120xi32, #tpu.memory_space<vmem>>
        %dma_start3A_395 = arith.constant 0 : i32
        %dma_start3A_396 = arith.constant 0 : i32
        %dma_start3A_397 = tpu.memref_slice %arg2[%dma_start3A_395, %dma_start3A_396] : memref<10112x128xf32, #tpu.memory_space<hbm>> -> memref<10112x128xf32, #tpu.memory_space<hbm>>
        %dma_start3A_398 = tpu.memref_slice %arg17[%dma_start3A_391] : memref<3x!tpu.dma_semaphore, #tpu.memory_space<semaphore_mem>> -> memref<1x!tpu.dma_semaphore, #tpu.memory_space<semaphore_mem>>
        %dma_start3A_399 = tpu.memref_squeeze %dma_start3A_398 : memref<1x!tpu.dma_semaphore, #tpu.memory_space<semaphore_mem>> -> memref<!tpu.dma_semaphore, #tpu.memory_space<semaphore_mem>>
        tpu.enqueue_indirect_dma source(%dma_start3A_397 : memref<10112x128xf32, #tpu.memory_space<hbm>>) target(%arg12 : memref<120x128xf32, #tpu.memory_space<vmem>>) offsets(%dma_start3A_394 : memref<120xi32, #tpu.memory_space<vmem>>) semaphore(%dma_start3A_399 : memref<!tpu.dma_semaphore, #tpu.memory_space<semaphore_mem>>)
      } else {
      }
      %dma_wait3A_224 = arith.constant 0 : i32
      %dma_wait3A_225 = arith.constant 2 : i32
      %dma_wait3A_226 = arith.constant 0 : i32
      %dma_wait3A_227 = tpu.memref_slice %arg8[%dma_wait3A_224, %dma_wait3A_226] : memref<2x120xi32, #tpu.memory_space<vmem>> -> memref<1x120xi32, #tpu.memory_space<vmem>>
      %dma_wait3A_228 = tpu.memref_squeeze %dma_wait3A_227 : memref<1x120xi32, #tpu.memory_space<vmem>> -> memref<120xi32, #tpu.memory_space<vmem>>
      %dma_wait3A_229 = arith.constant 0 : i32
      %dma_wait3A_230 = arith.constant 0 : i32
      %dma_wait3A_231 = tpu.memref_slice %arg2[%dma_wait3A_229, %dma_wait3A_230] : memref<10112x128xf32, #tpu.memory_space<hbm>> -> memref<10112x128xf32, #tpu.memory_space<hbm>>
      %dma_wait3A_232 = tpu.memref_slice %arg17[%dma_wait3A_225] : memref<3x!tpu.dma_semaphore, #tpu.memory_space<semaphore_mem>> -> memref<1x!tpu.dma_semaphore, #tpu.memory_space<semaphore_mem>>
      %dma_wait3A_233 = tpu.memref_squeeze %dma_wait3A_232 : memref<1x!tpu.dma_semaphore, #tpu.memory_space<semaphore_mem>> -> memref<!tpu.dma_semaphore, #tpu.memory_space<semaphore_mem>>
      tpu.wait_indirect_dma semaphore(%dma_wait3A_233 : memref<!tpu.dma_semaphore, #tpu.memory_space<semaphore_mem>>) src(%dma_wait3A_231 : memref<10112x128xf32, #tpu.memory_space<hbm>>) dst(%arg14 : memref<120x128xf32, #tpu.memory_space<vmem>>)
      %dma_start3A_234 = arith.constant 1 : i32
      %dma_start3A_235 = arith.constant 2 : i32
      %dma_start3A_236 = arith.constant 0 : i32
      %dma_start3A_237 = tpu.memref_slice %arg8[%dma_start3A_234, %dma_start3A_236] : memref<2x120xi32, #tpu.memory_space<vmem>> -> memref<1x120xi32, #tpu.memory_space<vmem>>
      %dma_start3A_238 = tpu.memref_squeeze %dma_start3A_237 : memref<1x120xi32, #tpu.memory_space<vmem>> -> memref<120xi32, #tpu.memory_space<vmem>>
      %dma_start3A_239 = arith.constant 0 : i32
      %dma_start3A_240 = arith.constant 0 : i32
      %dma_start3A_241 = tpu.memref_slice %arg15[%dma_start3A_239, %dma_start3A_240] : memref<10112x128xf32, #tpu.memory_space<vmem_shared>> -> memref<10112x128xf32, #tpu.memory_space<vmem_shared>>
      %dma_start3A_242 = tpu.memref_slice %arg18[%dma_start3A_235] : memref<3x!tpu.dma_semaphore, #tpu.memory_space<semaphore_mem>> -> memref<1x!tpu.dma_semaphore, #tpu.memory_space<semaphore_mem>>
      %dma_start3A_243 = tpu.memref_squeeze %dma_start3A_242 : memref<1x!tpu.dma_semaphore, #tpu.memory_space<semaphore_mem>> -> memref<!tpu.dma_semaphore, #tpu.memory_space<semaphore_mem>>
      tpu.enqueue_indirect_dma source(%arg14 : memref<120x128xf32, #tpu.memory_space<vmem>>) target(%dma_start3A_241 : memref<10112x128xf32, #tpu.memory_space<vmem_shared>>) offsets(%dma_start3A_238 : memref<120xi32, #tpu.memory_space<vmem>>) semaphore(%dma_start3A_243 : memref<!tpu.dma_semaphore, #tpu.memory_space<semaphore_mem>>) {add = true}
      %mul3A_244 = arith.constant 6 : i32
      %mul3A_245 = arith.muli %while3A_112, %mul3A_244 : i32
      %add3A_246 = arith.constant 3 : i32
      %add3A_247 = arith.addi %mul3A_245, %add3A_246 : i32
      %add3A_248 = arith.constant 2 : i32
      %add3A_249 = arith.addi %add3A_247, %add3A_248 : i32
      %lt3A_250 = arith.cmpi slt, %add3A_249, %select_n3A : i32
      %convert_element_type3A_251 = arith.extui %lt3A_250 : i1 to i32
      %cond3A_252 = arith.constant 0 : i32
      %cond3A_253 = arith.cmpi ne, %convert_element_type3A_251, %cond3A_252 : i32
      scf.if %cond3A_253 {
        %add3A_379 = arith.addi %add3A, %add3A_247 : i32
        %add3A_380 = arith.constant 2 : i32
        %add3A_381 = arith.addi %add3A_379, %add3A_380 : i32
        %dma_start3A_382 = arith.constant 5 : i32
        %dma_start3A_383 = arith.constant 0 : i32
        %dma_start3A_384 = arith.constant 0 : i32
        %dma_start3A_385 = tpu.memref_slice %arg3[%add3A_381, %dma_start3A_383, %dma_start3A_384] : memref<2688x2x120xi32, #tpu.memory_space<hbm>> -> memref<1x2x120xi32, #tpu.memory_space<hbm>>
        %dma_start3A_386 = tpu.memref_squeeze %dma_start3A_385 : memref<1x2x120xi32, #tpu.memory_space<hbm>> -> memref<2x120xi32, #tpu.memory_space<hbm>>
        %dma_start3A_387 = tpu.memref_slice %arg16[%dma_start3A_382] : memref<6x!tpu.dma_semaphore, #tpu.memory_space<semaphore_mem>> -> memref<1x!tpu.dma_semaphore, #tpu.memory_space<semaphore_mem>>
        %dma_start3A_388 = tpu.memref_squeeze %dma_start3A_387 : memref<1x!tpu.dma_semaphore, #tpu.memory_space<semaphore_mem>> -> memref<!tpu.dma_semaphore, #tpu.memory_space<semaphore_mem>>
        %dma_start3A_389 = arith.constant 0 : i32
        %dma_start3A_390 = arith.constant 0 : i32
        %dma_start3A_391 = tpu.memref_slice %arg3[%add3A_381, %dma_start3A_389, %dma_start3A_390] : memref<2688x2x120xi32, #tpu.memory_space<hbm>> -> memref<1x2x120xi32, #tpu.memory_space<hbm>>
        %dma_start3A_392 = tpu.memref_squeeze %dma_start3A_391 : memref<1x2x120xi32, #tpu.memory_space<hbm>> -> memref<2x120xi32, #tpu.memory_space<hbm>>
        tpu.enqueue_dma source(%dma_start3A_392 : memref<2x120xi32, #tpu.memory_space<hbm>>) target(%arg11 : memref<2x120xi32, #tpu.memory_space<vmem>>) target_semaphore(%dma_start3A_388 : memref<!tpu.dma_semaphore, #tpu.memory_space<semaphore_mem>>)
      } else {
      }
      %add3A_254 = arith.constant 1 : i32
      %add3A_255 = arith.addi %add3A_247, %add3A_254 : i32
      %lt3A_256 = arith.cmpi slt, %add3A_255, %select_n3A : i32
      %ge3A_257 = arith.constant 2 : i32
      %ge3A_258 = arith.cmpi sge, %add3A_247, %ge3A_257 : i32
      %and3A_259 = arith.andi %lt3A_256, %ge3A_258 : i1
      %convert_element_type3A_260 = arith.extui %and3A_259 : i1 to i32
      %cond3A_261 = arith.constant 0 : i32
      %cond3A_262 = arith.cmpi ne, %convert_element_type3A_260, %cond3A_261 : i32
      scf.if %cond3A_262 {
        %dma_wait3A_379 = arith.constant 1 : i32
        %dma_wait3A_380 = arith.constant 1 : i32
        %dma_wait3A_381 = arith.constant 0 : i32
        %dma_wait3A_382 = tpu.memref_slice %arg9[%dma_wait3A_379, %dma_wait3A_381] : memref<2x120xi32, #tpu.memory_space<vmem>> -> memref<1x120xi32, #tpu.memory_space<vmem>>
        %dma_wait3A_383 = tpu.memref_squeeze %dma_wait3A_382 : memref<1x120xi32, #tpu.memory_space<vmem>> -> memref<120xi32, #tpu.memory_space<vmem>>
        %dma_wait3A_384 = arith.constant 0 : i32
        %dma_wait3A_385 = arith.constant 0 : i32
        %dma_wait3A_386 = tpu.memref_slice %arg15[%dma_wait3A_384, %dma_wait3A_385] : memref<10112x128xf32, #tpu.memory_space<vmem_shared>> -> memref<10112x128xf32, #tpu.memory_space<vmem_shared>>
        %dma_wait3A_387 = tpu.memref_slice %arg18[%dma_wait3A_380] : memref<3x!tpu.dma_semaphore, #tpu.memory_space<semaphore_mem>> -> memref<1x!tpu.dma_semaphore, #tpu.memory_space<semaphore_mem>>
        %dma_wait3A_388 = tpu.memref_squeeze %dma_wait3A_387 : memref<1x!tpu.dma_semaphore, #tpu.memory_space<semaphore_mem>> -> memref<!tpu.dma_semaphore, #tpu.memory_space<semaphore_mem>>
        tpu.wait_indirect_dma semaphore(%dma_wait3A_388 : memref<!tpu.dma_semaphore, #tpu.memory_space<semaphore_mem>>) src(%arg13 : memref<120x128xf32, #tpu.memory_space<vmem>>) dst(%dma_wait3A_386 : memref<10112x128xf32, #tpu.memory_space<vmem_shared>>)
      } else {
      }
      %add3A_263 = arith.constant 1 : i32
      %add3A_264 = arith.addi %add3A_247, %add3A_263 : i32
      %lt3A_265 = arith.cmpi slt, %add3A_264, %select_n3A : i32
      %convert_element_type3A_266 = arith.extui %lt3A_265 : i1 to i32
      %cond3A_267 = arith.constant 0 : i32
      %cond3A_268 = arith.cmpi ne, %convert_element_type3A_266, %cond3A_267 : i32
      scf.if %cond3A_268 {
        %dma_wait3A_379 = arith.constant 4 : i32
        %dma_wait3A_380 = arith.constant 0 : i32
        %dma_wait3A_381 = arith.constant 0 : i32
        %dma_wait3A_382 = tpu.memref_slice %arg3[%add3A, %dma_wait3A_380, %dma_wait3A_381] : memref<2688x2x120xi32, #tpu.memory_space<hbm>> -> memref<1x2x120xi32, #tpu.memory_space<hbm>>
        %dma_wait3A_383 = tpu.memref_squeeze %dma_wait3A_382 : memref<1x2x120xi32, #tpu.memory_space<hbm>> -> memref<2x120xi32, #tpu.memory_space<hbm>>
        %dma_wait3A_384 = tpu.memref_slice %arg16[%dma_wait3A_379] : memref<6x!tpu.dma_semaphore, #tpu.memory_space<semaphore_mem>> -> memref<1x!tpu.dma_semaphore, #tpu.memory_space<semaphore_mem>>
        %dma_wait3A_385 = tpu.memref_squeeze %dma_wait3A_384 : memref<1x!tpu.dma_semaphore, #tpu.memory_space<semaphore_mem>> -> memref<!tpu.dma_semaphore, #tpu.memory_space<semaphore_mem>>
        %dma_wait3A_386 = arith.constant 0 : i32
        %dma_wait3A_387 = arith.constant 0 : i32
        %dma_wait3A_388 = tpu.memref_slice %arg3[%add3A, %dma_wait3A_386, %dma_wait3A_387] : memref<2688x2x120xi32, #tpu.memory_space<hbm>> -> memref<1x2x120xi32, #tpu.memory_space<hbm>>
        %dma_wait3A_389 = tpu.memref_squeeze %dma_wait3A_388 : memref<1x2x120xi32, #tpu.memory_space<hbm>> -> memref<2x120xi32, #tpu.memory_space<hbm>>
        tpu.wait_dma2 semaphore(%dma_wait3A_385 : memref<!tpu.dma_semaphore, #tpu.memory_space<semaphore_mem>>) src(%dma_wait3A_389 : memref<2x120xi32, #tpu.memory_space<hbm>>) dst(%arg10 : memref<2x120xi32, #tpu.memory_space<vmem>>)
        %dma_start3A_390 = arith.constant 0 : i32
        %dma_start3A_391 = arith.constant 1 : i32
        %dma_start3A_392 = arith.constant 0 : i32
        %dma_start3A_393 = tpu.memref_slice %arg10[%dma_start3A_390, %dma_start3A_392] : memref<2x120xi32, #tpu.memory_space<vmem>> -> memref<1x120xi32, #tpu.memory_space<vmem>>
        %dma_start3A_394 = tpu.memref_squeeze %dma_start3A_393 : memref<1x120xi32, #tpu.memory_space<vmem>> -> memref<120xi32, #tpu.memory_space<vmem>>
        %dma_start3A_395 = arith.constant 0 : i32
        %dma_start3A_396 = arith.constant 0 : i32
        %dma_start3A_397 = tpu.memref_slice %arg2[%dma_start3A_395, %dma_start3A_396] : memref<10112x128xf32, #tpu.memory_space<hbm>> -> memref<10112x128xf32, #tpu.memory_space<hbm>>
        %dma_start3A_398 = tpu.memref_slice %arg17[%dma_start3A_391] : memref<3x!tpu.dma_semaphore, #tpu.memory_space<semaphore_mem>> -> memref<1x!tpu.dma_semaphore, #tpu.memory_space<semaphore_mem>>
        %dma_start3A_399 = tpu.memref_squeeze %dma_start3A_398 : memref<1x!tpu.dma_semaphore, #tpu.memory_space<semaphore_mem>> -> memref<!tpu.dma_semaphore, #tpu.memory_space<semaphore_mem>>
        tpu.enqueue_indirect_dma source(%dma_start3A_397 : memref<10112x128xf32, #tpu.memory_space<hbm>>) target(%arg13 : memref<120x128xf32, #tpu.memory_space<vmem>>) offsets(%dma_start3A_394 : memref<120xi32, #tpu.memory_space<vmem>>) semaphore(%dma_start3A_399 : memref<!tpu.dma_semaphore, #tpu.memory_space<semaphore_mem>>)
      } else {
      }
      %dma_wait3A_269 = arith.constant 0 : i32
      %dma_wait3A_270 = arith.constant 0 : i32
      %dma_wait3A_271 = arith.constant 0 : i32
      %dma_wait3A_272 = tpu.memref_slice %arg9[%dma_wait3A_269, %dma_wait3A_271] : memref<2x120xi32, #tpu.memory_space<vmem>> -> memref<1x120xi32, #tpu.memory_space<vmem>>
      %dma_wait3A_273 = tpu.memref_squeeze %dma_wait3A_272 : memref<1x120xi32, #tpu.memory_space<vmem>> -> memref<120xi32, #tpu.memory_space<vmem>>
      %dma_wait3A_274 = arith.constant 0 : i32
      %dma_wait3A_275 = arith.constant 0 : i32
      %dma_wait3A_276 = tpu.memref_slice %arg2[%dma_wait3A_274, %dma_wait3A_275] : memref<10112x128xf32, #tpu.memory_space<hbm>> -> memref<10112x128xf32, #tpu.memory_space<hbm>>
      %dma_wait3A_277 = tpu.memref_slice %arg17[%dma_wait3A_270] : memref<3x!tpu.dma_semaphore, #tpu.memory_space<semaphore_mem>> -> memref<1x!tpu.dma_semaphore, #tpu.memory_space<semaphore_mem>>
      %dma_wait3A_278 = tpu.memref_squeeze %dma_wait3A_277 : memref<1x!tpu.dma_semaphore, #tpu.memory_space<semaphore_mem>> -> memref<!tpu.dma_semaphore, #tpu.memory_space<semaphore_mem>>
      tpu.wait_indirect_dma semaphore(%dma_wait3A_278 : memref<!tpu.dma_semaphore, #tpu.memory_space<semaphore_mem>>) src(%dma_wait3A_276 : memref<10112x128xf32, #tpu.memory_space<hbm>>) dst(%arg12 : memref<120x128xf32, #tpu.memory_space<vmem>>)
      %dma_start3A_279 = arith.constant 1 : i32
      %dma_start3A_280 = arith.constant 0 : i32
      %dma_start3A_281 = arith.constant 0 : i32
      %dma_start3A_282 = tpu.memref_slice %arg9[%dma_start3A_279, %dma_start3A_281] : memref<2x120xi32, #tpu.memory_space<vmem>> -> memref<1x120xi32, #tpu.memory_space<vmem>>
      %dma_start3A_283 = tpu.memref_squeeze %dma_start3A_282 : memref<1x120xi32, #tpu.memory_space<vmem>> -> memref<120xi32, #tpu.memory_space<vmem>>
      %dma_start3A_284 = arith.constant 0 : i32
      %dma_start3A_285 = arith.constant 0 : i32
      %dma_start3A_286 = tpu.memref_slice %arg15[%dma_start3A_284, %dma_start3A_285] : memref<10112x128xf32, #tpu.memory_space<vmem_shared>> -> memref<10112x128xf32, #tpu.memory_space<vmem_shared>>
      %dma_start3A_287 = tpu.memref_slice %arg18[%dma_start3A_280] : memref<3x!tpu.dma_semaphore, #tpu.memory_space<semaphore_mem>> -> memref<1x!tpu.dma_semaphore, #tpu.memory_space<semaphore_mem>>
      %dma_start3A_288 = tpu.memref_squeeze %dma_start3A_287 : memref<1x!tpu.dma_semaphore, #tpu.memory_space<semaphore_mem>> -> memref<!tpu.dma_semaphore, #tpu.memory_space<semaphore_mem>>
      tpu.enqueue_indirect_dma source(%arg12 : memref<120x128xf32, #tpu.memory_space<vmem>>) target(%dma_start3A_286 : memref<10112x128xf32, #tpu.memory_space<vmem_shared>>) offsets(%dma_start3A_283 : memref<120xi32, #tpu.memory_space<vmem>>) semaphore(%dma_start3A_288 : memref<!tpu.dma_semaphore, #tpu.memory_space<semaphore_mem>>) {add = true}
      %mul3A_289 = arith.constant 6 : i32
      %mul3A_290 = arith.muli %while3A_112, %mul3A_289 : i32
      %add3A_291 = arith.constant 4 : i32
      %add3A_292 = arith.addi %mul3A_290, %add3A_291 : i32
      %add3A_293 = arith.constant 2 : i32
      %add3A_294 = arith.addi %add3A_292, %add3A_293 : i32
      %lt3A_295 = arith.cmpi slt, %add3A_294, %select_n3A : i32
      %convert_element_type3A_296 = arith.extui %lt3A_295 : i1 to i32
      %cond3A_297 = arith.constant 0 : i32
      %cond3A_298 = arith.cmpi ne, %convert_element_type3A_296, %cond3A_297 : i32
      scf.if %cond3A_298 {
        %add3A_379 = arith.addi %add3A, %add3A_292 : i32
        %add3A_380 = arith.constant 2 : i32
        %add3A_381 = arith.addi %add3A_379, %add3A_380 : i32
        %dma_start3A_382 = arith.constant 0 : i32
        %dma_start3A_383 = arith.constant 0 : i32
        %dma_start3A_384 = arith.constant 0 : i32
        %dma_start3A_385 = tpu.memref_slice %arg3[%add3A_381, %dma_start3A_383, %dma_start3A_384] : memref<2688x2x120xi32, #tpu.memory_space<hbm>> -> memref<1x2x120xi32, #tpu.memory_space<hbm>>
        %dma_start3A_386 = tpu.memref_squeeze %dma_start3A_385 : memref<1x2x120xi32, #tpu.memory_space<hbm>> -> memref<2x120xi32, #tpu.memory_space<hbm>>
        %dma_start3A_387 = tpu.memref_slice %arg16[%dma_start3A_382] : memref<6x!tpu.dma_semaphore, #tpu.memory_space<semaphore_mem>> -> memref<1x!tpu.dma_semaphore, #tpu.memory_space<semaphore_mem>>
        %dma_start3A_388 = tpu.memref_squeeze %dma_start3A_387 : memref<1x!tpu.dma_semaphore, #tpu.memory_space<semaphore_mem>> -> memref<!tpu.dma_semaphore, #tpu.memory_space<semaphore_mem>>
        %dma_start3A_389 = arith.constant 0 : i32
        %dma_start3A_390 = arith.constant 0 : i32
        %dma_start3A_391 = tpu.memref_slice %arg3[%add3A_381, %dma_start3A_389, %dma_start3A_390] : memref<2688x2x120xi32, #tpu.memory_space<hbm>> -> memref<1x2x120xi32, #tpu.memory_space<hbm>>
        %dma_start3A_392 = tpu.memref_squeeze %dma_start3A_391 : memref<1x2x120xi32, #tpu.memory_space<hbm>> -> memref<2x120xi32, #tpu.memory_space<hbm>>
        tpu.enqueue_dma source(%dma_start3A_392 : memref<2x120xi32, #tpu.memory_space<hbm>>) target(%arg6 : memref<2x120xi32, #tpu.memory_space<vmem>>) target_semaphore(%dma_start3A_388 : memref<!tpu.dma_semaphore, #tpu.memory_space<semaphore_mem>>)
      } else {
      }
      %add3A_299 = arith.constant 1 : i32
      %add3A_300 = arith.addi %add3A_292, %add3A_299 : i32
      %lt3A_301 = arith.cmpi slt, %add3A_300, %select_n3A : i32
      %ge3A_302 = arith.constant 2 : i32
      %ge3A_303 = arith.cmpi sge, %add3A_292, %ge3A_302 : i32
      %and3A_304 = arith.andi %lt3A_301, %ge3A_303 : i1
      %convert_element_type3A_305 = arith.extui %and3A_304 : i1 to i32
      %cond3A_306 = arith.constant 0 : i32
      %cond3A_307 = arith.cmpi ne, %convert_element_type3A_305, %cond3A_306 : i32
      scf.if %cond3A_307 {
        %dma_wait3A_379 = arith.constant 1 : i32
        %dma_wait3A_380 = arith.constant 2 : i32
        %dma_wait3A_381 = arith.constant 0 : i32
        %dma_wait3A_382 = tpu.memref_slice %arg10[%dma_wait3A_379, %dma_wait3A_381] : memref<2x120xi32, #tpu.memory_space<vmem>> -> memref<1x120xi32, #tpu.memory_space<vmem>>
        %dma_wait3A_383 = tpu.memref_squeeze %dma_wait3A_382 : memref<1x120xi32, #tpu.memory_space<vmem>> -> memref<120xi32, #tpu.memory_space<vmem>>
        %dma_wait3A_384 = arith.constant 0 : i32
        %dma_wait3A_385 = arith.constant 0 : i32
        %dma_wait3A_386 = tpu.memref_slice %arg15[%dma_wait3A_384, %dma_wait3A_385] : memref<10112x128xf32, #tpu.memory_space<vmem_shared>> -> memref<10112x128xf32, #tpu.memory_space<vmem_shared>>
        %dma_wait3A_387 = tpu.memref_slice %arg18[%dma_wait3A_380] : memref<3x!tpu.dma_semaphore, #tpu.memory_space<semaphore_mem>> -> memref<1x!tpu.dma_semaphore, #tpu.memory_space<semaphore_mem>>
        %dma_wait3A_388 = tpu.memref_squeeze %dma_wait3A_387 : memref<1x!tpu.dma_semaphore, #tpu.memory_space<semaphore_mem>> -> memref<!tpu.dma_semaphore, #tpu.memory_space<semaphore_mem>>
        tpu.wait_indirect_dma semaphore(%dma_wait3A_388 : memref<!tpu.dma_semaphore, #tpu.memory_space<semaphore_mem>>) src(%arg14 : memref<120x128xf32, #tpu.memory_space<vmem>>) dst(%dma_wait3A_386 : memref<10112x128xf32, #tpu.memory_space<vmem_shared>>)
      } else {
      }
      %add3A_308 = arith.constant 1 : i32
      %add3A_309 = arith.addi %add3A_292, %add3A_308 : i32
      %lt3A_310 = arith.cmpi slt, %add3A_309, %select_n3A : i32
      %convert_element_type3A_311 = arith.extui %lt3A_310 : i1 to i32
      %cond3A_312 = arith.constant 0 : i32
      %cond3A_313 = arith.cmpi ne, %convert_element_type3A_311, %cond3A_312 : i32
      scf.if %cond3A_313 {
        %dma_wait3A_379 = arith.constant 5 : i32
        %dma_wait3A_380 = arith.constant 0 : i32
        %dma_wait3A_381 = arith.constant 0 : i32
        %dma_wait3A_382 = tpu.memref_slice %arg3[%add3A, %dma_wait3A_380, %dma_wait3A_381] : memref<2688x2x120xi32, #tpu.memory_space<hbm>> -> memref<1x2x120xi32, #tpu.memory_space<hbm>>
        %dma_wait3A_383 = tpu.memref_squeeze %dma_wait3A_382 : memref<1x2x120xi32, #tpu.memory_space<hbm>> -> memref<2x120xi32, #tpu.memory_space<hbm>>
        %dma_wait3A_384 = tpu.memref_slice %arg16[%dma_wait3A_379] : memref<6x!tpu.dma_semaphore, #tpu.memory_space<semaphore_mem>> -> memref<1x!tpu.dma_semaphore, #tpu.memory_space<semaphore_mem>>
        %dma_wait3A_385 = tpu.memref_squeeze %dma_wait3A_384 : memref<1x!tpu.dma_semaphore, #tpu.memory_space<semaphore_mem>> -> memref<!tpu.dma_semaphore, #tpu.memory_space<semaphore_mem>>
        %dma_wait3A_386 = arith.constant 0 : i32
        %dma_wait3A_387 = arith.constant 0 : i32
        %dma_wait3A_388 = tpu.memref_slice %arg3[%add3A, %dma_wait3A_386, %dma_wait3A_387] : memref<2688x2x120xi32, #tpu.memory_space<hbm>> -> memref<1x2x120xi32, #tpu.memory_space<hbm>>
        %dma_wait3A_389 = tpu.memref_squeeze %dma_wait3A_388 : memref<1x2x120xi32, #tpu.memory_space<hbm>> -> memref<2x120xi32, #tpu.memory_space<hbm>>
        tpu.wait_dma2 semaphore(%dma_wait3A_385 : memref<!tpu.dma_semaphore, #tpu.memory_space<semaphore_mem>>) src(%dma_wait3A_389 : memref<2x120xi32, #tpu.memory_space<hbm>>) dst(%arg11 : memref<2x120xi32, #tpu.memory_space<vmem>>)
        %dma_start3A_390 = arith.constant 0 : i32
        %dma_start3A_391 = arith.constant 2 : i32
        %dma_start3A_392 = arith.constant 0 : i32
        %dma_start3A_393 = tpu.memref_slice %arg11[%dma_start3A_390, %dma_start3A_392] : memref<2x120xi32, #tpu.memory_space<vmem>> -> memref<1x120xi32, #tpu.memory_space<vmem>>
        %dma_start3A_394 = tpu.memref_squeeze %dma_start3A_393 : memref<1x120xi32, #tpu.memory_space<vmem>> -> memref<120xi32, #tpu.memory_space<vmem>>
        %dma_start3A_395 = arith.constant 0 : i32
        %dma_start3A_396 = arith.constant 0 : i32
        %dma_start3A_397 = tpu.memref_slice %arg2[%dma_start3A_395, %dma_start3A_396] : memref<10112x128xf32, #tpu.memory_space<hbm>> -> memref<10112x128xf32, #tpu.memory_space<hbm>>
        %dma_start3A_398 = tpu.memref_slice %arg17[%dma_start3A_391] : memref<3x!tpu.dma_semaphore, #tpu.memory_space<semaphore_mem>> -> memref<1x!tpu.dma_semaphore, #tpu.memory_space<semaphore_mem>>
        %dma_start3A_399 = tpu.memref_squeeze %dma_start3A_398 : memref<1x!tpu.dma_semaphore, #tpu.memory_space<semaphore_mem>> -> memref<!tpu.dma_semaphore, #tpu.memory_space<semaphore_mem>>
        tpu.enqueue_indirect_dma source(%dma_start3A_397 : memref<10112x128xf32, #tpu.memory_space<hbm>>) target(%arg14 : memref<120x128xf32, #tpu.memory_space<vmem>>) offsets(%dma_start3A_394 : memref<120xi32, #tpu.memory_space<vmem>>) semaphore(%dma_start3A_399 : memref<!tpu.dma_semaphore, #tpu.memory_space<semaphore_mem>>)
      } else {
      }
      %dma_wait3A_314 = arith.constant 0 : i32
      %dma_wait3A_315 = arith.constant 1 : i32
      %dma_wait3A_316 = arith.constant 0 : i32
      %dma_wait3A_317 = tpu.memref_slice %arg10[%dma_wait3A_314, %dma_wait3A_316] : memref<2x120xi32, #tpu.memory_space<vmem>> -> memref<1x120xi32, #tpu.memory_space<vmem>>
      %dma_wait3A_318 = tpu.memref_squeeze %dma_wait3A_317 : memref<1x120xi32, #tpu.memory_space<vmem>> -> memref<120xi32, #tpu.memory_space<vmem>>
      %dma_wait3A_319 = arith.constant 0 : i32
      %dma_wait3A_320 = arith.constant 0 : i32
      %dma_wait3A_321 = tpu.memref_slice %arg2[%dma_wait3A_319, %dma_wait3A_320] : memref<10112x128xf32, #tpu.memory_space<hbm>> -> memref<10112x128xf32, #tpu.memory_space<hbm>>
      %dma_wait3A_322 = tpu.memref_slice %arg17[%dma_wait3A_315] : memref<3x!tpu.dma_semaphore, #tpu.memory_space<semaphore_mem>> -> memref<1x!tpu.dma_semaphore, #tpu.memory_space<semaphore_mem>>
      %dma_wait3A_323 = tpu.memref_squeeze %dma_wait3A_322 : memref<1x!tpu.dma_semaphore, #tpu.memory_space<semaphore_mem>> -> memref<!tpu.dma_semaphore, #tpu.memory_space<semaphore_mem>>
      tpu.wait_indirect_dma semaphore(%dma_wait3A_323 : memref<!tpu.dma_semaphore, #tpu.memory_space<semaphore_mem>>) src(%dma_wait3A_321 : memref<10112x128xf32, #tpu.memory_space<hbm>>) dst(%arg13 : memref<120x128xf32, #tpu.memory_space<vmem>>)
      %dma_start3A_324 = arith.constant 1 : i32
      %dma_start3A_325 = arith.constant 1 : i32
      %dma_start3A_326 = arith.constant 0 : i32
      %dma_start3A_327 = tpu.memref_slice %arg10[%dma_start3A_324, %dma_start3A_326] : memref<2x120xi32, #tpu.memory_space<vmem>> -> memref<1x120xi32, #tpu.memory_space<vmem>>
      %dma_start3A_328 = tpu.memref_squeeze %dma_start3A_327 : memref<1x120xi32, #tpu.memory_space<vmem>> -> memref<120xi32, #tpu.memory_space<vmem>>
      %dma_start3A_329 = arith.constant 0 : i32
      %dma_start3A_330 = arith.constant 0 : i32
      %dma_start3A_331 = tpu.memref_slice %arg15[%dma_start3A_329, %dma_start3A_330] : memref<10112x128xf32, #tpu.memory_space<vmem_shared>> -> memref<10112x128xf32, #tpu.memory_space<vmem_shared>>
      %dma_start3A_332 = tpu.memref_slice %arg18[%dma_start3A_325] : memref<3x!tpu.dma_semaphore, #tpu.memory_space<semaphore_mem>> -> memref<1x!tpu.dma_semaphore, #tpu.memory_space<semaphore_mem>>
      %dma_start3A_333 = tpu.memref_squeeze %dma_start3A_332 : memref<1x!tpu.dma_semaphore, #tpu.memory_space<semaphore_mem>> -> memref<!tpu.dma_semaphore, #tpu.memory_space<semaphore_mem>>
      tpu.enqueue_indirect_dma source(%arg13 : memref<120x128xf32, #tpu.memory_space<vmem>>) target(%dma_start3A_331 : memref<10112x128xf32, #tpu.memory_space<vmem_shared>>) offsets(%dma_start3A_328 : memref<120xi32, #tpu.memory_space<vmem>>) semaphore(%dma_start3A_333 : memref<!tpu.dma_semaphore, #tpu.memory_space<semaphore_mem>>) {add = true}
      %mul3A_334 = arith.constant 6 : i32
      %mul3A_335 = arith.muli %while3A_112, %mul3A_334 : i32
      %add3A_336 = arith.constant 5 : i32
      %add3A_337 = arith.addi %mul3A_335, %add3A_336 : i32
      %add3A_338 = arith.constant 2 : i32
      %add3A_339 = arith.addi %add3A_337, %add3A_338 : i32
      %lt3A_340 = arith.cmpi slt, %add3A_339, %select_n3A : i32
      %convert_element_type3A_341 = arith.extui %lt3A_340 : i1 to i32
      %cond3A_342 = arith.constant 0 : i32
      %cond3A_343 = arith.cmpi ne, %convert_element_type3A_341, %cond3A_342 : i32
      scf.if %cond3A_343 {
        %add3A_379 = arith.addi %add3A, %add3A_337 : i32
        %add3A_380 = arith.constant 2 : i32
        %add3A_381 = arith.addi %add3A_379, %add3A_380 : i32
        %dma_start3A_382 = arith.constant 1 : i32
        %dma_start3A_383 = arith.constant 0 : i32
        %dma_start3A_384 = arith.constant 0 : i32
        %dma_start3A_385 = tpu.memref_slice %arg3[%add3A_381, %dma_start3A_383, %dma_start3A_384] : memref<2688x2x120xi32, #tpu.memory_space<hbm>> -> memref<1x2x120xi32, #tpu.memory_space<hbm>>
        %dma_start3A_386 = tpu.memref_squeeze %dma_start3A_385 : memref<1x2x120xi32, #tpu.memory_space<hbm>> -> memref<2x120xi32, #tpu.memory_space<hbm>>
        %dma_start3A_387 = tpu.memref_slice %arg16[%dma_start3A_382] : memref<6x!tpu.dma_semaphore, #tpu.memory_space<semaphore_mem>> -> memref<1x!tpu.dma_semaphore, #tpu.memory_space<semaphore_mem>>
        %dma_start3A_388 = tpu.memref_squeeze %dma_start3A_387 : memref<1x!tpu.dma_semaphore, #tpu.memory_space<semaphore_mem>> -> memref<!tpu.dma_semaphore, #tpu.memory_space<semaphore_mem>>
        %dma_start3A_389 = arith.constant 0 : i32
        %dma_start3A_390 = arith.constant 0 : i32
        %dma_start3A_391 = tpu.memref_slice %arg3[%add3A_381, %dma_start3A_389, %dma_start3A_390] : memref<2688x2x120xi32, #tpu.memory_space<hbm>> -> memref<1x2x120xi32, #tpu.memory_space<hbm>>
        %dma_start3A_392 = tpu.memref_squeeze %dma_start3A_391 : memref<1x2x120xi32, #tpu.memory_space<hbm>> -> memref<2x120xi32, #tpu.memory_space<hbm>>
        tpu.enqueue_dma source(%dma_start3A_392 : memref<2x120xi32, #tpu.memory_space<hbm>>) target(%arg7 : memref<2x120xi32, #tpu.memory_space<vmem>>) target_semaphore(%dma_start3A_388 : memref<!tpu.dma_semaphore, #tpu.memory_space<semaphore_mem>>)
      } else {
      }
      %add3A_344 = arith.constant 1 : i32
      %add3A_345 = arith.addi %add3A_337, %add3A_344 : i32
      %lt3A_346 = arith.cmpi slt, %add3A_345, %select_n3A : i32
      %ge3A_347 = arith.constant 2 : i32
      %ge3A_348 = arith.cmpi sge, %add3A_337, %ge3A_347 : i32
      %and3A_349 = arith.andi %lt3A_346, %ge3A_348 : i1
      %convert_element_type3A_350 = arith.extui %and3A_349 : i1 to i32
      %cond3A_351 = arith.constant 0 : i32
      %cond3A_352 = arith.cmpi ne, %convert_element_type3A_350, %cond3A_351 : i32
      scf.if %cond3A_352 {
        %dma_wait3A_379 = arith.constant 1 : i32
        %dma_wait3A_380 = arith.constant 0 : i32
        %dma_wait3A_381 = arith.constant 0 : i32
        %dma_wait3A_382 = tpu.memref_slice %arg11[%dma_wait3A_379, %dma_wait3A_381] : memref<2x120xi32, #tpu.memory_space<vmem>> -> memref<1x120xi32, #tpu.memory_space<vmem>>
        %dma_wait3A_383 = tpu.memref_squeeze %dma_wait3A_382 : memref<1x120xi32, #tpu.memory_space<vmem>> -> memref<120xi32, #tpu.memory_space<vmem>>
        %dma_wait3A_384 = arith.constant 0 : i32
        %dma_wait3A_385 = arith.constant 0 : i32
        %dma_wait3A_386 = tpu.memref_slice %arg15[%dma_wait3A_384, %dma_wait3A_385] : memref<10112x128xf32, #tpu.memory_space<vmem_shared>> -> memref<10112x128xf32, #tpu.memory_space<vmem_shared>>
        %dma_wait3A_387 = tpu.memref_slice %arg18[%dma_wait3A_380] : memref<3x!tpu.dma_semaphore, #tpu.memory_space<semaphore_mem>> -> memref<1x!tpu.dma_semaphore, #tpu.memory_space<semaphore_mem>>
        %dma_wait3A_388 = tpu.memref_squeeze %dma_wait3A_387 : memref<1x!tpu.dma_semaphore, #tpu.memory_space<semaphore_mem>> -> memref<!tpu.dma_semaphore, #tpu.memory_space<semaphore_mem>>
        tpu.wait_indirect_dma semaphore(%dma_wait3A_388 : memref<!tpu.dma_semaphore, #tpu.memory_space<semaphore_mem>>) src(%arg12 : memref<120x128xf32, #tpu.memory_space<vmem>>) dst(%dma_wait3A_386 : memref<10112x128xf32, #tpu.memory_space<vmem_shared>>)
      } else {
      }
      %add3A_353 = arith.constant 1 : i32
      %add3A_354 = arith.addi %add3A_337, %add3A_353 : i32
      %lt3A_355 = arith.cmpi slt, %add3A_354, %select_n3A : i32
      %convert_element_type3A_356 = arith.extui %lt3A_355 : i1 to i32
      %cond3A_357 = arith.constant 0 : i32
      %cond3A_358 = arith.cmpi ne, %convert_element_type3A_356, %cond3A_357 : i32
      scf.if %cond3A_358 {
        %dma_wait3A_379 = arith.constant 0 : i32
        %dma_wait3A_380 = arith.constant 0 : i32
        %dma_wait3A_381 = arith.constant 0 : i32
        %dma_wait3A_382 = tpu.memref_slice %arg3[%add3A, %dma_wait3A_380, %dma_wait3A_381] : memref<2688x2x120xi32, #tpu.memory_space<hbm>> -> memref<1x2x120xi32, #tpu.memory_space<hbm>>
        %dma_wait3A_383 = tpu.memref_squeeze %dma_wait3A_382 : memref<1x2x120xi32, #tpu.memory_space<hbm>> -> memref<2x120xi32, #tpu.memory_space<hbm>>
        %dma_wait3A_384 = tpu.memref_slice %arg16[%dma_wait3A_379] : memref<6x!tpu.dma_semaphore, #tpu.memory_space<semaphore_mem>> -> memref<1x!tpu.dma_semaphore, #tpu.memory_space<semaphore_mem>>
        %dma_wait3A_385 = tpu.memref_squeeze %dma_wait3A_384 : memref<1x!tpu.dma_semaphore, #tpu.memory_space<semaphore_mem>> -> memref<!tpu.dma_semaphore, #tpu.memory_space<semaphore_mem>>
        %dma_wait3A_386 = arith.constant 0 : i32
        %dma_wait3A_387 = arith.constant 0 : i32
        %dma_wait3A_388 = tpu.memref_slice %arg3[%add3A, %dma_wait3A_386, %dma_wait3A_387] : memref<2688x2x120xi32, #tpu.memory_space<hbm>> -> memref<1x2x120xi32, #tpu.memory_space<hbm>>
        %dma_wait3A_389 = tpu.memref_squeeze %dma_wait3A_388 : memref<1x2x120xi32, #tpu.memory_space<hbm>> -> memref<2x120xi32, #tpu.memory_space<hbm>>
        tpu.wait_dma2 semaphore(%dma_wait3A_385 : memref<!tpu.dma_semaphore, #tpu.memory_space<semaphore_mem>>) src(%dma_wait3A_389 : memref<2x120xi32, #tpu.memory_space<hbm>>) dst(%arg6 : memref<2x120xi32, #tpu.memory_space<vmem>>)
        %dma_start3A_390 = arith.constant 0 : i32
        %dma_start3A_391 = arith.constant 0 : i32
        %dma_start3A_392 = arith.constant 0 : i32
        %dma_start3A_393 = tpu.memref_slice %arg6[%dma_start3A_390, %dma_start3A_392] : memref<2x120xi32, #tpu.memory_space<vmem>> -> memref<1x120xi32, #tpu.memory_space<vmem>>
        %dma_start3A_394 = tpu.memref_squeeze %dma_start3A_393 : memref<1x120xi32, #tpu.memory_space<vmem>> -> memref<120xi32, #tpu.memory_space<vmem>>
        %dma_start3A_395 = arith.constant 0 : i32
        %dma_start3A_396 = arith.constant 0 : i32
        %dma_start3A_397 = tpu.memref_slice %arg2[%dma_start3A_395, %dma_start3A_396] : memref<10112x128xf32, #tpu.memory_space<hbm>> -> memref<10112x128xf32, #tpu.memory_space<hbm>>
        %dma_start3A_398 = tpu.memref_slice %arg17[%dma_start3A_391] : memref<3x!tpu.dma_semaphore, #tpu.memory_space<semaphore_mem>> -> memref<1x!tpu.dma_semaphore, #tpu.memory_space<semaphore_mem>>
        %dma_start3A_399 = tpu.memref_squeeze %dma_start3A_398 : memref<1x!tpu.dma_semaphore, #tpu.memory_space<semaphore_mem>> -> memref<!tpu.dma_semaphore, #tpu.memory_space<semaphore_mem>>
        tpu.enqueue_indirect_dma source(%dma_start3A_397 : memref<10112x128xf32, #tpu.memory_space<hbm>>) target(%arg12 : memref<120x128xf32, #tpu.memory_space<vmem>>) offsets(%dma_start3A_394 : memref<120xi32, #tpu.memory_space<vmem>>) semaphore(%dma_start3A_399 : memref<!tpu.dma_semaphore, #tpu.memory_space<semaphore_mem>>)
      } else {
      }
      %dma_wait3A_359 = arith.constant 0 : i32
      %dma_wait3A_360 = arith.constant 2 : i32
      %dma_wait3A_361 = arith.constant 0 : i32
      %dma_wait3A_362 = tpu.memref_slice %arg11[%dma_wait3A_359, %dma_wait3A_361] : memref<2x120xi32, #tpu.memory_space<vmem>> -> memref<1x120xi32, #tpu.memory_space<vmem>>
      %dma_wait3A_363 = tpu.memref_squeeze %dma_wait3A_362 : memref<1x120xi32, #tpu.memory_space<vmem>> -> memref<120xi32, #tpu.memory_space<vmem>>
      %dma_wait3A_364 = arith.constant 0 : i32
      %dma_wait3A_365 = arith.constant 0 : i32
      %dma_wait3A_366 = tpu.memref_slice %arg2[%dma_wait3A_364, %dma_wait3A_365] : memref<10112x128xf32, #tpu.memory_space<hbm>> -> memref<10112x128xf32, #tpu.memory_space<hbm>>
      %dma_wait3A_367 = tpu.memref_slice %arg17[%dma_wait3A_360] : memref<3x!tpu.dma_semaphore, #tpu.memory_space<semaphore_mem>> -> memref<1x!tpu.dma_semaphore, #tpu.memory_space<semaphore_mem>>
      %dma_wait3A_368 = tpu.memref_squeeze %dma_wait3A_367 : memref<1x!tpu.dma_semaphore, #tpu.memory_space<semaphore_mem>> -> memref<!tpu.dma_semaphore, #tpu.memory_space<semaphore_mem>>
      tpu.wait_indirect_dma semaphore(%dma_wait3A_368 : memref<!tpu.dma_semaphore, #tpu.memory_space<semaphore_mem>>) src(%dma_wait3A_366 : memref<10112x128xf32, #tpu.memory_space<hbm>>) dst(%arg14 : memref<120x128xf32, #tpu.memory_space<vmem>>)
      %dma_start3A_369 = arith.constant 1 : i32
      %dma_start3A_370 = arith.constant 2 : i32
      %dma_start3A_371 = arith.constant 0 : i32
      %dma_start3A_372 = tpu.memref_slice %arg11[%dma_start3A_369, %dma_start3A_371] : memref<2x120xi32, #tpu.memory_space<vmem>> -> memref<1x120xi32, #tpu.memory_space<vmem>>
      %dma_start3A_373 = tpu.memref_squeeze %dma_start3A_372 : memref<1x120xi32, #tpu.memory_space<vmem>> -> memref<120xi32, #tpu.memory_space<vmem>>
      %dma_start3A_374 = arith.constant 0 : i32
      %dma_start3A_375 = arith.constant 0 : i32
      %dma_start3A_376 = tpu.memref_slice %arg15[%dma_start3A_374, %dma_start3A_375] : memref<10112x128xf32, #tpu.memory_space<vmem_shared>> -> memref<10112x128xf32, #tpu.memory_space<vmem_shared>>
      %dma_start3A_377 = tpu.memref_slice %arg18[%dma_start3A_370] : memref<3x!tpu.dma_semaphore, #tpu.memory_space<semaphore_mem>> -> memref<1x!tpu.dma_semaphore, #tpu.memory_space<semaphore_mem>>
      %dma_start3A_378 = tpu.memref_squeeze %dma_start3A_377 : memref<1x!tpu.dma_semaphore, #tpu.memory_space<semaphore_mem>> -> memref<!tpu.dma_semaphore, #tpu.memory_space<semaphore_mem>>
      tpu.enqueue_indirect_dma source(%arg14 : memref<120x128xf32, #tpu.memory_space<vmem>>) target(%dma_start3A_376 : memref<10112x128xf32, #tpu.memory_space<vmem_shared>>) offsets(%dma_start3A_373 : memref<120xi32, #tpu.memory_space<vmem>>) semaphore(%dma_start3A_378 : memref<!tpu.dma_semaphore, #tpu.memory_space<semaphore_mem>>) {add = true}
    }
    %while3A_77 = arith.constant 1 : i32
    scf.for %while3A_112 = %while3A_75 to %while3A_71 step %while3A_77  : i32 {
      %mul3A_113 = arith.constant 6 : i32
      %mul3A_114 = arith.muli %while3A_112, %mul3A_113 : i32
      %add3A_115 = arith.constant 0 : i32
      %add3A_116 = arith.addi %mul3A_114, %add3A_115 : i32
      %add3A_117 = arith.constant 2 : i32
      %add3A_118 = arith.addi %add3A_116, %add3A_117 : i32
      %lt3A = arith.cmpi slt, %add3A_118, %select_n3A : i32
      %convert_element_type3A = arith.extui %lt3A : i1 to i32
      %cond3A = arith.constant 0 : i32
      %cond3A_119 = arith.cmpi ne, %convert_element_type3A, %cond3A : i32
      scf.if %cond3A_119 {
        %add3A_379 = arith.addi %add3A, %add3A_116 : i32
        %add3A_380 = arith.constant 2 : i32
        %add3A_381 = arith.addi %add3A_379, %add3A_380 : i32
        %dma_start3A_382 = arith.constant 2 : i32
        %dma_start3A_383 = arith.constant 0 : i32
        %dma_start3A_384 = arith.constant 0 : i32
        %dma_start3A_385 = tpu.memref_slice %arg3[%add3A_381, %dma_start3A_383, %dma_start3A_384] : memref<2688x2x120xi32, #tpu.memory_space<hbm>> -> memref<1x2x120xi32, #tpu.memory_space<hbm>>
        %dma_start3A_386 = tpu.memref_squeeze %dma_start3A_385 : memref<1x2x120xi32, #tpu.memory_space<hbm>> -> memref<2x120xi32, #tpu.memory_space<hbm>>
        %dma_start3A_387 = tpu.memref_slice %arg16[%dma_start3A_382] : memref<6x!tpu.dma_semaphore, #tpu.memory_space<semaphore_mem>> -> memref<1x!tpu.dma_semaphore, #tpu.memory_space<semaphore_mem>>
        %dma_start3A_388 = tpu.memref_squeeze %dma_start3A_387 : memref<1x!tpu.dma_semaphore, #tpu.memory_space<semaphore_mem>> -> memref<!tpu.dma_semaphore, #tpu.memory_space<semaphore_mem>>
        %dma_start3A_389 = arith.constant 0 : i32
        %dma_start3A_390 = arith.constant 0 : i32
        %dma_start3A_391 = tpu.memref_slice %arg3[%add3A_381, %dma_start3A_389, %dma_start3A_390] : memref<2688x2x120xi32, #tpu.memory_space<hbm>> -> memref<1x2x120xi32, #tpu.memory_space<hbm>>
        %dma_start3A_392 = tpu.memref_squeeze %dma_start3A_391 : memref<1x2x120xi32, #tpu.memory_space<hbm>> -> memref<2x120xi32, #tpu.memory_space<hbm>>
        tpu.enqueue_dma source(%dma_start3A_392 : memref<2x120xi32, #tpu.memory_space<hbm>>) target(%arg8 : memref<2x120xi32, #tpu.memory_space<vmem>>) target_semaphore(%dma_start3A_388 : memref<!tpu.dma_semaphore, #tpu.memory_space<semaphore_mem>>)
      } else {
      }
      %add3A_120 = arith.constant 1 : i32
      %add3A_121 = arith.addi %add3A_116, %add3A_120 : i32
      %lt3A_122 = arith.cmpi slt, %add3A_121, %select_n3A : i32
      %ge3A = arith.constant 2 : i32
      %ge3A_123 = arith.cmpi sge, %add3A_116, %ge3A : i32
      %and3A_124 = arith.andi %lt3A_122, %ge3A_123 : i1
      %convert_element_type3A_125 = arith.extui %and3A_124 : i1 to i32
      %cond3A_126 = arith.constant 0 : i32
      %cond3A_127 = arith.cmpi ne, %convert_element_type3A_125, %cond3A_126 : i32
      scf.if %cond3A_127 {
        %dma_wait3A_379 = arith.constant 1 : i32
        %dma_wait3A_380 = arith.constant 1 : i32
        %dma_wait3A_381 = arith.constant 0 : i32
        %dma_wait3A_382 = tpu.memref_slice %arg6[%dma_wait3A_379, %dma_wait3A_381] : memref<2x120xi32, #tpu.memory_space<vmem>> -> memref<1x120xi32, #tpu.memory_space<vmem>>
        %dma_wait3A_383 = tpu.memref_squeeze %dma_wait3A_382 : memref<1x120xi32, #tpu.memory_space<vmem>> -> memref<120xi32, #tpu.memory_space<vmem>>
        %dma_wait3A_384 = arith.constant 0 : i32
        %dma_wait3A_385 = arith.constant 0 : i32
        %dma_wait3A_386 = tpu.memref_slice %arg15[%dma_wait3A_384, %dma_wait3A_385] : memref<10112x128xf32, #tpu.memory_space<vmem_shared>> -> memref<10112x128xf32, #tpu.memory_space<vmem_shared>>
        %dma_wait3A_387 = tpu.memref_slice %arg18[%dma_wait3A_380] : memref<3x!tpu.dma_semaphore, #tpu.memory_space<semaphore_mem>> -> memref<1x!tpu.dma_semaphore, #tpu.memory_space<semaphore_mem>>
        %dma_wait3A_388 = tpu.memref_squeeze %dma_wait3A_387 : memref<1x!tpu.dma_semaphore, #tpu.memory_space<semaphore_mem>> -> memref<!tpu.dma_semaphore, #tpu.memory_space<semaphore_mem>>
        tpu.wait_indirect_dma semaphore(%dma_wait3A_388 : memref<!tpu.dma_semaphore, #tpu.memory_space<semaphore_mem>>) src(%arg13 : memref<120x128xf32, #tpu.memory_space<vmem>>) dst(%dma_wait3A_386 : memref<10112x128xf32, #tpu.memory_space<vmem_shared>>)
      } else {
      }
      %add3A_128 = arith.constant 1 : i32
      %add3A_129 = arith.addi %add3A_116, %add3A_128 : i32
      %lt3A_130 = arith.cmpi slt, %add3A_129, %select_n3A : i32
      %convert_element_type3A_131 = arith.extui %lt3A_130 : i1 to i32
      %cond3A_132 = arith.constant 0 : i32
      %cond3A_133 = arith.cmpi ne, %convert_element_type3A_131, %cond3A_132 : i32
      scf.if %cond3A_133 {
        %dma_wait3A_379 = arith.constant 1 : i32
        %dma_wait3A_380 = arith.constant 0 : i32
        %dma_wait3A_381 = arith.constant 0 : i32
        %dma_wait3A_382 = tpu.memref_slice %arg3[%add3A, %dma_wait3A_380, %dma_wait3A_381] : memref<2688x2x120xi32, #tpu.memory_space<hbm>> -> memref<1x2x120xi32, #tpu.memory_space<hbm>>
        %dma_wait3A_383 = tpu.memref_squeeze %dma_wait3A_382 : memref<1x2x120xi32, #tpu.memory_space<hbm>> -> memref<2x120xi32, #tpu.memory_space<hbm>>
        %dma_wait3A_384 = tpu.memref_slice %arg16[%dma_wait3A_379] : memref<6x!tpu.dma_semaphore, #tpu.memory_space<semaphore_mem>> -> memref<1x!tpu.dma_semaphore, #tpu.memory_space<semaphore_mem>>
        %dma_wait3A_385 = tpu.memref_squeeze %dma_wait3A_384 : memref<1x!tpu.dma_semaphore, #tpu.memory_space<semaphore_mem>> -> memref<!tpu.dma_semaphore, #tpu.memory_space<semaphore_mem>>
        %dma_wait3A_386 = arith.constant 0 : i32
        %dma_wait3A_387 = arith.constant 0 : i32
        %dma_wait3A_388 = tpu.memref_slice %arg3[%add3A, %dma_wait3A_386, %dma_wait3A_387] : memref<2688x2x120xi32, #tpu.memory_space<hbm>> -> memref<1x2x120xi32, #tpu.memory_space<hbm>>
        %dma_wait3A_389 = tpu.memref_squeeze %dma_wait3A_388 : memref<1x2x120xi32, #tpu.memory_space<hbm>> -> memref<2x120xi32, #tpu.memory_space<hbm>>
        tpu.wait_dma2 semaphore(%dma_wait3A_385 : memref<!tpu.dma_semaphore, #tpu.memory_space<semaphore_mem>>) src(%dma_wait3A_389 : memref<2x120xi32, #tpu.memory_space<hbm>>) dst(%arg7 : memref<2x120xi32, #tpu.memory_space<vmem>>)
        %dma_start3A_390 = arith.constant 0 : i32
        %dma_start3A_391 = arith.constant 1 : i32
        %dma_start3A_392 = arith.constant 0 : i32
        %dma_start3A_393 = tpu.memref_slice %arg7[%dma_start3A_390, %dma_start3A_392] : memref<2x120xi32, #tpu.memory_space<vmem>> -> memref<1x120xi32, #tpu.memory_space<vmem>>
        %dma_start3A_394 = tpu.memref_squeeze %dma_start3A_393 : memref<1x120xi32, #tpu.memory_space<vmem>> -> memref<120xi32, #tpu.memory_space<vmem>>
        %dma_start3A_395 = arith.constant 0 : i32
        %dma_start3A_396 = arith.constant 0 : i32
        %dma_start3A_397 = tpu.memref_slice %arg2[%dma_start3A_395, %dma_start3A_396] : memref<10112x128xf32, #tpu.memory_space<hbm>> -> memref<10112x128xf32, #tpu.memory_space<hbm>>
        %dma_start3A_398 = tpu.memref_slice %arg17[%dma_start3A_391] : memref<3x!tpu.dma_semaphore, #tpu.memory_space<semaphore_mem>> -> memref<1x!tpu.dma_semaphore, #tpu.memory_space<semaphore_mem>>
        %dma_start3A_399 = tpu.memref_squeeze %dma_start3A_398 : memref<1x!tpu.dma_semaphore, #tpu.memory_space<semaphore_mem>> -> memref<!tpu.dma_semaphore, #tpu.memory_space<semaphore_mem>>
        tpu.enqueue_indirect_dma source(%dma_start3A_397 : memref<10112x128xf32, #tpu.memory_space<hbm>>) target(%arg13 : memref<120x128xf32, #tpu.memory_space<vmem>>) offsets(%dma_start3A_394 : memref<120xi32, #tpu.memory_space<vmem>>) semaphore(%dma_start3A_399 : memref<!tpu.dma_semaphore, #tpu.memory_space<semaphore_mem>>)
      } else {
      }
      %dma_wait3A_134 = arith.constant 0 : i32
      %dma_wait3A_135 = arith.constant 0 : i32
      %dma_wait3A_136 = arith.constant 0 : i32
      %dma_wait3A_137 = tpu.memref_slice %arg6[%dma_wait3A_134, %dma_wait3A_136] : memref<2x120xi32, #tpu.memory_space<vmem>> -> memref<1x120xi32, #tpu.memory_space<vmem>>
      %dma_wait3A_138 = tpu.memref_squeeze %dma_wait3A_137 : memref<1x120xi32, #tpu.memory_space<vmem>> -> memref<120xi32, #tpu.memory_space<vmem>>
      %dma_wait3A_139 = arith.constant 0 : i32
      %dma_wait3A_140 = arith.constant 0 : i32
      %dma_wait3A_141 = tpu.memref_slice %arg2[%dma_wait3A_139, %dma_wait3A_140] : memref<10112x128xf32, #tpu.memory_space<hbm>> -> memref<10112x128xf32, #tpu.memory_space<hbm>>
      %dma_wait3A_142 = tpu.memref_slice %arg17[%dma_wait3A_135] : memref<3x!tpu.dma_semaphore, #tpu.memory_space<semaphore_mem>> -> memref<1x!tpu.dma_semaphore, #tpu.memory_space<semaphore_mem>>
      %dma_wait3A_143 = tpu.memref_squeeze %dma_wait3A_142 : memref<1x!tpu.dma_semaphore, #tpu.memory_space<semaphore_mem>> -> memref<!tpu.dma_semaphore, #tpu.memory_space<semaphore_mem>>
      tpu.wait_indirect_dma semaphore(%dma_wait3A_143 : memref<!tpu.dma_semaphore, #tpu.memory_space<semaphore_mem>>) src(%dma_wait3A_141 : memref<10112x128xf32, #tpu.memory_space<hbm>>) dst(%arg12 : memref<120x128xf32, #tpu.memory_space<vmem>>)
      %dma_start3A_144 = arith.constant 1 : i32
      %dma_start3A_145 = arith.constant 0 : i32
      %dma_start3A_146 = arith.constant 0 : i32
      %dma_start3A_147 = tpu.memref_slice %arg6[%dma_start3A_144, %dma_start3A_146] : memref<2x120xi32, #tpu.memory_space<vmem>> -> memref<1x120xi32, #tpu.memory_space<vmem>>
      %dma_start3A_148 = tpu.memref_squeeze %dma_start3A_147 : memref<1x120xi32, #tpu.memory_space<vmem>> -> memref<120xi32, #tpu.memory_space<vmem>>
      %dma_start3A_149 = arith.constant 0 : i32
      %dma_start3A_150 = arith.constant 0 : i32
      %dma_start3A_151 = tpu.memref_slice %arg15[%dma_start3A_149, %dma_start3A_150] : memref<10112x128xf32, #tpu.memory_space<vmem_shared>> -> memref<10112x128xf32, #tpu.memory_space<vmem_shared>>
      %dma_start3A_152 = tpu.memref_slice %arg18[%dma_start3A_145] : memref<3x!tpu.dma_semaphore, #tpu.memory_space<semaphore_mem>> -> memref<1x!tpu.dma_semaphore, #tpu.memory_space<semaphore_mem>>
      %dma_start3A_153 = tpu.memref_squeeze %dma_start3A_152 : memref<1x!tpu.dma_semaphore, #tpu.memory_space<semaphore_mem>> -> memref<!tpu.dma_semaphore, #tpu.memory_space<semaphore_mem>>
      tpu.enqueue_indirect_dma source(%arg12 : memref<120x128xf32, #tpu.memory_space<vmem>>) target(%dma_start3A_151 : memref<10112x128xf32, #tpu.memory_space<vmem_shared>>) offsets(%dma_start3A_148 : memref<120xi32, #tpu.memory_space<vmem>>) semaphore(%dma_start3A_153 : memref<!tpu.dma_semaphore, #tpu.memory_space<semaphore_mem>>) {add = true}
      %mul3A_154 = arith.constant 6 : i32
      %mul3A_155 = arith.muli %while3A_112, %mul3A_154 : i32
      %add3A_156 = arith.constant 1 : i32
      %add3A_157 = arith.addi %mul3A_155, %add3A_156 : i32
      %add3A_158 = arith.constant 2 : i32
      %add3A_159 = arith.addi %add3A_157, %add3A_158 : i32
      %lt3A_160 = arith.cmpi slt, %add3A_159, %select_n3A : i32
      %convert_element_type3A_161 = arith.extui %lt3A_160 : i1 to i32
      %cond3A_162 = arith.constant 0 : i32
      %cond3A_163 = arith.cmpi ne, %convert_element_type3A_161, %cond3A_162 : i32
      scf.if %cond3A_163 {
        %add3A_379 = arith.addi %add3A, %add3A_157 : i32
        %add3A_380 = arith.constant 2 : i32
        %add3A_381 = arith.addi %add3A_379, %add3A_380 : i32
        %dma_start3A_382 = arith.constant 3 : i32
        %dma_start3A_383 = arith.constant 0 : i32
        %dma_start3A_384 = arith.constant 0 : i32
        %dma_start3A_385 = tpu.memref_slice %arg3[%add3A_381, %dma_start3A_383, %dma_start3A_384] : memref<2688x2x120xi32, #tpu.memory_space<hbm>> -> memref<1x2x120xi32, #tpu.memory_space<hbm>>
        %dma_start3A_386 = tpu.memref_squeeze %dma_start3A_385 : memref<1x2x120xi32, #tpu.memory_space<hbm>> -> memref<2x120xi32, #tpu.memory_space<hbm>>
        %dma_start3A_387 = tpu.memref_slice %arg16[%dma_start3A_382] : memref<6x!tpu.dma_semaphore, #tpu.memory_space<semaphore_mem>> -> memref<1x!tpu.dma_semaphore, #tpu.memory_space<semaphore_mem>>
        %dma_start3A_388 = tpu.memref_squeeze %dma_start3A_387 : memref<1x!tpu.dma_semaphore, #tpu.memory_space<semaphore_mem>> -> memref<!tpu.dma_semaphore, #tpu.memory_space<semaphore_mem>>
        %dma_start3A_389 = arith.constant 0 : i32
        %dma_start3A_390 = arith.constant 0 : i32
        %dma_start3A_391 = tpu.memref_slice %arg3[%add3A_381, %dma_start3A_389, %dma_start3A_390] : memref<2688x2x120xi32, #tpu.memory_space<hbm>> -> memref<1x2x120xi32, #tpu.memory_space<hbm>>
        %dma_start3A_392 = tpu.memref_squeeze %dma_start3A_391 : memref<1x2x120xi32, #tpu.memory_space<hbm>> -> memref<2x120xi32, #tpu.memory_space<hbm>>
        tpu.enqueue_dma source(%dma_start3A_392 : memref<2x120xi32, #tpu.memory_space<hbm>>) target(%arg9 : memref<2x120xi32, #tpu.memory_space<vmem>>) target_semaphore(%dma_start3A_388 : memref<!tpu.dma_semaphore, #tpu.memory_space<semaphore_mem>>)
      } else {
      }
      %add3A_164 = arith.constant 1 : i32
      %add3A_165 = arith.addi %add3A_157, %add3A_164 : i32
      %lt3A_166 = arith.cmpi slt, %add3A_165, %select_n3A : i32
      %ge3A_167 = arith.constant 2 : i32
      %ge3A_168 = arith.cmpi sge, %add3A_157, %ge3A_167 : i32
      %and3A_169 = arith.andi %lt3A_166, %ge3A_168 : i1
      %convert_element_type3A_170 = arith.extui %and3A_169 : i1 to i32
      %cond3A_171 = arith.constant 0 : i32
      %cond3A_172 = arith.cmpi ne, %convert_element_type3A_170, %cond3A_171 : i32
      scf.if %cond3A_172 {
        %dma_wait3A_379 = arith.constant 1 : i32
        %dma_wait3A_380 = arith.constant 2 : i32
        %dma_wait3A_381 = arith.constant 0 : i32
        %dma_wait3A_382 = tpu.memref_slice %arg7[%dma_wait3A_379, %dma_wait3A_381] : memref<2x120xi32, #tpu.memory_space<vmem>> -> memref<1x120xi32, #tpu.memory_space<vmem>>
        %dma_wait3A_383 = tpu.memref_squeeze %dma_wait3A_382 : memref<1x120xi32, #tpu.memory_space<vmem>> -> memref<120xi32, #tpu.memory_space<vmem>>
        %dma_wait3A_384 = arith.constant 0 : i32
        %dma_wait3A_385 = arith.constant 0 : i32
        %dma_wait3A_386 = tpu.memref_slice %arg15[%dma_wait3A_384, %dma_wait3A_385] : memref<10112x128xf32, #tpu.memory_space<vmem_shared>> -> memref<10112x128xf32, #tpu.memory_space<vmem_shared>>
        %dma_wait3A_387 = tpu.memref_slice %arg18[%dma_wait3A_380] : memref<3x!tpu.dma_semaphore, #tpu.memory_space<semaphore_mem>> -> memref<1x!tpu.dma_semaphore, #tpu.memory_space<semaphore_mem>>
        %dma_wait3A_388 = tpu.memref_squeeze %dma_wait3A_387 : memref<1x!tpu.dma_semaphore, #tpu.memory_space<semaphore_mem>> -> memref<!tpu.dma_semaphore, #tpu.memory_space<semaphore_mem>>
        tpu.wait_indirect_dma semaphore(%dma_wait3A_388 : memref<!tpu.dma_semaphore, #tpu.memory_space<semaphore_mem>>) src(%arg14 : memref<120x128xf32, #tpu.memory_space<vmem>>) dst(%dma_wait3A_386 : memref<10112x128xf32, #tpu.memory_space<vmem_shared>>)
      } else {
      }
      %add3A_173 = arith.constant 1 : i32
      %add3A_174 = arith.addi %add3A_157, %add3A_173 : i32
      %lt3A_175 = arith.cmpi slt, %add3A_174, %select_n3A : i32
      %convert_element_type3A_176 = arith.extui %lt3A_175 : i1 to i32
      %cond3A_177 = arith.constant 0 : i32
      %cond3A_178 = arith.cmpi ne, %convert_element_type3A_176, %cond3A_177 : i32
      scf.if %cond3A_178 {
        %dma_wait3A_379 = arith.constant 2 : i32
        %dma_wait3A_380 = arith.constant 0 : i32
        %dma_wait3A_381 = arith.constant 0 : i32
        %dma_wait3A_382 = tpu.memref_slice %arg3[%add3A, %dma_wait3A_380, %dma_wait3A_381] : memref<2688x2x120xi32, #tpu.memory_space<hbm>> -> memref<1x2x120xi32, #tpu.memory_space<hbm>>
        %dma_wait3A_383 = tpu.memref_squeeze %dma_wait3A_382 : memref<1x2x120xi32, #tpu.memory_space<hbm>> -> memref<2x120xi32, #tpu.memory_space<hbm>>
        %dma_wait3A_384 = tpu.memref_slice %arg16[%dma_wait3A_379] : memref<6x!tpu.dma_semaphore, #tpu.memory_space<semaphore_mem>> -> memref<1x!tpu.dma_semaphore, #tpu.memory_space<semaphore_mem>>
        %dma_wait3A_385 = tpu.memref_squeeze %dma_wait3A_384 : memref<1x!tpu.dma_semaphore, #tpu.memory_space<semaphore_mem>> -> memref<!tpu.dma_semaphore, #tpu.memory_space<semaphore_mem>>
        %dma_wait3A_386 = arith.constant 0 : i32
        %dma_wait3A_387 = arith.constant 0 : i32
        %dma_wait3A_388 = tpu.memref_slice %arg3[%add3A, %dma_wait3A_386, %dma_wait3A_387] : memref<2688x2x120xi32, #tpu.memory_space<hbm>> -> memref<1x2x120xi32, #tpu.memory_space<hbm>>
        %dma_wait3A_389 = tpu.memref_squeeze %dma_wait3A_388 : memref<1x2x120xi32, #tpu.memory_space<hbm>> -> memref<2x120xi32, #tpu.memory_space<hbm>>
        tpu.wait_dma2 semaphore(%dma_wait3A_385 : memref<!tpu.dma_semaphore, #tpu.memory_space<semaphore_mem>>) src(%dma_wait3A_389 : memref<2x120xi32, #tpu.memory_space<hbm>>) dst(%arg8 : memref<2x120xi32, #tpu.memory_space<vmem>>)
        %dma_start3A_390 = arith.constant 0 : i32
        %dma_start3A_391 = arith.constant 2 : i32
        %dma_start3A_392 = arith.constant 0 : i32
        %dma_start3A_393 = tpu.memref_slice %arg8[%dma_start3A_390, %dma_start3A_392] : memref<2x120xi32, #tpu.memory_space<vmem>> -> memref<1x120xi32, #tpu.memory_space<vmem>>
        %dma_start3A_394 = tpu.memref_squeeze %dma_start3A_393 : memref<1x120xi32, #tpu.memory_space<vmem>> -> memref<120xi32, #tpu.memory_space<vmem>>
        %dma_start3A_395 = arith.constant 0 : i32
        %dma_start3A_396 = arith.constant 0 : i32
        %dma_start3A_397 = tpu.memref_slice %arg2[%dma_start3A_395, %dma_start3A_396] : memref<10112x128xf32, #tpu.memory_space<hbm>> -> memref<10112x128xf32, #tpu.memory_space<hbm>>
        %dma_start3A_398 = tpu.memref_slice %arg17[%dma_start3A_391] : memref<3x!tpu.dma_semaphore, #tpu.memory_space<semaphore_mem>> -> memref<1x!tpu.dma_semaphore, #tpu.memory_space<semaphore_mem>>
        %dma_start3A_399 = tpu.memref_squeeze %dma_start3A_398 : memref<1x!tpu.dma_semaphore, #tpu.memory_space<semaphore_mem>> -> memref<!tpu.dma_semaphore, #tpu.memory_space<semaphore_mem>>
        tpu.enqueue_indirect_dma source(%dma_start3A_397 : memref<10112x128xf32, #tpu.memory_space<hbm>>) target(%arg14 : memref<120x128xf32, #tpu.memory_space<vmem>>) offsets(%dma_start3A_394 : memref<120xi32, #tpu.memory_space<vmem>>) semaphore(%dma_start3A_399 : memref<!tpu.dma_semaphore, #tpu.memory_space<semaphore_mem>>)
      } else {
      }
      %dma_wait3A_179 = arith.constant 0 : i32
      %dma_wait3A_180 = arith.constant 1 : i32
      %dma_wait3A_181 = arith.constant 0 : i32
      %dma_wait3A_182 = tpu.memref_slice %arg7[%dma_wait3A_179, %dma_wait3A_181] : memref<2x120xi32, #tpu.memory_space<vmem>> -> memref<1x120xi32, #tpu.memory_space<vmem>>
      %dma_wait3A_183 = tpu.memref_squeeze %dma_wait3A_182 : memref<1x120xi32, #tpu.memory_space<vmem>> -> memref<120xi32, #tpu.memory_space<vmem>>
      %dma_wait3A_184 = arith.constant 0 : i32
      %dma_wait3A_185 = arith.constant 0 : i32
      %dma_wait3A_186 = tpu.memref_slice %arg2[%dma_wait3A_184, %dma_wait3A_185] : memref<10112x128xf32, #tpu.memory_space<hbm>> -> memref<10112x128xf32, #tpu.memory_space<hbm>>
      %dma_wait3A_187 = tpu.memref_slice %arg17[%dma_wait3A_180] : memref<3x!tpu.dma_semaphore, #tpu.memory_space<semaphore_mem>> -> memref<1x!tpu.dma_semaphore, #tpu.memory_space<semaphore_mem>>
      %dma_wait3A_188 = tpu.memref_squeeze %dma_wait3A_187 : memref<1x!tpu.dma_semaphore, #tpu.memory_space<semaphore_mem>> -> memref<!tpu.dma_semaphore, #tpu.memory_space<semaphore_mem>>
      tpu.wait_indirect_dma semaphore(%dma_wait3A_188 : memref<!tpu.dma_semaphore, #tpu.memory_space<semaphore_mem>>) src(%dma_wait3A_186 : memref<10112x128xf32, #tpu.memory_space<hbm>>) dst(%arg13 : memref<120x128xf32, #tpu.memory_space<vmem>>)
      %dma_start3A_189 = arith.constant 1 : i32
      %dma_start3A_190 = arith.constant 1 : i32
      %dma_start3A_191 = arith.constant 0 : i32
      %dma_start3A_192 = tpu.memref_slice %arg7[%dma_start3A_189, %dma_start3A_191] : memref<2x120xi32, #tpu.memory_space<vmem>> -> memref<1x120xi32, #tpu.memory_space<vmem>>
      %dma_start3A_193 = tpu.memref_squeeze %dma_start3A_192 : memref<1x120xi32, #tpu.memory_space<vmem>> -> memref<120xi32, #tpu.memory_space<vmem>>
      %dma_start3A_194 = arith.constant 0 : i32
      %dma_start3A_195 = arith.constant 0 : i32
      %dma_start3A_196 = tpu.memref_slice %arg15[%dma_start3A_194, %dma_start3A_195] : memref<10112x128xf32, #tpu.memory_space<vmem_shared>> -> memref<10112x128xf32, #tpu.memory_space<vmem_shared>>
      %dma_start3A_197 = tpu.memref_slice %arg18[%dma_start3A_190] : memref<3x!tpu.dma_semaphore, #tpu.memory_space<semaphore_mem>> -> memref<1x!tpu.dma_semaphore, #tpu.memory_space<semaphore_mem>>
      %dma_start3A_198 = tpu.memref_squeeze %dma_start3A_197 : memref<1x!tpu.dma_semaphore, #tpu.memory_space<semaphore_mem>> -> memref<!tpu.dma_semaphore, #tpu.memory_space<semaphore_mem>>
      tpu.enqueue_indirect_dma source(%arg13 : memref<120x128xf32, #tpu.memory_space<vmem>>) target(%dma_start3A_196 : memref<10112x128xf32, #tpu.memory_space<vmem_shared>>) offsets(%dma_start3A_193 : memref<120xi32, #tpu.memory_space<vmem>>) semaphore(%dma_start3A_198 : memref<!tpu.dma_semaphore, #tpu.memory_space<semaphore_mem>>) {add = true}
      %mul3A_199 = arith.constant 6 : i32
      %mul3A_200 = arith.muli %while3A_112, %mul3A_199 : i32
      %add3A_201 = arith.constant 2 : i32
      %add3A_202 = arith.addi %mul3A_200, %add3A_201 : i32
      %add3A_203 = arith.constant 2 : i32
      %add3A_204 = arith.addi %add3A_202, %add3A_203 : i32
      %lt3A_205 = arith.cmpi slt, %add3A_204, %select_n3A : i32
      %convert_element_type3A_206 = arith.extui %lt3A_205 : i1 to i32
      %cond3A_207 = arith.constant 0 : i32
      %cond3A_208 = arith.cmpi ne, %convert_element_type3A_206, %cond3A_207 : i32
      scf.if %cond3A_208 {
        %add3A_379 = arith.addi %add3A, %add3A_202 : i32
        %add3A_380 = arith.constant 2 : i32
        %add3A_381 = arith.addi %add3A_379, %add3A_380 : i32
        %dma_start3A_382 = arith.constant 4 : i32
        %dma_start3A_383 = arith.constant 0 : i32
        %dma_start3A_384 = arith.constant 0 : i32
        %dma_start3A_385 = tpu.memref_slice %arg3[%add3A_381, %dma_start3A_383, %dma_start3A_384] : memref<2688x2x120xi32, #tpu.memory_space<hbm>> -> memref<1x2x120xi32, #tpu.memory_space<hbm>>
        %dma_start3A_386 = tpu.memref_squeeze %dma_start3A_385 : memref<1x2x120xi32, #tpu.memory_space<hbm>> -> memref<2x120xi32, #tpu.memory_space<hbm>>
        %dma_start3A_387 = tpu.memref_slice %arg16[%dma_start3A_382] : memref<6x!tpu.dma_semaphore, #tpu.memory_space<semaphore_mem>> -> memref<1x!tpu.dma_semaphore, #tpu.memory_space<semaphore_mem>>
        %dma_start3A_388 = tpu.memref_squeeze %dma_start3A_387 : memref<1x!tpu.dma_semaphore, #tpu.memory_space<semaphore_mem>> -> memref<!tpu.dma_semaphore, #tpu.memory_space<semaphore_mem>>
        %dma_start3A_389 = arith.constant 0 : i32
        %dma_start3A_390 = arith.constant 0 : i32
        %dma_start3A_391 = tpu.memref_slice %arg3[%add3A_381, %dma_start3A_389, %dma_start3A_390] : memref<2688x2x120xi32, #tpu.memory_space<hbm>> -> memref<1x2x120xi32, #tpu.memory_space<hbm>>
        %dma_start3A_392 = tpu.memref_squeeze %dma_start3A_391 : memref<1x2x120xi32, #tpu.memory_space<hbm>> -> memref<2x120xi32, #tpu.memory_space<hbm>>
        tpu.enqueue_dma source(%dma_start3A_392 : memref<2x120xi32, #tpu.memory_space<hbm>>) target(%arg10 : memref<2x120xi32, #tpu.memory_space<vmem>>) target_semaphore(%dma_start3A_388 : memref<!tpu.dma_semaphore, #tpu.memory_space<semaphore_mem>>)
      } else {
      }
      %add3A_209 = arith.constant 1 : i32
      %add3A_210 = arith.addi %add3A_202, %add3A_209 : i32
      %lt3A_211 = arith.cmpi slt, %add3A_210, %select_n3A : i32
      %ge3A_212 = arith.constant 2 : i32
      %ge3A_213 = arith.cmpi sge, %add3A_202, %ge3A_212 : i32
      %and3A_214 = arith.andi %lt3A_211, %ge3A_213 : i1
      %convert_element_type3A_215 = arith.extui %and3A_214 : i1 to i32
      %cond3A_216 = arith.constant 0 : i32
      %cond3A_217 = arith.cmpi ne, %convert_element_type3A_215, %cond3A_216 : i32
      scf.if %cond3A_217 {
        %dma_wait3A_379 = arith.constant 1 : i32
        %dma_wait3A_380 = arith.constant 0 : i32
        %dma_wait3A_381 = arith.constant 0 : i32
        %dma_wait3A_382 = tpu.memref_slice %arg8[%dma_wait3A_379, %dma_wait3A_381] : memref<2x120xi32, #tpu.memory_space<vmem>> -> memref<1x120xi32, #tpu.memory_space<vmem>>
        %dma_wait3A_383 = tpu.memref_squeeze %dma_wait3A_382 : memref<1x120xi32, #tpu.memory_space<vmem>> -> memref<120xi32, #tpu.memory_space<vmem>>
        %dma_wait3A_384 = arith.constant 0 : i32
        %dma_wait3A_385 = arith.constant 0 : i32
        %dma_wait3A_386 = tpu.memref_slice %arg15[%dma_wait3A_384, %dma_wait3A_385] : memref<10112x128xf32, #tpu.memory_space<vmem_shared>> -> memref<10112x128xf32, #tpu.memory_space<vmem_shared>>
        %dma_wait3A_387 = tpu.memref_slice %arg18[%dma_wait3A_380] : memref<3x!tpu.dma_semaphore, #tpu.memory_space<semaphore_mem>> -> memref<1x!tpu.dma_semaphore, #tpu.memory_space<semaphore_mem>>
        %dma_wait3A_388 = tpu.memref_squeeze %dma_wait3A_387 : memref<1x!tpu.dma_semaphore, #tpu.memory_space<semaphore_mem>> -> memref<!tpu.dma_semaphore, #tpu.memory_space<semaphore_mem>>
        tpu.wait_indirect_dma semaphore(%dma_wait3A_388 : memref<!tpu.dma_semaphore, #tpu.memory_space<semaphore_mem>>) src(%arg12 : memref<120x128xf32, #tpu.memory_space<vmem>>) dst(%dma_wait3A_386 : memref<10112x128xf32, #tpu.memory_space<vmem_shared>>)
      } else {
      }
      %add3A_218 = arith.constant 1 : i32
      %add3A_219 = arith.addi %add3A_202, %add3A_218 : i32
      %lt3A_220 = arith.cmpi slt, %add3A_219, %select_n3A : i32
      %convert_element_type3A_221 = arith.extui %lt3A_220 : i1 to i32
      %cond3A_222 = arith.constant 0 : i32
      %cond3A_223 = arith.cmpi ne, %convert_element_type3A_221, %cond3A_222 : i32
      scf.if %cond3A_223 {
        %dma_wait3A_379 = arith.constant 3 : i32
        %dma_wait3A_380 = arith.constant 0 : i32
        %dma_wait3A_381 = arith.constant 0 : i32
        %dma_wait3A_382 = tpu.memref_slice %arg3[%add3A, %dma_wait3A_380, %dma_wait3A_381] : memref<2688x2x120xi32, #tpu.memory_space<hbm>> -> memref<1x2x120xi32, #tpu.memory_space<hbm>>
        %dma_wait3A_383 = tpu.memref_squeeze %dma_wait3A_382 : memref<1x2x120xi32, #tpu.memory_space<hbm>> -> memref<2x120xi32, #tpu.memory_space<hbm>>
        %dma_wait3A_384 = tpu.memref_slice %arg16[%dma_wait3A_379] : memref<6x!tpu.dma_semaphore, #tpu.memory_space<semaphore_mem>> -> memref<1x!tpu.dma_semaphore, #tpu.memory_space<semaphore_mem>>
        %dma_wait3A_385 = tpu.memref_squeeze %dma_wait3A_384 : memref<1x!tpu.dma_semaphore, #tpu.memory_space<semaphore_mem>> -> memref<!tpu.dma_semaphore, #tpu.memory_space<semaphore_mem>>
        %dma_wait3A_386 = arith.constant 0 : i32
        %dma_wait3A_387 = arith.constant 0 : i32
        %dma_wait3A_388 = tpu.memref_slice %arg3[%add3A, %dma_wait3A_386, %dma_wait3A_387] : memref<2688x2x120xi32, #tpu.memory_space<hbm>> -> memref<1x2x120xi32, #tpu.memory_space<hbm>>
        %dma_wait3A_389 = tpu.memref_squeeze %dma_wait3A_388 : memref<1x2x120xi32, #tpu.memory_space<hbm>> -> memref<2x120xi32, #tpu.memory_space<hbm>>
        tpu.wait_dma2 semaphore(%dma_wait3A_385 : memref<!tpu.dma_semaphore, #tpu.memory_space<semaphore_mem>>) src(%dma_wait3A_389 : memref<2x120xi32, #tpu.memory_space<hbm>>) dst(%arg9 : memref<2x120xi32, #tpu.memory_space<vmem>>)
        %dma_start3A_390 = arith.constant 0 : i32
        %dma_start3A_391 = arith.constant 0 : i32
        %dma_start3A_392 = arith.constant 0 : i32
        %dma_start3A_393 = tpu.memref_slice %arg9[%dma_start3A_390, %dma_start3A_392] : memref<2x120xi32, #tpu.memory_space<vmem>> -> memref<1x120xi32, #tpu.memory_space<vmem>>
        %dma_start3A_394 = tpu.memref_squeeze %dma_start3A_393 : memref<1x120xi32, #tpu.memory_space<vmem>> -> memref<120xi32, #tpu.memory_space<vmem>>
        %dma_start3A_395 = arith.constant 0 : i32
        %dma_start3A_396 = arith.constant 0 : i32
        %dma_start3A_397 = tpu.memref_slice %arg2[%dma_start3A_395, %dma_start3A_396] : memref<10112x128xf32, #tpu.memory_space<hbm>> -> memref<10112x128xf32, #tpu.memory_space<hbm>>
        %dma_start3A_398 = tpu.memref_slice %arg17[%dma_start3A_391] : memref<3x!tpu.dma_semaphore, #tpu.memory_space<semaphore_mem>> -> memref<1x!tpu.dma_semaphore, #tpu.memory_space<semaphore_mem>>
        %dma_start3A_399 = tpu.memref_squeeze %dma_start3A_398 : memref<1x!tpu.dma_semaphore, #tpu.memory_space<semaphore_mem>> -> memref<!tpu.dma_semaphore, #tpu.memory_space<semaphore_mem>>
        tpu.enqueue_indirect_dma source(%dma_start3A_397 : memref<10112x128xf32, #tpu.memory_space<hbm>>) target(%arg12 : memref<120x128xf32, #tpu.memory_space<vmem>>) offsets(%dma_start3A_394 : memref<120xi32, #tpu.memory_space<vmem>>) semaphore(%dma_start3A_399 : memref<!tpu.dma_semaphore, #tpu.memory_space<semaphore_mem>>)
      } else {
      }
      %dma_wait3A_224 = arith.constant 0 : i32
      %dma_wait3A_225 = arith.constant 2 : i32
      %dma_wait3A_226 = arith.constant 0 : i32
      %dma_wait3A_227 = tpu.memref_slice %arg8[%dma_wait3A_224, %dma_wait3A_226] : memref<2x120xi32, #tpu.memory_space<vmem>> -> memref<1x120xi32, #tpu.memory_space<vmem>>
      %dma_wait3A_228 = tpu.memref_squeeze %dma_wait3A_227 : memref<1x120xi32, #tpu.memory_space<vmem>> -> memref<120xi32, #tpu.memory_space<vmem>>
      %dma_wait3A_229 = arith.constant 0 : i32
      %dma_wait3A_230 = arith.constant 0 : i32
      %dma_wait3A_231 = tpu.memref_slice %arg2[%dma_wait3A_229, %dma_wait3A_230] : memref<10112x128xf32, #tpu.memory_space<hbm>> -> memref<10112x128xf32, #tpu.memory_space<hbm>>
      %dma_wait3A_232 = tpu.memref_slice %arg17[%dma_wait3A_225] : memref<3x!tpu.dma_semaphore, #tpu.memory_space<semaphore_mem>> -> memref<1x!tpu.dma_semaphore, #tpu.memory_space<semaphore_mem>>
      %dma_wait3A_233 = tpu.memref_squeeze %dma_wait3A_232 : memref<1x!tpu.dma_semaphore, #tpu.memory_space<semaphore_mem>> -> memref<!tpu.dma_semaphore, #tpu.memory_space<semaphore_mem>>
      tpu.wait_indirect_dma semaphore(%dma_wait3A_233 : memref<!tpu.dma_semaphore, #tpu.memory_space<semaphore_mem>>) src(%dma_wait3A_231 : memref<10112x128xf32, #tpu.memory_space<hbm>>) dst(%arg14 : memref<120x128xf32, #tpu.memory_space<vmem>>)
      %dma_start3A_234 = arith.constant 1 : i32
      %dma_start3A_235 = arith.constant 2 : i32
      %dma_start3A_236 = arith.constant 0 : i32
      %dma_start3A_237 = tpu.memref_slice %arg8[%dma_start3A_234, %dma_start3A_236] : memref<2x120xi32, #tpu.memory_space<vmem>> -> memref<1x120xi32, #tpu.memory_space<vmem>>
      %dma_start3A_238 = tpu.memref_squeeze %dma_start3A_237 : memref<1x120xi32, #tpu.memory_space<vmem>> -> memref<120xi32, #tpu.memory_space<vmem>>
      %dma_start3A_239 = arith.constant 0 : i32
      %dma_start3A_240 = arith.constant 0 : i32
      %dma_start3A_241 = tpu.memref_slice %arg15[%dma_start3A_239, %dma_start3A_240] : memref<10112x128xf32, #tpu.memory_space<vmem_shared>> -> memref<10112x128xf32, #tpu.memory_space<vmem_shared>>
      %dma_start3A_242 = tpu.memref_slice %arg18[%dma_start3A_235] : memref<3x!tpu.dma_semaphore, #tpu.memory_space<semaphore_mem>> -> memref<1x!tpu.dma_semaphore, #tpu.memory_space<semaphore_mem>>
      %dma_start3A_243 = tpu.memref_squeeze %dma_start3A_242 : memref<1x!tpu.dma_semaphore, #tpu.memory_space<semaphore_mem>> -> memref<!tpu.dma_semaphore, #tpu.memory_space<semaphore_mem>>
      tpu.enqueue_indirect_dma source(%arg14 : memref<120x128xf32, #tpu.memory_space<vmem>>) target(%dma_start3A_241 : memref<10112x128xf32, #tpu.memory_space<vmem_shared>>) offsets(%dma_start3A_238 : memref<120xi32, #tpu.memory_space<vmem>>) semaphore(%dma_start3A_243 : memref<!tpu.dma_semaphore, #tpu.memory_space<semaphore_mem>>) {add = true}
      %mul3A_244 = arith.constant 6 : i32
      %mul3A_245 = arith.muli %while3A_112, %mul3A_244 : i32
      %add3A_246 = arith.constant 3 : i32
      %add3A_247 = arith.addi %mul3A_245, %add3A_246 : i32
      %add3A_248 = arith.constant 2 : i32
      %add3A_249 = arith.addi %add3A_247, %add3A_248 : i32
      %lt3A_250 = arith.cmpi slt, %add3A_249, %select_n3A : i32
      %convert_element_type3A_251 = arith.extui %lt3A_250 : i1 to i32
      %cond3A_252 = arith.constant 0 : i32
      %cond3A_253 = arith.cmpi ne, %convert_element_type3A_251, %cond3A_252 : i32
      scf.if %cond3A_253 {
        %add3A_379 = arith.addi %add3A, %add3A_247 : i32
        %add3A_380 = arith.constant 2 : i32
        %add3A_381 = arith.addi %add3A_379, %add3A_380 : i32
        %dma_start3A_382 = arith.constant 5 : i32
        %dma_start3A_383 = arith.constant 0 : i32
        %dma_start3A_384 = arith.constant 0 : i32
        %dma_start3A_385 = tpu.memref_slice %arg3[%add3A_381, %dma_start3A_383, %dma_start3A_384] : memref<2688x2x120xi32, #tpu.memory_space<hbm>> -> memref<1x2x120xi32, #tpu.memory_space<hbm>>
        %dma_start3A_386 = tpu.memref_squeeze %dma_start3A_385 : memref<1x2x120xi32, #tpu.memory_space<hbm>> -> memref<2x120xi32, #tpu.memory_space<hbm>>
        %dma_start3A_387 = tpu.memref_slice %arg16[%dma_start3A_382] : memref<6x!tpu.dma_semaphore, #tpu.memory_space<semaphore_mem>> -> memref<1x!tpu.dma_semaphore, #tpu.memory_space<semaphore_mem>>
        %dma_start3A_388 = tpu.memref_squeeze %dma_start3A_387 : memref<1x!tpu.dma_semaphore, #tpu.memory_space<semaphore_mem>> -> memref<!tpu.dma_semaphore, #tpu.memory_space<semaphore_mem>>
        %dma_start3A_389 = arith.constant 0 : i32
        %dma_start3A_390 = arith.constant 0 : i32
        %dma_start3A_391 = tpu.memref_slice %arg3[%add3A_381, %dma_start3A_389, %dma_start3A_390] : memref<2688x2x120xi32, #tpu.memory_space<hbm>> -> memref<1x2x120xi32, #tpu.memory_space<hbm>>
        %dma_start3A_392 = tpu.memref_squeeze %dma_start3A_391 : memref<1x2x120xi32, #tpu.memory_space<hbm>> -> memref<2x120xi32, #tpu.memory_space<hbm>>
        tpu.enqueue_dma source(%dma_start3A_392 : memref<2x120xi32, #tpu.memory_space<hbm>>) target(%arg11 : memref<2x120xi32, #tpu.memory_space<vmem>>) target_semaphore(%dma_start3A_388 : memref<!tpu.dma_semaphore, #tpu.memory_space<semaphore_mem>>)
      } else {
      }
      %add3A_254 = arith.constant 1 : i32
      %add3A_255 = arith.addi %add3A_247, %add3A_254 : i32
      %lt3A_256 = arith.cmpi slt, %add3A_255, %select_n3A : i32
      %ge3A_257 = arith.constant 2 : i32
      %ge3A_258 = arith.cmpi sge, %add3A_247, %ge3A_257 : i32
      %and3A_259 = arith.andi %lt3A_256, %ge3A_258 : i1
      %convert_element_type3A_260 = arith.extui %and3A_259 : i1 to i32
      %cond3A_261 = arith.constant 0 : i32
      %cond3A_262 = arith.cmpi ne, %convert_element_type3A_260, %cond3A_261 : i32
      scf.if %cond3A_262 {
        %dma_wait3A_379 = arith.constant 1 : i32
        %dma_wait3A_380 = arith.constant 1 : i32
        %dma_wait3A_381 = arith.constant 0 : i32
        %dma_wait3A_382 = tpu.memref_slice %arg9[%dma_wait3A_379, %dma_wait3A_381] : memref<2x120xi32, #tpu.memory_space<vmem>> -> memref<1x120xi32, #tpu.memory_space<vmem>>
        %dma_wait3A_383 = tpu.memref_squeeze %dma_wait3A_382 : memref<1x120xi32, #tpu.memory_space<vmem>> -> memref<120xi32, #tpu.memory_space<vmem>>
        %dma_wait3A_384 = arith.constant 0 : i32
        %dma_wait3A_385 = arith.constant 0 : i32
        %dma_wait3A_386 = tpu.memref_slice %arg15[%dma_wait3A_384, %dma_wait3A_385] : memref<10112x128xf32, #tpu.memory_space<vmem_shared>> -> memref<10112x128xf32, #tpu.memory_space<vmem_shared>>
        %dma_wait3A_387 = tpu.memref_slice %arg18[%dma_wait3A_380] : memref<3x!tpu.dma_semaphore, #tpu.memory_space<semaphore_mem>> -> memref<1x!tpu.dma_semaphore, #tpu.memory_space<semaphore_mem>>
        %dma_wait3A_388 = tpu.memref_squeeze %dma_wait3A_387 : memref<1x!tpu.dma_semaphore, #tpu.memory_space<semaphore_mem>> -> memref<!tpu.dma_semaphore, #tpu.memory_space<semaphore_mem>>
        tpu.wait_indirect_dma semaphore(%dma_wait3A_388 : memref<!tpu.dma_semaphore, #tpu.memory_space<semaphore_mem>>) src(%arg13 : memref<120x128xf32, #tpu.memory_space<vmem>>) dst(%dma_wait3A_386 : memref<10112x128xf32, #tpu.memory_space<vmem_shared>>)
      } else {
      }
      %add3A_263 = arith.constant 1 : i32
      %add3A_264 = arith.addi %add3A_247, %add3A_263 : i32
      %lt3A_265 = arith.cmpi slt, %add3A_264, %select_n3A : i32
      %convert_element_type3A_266 = arith.extui %lt3A_265 : i1 to i32
      %cond3A_267 = arith.constant 0 : i32
      %cond3A_268 = arith.cmpi ne, %convert_element_type3A_266, %cond3A_267 : i32
      scf.if %cond3A_268 {
        %dma_wait3A_379 = arith.constant 4 : i32
        %dma_wait3A_380 = arith.constant 0 : i32
        %dma_wait3A_381 = arith.constant 0 : i32
        %dma_wait3A_382 = tpu.memref_slice %arg3[%add3A, %dma_wait3A_380, %dma_wait3A_381] : memref<2688x2x120xi32, #tpu.memory_space<hbm>> -> memref<1x2x120xi32, #tpu.memory_space<hbm>>
        %dma_wait3A_383 = tpu.memref_squeeze %dma_wait3A_382 : memref<1x2x120xi32, #tpu.memory_space<hbm>> -> memref<2x120xi32, #tpu.memory_space<hbm>>
        %dma_wait3A_384 = tpu.memref_slice %arg16[%dma_wait3A_379] : memref<6x!tpu.dma_semaphore, #tpu.memory_space<semaphore_mem>> -> memref<1x!tpu.dma_semaphore, #tpu.memory_space<semaphore_mem>>
        %dma_wait3A_385 = tpu.memref_squeeze %dma_wait3A_384 : memref<1x!tpu.dma_semaphore, #tpu.memory_space<semaphore_mem>> -> memref<!tpu.dma_semaphore, #tpu.memory_space<semaphore_mem>>
        %dma_wait3A_386 = arith.constant 0 : i32
        %dma_wait3A_387 = arith.constant 0 : i32
        %dma_wait3A_388 = tpu.memref_slice %arg3[%add3A, %dma_wait3A_386, %dma_wait3A_387] : memref<2688x2x120xi32, #tpu.memory_space<hbm>> -> memref<1x2x120xi32, #tpu.memory_space<hbm>>
        %dma_wait3A_389 = tpu.memref_squeeze %dma_wait3A_388 : memref<1x2x120xi32, #tpu.memory_space<hbm>> -> memref<2x120xi32, #tpu.memory_space<hbm>>
        tpu.wait_dma2 semaphore(%dma_wait3A_385 : memref<!tpu.dma_semaphore, #tpu.memory_space<semaphore_mem>>) src(%dma_wait3A_389 : memref<2x120xi32, #tpu.memory_space<hbm>>) dst(%arg10 : memref<2x120xi32, #tpu.memory_space<vmem>>)
        %dma_start3A_390 = arith.constant 0 : i32
        %dma_start3A_391 = arith.constant 1 : i32
        %dma_start3A_392 = arith.constant 0 : i32
        %dma_start3A_393 = tpu.memref_slice %arg10[%dma_start3A_390, %dma_start3A_392] : memref<2x120xi32, #tpu.memory_space<vmem>> -> memref<1x120xi32, #tpu.memory_space<vmem>>
        %dma_start3A_394 = tpu.memref_squeeze %dma_start3A_393 : memref<1x120xi32, #tpu.memory_space<vmem>> -> memref<120xi32, #tpu.memory_space<vmem>>
        %dma_start3A_395 = arith.constant 0 : i32
        %dma_start3A_396 = arith.constant 0 : i32
        %dma_start3A_397 = tpu.memref_slice %arg2[%dma_start3A_395, %dma_start3A_396] : memref<10112x128xf32, #tpu.memory_space<hbm>> -> memref<10112x128xf32, #tpu.memory_space<hbm>>
        %dma_start3A_398 = tpu.memref_slice %arg17[%dma_start3A_391] : memref<3x!tpu.dma_semaphore, #tpu.memory_space<semaphore_mem>> -> memref<1x!tpu.dma_semaphore, #tpu.memory_space<semaphore_mem>>
        %dma_start3A_399 = tpu.memref_squeeze %dma_start3A_398 : memref<1x!tpu.dma_semaphore, #tpu.memory_space<semaphore_mem>> -> memref<!tpu.dma_semaphore, #tpu.memory_space<semaphore_mem>>
        tpu.enqueue_indirect_dma source(%dma_start3A_397 : memref<10112x128xf32, #tpu.memory_space<hbm>>) target(%arg13 : memref<120x128xf32, #tpu.memory_space<vmem>>) offsets(%dma_start3A_394 : memref<120xi32, #tpu.memory_space<vmem>>) semaphore(%dma_start3A_399 : memref<!tpu.dma_semaphore, #tpu.memory_space<semaphore_mem>>)
      } else {
      }
      %dma_wait3A_269 = arith.constant 0 : i32
      %dma_wait3A_270 = arith.constant 0 : i32
      %dma_wait3A_271 = arith.constant 0 : i32
      %dma_wait3A_272 = tpu.memref_slice %arg9[%dma_wait3A_269, %dma_wait3A_271] : memref<2x120xi32, #tpu.memory_space<vmem>> -> memref<1x120xi32, #tpu.memory_space<vmem>>
      %dma_wait3A_273 = tpu.memref_squeeze %dma_wait3A_272 : memref<1x120xi32, #tpu.memory_space<vmem>> -> memref<120xi32, #tpu.memory_space<vmem>>
      %dma_wait3A_274 = arith.constant 0 : i32
      %dma_wait3A_275 = arith.constant 0 : i32
      %dma_wait3A_276 = tpu.memref_slice %arg2[%dma_wait3A_274, %dma_wait3A_275] : memref<10112x128xf32, #tpu.memory_space<hbm>> -> memref<10112x128xf32, #tpu.memory_space<hbm>>
      %dma_wait3A_277 = tpu.memref_slice %arg17[%dma_wait3A_270] : memref<3x!tpu.dma_semaphore, #tpu.memory_space<semaphore_mem>> -> memref<1x!tpu.dma_semaphore, #tpu.memory_space<semaphore_mem>>
      %dma_wait3A_278 = tpu.memref_squeeze %dma_wait3A_277 : memref<1x!tpu.dma_semaphore, #tpu.memory_space<semaphore_mem>> -> memref<!tpu.dma_semaphore, #tpu.memory_space<semaphore_mem>>
      tpu.wait_indirect_dma semaphore(%dma_wait3A_278 : memref<!tpu.dma_semaphore, #tpu.memory_space<semaphore_mem>>) src(%dma_wait3A_276 : memref<10112x128xf32, #tpu.memory_space<hbm>>) dst(%arg12 : memref<120x128xf32, #tpu.memory_space<vmem>>)
      %dma_start3A_279 = arith.constant 1 : i32
      %dma_start3A_280 = arith.constant 0 : i32
      %dma_start3A_281 = arith.constant 0 : i32
      %dma_start3A_282 = tpu.memref_slice %arg9[%dma_start3A_279, %dma_start3A_281] : memref<2x120xi32, #tpu.memory_space<vmem>> -> memref<1x120xi32, #tpu.memory_space<vmem>>
      %dma_start3A_283 = tpu.memref_squeeze %dma_start3A_282 : memref<1x120xi32, #tpu.memory_space<vmem>> -> memref<120xi32, #tpu.memory_space<vmem>>
      %dma_start3A_284 = arith.constant 0 : i32
      %dma_start3A_285 = arith.constant 0 : i32
      %dma_start3A_286 = tpu.memref_slice %arg15[%dma_start3A_284, %dma_start3A_285] : memref<10112x128xf32, #tpu.memory_space<vmem_shared>> -> memref<10112x128xf32, #tpu.memory_space<vmem_shared>>
      %dma_start3A_287 = tpu.memref_slice %arg18[%dma_start3A_280] : memref<3x!tpu.dma_semaphore, #tpu.memory_space<semaphore_mem>> -> memref<1x!tpu.dma_semaphore, #tpu.memory_space<semaphore_mem>>
      %dma_start3A_288 = tpu.memref_squeeze %dma_start3A_287 : memref<1x!tpu.dma_semaphore, #tpu.memory_space<semaphore_mem>> -> memref<!tpu.dma_semaphore, #tpu.memory_space<semaphore_mem>>
      tpu.enqueue_indirect_dma source(%arg12 : memref<120x128xf32, #tpu.memory_space<vmem>>) target(%dma_start3A_286 : memref<10112x128xf32, #tpu.memory_space<vmem_shared>>) offsets(%dma_start3A_283 : memref<120xi32, #tpu.memory_space<vmem>>) semaphore(%dma_start3A_288 : memref<!tpu.dma_semaphore, #tpu.memory_space<semaphore_mem>>) {add = true}
      %mul3A_289 = arith.constant 6 : i32
      %mul3A_290 = arith.muli %while3A_112, %mul3A_289 : i32
      %add3A_291 = arith.constant 4 : i32
      %add3A_292 = arith.addi %mul3A_290, %add3A_291 : i32
      %add3A_293 = arith.constant 2 : i32
      %add3A_294 = arith.addi %add3A_292, %add3A_293 : i32
      %lt3A_295 = arith.cmpi slt, %add3A_294, %select_n3A : i32
      %convert_element_type3A_296 = arith.extui %lt3A_295 : i1 to i32
      %cond3A_297 = arith.constant 0 : i32
      %cond3A_298 = arith.cmpi ne, %convert_element_type3A_296, %cond3A_297 : i32
      scf.if %cond3A_298 {
        %add3A_379 = arith.addi %add3A, %add3A_292 : i32
        %add3A_380 = arith.constant 2 : i32
        %add3A_381 = arith.addi %add3A_379, %add3A_380 : i32
        %dma_start3A_382 = arith.constant 0 : i32
        %dma_start3A_383 = arith.constant 0 : i32
        %dma_start3A_384 = arith.constant 0 : i32
        %dma_start3A_385 = tpu.memref_slice %arg3[%add3A_381, %dma_start3A_383, %dma_start3A_384] : memref<2688x2x120xi32, #tpu.memory_space<hbm>> -> memref<1x2x120xi32, #tpu.memory_space<hbm>>
        %dma_start3A_386 = tpu.memref_squeeze %dma_start3A_385 : memref<1x2x120xi32, #tpu.memory_space<hbm>> -> memref<2x120xi32, #tpu.memory_space<hbm>>
        %dma_start3A_387 = tpu.memref_slice %arg16[%dma_start3A_382] : memref<6x!tpu.dma_semaphore, #tpu.memory_space<semaphore_mem>> -> memref<1x!tpu.dma_semaphore, #tpu.memory_space<semaphore_mem>>
        %dma_start3A_388 = tpu.memref_squeeze %dma_start3A_387 : memref<1x!tpu.dma_semaphore, #tpu.memory_space<semaphore_mem>> -> memref<!tpu.dma_semaphore, #tpu.memory_space<semaphore_mem>>
        %dma_start3A_389 = arith.constant 0 : i32
        %dma_start3A_390 = arith.constant 0 : i32
        %dma_start3A_391 = tpu.memref_slice %arg3[%add3A_381, %dma_start3A_389, %dma_start3A_390] : memref<2688x2x120xi32, #tpu.memory_space<hbm>> -> memref<1x2x120xi32, #tpu.memory_space<hbm>>
        %dma_start3A_392 = tpu.memref_squeeze %dma_start3A_391 : memref<1x2x120xi32, #tpu.memory_space<hbm>> -> memref<2x120xi32, #tpu.memory_space<hbm>>
        tpu.enqueue_dma source(%dma_start3A_392 : memref<2x120xi32, #tpu.memory_space<hbm>>) target(%arg6 : memref<2x120xi32, #tpu.memory_space<vmem>>) target_semaphore(%dma_start3A_388 : memref<!tpu.dma_semaphore, #tpu.memory_space<semaphore_mem>>)
      } else {
      }
      %add3A_299 = arith.constant 1 : i32
      %add3A_300 = arith.addi %add3A_292, %add3A_299 : i32
      %lt3A_301 = arith.cmpi slt, %add3A_300, %select_n3A : i32
      %ge3A_302 = arith.constant 2 : i32
      %ge3A_303 = arith.cmpi sge, %add3A_292, %ge3A_302 : i32
      %and3A_304 = arith.andi %lt3A_301, %ge3A_303 : i1
      %convert_element_type3A_305 = arith.extui %and3A_304 : i1 to i32
      %cond3A_306 = arith.constant 0 : i32
      %cond3A_307 = arith.cmpi ne, %convert_element_type3A_305, %cond3A_306 : i32
      scf.if %cond3A_307 {
        %dma_wait3A_379 = arith.constant 1 : i32
        %dma_wait3A_380 = arith.constant 2 : i32
        %dma_wait3A_381 = arith.constant 0 : i32
        %dma_wait3A_382 = tpu.memref_slice %arg10[%dma_wait3A_379, %dma_wait3A_381] : memref<2x120xi32, #tpu.memory_space<vmem>> -> memref<1x120xi32, #tpu.memory_space<vmem>>
        %dma_wait3A_383 = tpu.memref_squeeze %dma_wait3A_382 : memref<1x120xi32, #tpu.memory_space<vmem>> -> memref<120xi32, #tpu.memory_space<vmem>>
        %dma_wait3A_384 = arith.constant 0 : i32
        %dma_wait3A_385 = arith.constant 0 : i32
        %dma_wait3A_386 = tpu.memref_slice %arg15[%dma_wait3A_384, %dma_wait3A_385] : memref<10112x128xf32, #tpu.memory_space<vmem_shared>> -> memref<10112x128xf32, #tpu.memory_space<vmem_shared>>
        %dma_wait3A_387 = tpu.memref_slice %arg18[%dma_wait3A_380] : memref<3x!tpu.dma_semaphore, #tpu.memory_space<semaphore_mem>> -> memref<1x!tpu.dma_semaphore, #tpu.memory_space<semaphore_mem>>
        %dma_wait3A_388 = tpu.memref_squeeze %dma_wait3A_387 : memref<1x!tpu.dma_semaphore, #tpu.memory_space<semaphore_mem>> -> memref<!tpu.dma_semaphore, #tpu.memory_space<semaphore_mem>>
        tpu.wait_indirect_dma semaphore(%dma_wait3A_388 : memref<!tpu.dma_semaphore, #tpu.memory_space<semaphore_mem>>) src(%arg14 : memref<120x128xf32, #tpu.memory_space<vmem>>) dst(%dma_wait3A_386 : memref<10112x128xf32, #tpu.memory_space<vmem_shared>>)
      } else {
      }
      %add3A_308 = arith.constant 1 : i32
      %add3A_309 = arith.addi %add3A_292, %add3A_308 : i32
      %lt3A_310 = arith.cmpi slt, %add3A_309, %select_n3A : i32
      %convert_element_type3A_311 = arith.extui %lt3A_310 : i1 to i32
      %cond3A_312 = arith.constant 0 : i32
      %cond3A_313 = arith.cmpi ne, %convert_element_type3A_311, %cond3A_312 : i32
      scf.if %cond3A_313 {
        %dma_wait3A_379 = arith.constant 5 : i32
        %dma_wait3A_380 = arith.constant 0 : i32
        %dma_wait3A_381 = arith.constant 0 : i32
        %dma_wait3A_382 = tpu.memref_slice %arg3[%add3A, %dma_wait3A_380, %dma_wait3A_381] : memref<2688x2x120xi32, #tpu.memory_space<hbm>> -> memref<1x2x120xi32, #tpu.memory_space<hbm>>
        %dma_wait3A_383 = tpu.memref_squeeze %dma_wait3A_382 : memref<1x2x120xi32, #tpu.memory_space<hbm>> -> memref<2x120xi32, #tpu.memory_space<hbm>>
        %dma_wait3A_384 = tpu.memref_slice %arg16[%dma_wait3A_379] : memref<6x!tpu.dma_semaphore, #tpu.memory_space<semaphore_mem>> -> memref<1x!tpu.dma_semaphore, #tpu.memory_space<semaphore_mem>>
        %dma_wait3A_385 = tpu.memref_squeeze %dma_wait3A_384 : memref<1x!tpu.dma_semaphore, #tpu.memory_space<semaphore_mem>> -> memref<!tpu.dma_semaphore, #tpu.memory_space<semaphore_mem>>
        %dma_wait3A_386 = arith.constant 0 : i32
        %dma_wait3A_387 = arith.constant 0 : i32
        %dma_wait3A_388 = tpu.memref_slice %arg3[%add3A, %dma_wait3A_386, %dma_wait3A_387] : memref<2688x2x120xi32, #tpu.memory_space<hbm>> -> memref<1x2x120xi32, #tpu.memory_space<hbm>>
        %dma_wait3A_389 = tpu.memref_squeeze %dma_wait3A_388 : memref<1x2x120xi32, #tpu.memory_space<hbm>> -> memref<2x120xi32, #tpu.memory_space<hbm>>
        tpu.wait_dma2 semaphore(%dma_wait3A_385 : memref<!tpu.dma_semaphore, #tpu.memory_space<semaphore_mem>>) src(%dma_wait3A_389 : memref<2x120xi32, #tpu.memory_space<hbm>>) dst(%arg11 : memref<2x120xi32, #tpu.memory_space<vmem>>)
        %dma_start3A_390 = arith.constant 0 : i32
        %dma_start3A_391 = arith.constant 2 : i32
        %dma_start3A_392 = arith.constant 0 : i32
        %dma_start3A_393 = tpu.memref_slice %arg11[%dma_start3A_390, %dma_start3A_392] : memref<2x120xi32, #tpu.memory_space<vmem>> -> memref<1x120xi32, #tpu.memory_space<vmem>>
        %dma_start3A_394 = tpu.memref_squeeze %dma_start3A_393 : memref<1x120xi32, #tpu.memory_space<vmem>> -> memref<120xi32, #tpu.memory_space<vmem>>
        %dma_start3A_395 = arith.constant 0 : i32
        %dma_start3A_396 = arith.constant 0 : i32
        %dma_start3A_397 = tpu.memref_slice %arg2[%dma_start3A_395, %dma_start3A_396] : memref<10112x128xf32, #tpu.memory_space<hbm>> -> memref<10112x128xf32, #tpu.memory_space<hbm>>
        %dma_start3A_398 = tpu.memref_slice %arg17[%dma_start3A_391] : memref<3x!tpu.dma_semaphore, #tpu.memory_space<semaphore_mem>> -> memref<1x!tpu.dma_semaphore, #tpu.memory_space<semaphore_mem>>
        %dma_start3A_399 = tpu.memref_squeeze %dma_start3A_398 : memref<1x!tpu.dma_semaphore, #tpu.memory_space<semaphore_mem>> -> memref<!tpu.dma_semaphore, #tpu.memory_space<semaphore_mem>>
        tpu.enqueue_indirect_dma source(%dma_start3A_397 : memref<10112x128xf32, #tpu.memory_space<hbm>>) target(%arg14 : memref<120x128xf32, #tpu.memory_space<vmem>>) offsets(%dma_start3A_394 : memref<120xi32, #tpu.memory_space<vmem>>) semaphore(%dma_start3A_399 : memref<!tpu.dma_semaphore, #tpu.memory_space<semaphore_mem>>)
      } else {
      }
      %dma_wait3A_314 = arith.constant 0 : i32
      %dma_wait3A_315 = arith.constant 1 : i32
      %dma_wait3A_316 = arith.constant 0 : i32
      %dma_wait3A_317 = tpu.memref_slice %arg10[%dma_wait3A_314, %dma_wait3A_316] : memref<2x120xi32, #tpu.memory_space<vmem>> -> memref<1x120xi32, #tpu.memory_space<vmem>>
      %dma_wait3A_318 = tpu.memref_squeeze %dma_wait3A_317 : memref<1x120xi32, #tpu.memory_space<vmem>> -> memref<120xi32, #tpu.memory_space<vmem>>
      %dma_wait3A_319 = arith.constant 0 : i32
      %dma_wait3A_320 = arith.constant 0 : i32
      %dma_wait3A_321 = tpu.memref_slice %arg2[%dma_wait3A_319, %dma_wait3A_320] : memref<10112x128xf32, #tpu.memory_space<hbm>> -> memref<10112x128xf32, #tpu.memory_space<hbm>>
      %dma_wait3A_322 = tpu.memref_slice %arg17[%dma_wait3A_315] : memref<3x!tpu.dma_semaphore, #tpu.memory_space<semaphore_mem>> -> memref<1x!tpu.dma_semaphore, #tpu.memory_space<semaphore_mem>>
      %dma_wait3A_323 = tpu.memref_squeeze %dma_wait3A_322 : memref<1x!tpu.dma_semaphore, #tpu.memory_space<semaphore_mem>> -> memref<!tpu.dma_semaphore, #tpu.memory_space<semaphore_mem>>
      tpu.wait_indirect_dma semaphore(%dma_wait3A_323 : memref<!tpu.dma_semaphore, #tpu.memory_space<semaphore_mem>>) src(%dma_wait3A_321 : memref<10112x128xf32, #tpu.memory_space<hbm>>) dst(%arg13 : memref<120x128xf32, #tpu.memory_space<vmem>>)
      %dma_start3A_324 = arith.constant 1 : i32
      %dma_start3A_325 = arith.constant 1 : i32
      %dma_start3A_326 = arith.constant 0 : i32
      %dma_start3A_327 = tpu.memref_slice %arg10[%dma_start3A_324, %dma_start3A_326] : memref<2x120xi32, #tpu.memory_space<vmem>> -> memref<1x120xi32, #tpu.memory_space<vmem>>
      %dma_start3A_328 = tpu.memref_squeeze %dma_start3A_327 : memref<1x120xi32, #tpu.memory_space<vmem>> -> memref<120xi32, #tpu.memory_space<vmem>>
      %dma_start3A_329 = arith.constant 0 : i32
      %dma_start3A_330 = arith.constant 0 : i32
      %dma_start3A_331 = tpu.memref_slice %arg15[%dma_start3A_329, %dma_start3A_330] : memref<10112x128xf32, #tpu.memory_space<vmem_shared>> -> memref<10112x128xf32, #tpu.memory_space<vmem_shared>>
      %dma_start3A_332 = tpu.memref_slice %arg18[%dma_start3A_325] : memref<3x!tpu.dma_semaphore, #tpu.memory_space<semaphore_mem>> -> memref<1x!tpu.dma_semaphore, #tpu.memory_space<semaphore_mem>>
      %dma_start3A_333 = tpu.memref_squeeze %dma_start3A_332 : memref<1x!tpu.dma_semaphore, #tpu.memory_space<semaphore_mem>> -> memref<!tpu.dma_semaphore, #tpu.memory_space<semaphore_mem>>
      tpu.enqueue_indirect_dma source(%arg13 : memref<120x128xf32, #tpu.memory_space<vmem>>) target(%dma_start3A_331 : memref<10112x128xf32, #tpu.memory_space<vmem_shared>>) offsets(%dma_start3A_328 : memref<120xi32, #tpu.memory_space<vmem>>) semaphore(%dma_start3A_333 : memref<!tpu.dma_semaphore, #tpu.memory_space<semaphore_mem>>) {add = true}
      %mul3A_334 = arith.constant 6 : i32
      %mul3A_335 = arith.muli %while3A_112, %mul3A_334 : i32
      %add3A_336 = arith.constant 5 : i32
      %add3A_337 = arith.addi %mul3A_335, %add3A_336 : i32
      %add3A_338 = arith.constant 2 : i32
      %add3A_339 = arith.addi %add3A_337, %add3A_338 : i32
      %lt3A_340 = arith.cmpi slt, %add3A_339, %select_n3A : i32
      %convert_element_type3A_341 = arith.extui %lt3A_340 : i1 to i32
      %cond3A_342 = arith.constant 0 : i32
      %cond3A_343 = arith.cmpi ne, %convert_element_type3A_341, %cond3A_342 : i32
      scf.if %cond3A_343 {
        %add3A_379 = arith.addi %add3A, %add3A_337 : i32
        %add3A_380 = arith.constant 2 : i32
        %add3A_381 = arith.addi %add3A_379, %add3A_380 : i32
        %dma_start3A_382 = arith.constant 1 : i32
        %dma_start3A_383 = arith.constant 0 : i32
        %dma_start3A_384 = arith.constant 0 : i32
        %dma_start3A_385 = tpu.memref_slice %arg3[%add3A_381, %dma_start3A_383, %dma_start3A_384] : memref<2688x2x120xi32, #tpu.memory_space<hbm>> -> memref<1x2x120xi32, #tpu.memory_space<hbm>>
        %dma_start3A_386 = tpu.memref_squeeze %dma_start3A_385 : memref<1x2x120xi32, #tpu.memory_space<hbm>> -> memref<2x120xi32, #tpu.memory_space<hbm>>
        %dma_start3A_387 = tpu.memref_slice %arg16[%dma_start3A_382] : memref<6x!tpu.dma_semaphore, #tpu.memory_space<semaphore_mem>> -> memref<1x!tpu.dma_semaphore, #tpu.memory_space<semaphore_mem>>
        %dma_start3A_388 = tpu.memref_squeeze %dma_start3A_387 : memref<1x!tpu.dma_semaphore, #tpu.memory_space<semaphore_mem>> -> memref<!tpu.dma_semaphore, #tpu.memory_space<semaphore_mem>>
        %dma_start3A_389 = arith.constant 0 : i32
        %dma_start3A_390 = arith.constant 0 : i32
        %dma_start3A_391 = tpu.memref_slice %arg3[%add3A_381, %dma_start3A_389, %dma_start3A_390] : memref<2688x2x120xi32, #tpu.memory_space<hbm>> -> memref<1x2x120xi32, #tpu.memory_space<hbm>>
        %dma_start3A_392 = tpu.memref_squeeze %dma_start3A_391 : memref<1x2x120xi32, #tpu.memory_space<hbm>> -> memref<2x120xi32, #tpu.memory_space<hbm>>
        tpu.enqueue_dma source(%dma_start3A_392 : memref<2x120xi32, #tpu.memory_space<hbm>>) target(%arg7 : memref<2x120xi32, #tpu.memory_space<vmem>>) target_semaphore(%dma_start3A_388 : memref<!tpu.dma_semaphore, #tpu.memory_space<semaphore_mem>>)
      } else {
      }
      %add3A_344 = arith.constant 1 : i32
      %add3A_345 = arith.addi %add3A_337, %add3A_344 : i32
      %lt3A_346 = arith.cmpi slt, %add3A_345, %select_n3A : i32
      %ge3A_347 = arith.constant 2 : i32
      %ge3A_348 = arith.cmpi sge, %add3A_337, %ge3A_347 : i32
      %and3A_349 = arith.andi %lt3A_346, %ge3A_348 : i1
      %convert_element_type3A_350 = arith.extui %and3A_349 : i1 to i32
      %cond3A_351 = arith.constant 0 : i32
      %cond3A_352 = arith.cmpi ne, %convert_element_type3A_350, %cond3A_351 : i32
      scf.if %cond3A_352 {
        %dma_wait3A_379 = arith.constant 1 : i32
        %dma_wait3A_380 = arith.constant 0 : i32
        %dma_wait3A_381 = arith.constant 0 : i32
        %dma_wait3A_382 = tpu.memref_slice %arg11[%dma_wait3A_379, %dma_wait3A_381] : memref<2x120xi32, #tpu.memory_space<vmem>> -> memref<1x120xi32, #tpu.memory_space<vmem>>
        %dma_wait3A_383 = tpu.memref_squeeze %dma_wait3A_382 : memref<1x120xi32, #tpu.memory_space<vmem>> -> memref<120xi32, #tpu.memory_space<vmem>>
        %dma_wait3A_384 = arith.constant 0 : i32
        %dma_wait3A_385 = arith.constant 0 : i32
        %dma_wait3A_386 = tpu.memref_slice %arg15[%dma_wait3A_384, %dma_wait3A_385] : memref<10112x128xf32, #tpu.memory_space<vmem_shared>> -> memref<10112x128xf32, #tpu.memory_space<vmem_shared>>
        %dma_wait3A_387 = tpu.memref_slice %arg18[%dma_wait3A_380] : memref<3x!tpu.dma_semaphore, #tpu.memory_space<semaphore_mem>> -> memref<1x!tpu.dma_semaphore, #tpu.memory_space<semaphore_mem>>
        %dma_wait3A_388 = tpu.memref_squeeze %dma_wait3A_387 : memref<1x!tpu.dma_semaphore, #tpu.memory_space<semaphore_mem>> -> memref<!tpu.dma_semaphore, #tpu.memory_space<semaphore_mem>>
        tpu.wait_indirect_dma semaphore(%dma_wait3A_388 : memref<!tpu.dma_semaphore, #tpu.memory_space<semaphore_mem>>) src(%arg12 : memref<120x128xf32, #tpu.memory_space<vmem>>) dst(%dma_wait3A_386 : memref<10112x128xf32, #tpu.memory_space<vmem_shared>>)
      } else {
      }
      %add3A_353 = arith.constant 1 : i32
      %add3A_354 = arith.addi %add3A_337, %add3A_353 : i32
      %lt3A_355 = arith.cmpi slt, %add3A_354, %select_n3A : i32
      %convert_element_type3A_356 = arith.extui %lt3A_355 : i1 to i32
      %cond3A_357 = arith.constant 0 : i32
      %cond3A_358 = arith.cmpi ne, %convert_element_type3A_356, %cond3A_357 : i32
      scf.if %cond3A_358 {
        %dma_wait3A_379 = arith.constant 0 : i32
        %dma_wait3A_380 = arith.constant 0 : i32
        %dma_wait3A_381 = arith.constant 0 : i32
        %dma_wait3A_382 = tpu.memref_slice %arg3[%add3A, %dma_wait3A_380, %dma_wait3A_381] : memref<2688x2x120xi32, #tpu.memory_space<hbm>> -> memref<1x2x120xi32, #tpu.memory_space<hbm>>
        %dma_wait3A_383 = tpu.memref_squeeze %dma_wait3A_382 : memref<1x2x120xi32, #tpu.memory_space<hbm>> -> memref<2x120xi32, #tpu.memory_space<hbm>>
        %dma_wait3A_384 = tpu.memref_slice %arg16[%dma_wait3A_379] : memref<6x!tpu.dma_semaphore, #tpu.memory_space<semaphore_mem>> -> memref<1x!tpu.dma_semaphore, #tpu.memory_space<semaphore_mem>>
        %dma_wait3A_385 = tpu.memref_squeeze %dma_wait3A_384 : memref<1x!tpu.dma_semaphore, #tpu.memory_space<semaphore_mem>> -> memref<!tpu.dma_semaphore, #tpu.memory_space<semaphore_mem>>
        %dma_wait3A_386 = arith.constant 0 : i32
        %dma_wait3A_387 = arith.constant 0 : i32
        %dma_wait3A_388 = tpu.memref_slice %arg3[%add3A, %dma_wait3A_386, %dma_wait3A_387] : memref<2688x2x120xi32, #tpu.memory_space<hbm>> -> memref<1x2x120xi32, #tpu.memory_space<hbm>>
        %dma_wait3A_389 = tpu.memref_squeeze %dma_wait3A_388 : memref<1x2x120xi32, #tpu.memory_space<hbm>> -> memref<2x120xi32, #tpu.memory_space<hbm>>
        tpu.wait_dma2 semaphore(%dma_wait3A_385 : memref<!tpu.dma_semaphore, #tpu.memory_space<semaphore_mem>>) src(%dma_wait3A_389 : memref<2x120xi32, #tpu.memory_space<hbm>>) dst(%arg6 : memref<2x120xi32, #tpu.memory_space<vmem>>)
        %dma_start3A_390 = arith.constant 0 : i32
        %dma_start3A_391 = arith.constant 0 : i32
        %dma_start3A_392 = arith.constant 0 : i32
        %dma_start3A_393 = tpu.memref_slice %arg6[%dma_start3A_390, %dma_start3A_392] : memref<2x120xi32, #tpu.memory_space<vmem>> -> memref<1x120xi32, #tpu.memory_space<vmem>>
        %dma_start3A_394 = tpu.memref_squeeze %dma_start3A_393 : memref<1x120xi32, #tpu.memory_space<vmem>> -> memref<120xi32, #tpu.memory_space<vmem>>
        %dma_start3A_395 = arith.constant 0 : i32
        %dma_start3A_396 = arith.constant 0 : i32
        %dma_start3A_397 = tpu.memref_slice %arg2[%dma_start3A_395, %dma_start3A_396] : memref<10112x128xf32, #tpu.memory_space<hbm>> -> memref<10112x128xf32, #tpu.memory_space<hbm>>
        %dma_start3A_398 = tpu.memref_slice %arg17[%dma_start3A_391] : memref<3x!tpu.dma_semaphore, #tpu.memory_space<semaphore_mem>> -> memref<1x!tpu.dma_semaphore, #tpu.memory_space<semaphore_mem>>
        %dma_start3A_399 = tpu.memref_squeeze %dma_start3A_398 : memref<1x!tpu.dma_semaphore, #tpu.memory_space<semaphore_mem>> -> memref<!tpu.dma_semaphore, #tpu.memory_space<semaphore_mem>>
        tpu.enqueue_indirect_dma source(%dma_start3A_397 : memref<10112x128xf32, #tpu.memory_space<hbm>>) target(%arg12 : memref<120x128xf32, #tpu.memory_space<vmem>>) offsets(%dma_start3A_394 : memref<120xi32, #tpu.memory_space<vmem>>) semaphore(%dma_start3A_399 : memref<!tpu.dma_semaphore, #tpu.memory_space<semaphore_mem>>)
      } else {
      }
      %dma_wait3A_359 = arith.constant 0 : i32
      %dma_wait3A_360 = arith.constant 2 : i32
      %dma_wait3A_361 = arith.constant 0 : i32
      %dma_wait3A_362 = tpu.memref_slice %arg11[%dma_wait3A_359, %dma_wait3A_361] : memref<2x120xi32, #tpu.memory_space<vmem>> -> memref<1x120xi32, #tpu.memory_space<vmem>>
      %dma_wait3A_363 = tpu.memref_squeeze %dma_wait3A_362 : memref<1x120xi32, #tpu.memory_space<vmem>> -> memref<120xi32, #tpu.memory_space<vmem>>
      %dma_wait3A_364 = arith.constant 0 : i32
      %dma_wait3A_365 = arith.constant 0 : i32
      %dma_wait3A_366 = tpu.memref_slice %arg2[%dma_wait3A_364, %dma_wait3A_365] : memref<10112x128xf32, #tpu.memory_space<hbm>> -> memref<10112x128xf32, #tpu.memory_space<hbm>>
      %dma_wait3A_367 = tpu.memref_slice %arg17[%dma_wait3A_360] : memref<3x!tpu.dma_semaphore, #tpu.memory_space<semaphore_mem>> -> memref<1x!tpu.dma_semaphore, #tpu.memory_space<semaphore_mem>>
      %dma_wait3A_368 = tpu.memref_squeeze %dma_wait3A_367 : memref<1x!tpu.dma_semaphore, #tpu.memory_space<semaphore_mem>> -> memref<!tpu.dma_semaphore, #tpu.memory_space<semaphore_mem>>
      tpu.wait_indirect_dma semaphore(%dma_wait3A_368 : memref<!tpu.dma_semaphore, #tpu.memory_space<semaphore_mem>>) src(%dma_wait3A_366 : memref<10112x128xf32, #tpu.memory_space<hbm>>) dst(%arg14 : memref<120x128xf32, #tpu.memory_space<vmem>>)
      %dma_start3A_369 = arith.constant 1 : i32
      %dma_start3A_370 = arith.constant 2 : i32
      %dma_start3A_371 = arith.constant 0 : i32
      %dma_start3A_372 = tpu.memref_slice %arg11[%dma_start3A_369, %dma_start3A_371] : memref<2x120xi32, #tpu.memory_space<vmem>> -> memref<1x120xi32, #tpu.memory_space<vmem>>
      %dma_start3A_373 = tpu.memref_squeeze %dma_start3A_372 : memref<1x120xi32, #tpu.memory_space<vmem>> -> memref<120xi32, #tpu.memory_space<vmem>>
      %dma_start3A_374 = arith.constant 0 : i32
      %dma_start3A_375 = arith.constant 0 : i32
      %dma_start3A_376 = tpu.memref_slice %arg15[%dma_start3A_374, %dma_start3A_375] : memref<10112x128xf32, #tpu.memory_space<vmem_shared>> -> memref<10112x128xf32, #tpu.memory_space<vmem_shared>>
      %dma_start3A_377 = tpu.memref_slice %arg18[%dma_start3A_370] : memref<3x!tpu.dma_semaphore, #tpu.memory_space<semaphore_mem>> -> memref<1x!tpu.dma_semaphore, #tpu.memory_space<semaphore_mem>>
      %dma_start3A_378 = tpu.memref_squeeze %dma_start3A_377 : memref<1x!tpu.dma_semaphore, #tpu.memory_space<semaphore_mem>> -> memref<!tpu.dma_semaphore, #tpu.memory_space<semaphore_mem>>
      tpu.enqueue_indirect_dma source(%arg14 : memref<120x128xf32, #tpu.memory_space<vmem>>) target(%dma_start3A_376 : memref<10112x128xf32, #tpu.memory_space<vmem_shared>>) offsets(%dma_start3A_373 : memref<120xi32, #tpu.memory_space<vmem>>) semaphore(%dma_start3A_378 : memref<!tpu.dma_semaphore, #tpu.memory_space<semaphore_mem>>) {add = true}
    }
    %dma_wait3A_78 = arith.constant 1 : i32
    %dma_wait3A_79 = arith.constant 0 : i32
    %dma_wait3A_80 = arith.constant 0 : i32
    %dma_wait3A_81 = tpu.memref_slice %arg6[%dma_wait3A_78, %dma_wait3A_80] : memref<2x120xi32, #tpu.memory_space<vmem>> -> memref<1x120xi32, #tpu.memory_space<vmem>>
    %dma_wait3A_82 = tpu.memref_squeeze %dma_wait3A_81 : memref<1x120xi32, #tpu.memory_space<vmem>> -> memref<120xi32, #tpu.memory_space<vmem>>
    %dma_wait3A_83 = arith.constant 0 : i32
    %dma_wait3A_84 = arith.constant 0 : i32
    %dma_wait3A_85 = tpu.memref_slice %arg15[%dma_wait3A_83, %dma_wait3A_84] : memref<10112x128xf32, #tpu.memory_space<vmem_shared>> -> memref<10112x128xf32, #tpu.memory_space<vmem_shared>>
    %dma_wait3A_86 = tpu.memref_slice %arg18[%dma_wait3A_79] : memref<3x!tpu.dma_semaphore, #tpu.memory_space<semaphore_mem>> -> memref<1x!tpu.dma_semaphore, #tpu.memory_space<semaphore_mem>>
    %dma_wait3A_87 = tpu.memref_squeeze %dma_wait3A_86 : memref<1x!tpu.dma_semaphore, #tpu.memory_space<semaphore_mem>> -> memref<!tpu.dma_semaphore, #tpu.memory_space<semaphore_mem>>
    tpu.wait_indirect_dma semaphore(%dma_wait3A_87 : memref<!tpu.dma_semaphore, #tpu.memory_space<semaphore_mem>>) src(%arg12 : memref<120x128xf32, #tpu.memory_space<vmem>>) dst(%dma_wait3A_85 : memref<10112x128xf32, #tpu.memory_space<vmem_shared>>)
    %dma_wait3A_88 = arith.constant 1 : i32
    %dma_wait3A_89 = arith.constant 1 : i32
    %dma_wait3A_90 = arith.constant 0 : i32
    %dma_wait3A_91 = tpu.memref_slice %arg6[%dma_wait3A_88, %dma_wait3A_90] : memref<2x120xi32, #tpu.memory_space<vmem>> -> memref<1x120xi32, #tpu.memory_space<vmem>>
    %dma_wait3A_92 = tpu.memref_squeeze %dma_wait3A_91 : memref<1x120xi32, #tpu.memory_space<vmem>> -> memref<120xi32, #tpu.memory_space<vmem>>
    %dma_wait3A_93 = arith.constant 0 : i32
    %dma_wait3A_94 = arith.constant 0 : i32
    %dma_wait3A_95 = tpu.memref_slice %arg15[%dma_wait3A_93, %dma_wait3A_94] : memref<10112x128xf32, #tpu.memory_space<vmem_shared>> -> memref<10112x128xf32, #tpu.memory_space<vmem_shared>>
    %dma_wait3A_96 = tpu.memref_slice %arg18[%dma_wait3A_89] : memref<3x!tpu.dma_semaphore, #tpu.memory_space<semaphore_mem>> -> memref<1x!tpu.dma_semaphore, #tpu.memory_space<semaphore_mem>>
    %dma_wait3A_97 = tpu.memref_squeeze %dma_wait3A_96 : memref<1x!tpu.dma_semaphore, #tpu.memory_space<semaphore_mem>> -> memref<!tpu.dma_semaphore, #tpu.memory_space<semaphore_mem>>
    tpu.wait_indirect_dma semaphore(%dma_wait3A_97 : memref<!tpu.dma_semaphore, #tpu.memory_space<semaphore_mem>>) src(%arg13 : memref<120x128xf32, #tpu.memory_space<vmem>>) dst(%dma_wait3A_95 : memref<10112x128xf32, #tpu.memory_space<vmem_shared>>)
    %dma_wait3A_98 = arith.constant 1 : i32
    %dma_wait3A_99 = arith.constant 2 : i32
    %dma_wait3A_100 = arith.constant 0 : i32
    %dma_wait3A_101 = tpu.memref_slice %arg6[%dma_wait3A_98, %dma_wait3A_100] : memref<2x120xi32, #tpu.memory_space<vmem>> -> memref<1x120xi32, #tpu.memory_space<vmem>>
    %dma_wait3A_102 = tpu.memref_squeeze %dma_wait3A_101 : memref<1x120xi32, #tpu.memory_space<vmem>> -> memref<120xi32, #tpu.memory_space<vmem>>
    %dma_wait3A_103 = arith.constant 0 : i32
    %dma_wait3A_104 = arith.constant 0 : i32
    %dma_wait3A_105 = tpu.memref_slice %arg15[%dma_wait3A_103, %dma_wait3A_104] : memref<10112x128xf32, #tpu.memory_space<vmem_shared>> -> memref<10112x128xf32, #tpu.memory_space<vmem_shared>>
    %dma_wait3A_106 = tpu.memref_slice %arg18[%dma_wait3A_99] : memref<3x!tpu.dma_semaphore, #tpu.memory_space<semaphore_mem>> -> memref<1x!tpu.dma_semaphore, #tpu.memory_space<semaphore_mem>>
    %dma_wait3A_107 = tpu.memref_squeeze %dma_wait3A_106 : memref<1x!tpu.dma_semaphore, #tpu.memory_space<semaphore_mem>> -> memref<!tpu.dma_semaphore, #tpu.memory_space<semaphore_mem>>
    tpu.wait_indirect_dma semaphore(%dma_wait3A_107 : memref<!tpu.dma_semaphore, #tpu.memory_space<semaphore_mem>>) src(%arg14 : memref<120x128xf32, #tpu.memory_space<vmem>>) dst(%dma_wait3A_105 : memref<10112x128xf32, #tpu.memory_space<vmem_shared>>)
    %barrier3A_108 = arith.constant 0 : index
    tpu.barrier barrier_id(%barrier3A_108)
    %mul3A_109 = arith.constant 10112 : i32
    %mul3A_110 = arith.muli %arg0, %mul3A_109 : i32
    %add3A_111 = arith.addi %mul3A_110, %mul3A_50 : i32
    "tpu.region"() ({
      %run_scoped3A = tpu.sem_alloc : memref<!tpu.dma_semaphore, #tpu.memory_space<semaphore_mem>>
      %dma_start3A_112 = arith.constant 0 : i32
      %dma_start3A_113 = tpu.memref_slice %arg5[%add3A_111, %dma_start3A_112] : memref<20224x128xf32, #tpu.memory_space<hbm>> -> memref<632x128xf32, #tpu.memory_space<hbm>>
      %dma_start3A_114 = arith.constant 0 : i32
      %dma_start3A_115 = tpu.memref_slice %arg15[%mul3A_50, %dma_start3A_114] : memref<10112x128xf32, #tpu.memory_space<vmem_shared>> -> memref<632x128xf32, #tpu.memory_space<vmem_shared>>
      tpu.enqueue_dma source(%dma_start3A_115 : memref<632x128xf32, #tpu.memory_space<vmem_shared>>) target(%dma_start3A_113 : memref<632x128xf32, #tpu.memory_space<hbm>>) target_semaphore(%run_scoped3A : memref<!tpu.dma_semaphore, #tpu.memory_space<semaphore_mem>>)
      %dma_wait3A_116 = arith.constant 0 : i32
      %dma_wait3A_117 = tpu.memref_slice %arg5[%add3A_111, %dma_wait3A_116] : memref<20224x128xf32, #tpu.memory_space<hbm>> -> memref<632x128xf32, #tpu.memory_space<hbm>>
      %dma_wait3A_118 = arith.constant 0 : i32
      %dma_wait3A_119 = tpu.memref_slice %arg15[%mul3A_50, %dma_wait3A_118] : memref<10112x128xf32, #tpu.memory_space<vmem_shared>> -> memref<632x128xf32, #tpu.memory_space<vmem_shared>>
      tpu.wait_dma2 semaphore(%run_scoped3A : memref<!tpu.dma_semaphore, #tpu.memory_space<semaphore_mem>>) src(%dma_wait3A_119 : memref<632x128xf32, #tpu.memory_space<vmem_shared>>) dst(%dma_wait3A_117 : memref<632x128xf32, #tpu.memory_space<hbm>>)
      tpu.yield
    }) : () -> ()
    return
  }
}

module attributes {stable_mosaic.version = 14 : i64} {
  func.func @_dense_body(%arg0: i32, %arg1: memref<2x1264x128xf32, #tpu.memory_space<vmem>>, %arg2: memref<1264x128xf32, #tpu.memory_space<vmem>>, %arg3: memref<128x128xf32, #tpu.memory_space<vmem>>, %arg4: memref<128x128xf32, #tpu.memory_space<vmem>>, %arg5: memref<1x128xf32, #tpu.memory_space<vmem>>, %arg6: memref<1264x128xf32, #tpu.memory_space<vmem>>) attributes {dimension_semantics = [#tpu.dimension_semantics<arbitrary>], iteration_bounds = array<i64: 8>, scalar_prefetch = 0 : i64, scratch_operands = 0 : i64, tpu.core_type = #tpu.core_type<tc>, window_params = [{transform_indices = @transform_0, window_bounds = array<i64: 2, 1264, 128>}, {transform_indices = @transform_1, window_bounds = array<i64: 1264, 128>}, {pipeline_mode = #tpu.pipeline_mode<synchronous>, transform_indices = @transform_2, window_bounds = array<i64: 128, 128>}, {pipeline_mode = #tpu.pipeline_mode<synchronous>, transform_indices = @transform_3, window_bounds = array<i64: 128, 128>}, {pipeline_mode = #tpu.pipeline_mode<synchronous>, transform_indices = @transform_4, window_bounds = array<i64: 1, 128>}, {transform_indices = @transform_5, window_bounds = array<i64: 1264, 128>}]} {
    %get3A = arith.constant 0 : index
    %get3A_0 = arith.constant 0 : index
    %get3A_1 = arith.constant 0 : index
    %get3A_2 = vector.load %arg1[%get3A, %get3A_0, %get3A_1] : memref<2x1264x128xf32, #tpu.memory_space<vmem>>, vector<1x1264x128xf32>
    %get3A_3 = vector.shape_cast %get3A_2 : vector<1x1264x128xf32> to vector<1264x128xf32>
    %get3A_4 = arith.constant 1 : index
    %get3A_5 = arith.constant 0 : index
    %get3A_6 = arith.constant 0 : index
    %get3A_7 = vector.load %arg1[%get3A_4, %get3A_5, %get3A_6] : memref<2x1264x128xf32, #tpu.memory_space<vmem>>, vector<1x1264x128xf32>
    %get3A_8 = vector.shape_cast %get3A_7 : vector<1x1264x128xf32> to vector<1264x128xf32>
    %add3A = arith.addf %get3A_3, %get3A_8 : vector<1264x128xf32>
    %get3A_9 = arith.constant 0 : index
    %get3A_10 = arith.constant 0 : index
    %get3A_11 = vector.load %arg3[%get3A_9, %get3A_10] : memref<128x128xf32, #tpu.memory_space<vmem>>, vector<128x128xf32>
    %dot_general3A = arith.constant dense<0.000000e+00> : vector<1264x128xf32>
    %dot_general3A_12 = tpu.matmul %add3A, %get3A_11, %dot_general3A {dimension_numbers = #tpu.dot_dimension_numbers<[1], [0], [0], [1], [0, 0, 1, 1], [], []>, transpose_lhs_hint = false} : vector<1264x128xf32>, vector<128x128xf32>, vector<1264x128xf32> -> vector<1264x128xf32>
    %get3A_13 = arith.constant 0 : index
    %get3A_14 = arith.constant 0 : index
    %get3A_15 = vector.load %arg2[%get3A_13, %get3A_14] : memref<1264x128xf32, #tpu.memory_space<vmem>>, vector<1264x128xf32>
    %get3A_16 = arith.constant 0 : index
    %get3A_17 = arith.constant 0 : index
    %get3A_18 = vector.load %arg4[%get3A_16, %get3A_17] : memref<128x128xf32, #tpu.memory_space<vmem>>, vector<128x128xf32>
    %dot_general3A_19 = arith.constant dense<0.000000e+00> : vector<1264x128xf32>
    %dot_general3A_20 = tpu.matmul %get3A_15, %get3A_18, %dot_general3A_19 {dimension_numbers = #tpu.dot_dimension_numbers<[1], [0], [0], [1], [0, 0, 1, 1], [], []>, transpose_lhs_hint = false} : vector<1264x128xf32>, vector<128x128xf32>, vector<1264x128xf32> -> vector<1264x128xf32>
    %add3A_21 = arith.addf %dot_general3A_12, %dot_general3A_20 : vector<1264x128xf32>
    %get3A_22 = arith.constant 0 : index
    %get3A_23 = arith.constant 0 : index
    %get3A_24 = vector.load %arg5[%get3A_22, %get3A_23] : memref<1x128xf32, #tpu.memory_space<vmem>>, vector<1x128xf32>
    %add3A_25 = vector.broadcast %get3A_24 : vector<1x128xf32> to vector<1264x128xf32>
    %add3A_26 = arith.addf %add3A_21, %add3A_25 : vector<1264x128xf32>
    %max3A = arith.constant 0.000000e+00 : f32
    %max3A_27 = vector.broadcast %max3A : f32 to vector<1264x128xf32>
    %max3A_28 = arith.maximumf %add3A_26, %max3A_27 : vector<1264x128xf32>
    %swap3A = arith.constant 0 : index
    %swap3A_29 = arith.constant 0 : index
    %swap3A_30 = vector.load %arg6[%swap3A, %swap3A_29] : memref<1264x128xf32, #tpu.memory_space<vmem>>, vector<1264x128xf32>
    tpu.vector_store %arg6[%swap3A, %swap3A_29], %max3A_28 {strides = array<i32>} : memref<1264x128xf32, #tpu.memory_space<vmem>>, vector<1264x128xf32>,
    return
  }
  func.func @transform_0(%arg0: i32) -> (i32, i32, i32) {
    %c0_i32 = arith.constant 0 : i32
    %c0_i32_0 = arith.constant 0 : i32
    %c0_i32_1 = arith.constant 0 : i32
    return %c0_i32, %arg0, %c0_i32_0 : i32, i32, i32
  }
  func.func @transform_1(%arg0: i32) -> (i32, i32) {
    %c0_i32 = arith.constant 0 : i32
    %c0_i32_0 = arith.constant 0 : i32
    return %arg0, %c0_i32 : i32, i32
  }
  func.func @transform_2(%arg0: i32) -> (i32, i32) {
    %c0_i32 = arith.constant 0 : i32
    %c0_i32_0 = arith.constant 0 : i32
    %c0_i32_1 = arith.constant 0 : i32
    return %c0_i32, %c0_i32_0 : i32, i32
  }
  func.func @transform_3(%arg0: i32) -> (i32, i32) {
    %c0_i32 = arith.constant 0 : i32
    %c0_i32_0 = arith.constant 0 : i32
    %c0_i32_1 = arith.constant 0 : i32
    return %c0_i32, %c0_i32_0 : i32, i32
  }
  func.func @transform_4(%arg0: i32) -> (i32, i32) {
    %c0_i32 = arith.constant 0 : i32
    %c0_i32_0 = arith.constant 0 : i32
    %c0_i32_1 = arith.constant 0 : i32
    return %c0_i32, %c0_i32_0 : i32, i32
  }
  func.func @transform_5(%arg0: i32) -> (i32, i32) {
    %c0_i32 = arith.constant 0 : i32
    %c0_i32_0 = arith.constant 0 : i32
    return %arg0, %c0_i32 : i32, i32
  }
}

module attributes {stable_mosaic.version = 14 : i64} {
  func.func @_dense_body(%arg0: i32, %arg1: memref<2x1264x128xf32, #tpu.memory_space<vmem>>, %arg2: memref<1264x128xf32, #tpu.memory_space<vmem>>, %arg3: memref<128x128xf32, #tpu.memory_space<vmem>>, %arg4: memref<128x128xf32, #tpu.memory_space<vmem>>, %arg5: memref<1x128xf32, #tpu.memory_space<vmem>>, %arg6: memref<1264x128xf32, #tpu.memory_space<vmem>>) attributes {dimension_semantics = [#tpu.dimension_semantics<arbitrary>], iteration_bounds = array<i64: 8>, scalar_prefetch = 0 : i64, scratch_operands = 0 : i64, tpu.core_type = #tpu.core_type<tc>, window_params = [{transform_indices = @transform_0, window_bounds = array<i64: 2, 1264, 128>}, {transform_indices = @transform_1, window_bounds = array<i64: 1264, 128>}, {pipeline_mode = #tpu.pipeline_mode<synchronous>, transform_indices = @transform_2, window_bounds = array<i64: 128, 128>}, {pipeline_mode = #tpu.pipeline_mode<synchronous>, transform_indices = @transform_3, window_bounds = array<i64: 128, 128>}, {pipeline_mode = #tpu.pipeline_mode<synchronous>, transform_indices = @transform_4, window_bounds = array<i64: 1, 128>}, {transform_indices = @transform_5, window_bounds = array<i64: 1264, 128>}]} {
    %get3A = arith.constant 0 : index
    %get3A_0 = arith.constant 0 : index
    %get3A_1 = arith.constant 0 : index
    %get3A_2 = vector.load %arg1[%get3A, %get3A_0, %get3A_1] : memref<2x1264x128xf32, #tpu.memory_space<vmem>>, vector<1x1264x128xf32>
    %get3A_3 = vector.shape_cast %get3A_2 : vector<1x1264x128xf32> to vector<1264x128xf32>
    %get3A_4 = arith.constant 1 : index
    %get3A_5 = arith.constant 0 : index
    %get3A_6 = arith.constant 0 : index
    %get3A_7 = vector.load %arg1[%get3A_4, %get3A_5, %get3A_6] : memref<2x1264x128xf32, #tpu.memory_space<vmem>>, vector<1x1264x128xf32>
    %get3A_8 = vector.shape_cast %get3A_7 : vector<1x1264x128xf32> to vector<1264x128xf32>
    %add3A = arith.addf %get3A_3, %get3A_8 : vector<1264x128xf32>
    %get3A_9 = arith.constant 0 : index
    %get3A_10 = arith.constant 0 : index
    %get3A_11 = vector.load %arg3[%get3A_9, %get3A_10] : memref<128x128xf32, #tpu.memory_space<vmem>>, vector<128x128xf32>
    %dot_general3A = arith.constant dense<0.000000e+00> : vector<1264x128xf32>
    %dot_general3A_12 = tpu.matmul %add3A, %get3A_11, %dot_general3A {dimension_numbers = #tpu.dot_dimension_numbers<[1], [0], [0], [1], [0, 0, 1, 1], [], []>, transpose_lhs_hint = false} : vector<1264x128xf32>, vector<128x128xf32>, vector<1264x128xf32> -> vector<1264x128xf32>
    %get3A_13 = arith.constant 0 : index
    %get3A_14 = arith.constant 0 : index
    %get3A_15 = vector.load %arg2[%get3A_13, %get3A_14] : memref<1264x128xf32, #tpu.memory_space<vmem>>, vector<1264x128xf32>
    %get3A_16 = arith.constant 0 : index
    %get3A_17 = arith.constant 0 : index
    %get3A_18 = vector.load %arg4[%get3A_16, %get3A_17] : memref<128x128xf32, #tpu.memory_space<vmem>>, vector<128x128xf32>
    %dot_general3A_19 = arith.constant dense<0.000000e+00> : vector<1264x128xf32>
    %dot_general3A_20 = tpu.matmul %get3A_15, %get3A_18, %dot_general3A_19 {dimension_numbers = #tpu.dot_dimension_numbers<[1], [0], [0], [1], [0, 0, 1, 1], [], []>, transpose_lhs_hint = false} : vector<1264x128xf32>, vector<128x128xf32>, vector<1264x128xf32> -> vector<1264x128xf32>
    %add3A_21 = arith.addf %dot_general3A_12, %dot_general3A_20 : vector<1264x128xf32>
    %get3A_22 = arith.constant 0 : index
    %get3A_23 = arith.constant 0 : index
    %get3A_24 = vector.load %arg5[%get3A_22, %get3A_23] : memref<1x128xf32, #tpu.memory_space<vmem>>, vector<1x128xf32>
    %add3A_25 = vector.broadcast %get3A_24 : vector<1x128xf32> to vector<1264x128xf32>
    %add3A_26 = arith.addf %add3A_21, %add3A_25 : vector<1264x128xf32>
    %swap3A = arith.constant 0 : index
    %swap3A_27 = arith.constant 0 : index
    %swap3A_28 = vector.load %arg6[%swap3A, %swap3A_27] : memref<1264x128xf32, #tpu.memory_space<vmem>>, vector<1264x128xf32>
    tpu.vector_store %arg6[%swap3A, %swap3A_27], %add3A_26 {strides = array<i32>} : memref<1264x128xf32, #tpu.memory_space<vmem>>, vector<1264x128xf32>,
    return
  }
  func.func @transform_0(%arg0: i32) -> (i32, i32, i32) {
    %c0_i32 = arith.constant 0 : i32
    %c0_i32_0 = arith.constant 0 : i32
    %c0_i32_1 = arith.constant 0 : i32
    return %c0_i32, %arg0, %c0_i32_0 : i32, i32, i32
  }
  func.func @transform_1(%arg0: i32) -> (i32, i32) {
    %c0_i32 = arith.constant 0 : i32
    %c0_i32_0 = arith.constant 0 : i32
    return %arg0, %c0_i32 : i32, i32
  }
  func.func @transform_2(%arg0: i32) -> (i32, i32) {
    %c0_i32 = arith.constant 0 : i32
    %c0_i32_0 = arith.constant 0 : i32
    %c0_i32_1 = arith.constant 0 : i32
    return %c0_i32, %c0_i32_0 : i32, i32
  }
  func.func @transform_3(%arg0: i32) -> (i32, i32) {
    %c0_i32 = arith.constant 0 : i32
    %c0_i32_0 = arith.constant 0 : i32
    %c0_i32_1 = arith.constant 0 : i32
    return %c0_i32, %c0_i32_0 : i32, i32
  }
  func.func @transform_4(%arg0: i32) -> (i32, i32) {
    %c0_i32 = arith.constant 0 : i32
    %c0_i32_0 = arith.constant 0 : i32
    %c0_i32_1 = arith.constant 0 : i32
    return %c0_i32, %c0_i32_0 : i32, i32
  }
  func.func @transform_5(%arg0: i32) -> (i32, i32) {
    %c0_i32 = arith.constant 0 : i32
    %c0_i32_0 = arith.constant 0 : i32
    return %arg0, %c0_i32 : i32, i32
  }
}

</mosaic_0001>

<sc_bundles>
// kernel: kernel.6.cloned.1.call-start
scs
__scs_entry_jumppad:
0x0: {  	(pc) =	sbr.rel $0x88, $3  }
0x1: {  	(tag) =	ssettag $0x0;
	lr =	simm.s32 $0x1  }
0x2: {  	[smem:$0x3F99] =	sst lr;
	_ =	strace $0xD0000000  }
0x3: {  	_ = 	snop  }
0x4: {  	_ = 	snop  }
0x5: {  	_ = 	snop  }
0x6: {  	_ = 	snop  }
0x7: {  	_ = 	snop  }
__scs_overlays_trampoline_lowered:
0x8: {  	[smem:$0x3FA8] =	sst s0  }
0x9: {  	[smem:$0x3FA9] =	sst s1  }
0xa: {  	[smem:$0x3FAA] =	sst s2  }
0xb: {  	[smem:$0x3FAB] =	sst s3  }
0xc: {  	[smem:$0x3FAC] =	sst s4  }
0xd: {  	[smem:$0x3FAD] =	sst s5  }
0xe: {  	[smem:$0x3FAE] =	sst s6  }
0xf: {  	[smem:$0x3FAF] =	sst s7  }
0x10: {  	[smem:$0x3FB0] =	sst s8  }
0x11: {  	[smem:$0x3FB1] =	sst s9;
	s0 =	simm.s32 @!p0 $0x0  }
0x12: {  	s1 =	sld [smem:$0x3F97];
	s0 =	simm.s32 @p0 $0x1  }
0x13: {  	[smem:$0x3FB2] =	sst s0;
	s0 =	simm.s32 @!p1 $0x0  }
0x14: {  	s2 =	sld [smem:$0x3F96];
	s0 =	simm.s32 @p1 $0x1  }
0x15: {  	[smem:$0x3FB3] =	sst s0;
	s0 =	simm.s32 @!p2 $0x0  }
0x16: {  	s3 =	sld [smem:$0x3FDB];
	s0 =	simm.s32 @p2 $0x1  }
0x17: {  	s4 =	simm.s32 $0x1BF5;
	[smem:$0x3FB5] =	sst s0  }
0x18: {  	s0 =	sld [smem:$0x3F98];
	_ =	swait.ge [sflag:s4], $0x0  }
0x19: {  	s7 =	sld [smem:$0x3F99]  }
0x1a: {  	s8 =	sadd.s32 $0xFFFFE003, lr  }
0x1b: {  	s9 =	sadd.s32 $0xFFFFFEF7, lr;
	s5 =	simm.s32 $0xFFFFFFFF;
	p2 =	slt.u32 s8, $0xFFFFF086  }
0x1c: {  	p1 =	slt.u32 s9, $0xF7A;
	s5 =	simm.s32 @!p2 $0x0  }
0x1d: {  	s5 =	simm.s32 @p1 $0x1;
	p0 =	seq.s32 s7, s2  }
0x1e: {  	s7 =	smul.u32 @!p0 $0xF7A, s2;
	p2 =	seq.s32 @!p0 s5, $0x0  }
0x1f: {  	s9 =	smul.u32 $0xF7A, s1;
	s8 =	simm.s32 @!p0 $0x1BF5;
	p2 =	por !p2, p0  }
0x20: {  	[sflag:s8] =	ssyncset.s32 @!p0 $0xFFFFF086;
	s6 =	sadd.s32 @!p0 s3, s7;
	s7 =	simm.s32 @!p0 $0x108  }
0x21: {  	s3 =	sadd.s32 s3, s9;
	s6 =	sadd.s32 @!p0 $0x88, s6;
	s7 =	simm.s32 @p2 $0x1082  }
0x22: {  	[simem:s7], [sflag:s8] =	dma.local @!p0 [hbm:s6], $0xF7A  }
0x23: {  	s9 =	sor.u32 $0xD0000000, s2;
	s6 =	simm.s32 $0x108;
	_ =	swait.ge @!p0 [sflag:s8], $0x0  }
0x24: {  	s3 =	sadd.s32 $0x88, s3;
	s6 =	simm.s32 @!p1 $0x1082;
	[sflag:s4] =	ssyncset.s32 $0xFFFFF086  }
0x25: {  	[simem:s6], [sflag:s4] =	dma.local [hbm:s3], $0xF7A  }
0x26: {  	[smem:$0x3F99] =	sst s1;
	(tag) =	ssettag s2;
	_ =	strace s9  }
0x27: {  	s1 =	sld [smem:$0x3FA9]  }
0x28: {  	s2 =	sld [smem:$0x3FAA]  }
0x29: {  	s4 =	sld [smem:$0x3FAC]  }
0x2a: {  	p0 =	seq.s32 s5, $0x0;
	s5 =	sld [smem:$0x3FAD]  }
0x2b: {  	s6 =	sld [smem:$0x3FAE]  }
0x2c: {  	s7 =	sld [smem:$0x3FAF]  }
0x2d: {  	s3 =	simm.s32 $0x108;
	s8 =	sld [smem:$0x3FB0]  }
0x2e: {  	s3 =	simm.s32 @!p0 $0x1082;
	s9 =	sld [smem:$0x3FB1]  }
0x2f: {  	lr =	sadd.s32 s0, s3;
	s0 =	sld [smem:$0x3FA8]  }
0x30: {  	s3 =	sld [smem:$0x3FAB]  }
0x31: {  	[smem:$0x3FB4] =	sst s10  }
0x32: {  	s10 =	sld [smem:$0x3FB2];
	_ =	sdelay $0x3  }
0x33: {  	p0 =	seq.s32 s10, $0x1;
	s10 =	sld [smem:$0x3FB4];
	_ =	sdelay $0x3  }
0x34: {  	[smem:$0x3FB4] =	sst s10  }
0x35: {  	s10 =	sld [smem:$0x3FB3];
	_ =	sdelay $0x3  }
0x36: {  	p1 =	seq.s32 s10, $0x1;
	s10 =	sld [smem:$0x3FB4];
	_ =	sdelay $0x3  }
0x37: {  	[smem:$0x3FB4] =	sst s10  }
0x38: {  	s10 =	sld [smem:$0x3FB5]  }
0x39: {  	_ = 	snop;
	(pc) =	sbr.ind lr, $3  }
0x3a: {  	_ = 	snop  }
0x3b: {  	_ = 	snop  }
0x3c: {  	p2 =	seq.s32 s10, $0x1;
	s10 =	sld [smem:$0x3FB4]  }
0x3d: {  	_ =	shalt  }
0x3e: {  	_ =	shalt  }
0x3f: {  	_ =	shalt  }
0x40: {  	_ =	shalt  }
0x41: {  	_ =	shalt  }
0x42: {  	_ =	shalt  }
0x43: {  	_ =	shalt  }
0x44: {  	_ =	shalt  }
0x45: {  	_ =	shalt  }
0x46: {  	_ =	shalt  }
0x47: {  	_ =	shalt  }
0x48: {  	_ =	shalt  }
0x49: {  	_ =	shalt  }
0x4a: {  	_ =	shalt  }
0x4b: {  	_ =	shalt  }
0x4c: {  	_ =	shalt  }
0x4d: {  	_ =	shalt  }
0x4e: {  	_ =	shalt  }
0x4f: {  	_ =	shalt  }
0x50: {  	_ =	shalt  }
0x51: {  	_ =	shalt  }
0x52: {  	_ =	shalt  }
0x53: {  	_ =	shalt  }
0x54: {  	_ =	shalt  }
0x55: {  	_ =	shalt  }
0x56: {  	_ =	shalt  }
0x57: {  	_ =	shalt  }
0x58: {  	_ =	shalt  }
0x59: {  	_ =	shalt  }
0x5a: {  	_ =	shalt  }
0x5b: {  	_ =	shalt  }
0x5c: {  	_ =	shalt  }
0x5d: {  	_ =	shalt  }
0x5e: {  	_ =	shalt  }
0x5f: {  	_ =	shalt  }
0x60: {  	_ =	shalt  }
0x61: {  	_ =	shalt  }
0x62: {  	_ =	shalt  }
0x63: {  	_ =	shalt  }
0x64: {  	_ =	shalt  }
0x65: {  	_ =	shalt  }
0x66: {  	_ =	shalt  }
0x67: {  	_ =	shalt  }
0x68: {  	_ =	shalt  }
0x69: {  	_ =	shalt  }
0x6a: {  	_ =	shalt  }
0x6b: {  	_ =	shalt  }
0x6c: {  	_ =	shalt  }
0x6d: {  	_ =	shalt  }
0x6e: {  	_ =	shalt  }
0x6f: {  	_ =	shalt  }
0x70: {  	_ =	shalt  }
0x71: {  	_ =	shalt  }
0x72: {  	_ =	shalt  }
0x73: {  	_ =	shalt  }
0x74: {  	_ =	shalt  }
0x75: {  	_ =	shalt  }
0x76: {  	_ =	shalt  }
0x77: {  	_ =	shalt  }
0x78: {  	_ =	shalt  }
0x79: {  	_ =	shalt  }
0x7a: {  	_ =	shalt  }
0x7b: {  	_ =	shalt  }
0x7c: {  	_ =	shalt  }
0x7d: {  	_ =	shalt  }
0x7e: {  	_ =	shalt  }
0x7f: {  	_ =	shalt  }
0x80: {  	_ =	shalt  }
0x81: {  	_ =	shalt  }
0x82: {  	_ =	shalt  }
0x83: {  	_ =	shalt  }
0x84: {  	_ =	shalt  }
0x85: {  	_ =	shalt  }
0x86: {  	_ =	shalt  }
0x87: {  	_ =	shalt  }
.Lfunc_end0:
.L_simem_size_0:
called_computation_lowered:
.L_overlay_start_0:
0x88: {  	s2 =	sld [smem:$0x3FD9]  }
0x89: {  	s3 =	sld [smem:$0x3FFE];
	_ =	sdelay $0x1  }
0x8a: {  	s1 =	srdreg.scid  }
0x8b: {  	s0 =	sand.u32 $0x1, s1  }
0x8c: {  	s17 =	sshll.u32 s0, $0xA;
	s2 =	sadd.s32 s3, s2  }
0x8d: {  	s2 =	sadd.s32 s2, s17  }
0x8e: {  	[smem:$0x3FC0] =	sst s2  }
0x8f: {  	_ = 	snop  }
0x90: {  	s2 =	sld [smem:$0x3FD0];
	(tm) =	ssettm $0x1  }
0x91: {  	s18 =	sld [smem:$0x3FFB];
	_ =	sdelay $0x3  }
0x92: {  	_ =	strace s18  }
0x93: {  	s3 =	sld [smem:$0x3FFC];
	_ =	sdelay $0x3  }
0x94: {  	_ =	strace s3  }
0x95: {  	s3 =	sld [smem:$0x3FFD];
	_ =	sdelay $0x3  }
0x96: {  	_ =	strace s3  }
0x97: {  	_ =	strace $0x8FFFFFFF  }
0x98: {  	s19 =	sld [smem:$0x3FDB];
	_ =	sdelay $0x1  }
0x99: {  	s4 =	simm.s32 $_scs_section_size  }
0x9a: {  	s5 =	simm.s32 $_size__tile_overlayer_lowered;
	s6 =	simm.s32 $_tile_overlayer_lowered  }
0x9b: {  	s22 =	simm.s32 $0x1BFF;
	s21 =	sshll.u32 s6, $0x1;
	s3 =	sadd.s32 s4, s19  }
0x9c: {  	s7 =	simm.s32 $0x0;
	s20 =	sshll.u32 s5, $0x1;
	s5 =	sadd.s32 s21, s3  }
0x9d: {  	[timem:s7], [sflag:s22] =	dma.local [hbm:s5], s20  }
0x9e: {  	_ =	swait.ge [sflag:s22], s20  }
0x9f: {  	s4 =	ssub.s32 $0x0, s20;
	[sflag:s22] =	ssyncset.done $0x0  }
0xa0: {  	[sflag:s22] =	ssyncadd.s32 s4;
	_ =	sdelay $0x1  }
0xa1: {  	s23 =	simm.s32 $0x1B8B  }
0xa2: {  	_ =	swait.ge [sflag:s23], $0x1  }
0xa3: {  	[sflag:s23] =	ssyncset.done $0x0  }
0xa4: {  	s25 =	simm.s32 $0x1B8E;
	s24 =	sld [smem:$0x3FFE];
	[sflag:s23] =	ssyncadd.s32 $0xFFFFFFFF  }
0xa5: {  	s26 =	simm.s32 $execute0_lowered;
	[smem:$0x3FD2] =	sst s25  }
0xa6: {  	s5 =	sshll.u32 s26, $0x1;
	_ =	strace $0x80000046;
	[dreg:$0x1] =	wrdreg $0xFFFFFFFF  }
0xa7: {  	s28 =	simm.s32 $_size_execute0_lowered;
	s3 =	sadd.s32 s3, s5;
	[dreg:$0x0] =	wrdreg $0x0  }
0xa8: {  	s5 =	sshll.u32 s28, $0x1;
	[dreg:$0x2] =	wrdreg s3  }
0xa9: {  	[dreg:$0x3] =	wrdreg s5  }
0xaa: {  	[dreg:$0x4] =	wrdreg $0xC0  }
0xab: {  	_ =	task [dreg:s7], $0x5FFFF  }
0xac: {  	[dreg:$0x1] =	wrdreg $0xFFFFFFFF  }
0xad: {  	[dreg:$0x0] =	wrdreg $0x60  }
0xae: {  	[dreg:$0x2] =	wrdreg s24  }
0xaf: {  	[dreg:$0x3] =	wrdreg s2  }
0xb0: {  	[dreg:$0x4] =	wrdreg $0xBA000  }
0xb1: {  	[dreg:$0x5] =	wrdreg $0x9  }
0xb2: {  	_ =	task.clear_ibuf [dreg:s7], $0x6FFFF;
	_ =	strace $0x90000046  }
0xb3: {  	s29 =	simm.s32 $0x9;
	_ =	strace $0x80000048  }
0xb4: {  	_ =	swait.ge [sflag:s29], $0x1  }
0xb5: {  	[sflag:s29] =	ssyncadd.s32 $0xFFFFFFFF  }
0xb6: {  	_ =	strace $0x90000048  }
0xb7: {  	_ =	sfence  }
0xb8: {  	s30 =	sld [smem:$0x0];
	_ =	sdelay $0x2  }
0xb9: {  	s31 =	sshll.u32 s1, $0xD;
	s1 =	sshrl.u32 s1, $0x2  }
0xba: {  	s3 =	sand.u32 $0x4000, s31;
	s1 =	sadd.s32 s1, s30  }
0xbb: {  	s0 =	sor.u32 s3, s0;
	s1 =	sshll.u32 s1, $0x11  }
0xbc: {  	s0 =	sor.u32 s1, s0  }
0xbd: {  	s0 =	sadd.s32 $0x8F2B, s0  }
0xbe: {  	[sflag:s0] =	ssyncadd.remote.s32 $0x1  }
0xbf: {  	_ =	sfence.sel $0xFFFF  }
0xc0: {  	[dreg:$0x0] =	wrdreg $0xFFFFFFFF;
	(pc) =	sbr.abs _section_cstart, $3  }
0xc1: {  	[dreg:$0x1] =	wrdreg $0xFFFFFFFF  }
0xc2: {  	_ =	task.clear_ibuf [dreg:s7], $0x2FFFF;
	_ =	strace $0x9FFFFFFF  }
0xc3: {  	(tm) =	ssettm $0x7FFFFFFF  }
tec
execute0_lowered:
.L_overlay_start_1:
0x0: {  	(tag) =	ssettag $0x1  }
0x1: {  	s0 =	rddreg [dreg:$0x0]  }
0x2: {  	s2 =	rddreg [dreg:$0x1]  }
0x3: {  	s3 =	rddreg [dreg:$0x2];
	s5 =	simm.s32 $0x0  }
0x4: {  	s4 =	stileid.u32;
	s1 =	srdreg.scid;
	s28 =	simm.s32 $0x9  }
0x5: {  	s29 =	simm.s32 $0x7E00;
	s30 =	simm.s32 $0xA;
	s7 =	smul.u32 $0x2780, s4  }
0x6: {  	s31 =	simm.s32 $0xB;
	s1 =	sand.u32 $0x1, s1;
	s13 =	smul.u32 $0x4F000, s4  }
0x7: {  	[smem:$0x7FF] =	sst s5;
	s5 =	simm.s32 $0x9C;
	s8 =	smul.u32 $0x27800, s1  }
0x8: {  	s6 =	sadd.s32 $0x2400, s0;
	p0 =	seq.s32 s1, $0x0;
	s9 =	smul.u32 $0x9C0, s1  }
0x9: {  	_ =	strace $0x80000047;
	s17 =	ssub.s32 $0x2, s1;
	s26 =	smul.u32 $0x9C000, s1  }
0xa: {  	s5 =	simm.s32 @!p0 $0xC;
	s11 =	sadd.s32 s7, s0;
	s12 =	sshrl.u32 s17, $0x1  }
0xb: {  	s21 =	sshrl.u32 s13, $0x2;
	s10 =	smul.u32 s4, s5;
	s7 =	sadd.s32 s7, s8  }
0xc: {  	s18 =	ssub.s32 s17, s12;
	s22 =	smul.u32 $0xAB, s5;
	s23 =	sadd.s32 s21, s3  }
0xd: {  	s24 =	sadd.s32 $0x29C00, s11;
	s21 =	simm.s32 $0x80;
	[dreg:$0xf] =	wrdreg s23  }
0xe: {  	s0 =	sadd.s32 s7, s0;
	[dreg:$0x10] =	wrdreg s24;
	s7 =	sadd.s32 $0xFFFFFFFA, s5  }
0xf: {  	[dreg:$0x7] =	wrdreg s21;
	s21 =	simm.s32 $0x78;
	s23 =	simm.s32 $0x280  }
0x10: {  	s24 =	simm.s32 $0x380;
	s9 =	sadd.s32 s9, s10;
	[dreg:$0x4] =	wrdreg s7  }
0x11: {  	s25 =	sshrl.u32 s22, $0xA;
	s0 =	sadd.s32 $0x51400, s0;
	[dreg:$0x9] =	wrdreg s23  }
0x12: {  	s22 =	simm.s32 $0x180;
	s23 =	simm.s32 $0xD;
	[dreg:$0xa] =	wrdreg s24  }
0x13: {  	s24 =	simm.s32 $0x7;
	s19 =	sshll.u32 s9, $0x5;
	[dreg:$0x11] =	wrdreg s0  }
0x14: {  	s9 =	sshll.u32 s10, $0x8;
	s10 =	sadd.s32 $0xFFFFFFF9, s5;
	s11 =	smul.u32 $0x6, s25  }
0x15: {  	[dreg:$0x8] =	wrdreg s22;
	s22 =	simm.s32 $0x600;
	s25 =	simm.s32 $0x480  }
0x16: {  	s20 =	sadd.s32 s2, s19;
	s0 =	sadd.s32 s26, s9;
	[dreg:$0x5] =	wrdreg s10  }
0x17: {  	[dreg:$0xb] =	wrdreg s25;
	s26 =	simm.s32 $0x580;
	s25 =	simm.s32 $0x8  }
0x18: {  	[dreg:$0xd] =	wrdreg s20;
	s4 =	sadd.s32 $0x20, s20;
	s12 =	sor.u32 $0x300, s0  }
0x19: {  	s13 =	sadd.s32 $0x700, s0;
	[dreg:$0x6] =	wrdreg s11;
	s17 =	sadd.s32 $0x600, s0  }
0x1a: {  	s19 =	sor.u32 $0x200, s0;
	[dreg:$0xc] =	wrdreg s26;
	s26 =	simm.s32 $0x4200  }
0x1b: {  	[dreg:$0xe] =	wrdreg s4;
	s4 =	smax.u32 s18, $0x1;
	s14 =	sshrl.u32 s12, $0x3  }
0x1c: {  	s15 =	sshrl.u32 s13, $0x3;
	[dreg:$0x15] =	wrdreg s17;
	s18 =	sadd.s32 $0x500, s0  }
0x1d: {  	s8 =	sshrl.u32 s19, $0x3;
	[dreg:$0x12] =	wrdreg s4;
	s1 =	sadd.s32 s14, s2  }
0x1e: {  	s0 =	sadd.s32 $0x400, s0;
	s16 =	sadd.s32 s15, s2;
	[dreg:$0x13] =	wrdreg s1  }
0x1f: {  	s20 =	sadd.s32 s8, s2;
	s0 =	sshrl.u32 s0, $0x3;
	[dreg:$0x14] =	wrdreg s16  }
0x20: {  	s1 =	sshrl.u32 s18, $0x3;
	[dreg:$0x17] =	wrdreg s20;
	s0 =	sadd.s32 s0, s2  }
0x21: {  	s20 =	simm.s32 $0x1;
	s1 =	sadd.s32 s1, s2;
	[dreg:$0x18] =	wrdreg s0  }
0x22: {  	s0 =	simm.s32 $0xC;
	[dreg:$0x16] =	wrdreg s1;
	s1 =	simm.s32 $0x0  }
.LBB2_1:
0x23: {  	s4 =	simm.s32 $0x0;
	s7 =	rddreg [dreg:$0xd]  }
0x24: {  	[tilespmem:s4], [sflag:$0x1] =	stream.linear.gather [hbm4b:s7+s4], $0x100, $0x38;
	[tilespmem:$0x1F600] =	vst v63  }
0x25: {  	s14 =	rddreg [dreg:$0xe];
	s8 =	simm.s32 $0x100;
	s15 =	stileid.u32  }
0x26: {  	[tilespmem:s8], [sflag:$0x2] =	stream.linear.gather [hbm4b:s14+s4], $0x100, $0x38;
	[tilespmem:$0x1F600] =	vst v63  }
0x27: {  	s16 =	sshll.u32 s15, $0x6;
	_ =	swait.ge [sflag:s20], $0x100  }
0x28: {  	s19 =	sor.u32 $0x1C0D, s16;
	[sflag:s20] =	ssyncset.done $0x0;
	s17 =	rddreg [dreg:$0xf]  }
0x29: {  	s18 =	rddreg [dreg:$0x10];
	[sflag:s20] =	ssyncadd.s32 $0xFFFFFF00;
	s8 =	sshrl.u32 s17, $0x3  }
0x2a: {  	[tilespmem:s22], [sflag:$0x7] =	stream.indirect.gather [hbm4b:s6+s21], $0x80, s4, s21, $0xb8;
	[tilespmem:$0x1F600] =	vst v63  }
0x2b: {  	[spmem:s8], [sflag:s19] =	dma.local [hbm:s18], $0x2780  }
0x2c: {  	_ =	swait.ge [sflag:s23], $0x2780  }
0x2d: {  	[sflag:s23] =	ssyncset.done $0x0  }
0x2e: {  	[sflag:s23] =	ssyncadd.s32 $0xFFFFD880  }
0x2f: {  	[bflag:$0x0] =	sbarrier.arrive $0xFFFF  }
0x30: {  	s18 =	rddreg [dreg:$0x18]  }
0x31: {  	s17 =	rddreg [dreg:$0x17]  }
0x32: {  	s16 =	rddreg [dreg:$0x16]  }
0x33: {  	s15 =	rddreg [dreg:$0x15]  }
0x34: {  	s14 =	rddreg [dreg:$0x14]  }
0x35: {  	s12 =	simm.s32 $0x0;
	s13 =	rddreg [dreg:$0x13]  }
.LBB2_2:
0x36: {  	s7 =	sadd.s32 $0x2, s12  }
0x37: {  	p0 =	sge.u32 s7, s5  }
0x38: {  	s11 =	simm.s32 @!p0 $0x0;
	s10 =	simm.s32 @!p0 $0x200  }
0x39: {  	[tilespmem:s10], [sflag:$0x3] =	stream.linear.gather @!p0 [hbm4b:s17+s11], $0x100, $0x38;
	[tilespmem:$0x1F600] =	vst v63  }
0x3a: {  	p2 =	seq.s32 s12, $0x0;
	s11 =	sadd.s32 $0x1, s12  }
0x3b: {  	p1 =	sge.u32 @!p2 s11, s5  }
0x3c: {  	p1 =	por p1, p2  }
0x3d: {  	s9 =	simm.s32 @!p1 $0xB  }
0x3e: {  	_ =	swait.ge @!p1 [sflag:s9], $0x3C00  }
0x3f: {  	p3 =	sge.u32 s11, s5;
	[sflag:s9] =	ssyncset.done @!p1 $0x0  }
0x40: {  	[sflag:s9] =	ssyncadd.s32 @!p1 $0xFFFFC400;
	s9 =	simm.s32 @!p3 $0x2  }
0x41: {  	_ =	swait.ge @!p3 [sflag:s9], $0x100  }
0x42: {  	s11 =	simm.s32 @!p3 $0x100;
	[sflag:s9] =	ssyncset.done @!p3 $0x0  }
0x43: {  	s4 =	simm.s32 @!p3 $0x4200;
	[sflag:s9] =	ssyncadd.s32 @!p3 $0xFFFFFF00;
	s9 =	simm.s32 @!p3 $0x78  }
0x44: {  	[tilespmem:s4], [sflag:$0x8] =	stream.indirect.gather @!p3 [hbm4b:s6+s9], $0x80, s11, s9, $0xb8;
	[tilespmem:$0x1F600] =	vst v63  }
0x45: {  	_ =	swait.ge [sflag:s24], $0x3C00  }
0x46: {  	s11 =	sadd.s32 $0x3, s12;
	p3 =	sge.u32 @!p2 s7, s5;
	[sflag:s24] =	ssyncset.done $0x0  }
0x47: {  	p1 =	sge.u32 s11, s5;
	s9 =	rddreg [dreg:$0x7];
	[sflag:s24] =	ssyncadd.s32 $0xFFFFC400  }
0x48: {  	[spmem:s3] =	stream.indirect.scatter.add.f32 [tilespmem:s22], [sflag:$0xA], $0x80, s9, s21, $0xb8;
	[tilespmem:$0x1F600] =	vst v63  }
0x49: {  	p2 =	por p3, p2;
	s4 =	simm.s32 @!p1 $0x0;
	s9 =	simm.s32 @!p1 $0x300  }
0x4a: {  	[tilespmem:s9], [sflag:$0x4] =	stream.linear.gather @!p1 [hbm4b:s13+s4], $0x100, $0x38;
	[tilespmem:$0x1F600] =	vst v63  }
0x4b: {  	s4 =	simm.s32 @!p2 $0xC  }
0x4c: {  	_ =	swait.ge @!p2 [sflag:s4], $0x3C00  }
0x4d: {  	[sflag:s4] =	ssyncset.done @!p2 $0x0  }
0x4e: {  	[sflag:s4] =	ssyncadd.s32 @!p2 $0xFFFFC400;
	s4 =	simm.s32 @!p0 $0x3  }
0x4f: {  	_ =	swait.ge @!p0 [sflag:s4], $0x100  }
0x50: {  	[sflag:s4] =	ssyncset.done @!p0 $0x0  }
0x51: {  	s7 =	simm.s32 @!p0 $0x7E00;
	[sflag:s4] =	ssyncadd.s32 @!p0 $0xFFFFFF00;
	s4 =	simm.s32 @!p0 $0x78  }
0x52: {  	[tilespmem:s7], [sflag:$0x9] =	stream.indirect.gather @!p0 [hbm4b:s6+s4], $0x80, s10, s4, $0xb8;
	[tilespmem:$0x1F600] =	vst v63  }
0x53: {  	_ =	swait.ge [sflag:s25], $0x3C00  }
0x54: {  	s10 =	sadd.s32 $0x4, s12;
	[sflag:s25] =	ssyncset.done $0x0  }
0x55: {  	p2 =	sge.u32 s10, s5;
	s7 =	rddreg [dreg:$0x8];
	[sflag:s25] =	ssyncadd.s32 $0xFFFFC400  }
0x56: {  	[spmem:s3] =	stream.indirect.scatter.add.f32 [tilespmem:s26], [sflag:$0xB], $0x80, s7, s21, $0xb8;
	[tilespmem:$0x1F600] =	vst v63  }
0x57: {  	s4 =	simm.s32 @!p2 $0x0;
	s7 =	simm.s32 @!p2 $0x400  }
0x58: {  	[tilespmem:s7], [sflag:$0x5] =	stream.linear.gather @!p2 [hbm4b:s18+s4], $0x100, $0x38;
	[tilespmem:$0x1F600] =	vst v63  }
0x59: {  	s4 =	simm.s32 @!p1 $0xA  }
0x5a: {  	_ =	swait.ge @!p1 [sflag:s4], $0x3C00  }
0x5b: {  	[sflag:s4] =	ssyncset.done @!p1 $0x0  }
0x5c: {  	[sflag:s4] =	ssyncadd.s32 @!p1 $0xFFFFC400;
	s4 =	simm.s32 @!p1 $0x4  }
0x5d: {  	_ =	swait.ge @!p1 [sflag:s4], $0x100  }
0x5e: {  	[sflag:s4] =	ssyncset.done @!p1 $0x0  }
0x5f: {  	s10 =	simm.s32 @!p1 $0x600;
	[sflag:s4] =	ssyncadd.s32 @!p1 $0xFFFFFF00;
	s4 =	simm.s32 @!p1 $0x78  }
0x60: {  	[tilespmem:s10], [sflag:$0x7] =	stream.indirect.gather @!p1 [hbm4b:s6+s4], $0x80, s9, s4, $0xb8;
	[tilespmem:$0x1F600] =	vst v63  }
0x61: {  	_ =	swait.ge [sflag:s28], $0x3C00  }
0x62: {  	s9 =	sadd.s32 $0x5, s12;
	[sflag:s28] =	ssyncset.done $0x0  }
0x63: {  	p0 =	sge.u32 s9, s5;
	s11 =	rddreg [dreg:$0x9];
	[sflag:s28] =	ssyncadd.s32 $0xFFFFC400  }
0x64: {  	[spmem:s3] =	stream.indirect.scatter.add.f32 [tilespmem:s29], [sflag:$0xC], $0x80, s11, s21, $0xb8;
	[tilespmem:$0x1F600] =	vst v63  }
0x65: {  	s4 =	simm.s32 @!p0 $0x0;
	s9 =	simm.s32 @!p0 $0x500  }
0x66: {  	[tilespmem:s9], [sflag:$0x6] =	stream.linear.gather @!p0 [hbm4b:s16+s4], $0x100, $0x38;
	[tilespmem:$0x1F600] =	vst v63  }
0x67: {  	s4 =	simm.s32 @!p2 $0xB  }
0x68: {  	_ =	swait.ge @!p2 [sflag:s4], $0x3C00  }
0x69: {  	[sflag:s4] =	ssyncset.done @!p2 $0x0  }
0x6a: {  	[sflag:s4] =	ssyncadd.s32 @!p2 $0xFFFFC400;
	s4 =	simm.s32 @!p2 $0x5  }
0x6b: {  	_ =	swait.ge @!p2 [sflag:s4], $0x100  }
0x6c: {  	[sflag:s4] =	ssyncset.done @!p2 $0x0  }
0x6d: {  	s10 =	simm.s32 @!p2 $0x4200;
	[sflag:s4] =	ssyncadd.s32 @!p2 $0xFFFFFF00;
	s4 =	simm.s32 @!p2 $0x78  }
0x6e: {  	[tilespmem:s10], [sflag:$0x8] =	stream.indirect.gather @!p2 [hbm4b:s6+s4], $0x80, s7, s4, $0xb8;
	[tilespmem:$0x1F600] =	vst v63  }
0x6f: {  	_ =	swait.ge [sflag:s24], $0x3C00  }
0x70: {  	[sflag:s24] =	ssyncset.done $0x0;
	s11 =	rddreg [dreg:$0x4]  }
0x71: {  	s10 =	rddreg [dreg:$0xa];
	[sflag:s24] =	ssyncadd.s32 $0xFFFFC400;
	p1 =	sge.u32 s12, s11  }
0x72: {  	[spmem:s3] =	stream.indirect.scatter.add.f32 [tilespmem:s22], [sflag:$0xA], $0x80, s10, s21, $0xb8;
	[tilespmem:$0x1F600] =	vst v63  }
0x73: {  	s4 =	sshrl.u32 @!p1 s15, $0x3  }
0x74: {  	s7 =	simm.s32 @!p1 $0x0;
	s4 =	sadd.s32 @!p1 s2, s4  }
0x75: {  	[tilespmem:s7], [sflag:$0x1] =	stream.linear.gather @!p1 [hbm4b:s4+s7], $0x100, $0x38;
	[tilespmem:$0x1F600] =	vst v63  }
0x76: {  	s4 =	simm.s32 @!p0 $0xC  }
0x77: {  	_ =	swait.ge @!p0 [sflag:s4], $0x3C00  }
0x78: {  	[sflag:s4] =	ssyncset.done @!p0 $0x0  }
0x79: {  	[sflag:s4] =	ssyncadd.s32 @!p0 $0xFFFFC400;
	s4 =	simm.s32 @!p0 $0x6  }
0x7a: {  	_ =	swait.ge @!p0 [sflag:s4], $0x100  }
0x7b: {  	[sflag:s4] =	ssyncset.done @!p0 $0x0  }
0x7c: {  	s10 =	simm.s32 @!p0 $0x7E00;
	[sflag:s4] =	ssyncadd.s32 @!p0 $0xFFFFFF00;
	s4 =	simm.s32 @!p0 $0x78  }
0x7d: {  	[tilespmem:s10], [sflag:$0x9] =	stream.indirect.gather @!p0 [hbm4b:s6+s4], $0x80, s9, s4, $0xb8;
	[tilespmem:$0x1F600] =	vst v63  }
0x7e: {  	_ =	swait.ge [sflag:s25], $0x3C00  }
0x7f: {  	[sflag:s25] =	ssyncset.done $0x0;
	s11 =	rddreg [dreg:$0x5]  }
0x80: {  	s10 =	rddreg [dreg:$0xb];
	[sflag:s25] =	ssyncadd.s32 $0xFFFFC400;
	p0 =	sge.u32 s12, s11  }
0x81: {  	[spmem:s3] =	stream.indirect.scatter.add.f32 [tilespmem:s26], [sflag:$0xB], $0x80, s10, s21, $0xb8;
	[tilespmem:$0x1F600] =	vst v63  }
0x82: {  	s4 =	simm.s32 @!p0 $0x0;
	s9 =	simm.s32 @!p0 $0x100  }
0x83: {  	[tilespmem:s9], [sflag:$0x2] =	stream.linear.gather @!p0 [hbm4b:s14+s4], $0x100, $0x38;
	[tilespmem:$0x1F600] =	vst v63  }
0x84: {  	s4 =	simm.s32 @!p1 $0xA  }
0x85: {  	_ =	swait.ge @!p1 [sflag:s4], $0x3C00  }
0x86: {  	[sflag:s4] =	ssyncset.done @!p1 $0x0  }
0x87: {  	[sflag:s4] =	ssyncadd.s32 @!p1 $0xFFFFC400;
	s4 =	simm.s32 @!p1 $0x1  }
0x88: {  	_ =	swait.ge @!p1 [sflag:s4], $0x100  }
0x89: {  	[sflag:s4] =	ssyncset.done @!p1 $0x0  }
0x8a: {  	s9 =	simm.s32 @!p1 $0x600;
	[sflag:s4] =	ssyncadd.s32 @!p1 $0xFFFFFF00;
	s4 =	simm.s32 @!p1 $0x78  }
0x8b: {  	[tilespmem:s9], [sflag:$0x7] =	stream.indirect.gather @!p1 [hbm4b:s6+s4], $0x80, s7, s4, $0xb8;
	[tilespmem:$0x1F600] =	vst v63  }
0x8c: {  	_ =	swait.ge [sflag:s28], $0x3C00  }
0x8d: {  	s12 =	sadd.s32 $0x6, s12;
	s11 =	rddreg [dreg:$0x6]  }
0x8e: {  	p0 =	sne.s32 s11, s12  }
.Ltmp0:
0x8f: {  	_ = 	snop;
	(pc) =	sbr.rel @p0 .LBB2_2-.Ltmp0, $4  }
0x90: {  	s17 =	sadd.s32 $0xC0, s17;
	s13 =	sadd.s32 $0xC0, s13;
	s18 =	sadd.s32 $0xC0, s18  }
0x91: {  	s16 =	sadd.s32 $0xC0, s16;
	s15 =	sadd.s32 $0x600, s15;
	[sflag:s28] =	ssyncset.done $0x0  }
0x92: {  	s14 =	sadd.s32 $0xC0, s14;
	s10 =	rddreg [dreg:$0xc];
	[sflag:s28] =	ssyncadd.s32 $0xFFFFC400  }
0x93: {  	[spmem:s3] =	stream.indirect.scatter.add.f32 [tilespmem:s29], [sflag:$0xC], $0x80, s10, s21, $0xb8;
	[tilespmem:$0x1F600] =	vst v63  }
0x94: {  	_ =	swait.ge [sflag:s30], $0x3C00  }
0x95: {  	[sflag:s30] =	ssyncset.done $0x0  }
0x96: {  	[sflag:s30] =	ssyncadd.s32 $0xFFFFC400  }
0x97: {  	_ =	swait.ge [sflag:s31], $0x3C00  }
0x98: {  	[sflag:s31] =	ssyncset.done $0x0  }
0x99: {  	[sflag:s31] =	ssyncadd.s32 $0xFFFFC400  }
0x9a: {  	_ =	swait.ge [sflag:s0], $0x3C00  }
0x9b: {  	[sflag:s0] =	ssyncset.done $0x0  }
0x9c: {  	[sflag:s0] =	ssyncadd.s32 $0xFFFFC400  }
0x9d: {  	[bflag:$0x0] =	sbarrier.arrive $0xFFFF  }
0x9e: {  	s4 =	rddreg [dreg:$0x11]  }
0x9f: {  	[hbm:s4], [sflag:s19] =	dma.local [spmem:s8], $0x2780  }
0xa0: {  	_ =	swait.ge [sflag:s23], $0x2780  }
0xa1: {  	s1 =	sadd.s32 $0x1, s1;
	s19 =	rddreg [dreg:$0x12]  }
0xa2: {  	p0 =	sne.s32 s1, s19  }
.Ltmp1:
0xa3: {  	_ = 	snop;
	(pc) =	sbr.rel @p0 .LBB2_1-.Ltmp1, $3  }
0xa4: {  	_ =	sdelay $0x1  }
0xa5: {  	[sflag:s23] =	ssyncset.done $0x0  }
0xa6: {  	[sflag:s23] =	ssyncadd.s32 $0xFFFFD880  }
0xa7: {  	_ =	sfence.sel $0x180000  }
0xa8: {  	[bflag:$0x0] =	sbarrier.arrive $0xFFFF  }
0xa9: {  	_ =	strace $0x90000047  }
0xaa: {  	s0 =	stileid.u32;
	[bflag:$0x2] =	sbarrier.arrive $0xFFFF  }
0xab: {  	p0 =	sne.s32 s0, $0x0;
	s0 =	rddreg [dreg:$0x3]  }
0xac: {  	s0 =	sadd.s32 @!p0 $0x100000, s0  }
0xad: {  	[sflag:s0] =	ssyncadd.tile.s32 @!p0 $0x1;
	_ =	shalt  }
.Lfunc_end2:
_tile_overlayer_lowered:
.L_overlay_start_2:
0xae: {  	(tag) =	ssettag $0x2  }
0xaf: {  	s0 =	rddreg [dreg:$0x0];
	s2 =	stileid.u32  }
0xb0: {  	s1 =	rddreg [dreg:$0x1];
	p0 =	sne.s32 s2, $0x0  }
0xb1: {  	s3 =	rddreg [dreg:$0x2];
	[bflag:$0x3] =	sbarrier.arrive $0xFFFF;
	s2 =	simm.s32 @!p0 $0x1C0D  }
0xb2: {  	[timem:s3], [sflag:s2] =	dma.local @!p0 [hbm:s0], s1  }
0xb3: {  	s0 =	simm.s32 @!p0 $0xD  }
0xb4: {  	_ =	swait.ge @!p0 [sflag:s0], s1  }
0xb5: {  	s1 =	ssub.s32 @!p0 $0x0, s1;
	[sflag:s0] =	ssyncset.done @!p0 $0x0  }
0xb6: {  	[sflag:s0] =	ssyncadd.s32 @!p0 s1  }
0xb7: {  	[bflag:$0x3] =	sbarrier.arrive $0xFFFF  }
0xb8: {  	_ =	shalt  }

// kernel: kernel.9.cloned.1.call-start
scs
__scs_entry_jumppad:
0x0: {  	(pc) =	sbr.rel $0x88, $3  }
0x1: {  	(tag) =	ssettag $0x0;
	lr =	simm.s32 $0x1  }
0x2: {  	[smem:$0x3F99] =	sst lr;
	_ =	strace $0xD0000000  }
0x3: {  	_ = 	snop  }
0x4: {  	_ = 	snop  }
0x5: {  	_ = 	snop  }
0x6: {  	_ = 	snop  }
0x7: {  	_ = 	snop  }
__scs_overlays_trampoline_lowered:
0x8: {  	[smem:$0x3FA8] =	sst s0  }
0x9: {  	[smem:$0x3FA9] =	sst s1  }
0xa: {  	[smem:$0x3FAA] =	sst s2  }
0xb: {  	[smem:$0x3FAB] =	sst s3  }
0xc: {  	[smem:$0x3FAC] =	sst s4  }
0xd: {  	[smem:$0x3FAD] =	sst s5  }
0xe: {  	[smem:$0x3FAE] =	sst s6  }
0xf: {  	[smem:$0x3FAF] =	sst s7  }
0x10: {  	[smem:$0x3FB0] =	sst s8  }
0x11: {  	[smem:$0x3FB1] =	sst s9;
	s0 =	simm.s32 @!p0 $0x0  }
0x12: {  	s1 =	sld [smem:$0x3F97];
	s0 =	simm.s32 @p0 $0x1  }
0x13: {  	[smem:$0x3FB2] =	sst s0;
	s0 =	simm.s32 @!p1 $0x0  }
0x14: {  	s2 =	sld [smem:$0x3F96];
	s0 =	simm.s32 @p1 $0x1  }
0x15: {  	[smem:$0x3FB3] =	sst s0;
	s0 =	simm.s32 @!p2 $0x0  }
0x16: {  	s3 =	sld [smem:$0x3FDB];
	s0 =	simm.s32 @p2 $0x1  }
0x17: {  	s4 =	simm.s32 $0x1BF5;
	[smem:$0x3FB5] =	sst s0  }
0x18: {  	s0 =	sld [smem:$0x3F98];
	_ =	swait.ge [sflag:s4], $0x0  }
0x19: {  	s7 =	sld [smem:$0x3F99]  }
0x1a: {  	s8 =	sadd.s32 $0xFFFFE003, lr  }
0x1b: {  	s9 =	sadd.s32 $0xFFFFFEF7, lr;
	s5 =	simm.s32 $0xFFFFFFFF;
	p2 =	slt.u32 s8, $0xFFFFF086  }
0x1c: {  	p1 =	slt.u32 s9, $0xF7A;
	s5 =	simm.s32 @!p2 $0x0  }
0x1d: {  	s5 =	simm.s32 @p1 $0x1;
	p0 =	seq.s32 s7, s2  }
0x1e: {  	s7 =	smul.u32 @!p0 $0xF7A, s2;
	p2 =	seq.s32 @!p0 s5, $0x0  }
0x1f: {  	s9 =	smul.u32 $0xF7A, s1;
	s8 =	simm.s32 @!p0 $0x1BF5;
	p2 =	por !p2, p0  }
0x20: {  	[sflag:s8] =	ssyncset.s32 @!p0 $0xFFFFF086;
	s6 =	sadd.s32 @!p0 s3, s7;
	s7 =	simm.s32 @!p0 $0x108  }
0x21: {  	s3 =	sadd.s32 s3, s9;
	s6 =	sadd.s32 @!p0 $0x88, s6;
	s7 =	simm.s32 @p2 $0x1082  }
0x22: {  	[simem:s7], [sflag:s8] =	dma.local @!p0 [hbm:s6], $0xF7A  }
0x23: {  	s9 =	sor.u32 $0xD0000000, s2;
	s6 =	simm.s32 $0x108;
	_ =	swait.ge @!p0 [sflag:s8], $0x0  }
0x24: {  	s3 =	sadd.s32 $0x88, s3;
	s6 =	simm.s32 @!p1 $0x1082;
	[sflag:s4] =	ssyncset.s32 $0xFFFFF086  }
0x25: {  	[simem:s6], [sflag:s4] =	dma.local [hbm:s3], $0xF7A  }
0x26: {  	[smem:$0x3F99] =	sst s1;
	(tag) =	ssettag s2;
	_ =	strace s9  }
0x27: {  	s1 =	sld [smem:$0x3FA9]  }
0x28: {  	s2 =	sld [smem:$0x3FAA]  }
0x29: {  	s4 =	sld [smem:$0x3FAC]  }
0x2a: {  	p0 =	seq.s32 s5, $0x0;
	s5 =	sld [smem:$0x3FAD]  }
0x2b: {  	s6 =	sld [smem:$0x3FAE]  }
0x2c: {  	s7 =	sld [smem:$0x3FAF]  }
0x2d: {  	s3 =	simm.s32 $0x108;
	s8 =	sld [smem:$0x3FB0]  }
0x2e: {  	s3 =	simm.s32 @!p0 $0x1082;
	s9 =	sld [smem:$0x3FB1]  }
0x2f: {  	lr =	sadd.s32 s0, s3;
	s0 =	sld [smem:$0x3FA8]  }
0x30: {  	s3 =	sld [smem:$0x3FAB]  }
0x31: {  	[smem:$0x3FB4] =	sst s10  }
0x32: {  	s10 =	sld [smem:$0x3FB2];
	_ =	sdelay $0x3  }
0x33: {  	p0 =	seq.s32 s10, $0x1;
	s10 =	sld [smem:$0x3FB4];
	_ =	sdelay $0x3  }
0x34: {  	[smem:$0x3FB4] =	sst s10  }
0x35: {  	s10 =	sld [smem:$0x3FB3];
	_ =	sdelay $0x3  }
0x36: {  	p1 =	seq.s32 s10, $0x1;
	s10 =	sld [smem:$0x3FB4];
	_ =	sdelay $0x3  }
0x37: {  	[smem:$0x3FB4] =	sst s10  }
0x38: {  	s10 =	sld [smem:$0x3FB5]  }
0x39: {  	_ = 	snop;
	(pc) =	sbr.ind lr, $3  }
0x3a: {  	_ = 	snop  }
0x3b: {  	_ = 	snop  }
0x3c: {  	p2 =	seq.s32 s10, $0x1;
	s10 =	sld [smem:$0x3FB4]  }
0x3d: {  	_ =	shalt  }
0x3e: {  	_ =	shalt  }
0x3f: {  	_ =	shalt  }
0x40: {  	_ =	shalt  }
0x41: {  	_ =	shalt  }
0x42: {  	_ =	shalt  }
0x43: {  	_ =	shalt  }
0x44: {  	_ =	shalt  }
0x45: {  	_ =	shalt  }
0x46: {  	_ =	shalt  }
0x47: {  	_ =	shalt  }
0x48: {  	_ =	shalt  }
0x49: {  	_ =	shalt  }
0x4a: {  	_ =	shalt  }
0x4b: {  	_ =	shalt  }
0x4c: {  	_ =	shalt  }
0x4d: {  	_ =	shalt  }
0x4e: {  	_ =	shalt  }
0x4f: {  	_ =	shalt  }
0x50: {  	_ =	shalt  }
0x51: {  	_ =	shalt  }
0x52: {  	_ =	shalt  }
0x53: {  	_ =	shalt  }
0x54: {  	_ =	shalt  }
0x55: {  	_ =	shalt  }
0x56: {  	_ =	shalt  }
0x57: {  	_ =	shalt  }
0x58: {  	_ =	shalt  }
0x59: {  	_ =	shalt  }
0x5a: {  	_ =	shalt  }
0x5b: {  	_ =	shalt  }
0x5c: {  	_ =	shalt  }
0x5d: {  	_ =	shalt  }
0x5e: {  	_ =	shalt  }
0x5f: {  	_ =	shalt  }
0x60: {  	_ =	shalt  }
0x61: {  	_ =	shalt  }
0x62: {  	_ =	shalt  }
0x63: {  	_ =	shalt  }
0x64: {  	_ =	shalt  }
0x65: {  	_ =	shalt  }
0x66: {  	_ =	shalt  }
0x67: {  	_ =	shalt  }
0x68: {  	_ =	shalt  }
0x69: {  	_ =	shalt  }
0x6a: {  	_ =	shalt  }
0x6b: {  	_ =	shalt  }
0x6c: {  	_ =	shalt  }
0x6d: {  	_ =	shalt  }
0x6e: {  	_ =	shalt  }
0x6f: {  	_ =	shalt  }
0x70: {  	_ =	shalt  }
0x71: {  	_ =	shalt  }
0x72: {  	_ =	shalt  }
0x73: {  	_ =	shalt  }
0x74: {  	_ =	shalt  }
0x75: {  	_ =	shalt  }
0x76: {  	_ =	shalt  }
0x77: {  	_ =	shalt  }
0x78: {  	_ =	shalt  }
0x79: {  	_ =	shalt  }
0x7a: {  	_ =	shalt  }
0x7b: {  	_ =	shalt  }
0x7c: {  	_ =	shalt  }
0x7d: {  	_ =	shalt  }
0x7e: {  	_ =	shalt  }
0x7f: {  	_ =	shalt  }
0x80: {  	_ =	shalt  }
0x81: {  	_ =	shalt  }
0x82: {  	_ =	shalt  }
0x83: {  	_ =	shalt  }
0x84: {  	_ =	shalt  }
0x85: {  	_ =	shalt  }
0x86: {  	_ =	shalt  }
0x87: {  	_ =	shalt  }
.Lfunc_end0:
.L_simem_size_0:
called_computation.1_lowered:
.L_overlay_start_0:
0x88: {  	s2 =	sld [smem:$0x3FD9]  }
0x89: {  	s3 =	sld [smem:$0x3FFE];
	_ =	sdelay $0x1  }
0x8a: {  	s1 =	srdreg.scid  }
0x8b: {  	s0 =	sand.u32 $0x1, s1  }
0x8c: {  	s17 =	sshll.u32 s0, $0xA;
	s2 =	sadd.s32 s3, s2  }
0x8d: {  	s2 =	sadd.s32 s2, s17  }
0x8e: {  	[smem:$0x3FC0] =	sst s2  }
0x8f: {  	_ = 	snop  }
0x90: {  	s2 =	sld [smem:$0x3FD0];
	(tm) =	ssettm $0x1  }
0x91: {  	s18 =	sld [smem:$0x3FFB];
	_ =	sdelay $0x3  }
0x92: {  	_ =	strace s18  }
0x93: {  	s3 =	sld [smem:$0x3FFC];
	_ =	sdelay $0x3  }
0x94: {  	_ =	strace s3  }
0x95: {  	s3 =	sld [smem:$0x3FFD];
	_ =	sdelay $0x3  }
0x96: {  	_ =	strace s3  }
0x97: {  	_ =	strace $0x8FFFFFFF  }
0x98: {  	s19 =	sld [smem:$0x3FDB];
	_ =	sdelay $0x1  }
0x99: {  	s4 =	simm.s32 $_scs_section_size  }
0x9a: {  	s5 =	simm.s32 $_size__tile_overlayer_lowered;
	s6 =	simm.s32 $_tile_overlayer_lowered  }
0x9b: {  	s22 =	simm.s32 $0x1BFF;
	s21 =	sshll.u32 s6, $0x1;
	s3 =	sadd.s32 s4, s19  }
0x9c: {  	s7 =	simm.s32 $0x0;
	s20 =	sshll.u32 s5, $0x1;
	s5 =	sadd.s32 s21, s3  }
0x9d: {  	[timem:s7], [sflag:s22] =	dma.local [hbm:s5], s20  }
0x9e: {  	_ =	swait.ge [sflag:s22], s20  }
0x9f: {  	s4 =	ssub.s32 $0x0, s20;
	[sflag:s22] =	ssyncset.done $0x0  }
0xa0: {  	[sflag:s22] =	ssyncadd.s32 s4;
	_ =	sdelay $0x1  }
0xa1: {  	s23 =	simm.s32 $0x1B8B  }
0xa2: {  	_ =	swait.ge [sflag:s23], $0x1  }
0xa3: {  	[sflag:s23] =	ssyncset.done $0x0  }
0xa4: {  	s25 =	simm.s32 $0x1B8E;
	s24 =	sld [smem:$0x3FFE];
	[sflag:s23] =	ssyncadd.s32 $0xFFFFFFFF  }
0xa5: {  	s26 =	simm.s32 $execute0_lowered;
	[smem:$0x3FD2] =	sst s25  }
0xa6: {  	s5 =	sshll.u32 s26, $0x1;
	_ =	strace $0x80000049;
	[dreg:$0x1] =	wrdreg $0xFFFFFFFF  }
0xa7: {  	s28 =	simm.s32 $_size_execute0_lowered;
	s3 =	sadd.s32 s3, s5;
	[dreg:$0x0] =	wrdreg $0x0  }
0xa8: {  	s5 =	sshll.u32 s28, $0x1;
	[dreg:$0x2] =	wrdreg s3  }
0xa9: {  	[dreg:$0x3] =	wrdreg s5  }
0xaa: {  	[dreg:$0x4] =	wrdreg $0xC0  }
0xab: {  	_ =	task [dreg:s7], $0x5FFFF  }
0xac: {  	[dreg:$0x1] =	wrdreg $0xFFFFFFFF  }
0xad: {  	[dreg:$0x0] =	wrdreg $0x60  }
0xae: {  	[dreg:$0x2] =	wrdreg s24  }
0xaf: {  	[dreg:$0x3] =	wrdreg s2  }
0xb0: {  	[dreg:$0x4] =	wrdreg $0xBA000  }
0xb1: {  	[dreg:$0x5] =	wrdreg $0x9  }
0xb2: {  	_ =	task.clear_ibuf [dreg:s7], $0x6FFFF;
	_ =	strace $0x90000049  }
0xb3: {  	s29 =	simm.s32 $0x9;
	_ =	strace $0x8000004B  }
0xb4: {  	_ =	swait.ge [sflag:s29], $0x1  }
0xb5: {  	[sflag:s29] =	ssyncadd.s32 $0xFFFFFFFF  }
0xb6: {  	_ =	strace $0x9000004B  }
0xb7: {  	_ =	sfence  }
0xb8: {  	s30 =	sld [smem:$0x0];
	_ =	sdelay $0x2  }
0xb9: {  	s31 =	sshll.u32 s1, $0xD;
	s1 =	sshrl.u32 s1, $0x2  }
0xba: {  	s3 =	sand.u32 $0x4000, s31;
	s1 =	sadd.s32 s1, s30  }
0xbb: {  	s0 =	sor.u32 s3, s0;
	s1 =	sshll.u32 s1, $0x11  }
0xbc: {  	s0 =	sor.u32 s1, s0  }
0xbd: {  	s0 =	sadd.s32 $0x8F2B, s0  }
0xbe: {  	[sflag:s0] =	ssyncadd.remote.s32 $0x1  }
0xbf: {  	_ =	sfence.sel $0xFFFF  }
0xc0: {  	[dreg:$0x0] =	wrdreg $0xFFFFFFFF;
	(pc) =	sbr.abs _section_cstart, $3  }
0xc1: {  	[dreg:$0x1] =	wrdreg $0xFFFFFFFF  }
0xc2: {  	_ =	task.clear_ibuf [dreg:s7], $0x2FFFF;
	_ =	strace $0x9FFFFFFF  }
0xc3: {  	(tm) =	ssettm $0x7FFFFFFF  }
tec
execute0_lowered:
.L_overlay_start_1:
0x0: {  	(tag) =	ssettag $0x1  }
0x1: {  	s0 =	rddreg [dreg:$0x0]  }
0x2: {  	s2 =	rddreg [dreg:$0x1]  }
0x3: {  	s3 =	rddreg [dreg:$0x2];
	s5 =	simm.s32 $0x0  }
0x4: {  	s4 =	stileid.u32;
	s1 =	srdreg.scid;
	s28 =	simm.s32 $0x9  }
0x5: {  	s29 =	simm.s32 $0x7E00;
	s30 =	simm.s32 $0xA;
	s7 =	smul.u32 $0x2780, s4  }
0x6: {  	s31 =	simm.s32 $0xB;
	s1 =	sand.u32 $0x1, s1;
	s13 =	smul.u32 $0x4F000, s4  }
0x7: {  	[smem:$0x7FF] =	sst s5;
	s5 =	simm.s32 $0x9C;
	s8 =	smul.u32 $0x27800, s1  }
0x8: {  	s6 =	sadd.s32 $0x2400, s0;
	p0 =	seq.s32 s1, $0x0;
	s9 =	smul.u32 $0x9C0, s1  }
0x9: {  	_ =	strace $0x8000004A;
	s17 =	ssub.s32 $0x2, s1;
	s26 =	smul.u32 $0x9C000, s1  }
0xa: {  	s5 =	simm.s32 @!p0 $0xC;
	s11 =	sadd.s32 s7, s0;
	s12 =	sshrl.u32 s17, $0x1  }
0xb: {  	s21 =	sshrl.u32 s13, $0x2;
	s10 =	smul.u32 s4, s5;
	s7 =	sadd.s32 s7, s8  }
0xc: {  	s18 =	ssub.s32 s17, s12;
	s22 =	smul.u32 $0xAB, s5;
	s23 =	sadd.s32 s21, s3  }
0xd: {  	s24 =	sadd.s32 $0x29C00, s11;
	s21 =	simm.s32 $0x80;
	[dreg:$0xf] =	wrdreg s23  }
0xe: {  	s0 =	sadd.s32 s7, s0;
	[dreg:$0x10] =	wrdreg s24;
	s7 =	sadd.s32 $0xFFFFFFFA, s5  }
0xf: {  	[dreg:$0x7] =	wrdreg s21;
	s21 =	simm.s32 $0x78;
	s23 =	simm.s32 $0x280  }
0x10: {  	s24 =	simm.s32 $0x380;
	s9 =	sadd.s32 s9, s10;
	[dreg:$0x4] =	wrdreg s7  }
0x11: {  	s25 =	sshrl.u32 s22, $0xA;
	s0 =	sadd.s32 $0x51400, s0;
	[dreg:$0x9] =	wrdreg s23  }
0x12: {  	s22 =	simm.s32 $0x180;
	s23 =	simm.s32 $0xD;
	[dreg:$0xa] =	wrdreg s24  }
0x13: {  	s24 =	simm.s32 $0x7;
	s19 =	sshll.u32 s9, $0x5;
	[dreg:$0x11] =	wrdreg s0  }
0x14: {  	s9 =	sshll.u32 s10, $0x8;
	s10 =	sadd.s32 $0xFFFFFFF9, s5;
	s11 =	smul.u32 $0x6, s25  }
0x15: {  	[dreg:$0x8] =	wrdreg s22;
	s22 =	simm.s32 $0x600;
	s25 =	simm.s32 $0x480  }
0x16: {  	s20 =	sadd.s32 s2, s19;
	s0 =	sadd.s32 s26, s9;
	[dreg:$0x5] =	wrdreg s10  }
0x17: {  	[dreg:$0xb] =	wrdreg s25;
	s26 =	simm.s32 $0x580;
	s25 =	simm.s32 $0x8  }
0x18: {  	[dreg:$0xd] =	wrdreg s20;
	s4 =	sadd.s32 $0x20, s20;
	s12 =	sor.u32 $0x300, s0  }
0x19: {  	s13 =	sadd.s32 $0x700, s0;
	[dreg:$0x6] =	wrdreg s11;
	s17 =	sadd.s32 $0x600, s0  }
0x1a: {  	s19 =	sor.u32 $0x200, s0;
	[dreg:$0xc] =	wrdreg s26;
	s26 =	simm.s32 $0x4200  }
0x1b: {  	[dreg:$0xe] =	wrdreg s4;
	s4 =	smax.u32 s18, $0x1;
	s14 =	sshrl.u32 s12, $0x3  }
0x1c: {  	s15 =	sshrl.u32 s13, $0x3;
	[dreg:$0x15] =	wrdreg s17;
	s18 =	sadd.s32 $0x500, s0  }
0x1d: {  	s8 =	sshrl.u32 s19, $0x3;
	[dreg:$0x12] =	wrdreg s4;
	s1 =	sadd.s32 s14, s2  }
0x1e: {  	s0 =	sadd.s32 $0x400, s0;
	s16 =	sadd.s32 s15, s2;
	[dreg:$0x13] =	wrdreg s1  }
0x1f: {  	s20 =	sadd.s32 s8, s2;
	s0 =	sshrl.u32 s0, $0x3;
	[dreg:$0x14] =	wrdreg s16  }
0x20: {  	s1 =	sshrl.u32 s18, $0x3;
	[dreg:$0x17] =	wrdreg s20;
	s0 =	sadd.s32 s0, s2  }
0x21: {  	s20 =	simm.s32 $0x1;
	s1 =	sadd.s32 s1, s2;
	[dreg:$0x18] =	wrdreg s0  }
0x22: {  	s0 =	simm.s32 $0xC;
	[dreg:$0x16] =	wrdreg s1;
	s1 =	simm.s32 $0x0  }
.LBB2_1:
0x23: {  	s4 =	simm.s32 $0x0;
	s7 =	rddreg [dreg:$0xd]  }
0x24: {  	[tilespmem:s4], [sflag:$0x1] =	stream.linear.gather [hbm4b:s7+s4], $0x100, $0x38;
	[tilespmem:$0x1F600] =	vst v63  }
0x25: {  	s14 =	rddreg [dreg:$0xe];
	s8 =	simm.s32 $0x100;
	s15 =	stileid.u32  }
0x26: {  	[tilespmem:s8], [sflag:$0x2] =	stream.linear.gather [hbm4b:s14+s4], $0x100, $0x38;
	[tilespmem:$0x1F600] =	vst v63  }
0x27: {  	s16 =	sshll.u32 s15, $0x6;
	_ =	swait.ge [sflag:s20], $0x100  }
0x28: {  	s19 =	sor.u32 $0x1C0D, s16;
	[sflag:s20] =	ssyncset.done $0x0;
	s17 =	rddreg [dreg:$0xf]  }
0x29: {  	s18 =	rddreg [dreg:$0x10];
	[sflag:s20] =	ssyncadd.s32 $0xFFFFFF00;
	s8 =	sshrl.u32 s17, $0x3  }
0x2a: {  	[tilespmem:s22], [sflag:$0x7] =	stream.indirect.gather [hbm4b:s6+s21], $0x80, s4, s21, $0xb8;
	[tilespmem:$0x1F600] =	vst v63  }
0x2b: {  	[spmem:s8], [sflag:s19] =	dma.local [hbm:s18], $0x2780  }
0x2c: {  	_ =	swait.ge [sflag:s23], $0x2780  }
0x2d: {  	[sflag:s23] =	ssyncset.done $0x0  }
0x2e: {  	[sflag:s23] =	ssyncadd.s32 $0xFFFFD880  }
0x2f: {  	[bflag:$0x0] =	sbarrier.arrive $0xFFFF  }
0x30: {  	s18 =	rddreg [dreg:$0x18]  }
0x31: {  	s17 =	rddreg [dreg:$0x17]  }
0x32: {  	s16 =	rddreg [dreg:$0x16]  }
0x33: {  	s15 =	rddreg [dreg:$0x15]  }
0x34: {  	s14 =	rddreg [dreg:$0x14]  }
0x35: {  	s12 =	simm.s32 $0x0;
	s13 =	rddreg [dreg:$0x13]  }
.LBB2_2:
0x36: {  	s7 =	sadd.s32 $0x2, s12  }
0x37: {  	p0 =	sge.u32 s7, s5  }
0x38: {  	s11 =	simm.s32 @!p0 $0x0;
	s10 =	simm.s32 @!p0 $0x200  }
0x39: {  	[tilespmem:s10], [sflag:$0x3] =	stream.linear.gather @!p0 [hbm4b:s17+s11], $0x100, $0x38;
	[tilespmem:$0x1F600] =	vst v63  }
0x3a: {  	p2 =	seq.s32 s12, $0x0;
	s11 =	sadd.s32 $0x1, s12  }
0x3b: {  	p1 =	sge.u32 @!p2 s11, s5  }
0x3c: {  	p1 =	por p1, p2  }
0x3d: {  	s9 =	simm.s32 @!p1 $0xB  }
0x3e: {  	_ =	swait.ge @!p1 [sflag:s9], $0x3C00  }
0x3f: {  	p3 =	sge.u32 s11, s5;
	[sflag:s9] =	ssyncset.done @!p1 $0x0  }
0x40: {  	[sflag:s9] =	ssyncadd.s32 @!p1 $0xFFFFC400;
	s9 =	simm.s32 @!p3 $0x2  }
0x41: {  	_ =	swait.ge @!p3 [sflag:s9], $0x100  }
0x42: {  	s11 =	simm.s32 @!p3 $0x100;
	[sflag:s9] =	ssyncset.done @!p3 $0x0  }
0x43: {  	s4 =	simm.s32 @!p3 $0x4200;
	[sflag:s9] =	ssyncadd.s32 @!p3 $0xFFFFFF00;
	s9 =	simm.s32 @!p3 $0x78  }
0x44: {  	[tilespmem:s4], [sflag:$0x8] =	stream.indirect.gather @!p3 [hbm4b:s6+s9], $0x80, s11, s9, $0xb8;
	[tilespmem:$0x1F600] =	vst v63  }
0x45: {  	_ =	swait.ge [sflag:s24], $0x3C00  }
0x46: {  	s11 =	sadd.s32 $0x3, s12;
	p3 =	sge.u32 @!p2 s7, s5;
	[sflag:s24] =	ssyncset.done $0x0  }
0x47: {  	p1 =	sge.u32 s11, s5;
	s9 =	rddreg [dreg:$0x7];
	[sflag:s24] =	ssyncadd.s32 $0xFFFFC400  }
0x48: {  	[spmem:s3] =	stream.indirect.scatter.add.f32 [tilespmem:s22], [sflag:$0xA], $0x80, s9, s21, $0xb8;
	[tilespmem:$0x1F600] =	vst v63  }
0x49: {  	p2 =	por p3, p2;
	s4 =	simm.s32 @!p1 $0x0;
	s9 =	simm.s32 @!p1 $0x300  }
0x4a: {  	[tilespmem:s9], [sflag:$0x4] =	stream.linear.gather @!p1 [hbm4b:s13+s4], $0x100, $0x38;
	[tilespmem:$0x1F600] =	vst v63  }
0x4b: {  	s4 =	simm.s32 @!p2 $0xC  }
0x4c: {  	_ =	swait.ge @!p2 [sflag:s4], $0x3C00  }
0x4d: {  	[sflag:s4] =	ssyncset.done @!p2 $0x0  }
0x4e: {  	[sflag:s4] =	ssyncadd.s32 @!p2 $0xFFFFC400;
	s4 =	simm.s32 @!p0 $0x3  }
0x4f: {  	_ =	swait.ge @!p0 [sflag:s4], $0x100  }
0x50: {  	[sflag:s4] =	ssyncset.done @!p0 $0x0  }
0x51: {  	s7 =	simm.s32 @!p0 $0x7E00;
	[sflag:s4] =	ssyncadd.s32 @!p0 $0xFFFFFF00;
	s4 =	simm.s32 @!p0 $0x78  }
0x52: {  	[tilespmem:s7], [sflag:$0x9] =	stream.indirect.gather @!p0 [hbm4b:s6+s4], $0x80, s10, s4, $0xb8;
	[tilespmem:$0x1F600] =	vst v63  }
0x53: {  	_ =	swait.ge [sflag:s25], $0x3C00  }
0x54: {  	s10 =	sadd.s32 $0x4, s12;
	[sflag:s25] =	ssyncset.done $0x0  }
0x55: {  	p2 =	sge.u32 s10, s5;
	s7 =	rddreg [dreg:$0x8];
	[sflag:s25] =	ssyncadd.s32 $0xFFFFC400  }
0x56: {  	[spmem:s3] =	stream.indirect.scatter.add.f32 [tilespmem:s26], [sflag:$0xB], $0x80, s7, s21, $0xb8;
	[tilespmem:$0x1F600] =	vst v63  }
0x57: {  	s4 =	simm.s32 @!p2 $0x0;
	s7 =	simm.s32 @!p2 $0x400  }
0x58: {  	[tilespmem:s7], [sflag:$0x5] =	stream.linear.gather @!p2 [hbm4b:s18+s4], $0x100, $0x38;
	[tilespmem:$0x1F600] =	vst v63  }
0x59: {  	s4 =	simm.s32 @!p1 $0xA  }
0x5a: {  	_ =	swait.ge @!p1 [sflag:s4], $0x3C00  }
0x5b: {  	[sflag:s4] =	ssyncset.done @!p1 $0x0  }
0x5c: {  	[sflag:s4] =	ssyncadd.s32 @!p1 $0xFFFFC400;
	s4 =	simm.s32 @!p1 $0x4  }
0x5d: {  	_ =	swait.ge @!p1 [sflag:s4], $0x100  }
0x5e: {  	[sflag:s4] =	ssyncset.done @!p1 $0x0  }
0x5f: {  	s10 =	simm.s32 @!p1 $0x600;
	[sflag:s4] =	ssyncadd.s32 @!p1 $0xFFFFFF00;
	s4 =	simm.s32 @!p1 $0x78  }
0x60: {  	[tilespmem:s10], [sflag:$0x7] =	stream.indirect.gather @!p1 [hbm4b:s6+s4], $0x80, s9, s4, $0xb8;
	[tilespmem:$0x1F600] =	vst v63  }
0x61: {  	_ =	swait.ge [sflag:s28], $0x3C00  }
0x62: {  	s9 =	sadd.s32 $0x5, s12;
	[sflag:s28] =	ssyncset.done $0x0  }
0x63: {  	p0 =	sge.u32 s9, s5;
	s11 =	rddreg [dreg:$0x9];
	[sflag:s28] =	ssyncadd.s32 $0xFFFFC400  }
0x64: {  	[spmem:s3] =	stream.indirect.scatter.add.f32 [tilespmem:s29], [sflag:$0xC], $0x80, s11, s21, $0xb8;
	[tilespmem:$0x1F600] =	vst v63  }
0x65: {  	s4 =	simm.s32 @!p0 $0x0;
	s9 =	simm.s32 @!p0 $0x500  }
0x66: {  	[tilespmem:s9], [sflag:$0x6] =	stream.linear.gather @!p0 [hbm4b:s16+s4], $0x100, $0x38;
	[tilespmem:$0x1F600] =	vst v63  }
0x67: {  	s4 =	simm.s32 @!p2 $0xB  }
0x68: {  	_ =	swait.ge @!p2 [sflag:s4], $0x3C00  }
0x69: {  	[sflag:s4] =	ssyncset.done @!p2 $0x0  }
0x6a: {  	[sflag:s4] =	ssyncadd.s32 @!p2 $0xFFFFC400;
	s4 =	simm.s32 @!p2 $0x5  }
0x6b: {  	_ =	swait.ge @!p2 [sflag:s4], $0x100  }
0x6c: {  	[sflag:s4] =	ssyncset.done @!p2 $0x0  }
0x6d: {  	s10 =	simm.s32 @!p2 $0x4200;
	[sflag:s4] =	ssyncadd.s32 @!p2 $0xFFFFFF00;
	s4 =	simm.s32 @!p2 $0x78  }
0x6e: {  	[tilespmem:s10], [sflag:$0x8] =	stream.indirect.gather @!p2 [hbm4b:s6+s4], $0x80, s7, s4, $0xb8;
	[tilespmem:$0x1F600] =	vst v63  }
0x6f: {  	_ =	swait.ge [sflag:s24], $0x3C00  }
0x70: {  	[sflag:s24] =	ssyncset.done $0x0;
	s11 =	rddreg [dreg:$0x4]  }
0x71: {  	s10 =	rddreg [dreg:$0xa];
	[sflag:s24] =	ssyncadd.s32 $0xFFFFC400;
	p1 =	sge.u32 s12, s11  }
0x72: {  	[spmem:s3] =	stream.indirect.scatter.add.f32 [tilespmem:s22], [sflag:$0xA], $0x80, s10, s21, $0xb8;
	[tilespmem:$0x1F600] =	vst v63  }
0x73: {  	s4 =	sshrl.u32 @!p1 s15, $0x3  }
0x74: {  	s7 =	simm.s32 @!p1 $0x0;
	s4 =	sadd.s32 @!p1 s2, s4  }
0x75: {  	[tilespmem:s7], [sflag:$0x1] =	stream.linear.gather @!p1 [hbm4b:s4+s7], $0x100, $0x38;
	[tilespmem:$0x1F600] =	vst v63  }
0x76: {  	s4 =	simm.s32 @!p0 $0xC  }
0x77: {  	_ =	swait.ge @!p0 [sflag:s4], $0x3C00  }
0x78: {  	[sflag:s4] =	ssyncset.done @!p0 $0x0  }
0x79: {  	[sflag:s4] =	ssyncadd.s32 @!p0 $0xFFFFC400;
	s4 =	simm.s32 @!p0 $0x6  }
0x7a: {  	_ =	swait.ge @!p0 [sflag:s4], $0x100  }
0x7b: {  	[sflag:s4] =	ssyncset.done @!p0 $0x0  }
0x7c: {  	s10 =	simm.s32 @!p0 $0x7E00;
	[sflag:s4] =	ssyncadd.s32 @!p0 $0xFFFFFF00;
	s4 =	simm.s32 @!p0 $0x78  }
0x7d: {  	[tilespmem:s10], [sflag:$0x9] =	stream.indirect.gather @!p0 [hbm4b:s6+s4], $0x80, s9, s4, $0xb8;
	[tilespmem:$0x1F600] =	vst v63  }
0x7e: {  	_ =	swait.ge [sflag:s25], $0x3C00  }
0x7f: {  	[sflag:s25] =	ssyncset.done $0x0;
	s11 =	rddreg [dreg:$0x5]  }
0x80: {  	s10 =	rddreg [dreg:$0xb];
	[sflag:s25] =	ssyncadd.s32 $0xFFFFC400;
	p0 =	sge.u32 s12, s11  }
0x81: {  	[spmem:s3] =	stream.indirect.scatter.add.f32 [tilespmem:s26], [sflag:$0xB], $0x80, s10, s21, $0xb8;
	[tilespmem:$0x1F600] =	vst v63  }
0x82: {  	s4 =	simm.s32 @!p0 $0x0;
	s9 =	simm.s32 @!p0 $0x100  }
0x83: {  	[tilespmem:s9], [sflag:$0x2] =	stream.linear.gather @!p0 [hbm4b:s14+s4], $0x100, $0x38;
	[tilespmem:$0x1F600] =	vst v63  }
0x84: {  	s4 =	simm.s32 @!p1 $0xA  }
0x85: {  	_ =	swait.ge @!p1 [sflag:s4], $0x3C00  }
0x86: {  	[sflag:s4] =	ssyncset.done @!p1 $0x0  }
0x87: {  	[sflag:s4] =	ssyncadd.s32 @!p1 $0xFFFFC400;
	s4 =	simm.s32 @!p1 $0x1  }
0x88: {  	_ =	swait.ge @!p1 [sflag:s4], $0x100  }
0x89: {  	[sflag:s4] =	ssyncset.done @!p1 $0x0  }
0x8a: {  	s9 =	simm.s32 @!p1 $0x600;
	[sflag:s4] =	ssyncadd.s32 @!p1 $0xFFFFFF00;
	s4 =	simm.s32 @!p1 $0x78  }
0x8b: {  	[tilespmem:s9], [sflag:$0x7] =	stream.indirect.gather @!p1 [hbm4b:s6+s4], $0x80, s7, s4, $0xb8;
	[tilespmem:$0x1F600] =	vst v63  }
0x8c: {  	_ =	swait.ge [sflag:s28], $0x3C00  }
0x8d: {  	s12 =	sadd.s32 $0x6, s12;
	s11 =	rddreg [dreg:$0x6]  }
0x8e: {  	p0 =	sne.s32 s11, s12  }
.Ltmp0:
0x8f: {  	_ = 	snop;
	(pc) =	sbr.rel @p0 .LBB2_2-.Ltmp0, $4  }
0x90: {  	s17 =	sadd.s32 $0xC0, s17;
	s13 =	sadd.s32 $0xC0, s13;
	s18 =	sadd.s32 $0xC0, s18  }
0x91: {  	s16 =	sadd.s32 $0xC0, s16;
	s15 =	sadd.s32 $0x600, s15;
	[sflag:s28] =	ssyncset.done $0x0  }
0x92: {  	s14 =	sadd.s32 $0xC0, s14;
	s10 =	rddreg [dreg:$0xc];
	[sflag:s28] =	ssyncadd.s32 $0xFFFFC400  }
0x93: {  	[spmem:s3] =	stream.indirect.scatter.add.f32 [tilespmem:s29], [sflag:$0xC], $0x80, s10, s21, $0xb8;
	[tilespmem:$0x1F600] =	vst v63  }
0x94: {  	_ =	swait.ge [sflag:s30], $0x3C00  }
0x95: {  	[sflag:s30] =	ssyncset.done $0x0  }
0x96: {  	[sflag:s30] =	ssyncadd.s32 $0xFFFFC400  }
0x97: {  	_ =	swait.ge [sflag:s31], $0x3C00  }
0x98: {  	[sflag:s31] =	ssyncset.done $0x0  }
0x99: {  	[sflag:s31] =	ssyncadd.s32 $0xFFFFC400  }
0x9a: {  	_ =	swait.ge [sflag:s0], $0x3C00  }
0x9b: {  	[sflag:s0] =	ssyncset.done $0x0  }
0x9c: {  	[sflag:s0] =	ssyncadd.s32 $0xFFFFC400  }
0x9d: {  	[bflag:$0x0] =	sbarrier.arrive $0xFFFF  }
0x9e: {  	s4 =	rddreg [dreg:$0x11]  }
0x9f: {  	[hbm:s4], [sflag:s19] =	dma.local [spmem:s8], $0x2780  }
0xa0: {  	_ =	swait.ge [sflag:s23], $0x2780  }
0xa1: {  	s1 =	sadd.s32 $0x1, s1;
	s19 =	rddreg [dreg:$0x12]  }
0xa2: {  	p0 =	sne.s32 s1, s19  }
.Ltmp1:
0xa3: {  	_ = 	snop;
	(pc) =	sbr.rel @p0 .LBB2_1-.Ltmp1, $3  }
0xa4: {  	_ =	sdelay $0x1  }
0xa5: {  	[sflag:s23] =	ssyncset.done $0x0  }
0xa6: {  	[sflag:s23] =	ssyncadd.s32 $0xFFFFD880  }
0xa7: {  	_ =	sfence.sel $0x180000  }
0xa8: {  	[bflag:$0x0] =	sbarrier.arrive $0xFFFF  }
0xa9: {  	_ =	strace $0x9000004A  }
0xaa: {  	s0 =	stileid.u32;
	[bflag:$0x2] =	sbarrier.arrive $0xFFFF  }
0xab: {  	p0 =	sne.s32 s0, $0x0;
	s0 =	rddreg [dreg:$0x3]  }
0xac: {  	s0 =	sadd.s32 @!p0 $0x100000, s0  }
0xad: {  	[sflag:s0] =	ssyncadd.tile.s32 @!p0 $0x1;
	_ =	shalt  }
.Lfunc_end2:
_tile_overlayer_lowered:
.L_overlay_start_2:
0xae: {  	(tag) =	ssettag $0x2  }
0xaf: {  	s0 =	rddreg [dreg:$0x0];
	s2 =	stileid.u32  }
0xb0: {  	s1 =	rddreg [dreg:$0x1];
	p0 =	sne.s32 s2, $0x0  }
0xb1: {  	s3 =	rddreg [dreg:$0x2];
	[bflag:$0x3] =	sbarrier.arrive $0xFFFF;
	s2 =	simm.s32 @!p0 $0x1C0D  }
0xb2: {  	[timem:s3], [sflag:s2] =	dma.local @!p0 [hbm:s0], s1  }
0xb3: {  	s0 =	simm.s32 @!p0 $0xD  }
0xb4: {  	_ =	swait.ge @!p0 [sflag:s0], s1  }
0xb5: {  	s1 =	ssub.s32 @!p0 $0x0, s1;
	[sflag:s0] =	ssyncset.done @!p0 $0x0  }
0xb6: {  	[sflag:s0] =	ssyncadd.s32 @!p0 s1  }
0xb7: {  	[bflag:$0x3] =	sbarrier.arrive $0xFFFF  }
0xb8: {  	_ =	shalt  }

</sc_bundles>
